<compile_context>
chip_gen: v7x
topology: tpu7x:2x2x1
jax: 0.10.2.dev20260603
libtpu: 0.0.44.dev20260713+nightly
codegen_flags: <defaults>
</compile_context>

<pallas_src>
import functools

import jax
import jax.numpy as jnp
from jax import lax
from jax.experimental import pallas as pl
from jax.experimental.pallas import tpu as pltpu
from jax.experimental.pallas import tpu_sc as plsc

_NC = 2
_NS = 16
_NW = _NC * _NS

_BS = 512
_LT = 8


def _lookup_call(n_b, n_l, n_v, n_d):
    n_lt = n_l // _LT
    n_pairs = (n_lt - 1) // 2
    mesh = plsc.VectorSubcoreMesh(
        core_axis_name="c", subcore_axis_name="s",
        num_cores=_NC, num_subcores=_NS,
    )

    @functools.partial(
        pl.kernel,
        out_type=jax.ShapeDtypeStruct((n_d, n_l, n_b), jnp.float32),
        mesh=mesh,
        scratch_types=[
            pltpu.VMEM((112,), jnp.float32),
            pltpu.VMEM((n_d * 16 * n_v,), jnp.float32),
            pltpu.VMEM((2, _LT, _BS), jnp.int32),
            pltpu.VMEM((2, n_d, _LT, _BS), jnp.float32),
            pltpu.SemaphoreType.DMA,
            pltpu.SemaphoreType.DMA,
            pltpu.SemaphoreType.DMA,
            pltpu.SemaphoreType.DMA,
        ],
        compiler_params=pltpu.CompilerParams(
            use_tc_tiling_on_sc=True, needs_layout_passes=False,
        ),
    )
    def k(idx_hbm, table_hbm, out_hbm, tab_v, rep_v, slab2_v, stage2_v,
          si_a, si_b, so_a, so_b):
        wid = lax.axis_index("s") * _NC + lax.axis_index("c")
        b0 = wid * _BS
        pltpu.sync_copy(table_hbm, tab_v)
        lanes = lax.iota(jnp.int32, 16)
        zf = jnp.zeros((16,), jnp.float32)
        ws = [tab_v[pl.ds(16 * i, 16)] for i in range(7)]
        for dd in range(n_d):
            for row in range(n_v):
                e = row * n_d + dd
                val = ws[e // 16][e % 16]
                rep_v[pl.ds(dd * 16 * n_v + row * 16, 16)] = zf + val

        sin = [si_a, si_b]
        sout = [so_a, so_b]

        def start_in(buf, lt):
            pltpu.async_copy(
                idx_hbm.at[pl.ds(lt * _LT, _LT), pl.ds(b0, _BS)],
                slab2_v.at[buf], sin[buf])

        def wait_in(buf):
            pltpu.make_async_copy(
                idx_hbm.at[pl.ds(0, _LT), pl.ds(b0, _BS)],
                slab2_v.at[buf], sin[buf]).wait()

        def start_out(buf, lt):
            pltpu.async_copy(
                stage2_v.at[buf],
                out_hbm.at[:, pl.ds(lt * _LT, _LT), pl.ds(b0, _BS)],
                sout[buf])

        def wait_out(buf):
            pltpu.make_async_copy(
                stage2_v.at[buf],
                out_hbm.at[:, pl.ds(0, _LT), pl.ds(b0, _BS)],
                sout[buf]).wait()

        def addr_of(buf, lr, bv):
            bidx = slab2_v[buf, lr, pl.ds(bv * 16, 16)]
            return (bidx << 4) | lanes

        def gathers(addr):
            return [
                plsc.load_gather(
                    rep_v.at[pl.ds(dd * 16 * n_v, 16 * n_v)], [addr])
                for dd in range(n_d)
            ]

        def compute(buf):
            def bv_body(bv, carry2):
                prev = gathers(addr_of(buf, 0, bv))
                for lr in range(1, _LT + 1):
                    nxt = []
                    addr = addr_of(buf, lr, bv) if lr < _LT else None
                    for dd in range(n_d):
                        if addr is not None:
                            nxt.append(plsc.load_gather(
                                rep_v.at[pl.ds(dd * 16 * n_v, 16 * n_v)],
                                [addr]))
                        stage2_v[buf, dd, lr - 1, pl.ds(bv * 16, 16)] = prev[dd]
                    prev = nxt
                return carry2

            lax.fori_loop(0, _BS // 16, bv_body, 0)

        start_in(0, 0)

        def pair_body(t, carry):
            lt_a = 2 * t
            start_in(1, lt_a + 1)
            wait_in(0)

            @pl.when(t > 0)
            def _():
                wait_out(0)

            compute(0)
            start_out(0, lt_a)

            start_in(0, lt_a + 2)
            wait_in(1)

            @pl.when(t > 0)
            def _():
                wait_out(1)

            compute(1)
            start_out(1, lt_a + 1)
            return carry

        lax.fori_loop(0, n_pairs, pair_body, 0)

        wait_in(0)
        wait_out(0)
        compute(0)
        start_out(0, n_lt - 1)
        wait_out(0)
        wait_out(1)

    return k


def kernel(indices, table):
    b, l = indices.shape
    v, d = table.shape
    idx_t = jnp.transpose(indices)
    table_flat = jnp.pad(table.reshape(v * d), (0, 112 - v * d))
    out3 = _lookup_call(b, l, v, d)(idx_t, table_flat)
    return jnp.transpose(out3, (2, 1, 0))

# --- scband reference (transcript-rebuilt; emitter-appended) ---
"""Pipeline reference for scband-discriminator-8349416423861 (READ-ONLY COPY).

The authoritative reference and input builder live on the scoring server;
editing this copy changes nothing except your own understanding.
"""

import jax, jax.numpy as jnp
import numpy as np

NUM_EMBEDDINGS = 10
EMBED_DIM = 10


def setup_inputs(seed: int = 0) -> dict:
    key = jax.random.key(seed)
    k1, k2 = jax.random.split(key)
    indices = jax.random.randint(k1, (16384, 200), 0, NUM_EMBEDDINGS, dtype=jnp.int32)
    # Learned embedding table (matches nn.Embedding(10, 10) default init ~ N(0,1))
    table = jax.random.normal(k2, (NUM_EMBEDDINGS, EMBED_DIM), dtype=jnp.float32)
    return {"indices": indices, "table": table}


def reference(indices, table):
    # Faithful translation: nn.Embedding lookup (the Sequential `layers` is empty,
    # so forward is just the embedding gather).
    out = jnp.take(table, indices, axis=0)  # [B, L, D]
    return out

if __name__ == "__main__":
    import jax
    _d = setup_inputs()
    print(jax.jit(kernel)(*tuple(_d.values())))

</pallas_src>

<mosaic_0001>
#map = affine_map<(d0, d1) -> (0, 0)>
#map1 = affine_map<(d0, d1) -> (0)>
#map2 = affine_map<(d0, d1) -> (0, 0, 0)>
module attributes {stable_mosaic.version = 14 : i64} {
  func.func @k(%arg0: i32, %arg1: i32, %arg2: memref<200x16384xi32, #tpu.memory_space<hbm>>, %arg3: memref<112xf32, #tpu.memory_space<hbm>>, %arg4: memref<10x200x16384xf32, #tpu.memory_space<hbm>>, %arg5: memref<112xf32, #tpu.memory_space<vmem>>, %arg6: memref<1600xf32, #tpu.memory_space<vmem>>, %arg7: memref<2x8x512xi32, #tpu.memory_space<vmem>>, %arg8: memref<2x10x8x512xf32, #tpu.memory_space<vmem>>, %arg9: memref<!tpu.dma_semaphore, #tpu.memory_space<semaphore_mem>>, %arg10: memref<!tpu.dma_semaphore, #tpu.memory_space<semaphore_mem>>, %arg11: memref<!tpu.dma_semaphore, #tpu.memory_space<semaphore_mem>>, %arg12: memref<!tpu.dma_semaphore, #tpu.memory_space<semaphore_mem>>) attributes {dimension_semantics = [#tpu.dimension_semantics<core_parallel>, #tpu.dimension_semantics<subcore_parallel>], iteration_bounds = array<i64: 2, 16>, scalar_prefetch = 0 : i64, scratch_operands = 8 : i64, tpu.core_type = #tpu.core_type<sc_vector_subcore>, window_params = [{transform_indices = #map}, {transform_indices = #map1}, {transform_indices = #map2}]} {
    %mul3A = arith.constant 2 : i32
    %mul3A_0 = arith.muli %arg1, %mul3A : i32
    %add3A = arith.addi %mul3A_0, %arg0 : i32
    %mul3A_1 = arith.constant 512 : i32
    %mul3A_2 = arith.muli %add3A, %mul3A_1 : i32
    "tpu.region"() ({
      %run_scoped3A = tpu.sem_alloc : memref<!tpu.dma_semaphore, #tpu.memory_space<semaphore_mem>>
      tpu.enqueue_dma source(%arg3 : memref<112xf32, #tpu.memory_space<hbm>>) target(%arg5 : memref<112xf32, #tpu.memory_space<vmem>>) target_semaphore(%run_scoped3A : memref<!tpu.dma_semaphore, #tpu.memory_space<semaphore_mem>>)
      tpu.wait_dma2 semaphore(%run_scoped3A : memref<!tpu.dma_semaphore, #tpu.memory_space<semaphore_mem>>) src(%arg3 : memref<112xf32, #tpu.memory_space<hbm>>) dst(%arg5 : memref<112xf32, #tpu.memory_space<vmem>>)
      tpu.yield
    }) : () -> ()
    %iota3A = tpu.iota {dimensions = array<i32: 0>} : vector<16xi32>
    %broadcast_in_dim3A = arith.constant 0.000000e+00 : f32
    %broadcast_in_dim3A_3 = vector.broadcast %broadcast_in_dim3A : f32 to vector<16xf32>
    %get3A = arith.constant 0 : index
    %get3A_4 = tpu.vector_load %arg5[%get3A] {strides = array<i32>} : memref<112xf32, #tpu.memory_space<vmem>>, vector<16xf32>,
    %get3A_5 = arith.constant 16 : index
    %get3A_6 = tpu.vector_load %arg5[%get3A_5] {strides = array<i32>} : memref<112xf32, #tpu.memory_space<vmem>>, vector<16xf32>,
    %get3A_7 = arith.constant 32 : index
    %get3A_8 = tpu.vector_load %arg5[%get3A_7] {strides = array<i32>} : memref<112xf32, #tpu.memory_space<vmem>>, vector<16xf32>,
    %get3A_9 = arith.constant 48 : index
    %get3A_10 = tpu.vector_load %arg5[%get3A_9] {strides = array<i32>} : memref<112xf32, #tpu.memory_space<vmem>>, vector<16xf32>,
    %get3A_11 = arith.constant 64 : index
    %get3A_12 = tpu.vector_load %arg5[%get3A_11] {strides = array<i32>} : memref<112xf32, #tpu.memory_space<vmem>>, vector<16xf32>,
    %get3A_13 = arith.constant 80 : index
    %get3A_14 = tpu.vector_load %arg5[%get3A_13] {strides = array<i32>} : memref<112xf32, #tpu.memory_space<vmem>>, vector<16xf32>,
    %get3A_15 = arith.constant 96 : index
    %get3A_16 = tpu.vector_load %arg5[%get3A_15] {strides = array<i32>} : memref<112xf32, #tpu.memory_space<vmem>>, vector<16xf32>,
    %slice3A = vector.extract_strided_slice %get3A_4 {offsets = [0], sizes = [1], strides = [1]} : vector<16xf32> to vector<1xf32>
    %squeeze3A = vector.extract %slice3A[0] : f32 from vector<1xf32>
    %add3A_17 = vector.broadcast %squeeze3A : f32 to vector<16xf32>
    %add3A_18 = arith.addf %broadcast_in_dim3A_3, %add3A_17 : vector<16xf32>
    %swap3A = arith.constant 0 : index
    %swap3A_19 = tpu.vector_load %arg6[%swap3A] {strides = array<i32>} : memref<1600xf32, #tpu.memory_space<vmem>>, vector<16xf32>,
    tpu.vector_store %arg6[%swap3A], %add3A_18 {strides = array<i32>} : memref<1600xf32, #tpu.memory_space<vmem>>, vector<16xf32>,
    %slice3A_20 = vector.extract_strided_slice %get3A_4 {offsets = [10], sizes = [1], strides = [1]} : vector<16xf32> to vector<1xf32>
    %squeeze3A_21 = vector.extract %slice3A_20[0] : f32 from vector<1xf32>
    %add3A_22 = vector.broadcast %squeeze3A_21 : f32 to vector<16xf32>
    %add3A_23 = arith.addf %broadcast_in_dim3A_3, %add3A_22 : vector<16xf32>
    %swap3A_24 = arith.constant 16 : index
    %swap3A_25 = tpu.vector_load %arg6[%swap3A_24] {strides = array<i32>} : memref<1600xf32, #tpu.memory_space<vmem>>, vector<16xf32>,
    tpu.vector_store %arg6[%swap3A_24], %add3A_23 {strides = array<i32>} : memref<1600xf32, #tpu.memory_space<vmem>>, vector<16xf32>,
    %slice3A_26 = vector.extract_strided_slice %get3A_6 {offsets = [4], sizes = [1], strides = [1]} : vector<16xf32> to vector<1xf32>
    %squeeze3A_27 = vector.extract %slice3A_26[0] : f32 from vector<1xf32>
    %add3A_28 = vector.broadcast %squeeze3A_27 : f32 to vector<16xf32>
    %add3A_29 = arith.addf %broadcast_in_dim3A_3, %add3A_28 : vector<16xf32>
    %swap3A_30 = arith.constant 32 : index
    %swap3A_31 = tpu.vector_load %arg6[%swap3A_30] {strides = array<i32>} : memref<1600xf32, #tpu.memory_space<vmem>>, vector<16xf32>,
    tpu.vector_store %arg6[%swap3A_30], %add3A_29 {strides = array<i32>} : memref<1600xf32, #tpu.memory_space<vmem>>, vector<16xf32>,
    %slice3A_32 = vector.extract_strided_slice %get3A_6 {offsets = [14], sizes = [1], strides = [1]} : vector<16xf32> to vector<1xf32>
    %squeeze3A_33 = vector.extract %slice3A_32[0] : f32 from vector<1xf32>
    %add3A_34 = vector.broadcast %squeeze3A_33 : f32 to vector<16xf32>
    %add3A_35 = arith.addf %broadcast_in_dim3A_3, %add3A_34 : vector<16xf32>
    %swap3A_36 = arith.constant 48 : index
    %swap3A_37 = tpu.vector_load %arg6[%swap3A_36] {strides = array<i32>} : memref<1600xf32, #tpu.memory_space<vmem>>, vector<16xf32>,
    tpu.vector_store %arg6[%swap3A_36], %add3A_35 {strides = array<i32>} : memref<1600xf32, #tpu.memory_space<vmem>>, vector<16xf32>,
    %slice3A_38 = vector.extract_strided_slice %get3A_8 {offsets = [8], sizes = [1], strides = [1]} : vector<16xf32> to vector<1xf32>
    %squeeze3A_39 = vector.extract %slice3A_38[0] : f32 from vector<1xf32>
    %add3A_40 = vector.broadcast %squeeze3A_39 : f32 to vector<16xf32>
    %add3A_41 = arith.addf %broadcast_in_dim3A_3, %add3A_40 : vector<16xf32>
    %swap3A_42 = arith.constant 64 : index
    %swap3A_43 = tpu.vector_load %arg6[%swap3A_42] {strides = array<i32>} : memref<1600xf32, #tpu.memory_space<vmem>>, vector<16xf32>,
    tpu.vector_store %arg6[%swap3A_42], %add3A_41 {strides = array<i32>} : memref<1600xf32, #tpu.memory_space<vmem>>, vector<16xf32>,
    %slice3A_44 = vector.extract_strided_slice %get3A_10 {offsets = [2], sizes = [1], strides = [1]} : vector<16xf32> to vector<1xf32>
    %squeeze3A_45 = vector.extract %slice3A_44[0] : f32 from vector<1xf32>
    %add3A_46 = vector.broadcast %squeeze3A_45 : f32 to vector<16xf32>
    %add3A_47 = arith.addf %broadcast_in_dim3A_3, %add3A_46 : vector<16xf32>
    %swap3A_48 = arith.constant 80 : index
    %swap3A_49 = tpu.vector_load %arg6[%swap3A_48] {strides = array<i32>} : memref<1600xf32, #tpu.memory_space<vmem>>, vector<16xf32>,
    tpu.vector_store %arg6[%swap3A_48], %add3A_47 {strides = array<i32>} : memref<1600xf32, #tpu.memory_space<vmem>>, vector<16xf32>,
    %slice3A_50 = vector.extract_strided_slice %get3A_10 {offsets = [12], sizes = [1], strides = [1]} : vector<16xf32> to vector<1xf32>
    %squeeze3A_51 = vector.extract %slice3A_50[0] : f32 from vector<1xf32>
    %add3A_52 = vector.broadcast %squeeze3A_51 : f32 to vector<16xf32>
    %add3A_53 = arith.addf %broadcast_in_dim3A_3, %add3A_52 : vector<16xf32>
    %swap3A_54 = arith.constant 96 : index
    %swap3A_55 = tpu.vector_load %arg6[%swap3A_54] {strides = array<i32>} : memref<1600xf32, #tpu.memory_space<vmem>>, vector<16xf32>,
    tpu.vector_store %arg6[%swap3A_54], %add3A_53 {strides = array<i32>} : memref<1600xf32, #tpu.memory_space<vmem>>, vector<16xf32>,
    %slice3A_56 = vector.extract_strided_slice %get3A_12 {offsets = [6], sizes = [1], strides = [1]} : vector<16xf32> to vector<1xf32>
    %squeeze3A_57 = vector.extract %slice3A_56[0] : f32 from vector<1xf32>
    %add3A_58 = vector.broadcast %squeeze3A_57 : f32 to vector<16xf32>
    %add3A_59 = arith.addf %broadcast_in_dim3A_3, %add3A_58 : vector<16xf32>
    %swap3A_60 = arith.constant 112 : index
    %swap3A_61 = tpu.vector_load %arg6[%swap3A_60] {strides = array<i32>} : memref<1600xf32, #tpu.memory_space<vmem>>, vector<16xf32>,
    tpu.vector_store %arg6[%swap3A_60], %add3A_59 {strides = array<i32>} : memref<1600xf32, #tpu.memory_space<vmem>>, vector<16xf32>,
    %slice3A_62 = vector.extract_strided_slice %get3A_14 {offsets = [0], sizes = [1], strides = [1]} : vector<16xf32> to vector<1xf32>
    %squeeze3A_63 = vector.extract %slice3A_62[0] : f32 from vector<1xf32>
    %add3A_64 = vector.broadcast %squeeze3A_63 : f32 to vector<16xf32>
    %add3A_65 = arith.addf %broadcast_in_dim3A_3, %add3A_64 : vector<16xf32>
    %swap3A_66 = arith.constant 128 : index
    %swap3A_67 = tpu.vector_load %arg6[%swap3A_66] {strides = array<i32>} : memref<1600xf32, #tpu.memory_space<vmem>>, vector<16xf32>,
    tpu.vector_store %arg6[%swap3A_66], %add3A_65 {strides = array<i32>} : memref<1600xf32, #tpu.memory_space<vmem>>, vector<16xf32>,
    %slice3A_68 = vector.extract_strided_slice %get3A_14 {offsets = [10], sizes = [1], strides = [1]} : vector<16xf32> to vector<1xf32>
    %squeeze3A_69 = vector.extract %slice3A_68[0] : f32 from vector<1xf32>
    %add3A_70 = vector.broadcast %squeeze3A_69 : f32 to vector<16xf32>
    %add3A_71 = arith.addf %broadcast_in_dim3A_3, %add3A_70 : vector<16xf32>
    %swap3A_72 = arith.constant 144 : index
    %swap3A_73 = tpu.vector_load %arg6[%swap3A_72] {strides = array<i32>} : memref<1600xf32, #tpu.memory_space<vmem>>, vector<16xf32>,
    tpu.vector_store %arg6[%swap3A_72], %add3A_71 {strides = array<i32>} : memref<1600xf32, #tpu.memory_space<vmem>>, vector<16xf32>,
    %slice3A_74 = vector.extract_strided_slice %get3A_4 {offsets = [1], sizes = [1], strides = [1]} : vector<16xf32> to vector<1xf32>
    %squeeze3A_75 = vector.extract %slice3A_74[0] : f32 from vector<1xf32>
    %add3A_76 = vector.broadcast %squeeze3A_75 : f32 to vector<16xf32>
    %add3A_77 = arith.addf %broadcast_in_dim3A_3, %add3A_76 : vector<16xf32>
    %swap3A_78 = arith.constant 160 : index
    %swap3A_79 = tpu.vector_load %arg6[%swap3A_78] {strides = array<i32>} : memref<1600xf32, #tpu.memory_space<vmem>>, vector<16xf32>,
    tpu.vector_store %arg6[%swap3A_78], %add3A_77 {strides = array<i32>} : memref<1600xf32, #tpu.memory_space<vmem>>, vector<16xf32>,
    %slice3A_80 = vector.extract_strided_slice %get3A_4 {offsets = [11], sizes = [1], strides = [1]} : vector<16xf32> to vector<1xf32>
    %squeeze3A_81 = vector.extract %slice3A_80[0] : f32 from vector<1xf32>
    %add3A_82 = vector.broadcast %squeeze3A_81 : f32 to vector<16xf32>
    %add3A_83 = arith.addf %broadcast_in_dim3A_3, %add3A_82 : vector<16xf32>
    %swap3A_84 = arith.constant 176 : index
    %swap3A_85 = tpu.vector_load %arg6[%swap3A_84] {strides = array<i32>} : memref<1600xf32, #tpu.memory_space<vmem>>, vector<16xf32>,
    tpu.vector_store %arg6[%swap3A_84], %add3A_83 {strides = array<i32>} : memref<1600xf32, #tpu.memory_space<vmem>>, vector<16xf32>,
    %slice3A_86 = vector.extract_strided_slice %get3A_6 {offsets = [5], sizes = [1], strides = [1]} : vector<16xf32> to vector<1xf32>
    %squeeze3A_87 = vector.extract %slice3A_86[0] : f32 from vector<1xf32>
    %add3A_88 = vector.broadcast %squeeze3A_87 : f32 to vector<16xf32>
    %add3A_89 = arith.addf %broadcast_in_dim3A_3, %add3A_88 : vector<16xf32>
    %swap3A_90 = arith.constant 192 : index
    %swap3A_91 = tpu.vector_load %arg6[%swap3A_90] {strides = array<i32>} : memref<1600xf32, #tpu.memory_space<vmem>>, vector<16xf32>,
    tpu.vector_store %arg6[%swap3A_90], %add3A_89 {strides = array<i32>} : memref<1600xf32, #tpu.memory_space<vmem>>, vector<16xf32>,
    %slice3A_92 = vector.extract_strided_slice %get3A_6 {offsets = [15], sizes = [1], strides = [1]} : vector<16xf32> to vector<1xf32>
    %squeeze3A_93 = vector.extract %slice3A_92[0] : f32 from vector<1xf32>
    %add3A_94 = vector.broadcast %squeeze3A_93 : f32 to vector<16xf32>
    %add3A_95 = arith.addf %broadcast_in_dim3A_3, %add3A_94 : vector<16xf32>
    %swap3A_96 = arith.constant 208 : index
    %swap3A_97 = tpu.vector_load %arg6[%swap3A_96] {strides = array<i32>} : memref<1600xf32, #tpu.memory_space<vmem>>, vector<16xf32>,
    tpu.vector_store %arg6[%swap3A_96], %add3A_95 {strides = array<i32>} : memref<1600xf32, #tpu.memory_space<vmem>>, vector<16xf32>,
    %slice3A_98 = vector.extract_strided_slice %get3A_8 {offsets = [9], sizes = [1], strides = [1]} : vector<16xf32> to vector<1xf32>
    %squeeze3A_99 = vector.extract %slice3A_98[0] : f32 from vector<1xf32>
    %add3A_100 = vector.broadcast %squeeze3A_99 : f32 to vector<16xf32>
    %add3A_101 = arith.addf %broadcast_in_dim3A_3, %add3A_100 : vector<16xf32>
    %swap3A_102 = arith.constant 224 : index
    %swap3A_103 = tpu.vector_load %arg6[%swap3A_102] {strides = array<i32>} : memref<1600xf32, #tpu.memory_space<vmem>>, vector<16xf32>,
    tpu.vector_store %arg6[%swap3A_102], %add3A_101 {strides = array<i32>} : memref<1600xf32, #tpu.memory_space<vmem>>, vector<16xf32>,
    %slice3A_104 = vector.extract_strided_slice %get3A_10 {offsets = [3], sizes = [1], strides = [1]} : vector<16xf32> to vector<1xf32>
    %squeeze3A_105 = vector.extract %slice3A_104[0] : f32 from vector<1xf32>
    %add3A_106 = vector.broadcast %squeeze3A_105 : f32 to vector<16xf32>
    %add3A_107 = arith.addf %broadcast_in_dim3A_3, %add3A_106 : vector<16xf32>
    %swap3A_108 = arith.constant 240 : index
    %swap3A_109 = tpu.vector_load %arg6[%swap3A_108] {strides = array<i32>} : memref<1600xf32, #tpu.memory_space<vmem>>, vector<16xf32>,
    tpu.vector_store %arg6[%swap3A_108], %add3A_107 {strides = array<i32>} : memref<1600xf32, #tpu.memory_space<vmem>>, vector<16xf32>,
    %slice3A_110 = vector.extract_strided_slice %get3A_10 {offsets = [13], sizes = [1], strides = [1]} : vector<16xf32> to vector<1xf32>
    %squeeze3A_111 = vector.extract %slice3A_110[0] : f32 from vector<1xf32>
    %add3A_112 = vector.broadcast %squeeze3A_111 : f32 to vector<16xf32>
    %add3A_113 = arith.addf %broadcast_in_dim3A_3, %add3A_112 : vector<16xf32>
    %swap3A_114 = arith.constant 256 : index
    %swap3A_115 = tpu.vector_load %arg6[%swap3A_114] {strides = array<i32>} : memref<1600xf32, #tpu.memory_space<vmem>>, vector<16xf32>,
    tpu.vector_store %arg6[%swap3A_114], %add3A_113 {strides = array<i32>} : memref<1600xf32, #tpu.memory_space<vmem>>, vector<16xf32>,
    %slice3A_116 = vector.extract_strided_slice %get3A_12 {offsets = [7], sizes = [1], strides = [1]} : vector<16xf32> to vector<1xf32>
    %squeeze3A_117 = vector.extract %slice3A_116[0] : f32 from vector<1xf32>
    %add3A_118 = vector.broadcast %squeeze3A_117 : f32 to vector<16xf32>
    %add3A_119 = arith.addf %broadcast_in_dim3A_3, %add3A_118 : vector<16xf32>
    %swap3A_120 = arith.constant 272 : index
    %swap3A_121 = tpu.vector_load %arg6[%swap3A_120] {strides = array<i32>} : memref<1600xf32, #tpu.memory_space<vmem>>, vector<16xf32>,
    tpu.vector_store %arg6[%swap3A_120], %add3A_119 {strides = array<i32>} : memref<1600xf32, #tpu.memory_space<vmem>>, vector<16xf32>,
    %slice3A_122 = vector.extract_strided_slice %get3A_14 {offsets = [1], sizes = [1], strides = [1]} : vector<16xf32> to vector<1xf32>
    %squeeze3A_123 = vector.extract %slice3A_122[0] : f32 from vector<1xf32>
    %add3A_124 = vector.broadcast %squeeze3A_123 : f32 to vector<16xf32>
    %add3A_125 = arith.addf %broadcast_in_dim3A_3, %add3A_124 : vector<16xf32>
    %swap3A_126 = arith.constant 288 : index
    %swap3A_127 = tpu.vector_load %arg6[%swap3A_126] {strides = array<i32>} : memref<1600xf32, #tpu.memory_space<vmem>>, vector<16xf32>,
    tpu.vector_store %arg6[%swap3A_126], %add3A_125 {strides = array<i32>} : memref<1600xf32, #tpu.memory_space<vmem>>, vector<16xf32>,
    %slice3A_128 = vector.extract_strided_slice %get3A_14 {offsets = [11], sizes = [1], strides = [1]} : vector<16xf32> to vector<1xf32>
    %squeeze3A_129 = vector.extract %slice3A_128[0] : f32 from vector<1xf32>
    %add3A_130 = vector.broadcast %squeeze3A_129 : f32 to vector<16xf32>
    %add3A_131 = arith.addf %broadcast_in_dim3A_3, %add3A_130 : vector<16xf32>
    %swap3A_132 = arith.constant 304 : index
    %swap3A_133 = tpu.vector_load %arg6[%swap3A_132] {strides = array<i32>} : memref<1600xf32, #tpu.memory_space<vmem>>, vector<16xf32>,
    tpu.vector_store %arg6[%swap3A_132], %add3A_131 {strides = array<i32>} : memref<1600xf32, #tpu.memory_space<vmem>>, vector<16xf32>,
    %slice3A_134 = vector.extract_strided_slice %get3A_4 {offsets = [2], sizes = [1], strides = [1]} : vector<16xf32> to vector<1xf32>
    %squeeze3A_135 = vector.extract %slice3A_134[0] : f32 from vector<1xf32>
    %add3A_136 = vector.broadcast %squeeze3A_135 : f32 to vector<16xf32>
    %add3A_137 = arith.addf %broadcast_in_dim3A_3, %add3A_136 : vector<16xf32>
    %swap3A_138 = arith.constant 320 : index
    %swap3A_139 = tpu.vector_load %arg6[%swap3A_138] {strides = array<i32>} : memref<1600xf32, #tpu.memory_space<vmem>>, vector<16xf32>,
    tpu.vector_store %arg6[%swap3A_138], %add3A_137 {strides = array<i32>} : memref<1600xf32, #tpu.memory_space<vmem>>, vector<16xf32>,
    %slice3A_140 = vector.extract_strided_slice %get3A_4 {offsets = [12], sizes = [1], strides = [1]} : vector<16xf32> to vector<1xf32>
    %squeeze3A_141 = vector.extract %slice3A_140[0] : f32 from vector<1xf32>
    %add3A_142 = vector.broadcast %squeeze3A_141 : f32 to vector<16xf32>
    %add3A_143 = arith.addf %broadcast_in_dim3A_3, %add3A_142 : vector<16xf32>
    %swap3A_144 = arith.constant 336 : index
    %swap3A_145 = tpu.vector_load %arg6[%swap3A_144] {strides = array<i32>} : memref<1600xf32, #tpu.memory_space<vmem>>, vector<16xf32>,
    tpu.vector_store %arg6[%swap3A_144], %add3A_143 {strides = array<i32>} : memref<1600xf32, #tpu.memory_space<vmem>>, vector<16xf32>,
    %slice3A_146 = vector.extract_strided_slice %get3A_6 {offsets = [6], sizes = [1], strides = [1]} : vector<16xf32> to vector<1xf32>
    %squeeze3A_147 = vector.extract %slice3A_146[0] : f32 from vector<1xf32>
    %add3A_148 = vector.broadcast %squeeze3A_147 : f32 to vector<16xf32>
    %add3A_149 = arith.addf %broadcast_in_dim3A_3, %add3A_148 : vector<16xf32>
    %swap3A_150 = arith.constant 352 : index
    %swap3A_151 = tpu.vector_load %arg6[%swap3A_150] {strides = array<i32>} : memref<1600xf32, #tpu.memory_space<vmem>>, vector<16xf32>,
    tpu.vector_store %arg6[%swap3A_150], %add3A_149 {strides = array<i32>} : memref<1600xf32, #tpu.memory_space<vmem>>, vector<16xf32>,
    %slice3A_152 = vector.extract_strided_slice %get3A_8 {offsets = [0], sizes = [1], strides = [1]} : vector<16xf32> to vector<1xf32>
    %squeeze3A_153 = vector.extract %slice3A_152[0] : f32 from vector<1xf32>
    %add3A_154 = vector.broadcast %squeeze3A_153 : f32 to vector<16xf32>
    %add3A_155 = arith.addf %broadcast_in_dim3A_3, %add3A_154 : vector<16xf32>
    %swap3A_156 = arith.constant 368 : index
    %swap3A_157 = tpu.vector_load %arg6[%swap3A_156] {strides = array<i32>} : memref<1600xf32, #tpu.memory_space<vmem>>, vector<16xf32>,
    tpu.vector_store %arg6[%swap3A_156], %add3A_155 {strides = array<i32>} : memref<1600xf32, #tpu.memory_space<vmem>>, vector<16xf32>,
    %slice3A_158 = vector.extract_strided_slice %get3A_8 {offsets = [10], sizes = [1], strides = [1]} : vector<16xf32> to vector<1xf32>
    %squeeze3A_159 = vector.extract %slice3A_158[0] : f32 from vector<1xf32>
    %add3A_160 = vector.broadcast %squeeze3A_159 : f32 to vector<16xf32>
    %add3A_161 = arith.addf %broadcast_in_dim3A_3, %add3A_160 : vector<16xf32>
    %swap3A_162 = arith.constant 384 : index
    %swap3A_163 = tpu.vector_load %arg6[%swap3A_162] {strides = array<i32>} : memref<1600xf32, #tpu.memory_space<vmem>>, vector<16xf32>,
    tpu.vector_store %arg6[%swap3A_162], %add3A_161 {strides = array<i32>} : memref<1600xf32, #tpu.memory_space<vmem>>, vector<16xf32>,
    %slice3A_164 = vector.extract_strided_slice %get3A_10 {offsets = [4], sizes = [1], strides = [1]} : vector<16xf32> to vector<1xf32>
    %squeeze3A_165 = vector.extract %slice3A_164[0] : f32 from vector<1xf32>
    %add3A_166 = vector.broadcast %squeeze3A_165 : f32 to vector<16xf32>
    %add3A_167 = arith.addf %broadcast_in_dim3A_3, %add3A_166 : vector<16xf32>
    %swap3A_168 = arith.constant 400 : index
    %swap3A_169 = tpu.vector_load %arg6[%swap3A_168] {strides = array<i32>} : memref<1600xf32, #tpu.memory_space<vmem>>, vector<16xf32>,
    tpu.vector_store %arg6[%swap3A_168], %add3A_167 {strides = array<i32>} : memref<1600xf32, #tpu.memory_space<vmem>>, vector<16xf32>,
    %slice3A_170 = vector.extract_strided_slice %get3A_10 {offsets = [14], sizes = [1], strides = [1]} : vector<16xf32> to vector<1xf32>
    %squeeze3A_171 = vector.extract %slice3A_170[0] : f32 from vector<1xf32>
    %add3A_172 = vector.broadcast %squeeze3A_171 : f32 to vector<16xf32>
    %add3A_173 = arith.addf %broadcast_in_dim3A_3, %add3A_172 : vector<16xf32>
    %swap3A_174 = arith.constant 416 : index
    %swap3A_175 = tpu.vector_load %arg6[%swap3A_174] {strides = array<i32>} : memref<1600xf32, #tpu.memory_space<vmem>>, vector<16xf32>,
    tpu.vector_store %arg6[%swap3A_174], %add3A_173 {strides = array<i32>} : memref<1600xf32, #tpu.memory_space<vmem>>, vector<16xf32>,
    %slice3A_176 = vector.extract_strided_slice %get3A_12 {offsets = [8], sizes = [1], strides = [1]} : vector<16xf32> to vector<1xf32>
    %squeeze3A_177 = vector.extract %slice3A_176[0] : f32 from vector<1xf32>
    %add3A_178 = vector.broadcast %squeeze3A_177 : f32 to vector<16xf32>
    %add3A_179 = arith.addf %broadcast_in_dim3A_3, %add3A_178 : vector<16xf32>
    %swap3A_180 = arith.constant 432 : index
    %swap3A_181 = tpu.vector_load %arg6[%swap3A_180] {strides = array<i32>} : memref<1600xf32, #tpu.memory_space<vmem>>, vector<16xf32>,
    tpu.vector_store %arg6[%swap3A_180], %add3A_179 {strides = array<i32>} : memref<1600xf32, #tpu.memory_space<vmem>>, vector<16xf32>,
    %slice3A_182 = vector.extract_strided_slice %get3A_14 {offsets = [2], sizes = [1], strides = [1]} : vector<16xf32> to vector<1xf32>
    %squeeze3A_183 = vector.extract %slice3A_182[0] : f32 from vector<1xf32>
    %add3A_184 = vector.broadcast %squeeze3A_183 : f32 to vector<16xf32>
    %add3A_185 = arith.addf %broadcast_in_dim3A_3, %add3A_184 : vector<16xf32>
    %swap3A_186 = arith.constant 448 : index
    %swap3A_187 = tpu.vector_load %arg6[%swap3A_186] {strides = array<i32>} : memref<1600xf32, #tpu.memory_space<vmem>>, vector<16xf32>,
    tpu.vector_store %arg6[%swap3A_186], %add3A_185 {strides = array<i32>} : memref<1600xf32, #tpu.memory_space<vmem>>, vector<16xf32>,
    %slice3A_188 = vector.extract_strided_slice %get3A_14 {offsets = [12], sizes = [1], strides = [1]} : vector<16xf32> to vector<1xf32>
    %squeeze3A_189 = vector.extract %slice3A_188[0] : f32 from vector<1xf32>
    %add3A_190 = vector.broadcast %squeeze3A_189 : f32 to vector<16xf32>
    %add3A_191 = arith.addf %broadcast_in_dim3A_3, %add3A_190 : vector<16xf32>
    %swap3A_192 = arith.constant 464 : index
    %swap3A_193 = tpu.vector_load %arg6[%swap3A_192] {strides = array<i32>} : memref<1600xf32, #tpu.memory_space<vmem>>, vector<16xf32>,
    tpu.vector_store %arg6[%swap3A_192], %add3A_191 {strides = array<i32>} : memref<1600xf32, #tpu.memory_space<vmem>>, vector<16xf32>,
    %slice3A_194 = vector.extract_strided_slice %get3A_4 {offsets = [3], sizes = [1], strides = [1]} : vector<16xf32> to vector<1xf32>
    %squeeze3A_195 = vector.extract %slice3A_194[0] : f32 from vector<1xf32>
    %add3A_196 = vector.broadcast %squeeze3A_195 : f32 to vector<16xf32>
    %add3A_197 = arith.addf %broadcast_in_dim3A_3, %add3A_196 : vector<16xf32>
    %swap3A_198 = arith.constant 480 : index
    %swap3A_199 = tpu.vector_load %arg6[%swap3A_198] {strides = array<i32>} : memref<1600xf32, #tpu.memory_space<vmem>>, vector<16xf32>,
    tpu.vector_store %arg6[%swap3A_198], %add3A_197 {strides = array<i32>} : memref<1600xf32, #tpu.memory_space<vmem>>, vector<16xf32>,
    %slice3A_200 = vector.extract_strided_slice %get3A_4 {offsets = [13], sizes = [1], strides = [1]} : vector<16xf32> to vector<1xf32>
    %squeeze3A_201 = vector.extract %slice3A_200[0] : f32 from vector<1xf32>
    %add3A_202 = vector.broadcast %squeeze3A_201 : f32 to vector<16xf32>
    %add3A_203 = arith.addf %broadcast_in_dim3A_3, %add3A_202 : vector<16xf32>
    %swap3A_204 = arith.constant 496 : index
    %swap3A_205 = tpu.vector_load %arg6[%swap3A_204] {strides = array<i32>} : memref<1600xf32, #tpu.memory_space<vmem>>, vector<16xf32>,
    tpu.vector_store %arg6[%swap3A_204], %add3A_203 {strides = array<i32>} : memref<1600xf32, #tpu.memory_space<vmem>>, vector<16xf32>,
    %slice3A_206 = vector.extract_strided_slice %get3A_6 {offsets = [7], sizes = [1], strides = [1]} : vector<16xf32> to vector<1xf32>
    %squeeze3A_207 = vector.extract %slice3A_206[0] : f32 from vector<1xf32>
    %add3A_208 = vector.broadcast %squeeze3A_207 : f32 to vector<16xf32>
    %add3A_209 = arith.addf %broadcast_in_dim3A_3, %add3A_208 : vector<16xf32>
    %swap3A_210 = arith.constant 512 : index
    %swap3A_211 = tpu.vector_load %arg6[%swap3A_210] {strides = array<i32>} : memref<1600xf32, #tpu.memory_space<vmem>>, vector<16xf32>,
    tpu.vector_store %arg6[%swap3A_210], %add3A_209 {strides = array<i32>} : memref<1600xf32, #tpu.memory_space<vmem>>, vector<16xf32>,
    %slice3A_212 = vector.extract_strided_slice %get3A_8 {offsets = [1], sizes = [1], strides = [1]} : vector<16xf32> to vector<1xf32>
    %squeeze3A_213 = vector.extract %slice3A_212[0] : f32 from vector<1xf32>
    %add3A_214 = vector.broadcast %squeeze3A_213 : f32 to vector<16xf32>
    %add3A_215 = arith.addf %broadcast_in_dim3A_3, %add3A_214 : vector<16xf32>
    %swap3A_216 = arith.constant 528 : index
    %swap3A_217 = tpu.vector_load %arg6[%swap3A_216] {strides = array<i32>} : memref<1600xf32, #tpu.memory_space<vmem>>, vector<16xf32>,
    tpu.vector_store %arg6[%swap3A_216], %add3A_215 {strides = array<i32>} : memref<1600xf32, #tpu.memory_space<vmem>>, vector<16xf32>,
    %slice3A_218 = vector.extract_strided_slice %get3A_8 {offsets = [11], sizes = [1], strides = [1]} : vector<16xf32> to vector<1xf32>
    %squeeze3A_219 = vector.extract %slice3A_218[0] : f32 from vector<1xf32>
    %add3A_220 = vector.broadcast %squeeze3A_219 : f32 to vector<16xf32>
    %add3A_221 = arith.addf %broadcast_in_dim3A_3, %add3A_220 : vector<16xf32>
    %swap3A_222 = arith.constant 544 : index
    %swap3A_223 = tpu.vector_load %arg6[%swap3A_222] {strides = array<i32>} : memref<1600xf32, #tpu.memory_space<vmem>>, vector<16xf32>,
    tpu.vector_store %arg6[%swap3A_222], %add3A_221 {strides = array<i32>} : memref<1600xf32, #tpu.memory_space<vmem>>, vector<16xf32>,
    %slice3A_224 = vector.extract_strided_slice %get3A_10 {offsets = [5], sizes = [1], strides = [1]} : vector<16xf32> to vector<1xf32>
    %squeeze3A_225 = vector.extract %slice3A_224[0] : f32 from vector<1xf32>
    %add3A_226 = vector.broadcast %squeeze3A_225 : f32 to vector<16xf32>
    %add3A_227 = arith.addf %broadcast_in_dim3A_3, %add3A_226 : vector<16xf32>
    %swap3A_228 = arith.constant 560 : index
    %swap3A_229 = tpu.vector_load %arg6[%swap3A_228] {strides = array<i32>} : memref<1600xf32, #tpu.memory_space<vmem>>, vector<16xf32>,
    tpu.vector_store %arg6[%swap3A_228], %add3A_227 {strides = array<i32>} : memref<1600xf32, #tpu.memory_space<vmem>>, vector<16xf32>,
    %slice3A_230 = vector.extract_strided_slice %get3A_10 {offsets = [15], sizes = [1], strides = [1]} : vector<16xf32> to vector<1xf32>
    %squeeze3A_231 = vector.extract %slice3A_230[0] : f32 from vector<1xf32>
    %add3A_232 = vector.broadcast %squeeze3A_231 : f32 to vector<16xf32>
    %add3A_233 = arith.addf %broadcast_in_dim3A_3, %add3A_232 : vector<16xf32>
    %swap3A_234 = arith.constant 576 : index
    %swap3A_235 = tpu.vector_load %arg6[%swap3A_234] {strides = array<i32>} : memref<1600xf32, #tpu.memory_space<vmem>>, vector<16xf32>,
    tpu.vector_store %arg6[%swap3A_234], %add3A_233 {strides = array<i32>} : memref<1600xf32, #tpu.memory_space<vmem>>, vector<16xf32>,
    %slice3A_236 = vector.extract_strided_slice %get3A_12 {offsets = [9], sizes = [1], strides = [1]} : vector<16xf32> to vector<1xf32>
    %squeeze3A_237 = vector.extract %slice3A_236[0] : f32 from vector<1xf32>
    %add3A_238 = vector.broadcast %squeeze3A_237 : f32 to vector<16xf32>
    %add3A_239 = arith.addf %broadcast_in_dim3A_3, %add3A_238 : vector<16xf32>
    %swap3A_240 = arith.constant 592 : index
    %swap3A_241 = tpu.vector_load %arg6[%swap3A_240] {strides = array<i32>} : memref<1600xf32, #tpu.memory_space<vmem>>, vector<16xf32>,
    tpu.vector_store %arg6[%swap3A_240], %add3A_239 {strides = array<i32>} : memref<1600xf32, #tpu.memory_space<vmem>>, vector<16xf32>,
    %slice3A_242 = vector.extract_strided_slice %get3A_14 {offsets = [3], sizes = [1], strides = [1]} : vector<16xf32> to vector<1xf32>
    %squeeze3A_243 = vector.extract %slice3A_242[0] : f32 from vector<1xf32>
    %add3A_244 = vector.broadcast %squeeze3A_243 : f32 to vector<16xf32>
    %add3A_245 = arith.addf %broadcast_in_dim3A_3, %add3A_244 : vector<16xf32>
    %swap3A_246 = arith.constant 608 : index
    %swap3A_247 = tpu.vector_load %arg6[%swap3A_246] {strides = array<i32>} : memref<1600xf32, #tpu.memory_space<vmem>>, vector<16xf32>,
    tpu.vector_store %arg6[%swap3A_246], %add3A_245 {strides = array<i32>} : memref<1600xf32, #tpu.memory_space<vmem>>, vector<16xf32>,
    %slice3A_248 = vector.extract_strided_slice %get3A_14 {offsets = [13], sizes = [1], strides = [1]} : vector<16xf32> to vector<1xf32>
    %squeeze3A_249 = vector.extract %slice3A_248[0] : f32 from vector<1xf32>
    %add3A_250 = vector.broadcast %squeeze3A_249 : f32 to vector<16xf32>
    %add3A_251 = arith.addf %broadcast_in_dim3A_3, %add3A_250 : vector<16xf32>
    %swap3A_252 = arith.constant 624 : index
    %swap3A_253 = tpu.vector_load %arg6[%swap3A_252] {strides = array<i32>} : memref<1600xf32, #tpu.memory_space<vmem>>, vector<16xf32>,
    tpu.vector_store %arg6[%swap3A_252], %add3A_251 {strides = array<i32>} : memref<1600xf32, #tpu.memory_space<vmem>>, vector<16xf32>,
    %slice3A_254 = vector.extract_strided_slice %get3A_4 {offsets = [4], sizes = [1], strides = [1]} : vector<16xf32> to vector<1xf32>
    %squeeze3A_255 = vector.extract %slice3A_254[0] : f32 from vector<1xf32>
    %add3A_256 = vector.broadcast %squeeze3A_255 : f32 to vector<16xf32>
    %add3A_257 = arith.addf %broadcast_in_dim3A_3, %add3A_256 : vector<16xf32>
    %swap3A_258 = arith.constant 640 : index
    %swap3A_259 = tpu.vector_load %arg6[%swap3A_258] {strides = array<i32>} : memref<1600xf32, #tpu.memory_space<vmem>>, vector<16xf32>,
    tpu.vector_store %arg6[%swap3A_258], %add3A_257 {strides = array<i32>} : memref<1600xf32, #tpu.memory_space<vmem>>, vector<16xf32>,
    %slice3A_260 = vector.extract_strided_slice %get3A_4 {offsets = [14], sizes = [1], strides = [1]} : vector<16xf32> to vector<1xf32>
    %squeeze3A_261 = vector.extract %slice3A_260[0] : f32 from vector<1xf32>
    %add3A_262 = vector.broadcast %squeeze3A_261 : f32 to vector<16xf32>
    %add3A_263 = arith.addf %broadcast_in_dim3A_3, %add3A_262 : vector<16xf32>
    %swap3A_264 = arith.constant 656 : index
    %swap3A_265 = tpu.vector_load %arg6[%swap3A_264] {strides = array<i32>} : memref<1600xf32, #tpu.memory_space<vmem>>, vector<16xf32>,
    tpu.vector_store %arg6[%swap3A_264], %add3A_263 {strides = array<i32>} : memref<1600xf32, #tpu.memory_space<vmem>>, vector<16xf32>,
    %slice3A_266 = vector.extract_strided_slice %get3A_6 {offsets = [8], sizes = [1], strides = [1]} : vector<16xf32> to vector<1xf32>
    %squeeze3A_267 = vector.extract %slice3A_266[0] : f32 from vector<1xf32>
    %add3A_268 = vector.broadcast %squeeze3A_267 : f32 to vector<16xf32>
    %add3A_269 = arith.addf %broadcast_in_dim3A_3, %add3A_268 : vector<16xf32>
    %swap3A_270 = arith.constant 672 : index
    %swap3A_271 = tpu.vector_load %arg6[%swap3A_270] {strides = array<i32>} : memref<1600xf32, #tpu.memory_space<vmem>>, vector<16xf32>,
    tpu.vector_store %arg6[%swap3A_270], %add3A_269 {strides = array<i32>} : memref<1600xf32, #tpu.memory_space<vmem>>, vector<16xf32>,
    %slice3A_272 = vector.extract_strided_slice %get3A_8 {offsets = [2], sizes = [1], strides = [1]} : vector<16xf32> to vector<1xf32>
    %squeeze3A_273 = vector.extract %slice3A_272[0] : f32 from vector<1xf32>
    %add3A_274 = vector.broadcast %squeeze3A_273 : f32 to vector<16xf32>
    %add3A_275 = arith.addf %broadcast_in_dim3A_3, %add3A_274 : vector<16xf32>
    %swap3A_276 = arith.constant 688 : index
    %swap3A_277 = tpu.vector_load %arg6[%swap3A_276] {strides = array<i32>} : memref<1600xf32, #tpu.memory_space<vmem>>, vector<16xf32>,
    tpu.vector_store %arg6[%swap3A_276], %add3A_275 {strides = array<i32>} : memref<1600xf32, #tpu.memory_space<vmem>>, vector<16xf32>,
    %slice3A_278 = vector.extract_strided_slice %get3A_8 {offsets = [12], sizes = [1], strides = [1]} : vector<16xf32> to vector<1xf32>
    %squeeze3A_279 = vector.extract %slice3A_278[0] : f32 from vector<1xf32>
    %add3A_280 = vector.broadcast %squeeze3A_279 : f32 to vector<16xf32>
    %add3A_281 = arith.addf %broadcast_in_dim3A_3, %add3A_280 : vector<16xf32>
    %swap3A_282 = arith.constant 704 : index
    %swap3A_283 = tpu.vector_load %arg6[%swap3A_282] {strides = array<i32>} : memref<1600xf32, #tpu.memory_space<vmem>>, vector<16xf32>,
    tpu.vector_store %arg6[%swap3A_282], %add3A_281 {strides = array<i32>} : memref<1600xf32, #tpu.memory_space<vmem>>, vector<16xf32>,
    %slice3A_284 = vector.extract_strided_slice %get3A_10 {offsets = [6], sizes = [1], strides = [1]} : vector<16xf32> to vector<1xf32>
    %squeeze3A_285 = vector.extract %slice3A_284[0] : f32 from vector<1xf32>
    %add3A_286 = vector.broadcast %squeeze3A_285 : f32 to vector<16xf32>
    %add3A_287 = arith.addf %broadcast_in_dim3A_3, %add3A_286 : vector<16xf32>
    %swap3A_288 = arith.constant 720 : index
    %swap3A_289 = tpu.vector_load %arg6[%swap3A_288] {strides = array<i32>} : memref<1600xf32, #tpu.memory_space<vmem>>, vector<16xf32>,
    tpu.vector_store %arg6[%swap3A_288], %add3A_287 {strides = array<i32>} : memref<1600xf32, #tpu.memory_space<vmem>>, vector<16xf32>,
    %slice3A_290 = vector.extract_strided_slice %get3A_12 {offsets = [0], sizes = [1], strides = [1]} : vector<16xf32> to vector<1xf32>
    %squeeze3A_291 = vector.extract %slice3A_290[0] : f32 from vector<1xf32>
    %add3A_292 = vector.broadcast %squeeze3A_291 : f32 to vector<16xf32>
    %add3A_293 = arith.addf %broadcast_in_dim3A_3, %add3A_292 : vector<16xf32>
    %swap3A_294 = arith.constant 736 : index
    %swap3A_295 = tpu.vector_load %arg6[%swap3A_294] {strides = array<i32>} : memref<1600xf32, #tpu.memory_space<vmem>>, vector<16xf32>,
    tpu.vector_store %arg6[%swap3A_294], %add3A_293 {strides = array<i32>} : memref<1600xf32, #tpu.memory_space<vmem>>, vector<16xf32>,
    %slice3A_296 = vector.extract_strided_slice %get3A_12 {offsets = [10], sizes = [1], strides = [1]} : vector<16xf32> to vector<1xf32>
    %squeeze3A_297 = vector.extract %slice3A_296[0] : f32 from vector<1xf32>
    %add3A_298 = vector.broadcast %squeeze3A_297 : f32 to vector<16xf32>
    %add3A_299 = arith.addf %broadcast_in_dim3A_3, %add3A_298 : vector<16xf32>
    %swap3A_300 = arith.constant 752 : index
    %swap3A_301 = tpu.vector_load %arg6[%swap3A_300] {strides = array<i32>} : memref<1600xf32, #tpu.memory_space<vmem>>, vector<16xf32>,
    tpu.vector_store %arg6[%swap3A_300], %add3A_299 {strides = array<i32>} : memref<1600xf32, #tpu.memory_space<vmem>>, vector<16xf32>,
    %slice3A_302 = vector.extract_strided_slice %get3A_14 {offsets = [4], sizes = [1], strides = [1]} : vector<16xf32> to vector<1xf32>
    %squeeze3A_303 = vector.extract %slice3A_302[0] : f32 from vector<1xf32>
    %add3A_304 = vector.broadcast %squeeze3A_303 : f32 to vector<16xf32>
    %add3A_305 = arith.addf %broadcast_in_dim3A_3, %add3A_304 : vector<16xf32>
    %swap3A_306 = arith.constant 768 : index
    %swap3A_307 = tpu.vector_load %arg6[%swap3A_306] {strides = array<i32>} : memref<1600xf32, #tpu.memory_space<vmem>>, vector<16xf32>,
    tpu.vector_store %arg6[%swap3A_306], %add3A_305 {strides = array<i32>} : memref<1600xf32, #tpu.memory_space<vmem>>, vector<16xf32>,
    %slice3A_308 = vector.extract_strided_slice %get3A_14 {offsets = [14], sizes = [1], strides = [1]} : vector<16xf32> to vector<1xf32>
    %squeeze3A_309 = vector.extract %slice3A_308[0] : f32 from vector<1xf32>
    %add3A_310 = vector.broadcast %squeeze3A_309 : f32 to vector<16xf32>
    %add3A_311 = arith.addf %broadcast_in_dim3A_3, %add3A_310 : vector<16xf32>
    %swap3A_312 = arith.constant 784 : index
    %swap3A_313 = tpu.vector_load %arg6[%swap3A_312] {strides = array<i32>} : memref<1600xf32, #tpu.memory_space<vmem>>, vector<16xf32>,
    tpu.vector_store %arg6[%swap3A_312], %add3A_311 {strides = array<i32>} : memref<1600xf32, #tpu.memory_space<vmem>>, vector<16xf32>,
    %slice3A_314 = vector.extract_strided_slice %get3A_4 {offsets = [5], sizes = [1], strides = [1]} : vector<16xf32> to vector<1xf32>
    %squeeze3A_315 = vector.extract %slice3A_314[0] : f32 from vector<1xf32>
    %add3A_316 = vector.broadcast %squeeze3A_315 : f32 to vector<16xf32>
    %add3A_317 = arith.addf %broadcast_in_dim3A_3, %add3A_316 : vector<16xf32>
    %swap3A_318 = arith.constant 800 : index
    %swap3A_319 = tpu.vector_load %arg6[%swap3A_318] {strides = array<i32>} : memref<1600xf32, #tpu.memory_space<vmem>>, vector<16xf32>,
    tpu.vector_store %arg6[%swap3A_318], %add3A_317 {strides = array<i32>} : memref<1600xf32, #tpu.memory_space<vmem>>, vector<16xf32>,
    %slice3A_320 = vector.extract_strided_slice %get3A_4 {offsets = [15], sizes = [1], strides = [1]} : vector<16xf32> to vector<1xf32>
    %squeeze3A_321 = vector.extract %slice3A_320[0] : f32 from vector<1xf32>
    %add3A_322 = vector.broadcast %squeeze3A_321 : f32 to vector<16xf32>
    %add3A_323 = arith.addf %broadcast_in_dim3A_3, %add3A_322 : vector<16xf32>
    %swap3A_324 = arith.constant 816 : index
    %swap3A_325 = tpu.vector_load %arg6[%swap3A_324] {strides = array<i32>} : memref<1600xf32, #tpu.memory_space<vmem>>, vector<16xf32>,
    tpu.vector_store %arg6[%swap3A_324], %add3A_323 {strides = array<i32>} : memref<1600xf32, #tpu.memory_space<vmem>>, vector<16xf32>,
    %slice3A_326 = vector.extract_strided_slice %get3A_6 {offsets = [9], sizes = [1], strides = [1]} : vector<16xf32> to vector<1xf32>
    %squeeze3A_327 = vector.extract %slice3A_326[0] : f32 from vector<1xf32>
    %add3A_328 = vector.broadcast %squeeze3A_327 : f32 to vector<16xf32>
    %add3A_329 = arith.addf %broadcast_in_dim3A_3, %add3A_328 : vector<16xf32>
    %swap3A_330 = arith.constant 832 : index
    %swap3A_331 = tpu.vector_load %arg6[%swap3A_330] {strides = array<i32>} : memref<1600xf32, #tpu.memory_space<vmem>>, vector<16xf32>,
    tpu.vector_store %arg6[%swap3A_330], %add3A_329 {strides = array<i32>} : memref<1600xf32, #tpu.memory_space<vmem>>, vector<16xf32>,
    %slice3A_332 = vector.extract_strided_slice %get3A_8 {offsets = [3], sizes = [1], strides = [1]} : vector<16xf32> to vector<1xf32>
    %squeeze3A_333 = vector.extract %slice3A_332[0] : f32 from vector<1xf32>
    %add3A_334 = vector.broadcast %squeeze3A_333 : f32 to vector<16xf32>
    %add3A_335 = arith.addf %broadcast_in_dim3A_3, %add3A_334 : vector<16xf32>
    %swap3A_336 = arith.constant 848 : index
    %swap3A_337 = tpu.vector_load %arg6[%swap3A_336] {strides = array<i32>} : memref<1600xf32, #tpu.memory_space<vmem>>, vector<16xf32>,
    tpu.vector_store %arg6[%swap3A_336], %add3A_335 {strides = array<i32>} : memref<1600xf32, #tpu.memory_space<vmem>>, vector<16xf32>,
    %slice3A_338 = vector.extract_strided_slice %get3A_8 {offsets = [13], sizes = [1], strides = [1]} : vector<16xf32> to vector<1xf32>
    %squeeze3A_339 = vector.extract %slice3A_338[0] : f32 from vector<1xf32>
    %add3A_340 = vector.broadcast %squeeze3A_339 : f32 to vector<16xf32>
    %add3A_341 = arith.addf %broadcast_in_dim3A_3, %add3A_340 : vector<16xf32>
    %swap3A_342 = arith.constant 864 : index
    %swap3A_343 = tpu.vector_load %arg6[%swap3A_342] {strides = array<i32>} : memref<1600xf32, #tpu.memory_space<vmem>>, vector<16xf32>,
    tpu.vector_store %arg6[%swap3A_342], %add3A_341 {strides = array<i32>} : memref<1600xf32, #tpu.memory_space<vmem>>, vector<16xf32>,
    %slice3A_344 = vector.extract_strided_slice %get3A_10 {offsets = [7], sizes = [1], strides = [1]} : vector<16xf32> to vector<1xf32>
    %squeeze3A_345 = vector.extract %slice3A_344[0] : f32 from vector<1xf32>
    %add3A_346 = vector.broadcast %squeeze3A_345 : f32 to vector<16xf32>
    %add3A_347 = arith.addf %broadcast_in_dim3A_3, %add3A_346 : vector<16xf32>
    %swap3A_348 = arith.constant 880 : index
    %swap3A_349 = tpu.vector_load %arg6[%swap3A_348] {strides = array<i32>} : memref<1600xf32, #tpu.memory_space<vmem>>, vector<16xf32>,
    tpu.vector_store %arg6[%swap3A_348], %add3A_347 {strides = array<i32>} : memref<1600xf32, #tpu.memory_space<vmem>>, vector<16xf32>,
    %slice3A_350 = vector.extract_strided_slice %get3A_12 {offsets = [1], sizes = [1], strides = [1]} : vector<16xf32> to vector<1xf32>
    %squeeze3A_351 = vector.extract %slice3A_350[0] : f32 from vector<1xf32>
    %add3A_352 = vector.broadcast %squeeze3A_351 : f32 to vector<16xf32>
    %add3A_353 = arith.addf %broadcast_in_dim3A_3, %add3A_352 : vector<16xf32>
    %swap3A_354 = arith.constant 896 : index
    %swap3A_355 = tpu.vector_load %arg6[%swap3A_354] {strides = array<i32>} : memref<1600xf32, #tpu.memory_space<vmem>>, vector<16xf32>,
    tpu.vector_store %arg6[%swap3A_354], %add3A_353 {strides = array<i32>} : memref<1600xf32, #tpu.memory_space<vmem>>, vector<16xf32>,
    %slice3A_356 = vector.extract_strided_slice %get3A_12 {offsets = [11], sizes = [1], strides = [1]} : vector<16xf32> to vector<1xf32>
    %squeeze3A_357 = vector.extract %slice3A_356[0] : f32 from vector<1xf32>
    %add3A_358 = vector.broadcast %squeeze3A_357 : f32 to vector<16xf32>
    %add3A_359 = arith.addf %broadcast_in_dim3A_3, %add3A_358 : vector<16xf32>
    %swap3A_360 = arith.constant 912 : index
    %swap3A_361 = tpu.vector_load %arg6[%swap3A_360] {strides = array<i32>} : memref<1600xf32, #tpu.memory_space<vmem>>, vector<16xf32>,
    tpu.vector_store %arg6[%swap3A_360], %add3A_359 {strides = array<i32>} : memref<1600xf32, #tpu.memory_space<vmem>>, vector<16xf32>,
    %slice3A_362 = vector.extract_strided_slice %get3A_14 {offsets = [5], sizes = [1], strides = [1]} : vector<16xf32> to vector<1xf32>
    %squeeze3A_363 = vector.extract %slice3A_362[0] : f32 from vector<1xf32>
    %add3A_364 = vector.broadcast %squeeze3A_363 : f32 to vector<16xf32>
    %add3A_365 = arith.addf %broadcast_in_dim3A_3, %add3A_364 : vector<16xf32>
    %swap3A_366 = arith.constant 928 : index
    %swap3A_367 = tpu.vector_load %arg6[%swap3A_366] {strides = array<i32>} : memref<1600xf32, #tpu.memory_space<vmem>>, vector<16xf32>,
    tpu.vector_store %arg6[%swap3A_366], %add3A_365 {strides = array<i32>} : memref<1600xf32, #tpu.memory_space<vmem>>, vector<16xf32>,
    %slice3A_368 = vector.extract_strided_slice %get3A_14 {offsets = [15], sizes = [1], strides = [1]} : vector<16xf32> to vector<1xf32>
    %squeeze3A_369 = vector.extract %slice3A_368[0] : f32 from vector<1xf32>
    %add3A_370 = vector.broadcast %squeeze3A_369 : f32 to vector<16xf32>
    %add3A_371 = arith.addf %broadcast_in_dim3A_3, %add3A_370 : vector<16xf32>
    %swap3A_372 = arith.constant 944 : index
    %swap3A_373 = tpu.vector_load %arg6[%swap3A_372] {strides = array<i32>} : memref<1600xf32, #tpu.memory_space<vmem>>, vector<16xf32>,
    tpu.vector_store %arg6[%swap3A_372], %add3A_371 {strides = array<i32>} : memref<1600xf32, #tpu.memory_space<vmem>>, vector<16xf32>,
    %slice3A_374 = vector.extract_strided_slice %get3A_4 {offsets = [6], sizes = [1], strides = [1]} : vector<16xf32> to vector<1xf32>
    %squeeze3A_375 = vector.extract %slice3A_374[0] : f32 from vector<1xf32>
    %add3A_376 = vector.broadcast %squeeze3A_375 : f32 to vector<16xf32>
    %add3A_377 = arith.addf %broadcast_in_dim3A_3, %add3A_376 : vector<16xf32>
    %swap3A_378 = arith.constant 960 : index
    %swap3A_379 = tpu.vector_load %arg6[%swap3A_378] {strides = array<i32>} : memref<1600xf32, #tpu.memory_space<vmem>>, vector<16xf32>,
    tpu.vector_store %arg6[%swap3A_378], %add3A_377 {strides = array<i32>} : memref<1600xf32, #tpu.memory_space<vmem>>, vector<16xf32>,
    %slice3A_380 = vector.extract_strided_slice %get3A_6 {offsets = [0], sizes = [1], strides = [1]} : vector<16xf32> to vector<1xf32>
    %squeeze3A_381 = vector.extract %slice3A_380[0] : f32 from vector<1xf32>
    %add3A_382 = vector.broadcast %squeeze3A_381 : f32 to vector<16xf32>
    %add3A_383 = arith.addf %broadcast_in_dim3A_3, %add3A_382 : vector<16xf32>
    %swap3A_384 = arith.constant 976 : index
    %swap3A_385 = tpu.vector_load %arg6[%swap3A_384] {strides = array<i32>} : memref<1600xf32, #tpu.memory_space<vmem>>, vector<16xf32>,
    tpu.vector_store %arg6[%swap3A_384], %add3A_383 {strides = array<i32>} : memref<1600xf32, #tpu.memory_space<vmem>>, vector<16xf32>,
    %slice3A_386 = vector.extract_strided_slice %get3A_6 {offsets = [10], sizes = [1], strides = [1]} : vector<16xf32> to vector<1xf32>
    %squeeze3A_387 = vector.extract %slice3A_386[0] : f32 from vector<1xf32>
    %add3A_388 = vector.broadcast %squeeze3A_387 : f32 to vector<16xf32>
    %add3A_389 = arith.addf %broadcast_in_dim3A_3, %add3A_388 : vector<16xf32>
    %swap3A_390 = arith.constant 992 : index
    %swap3A_391 = tpu.vector_load %arg6[%swap3A_390] {strides = array<i32>} : memref<1600xf32, #tpu.memory_space<vmem>>, vector<16xf32>,
    tpu.vector_store %arg6[%swap3A_390], %add3A_389 {strides = array<i32>} : memref<1600xf32, #tpu.memory_space<vmem>>, vector<16xf32>,
    %slice3A_392 = vector.extract_strided_slice %get3A_8 {offsets = [4], sizes = [1], strides = [1]} : vector<16xf32> to vector<1xf32>
    %squeeze3A_393 = vector.extract %slice3A_392[0] : f32 from vector<1xf32>
    %add3A_394 = vector.broadcast %squeeze3A_393 : f32 to vector<16xf32>
    %add3A_395 = arith.addf %broadcast_in_dim3A_3, %add3A_394 : vector<16xf32>
    %swap3A_396 = arith.constant 1008 : index
    %swap3A_397 = tpu.vector_load %arg6[%swap3A_396] {strides = array<i32>} : memref<1600xf32, #tpu.memory_space<vmem>>, vector<16xf32>,
    tpu.vector_store %arg6[%swap3A_396], %add3A_395 {strides = array<i32>} : memref<1600xf32, #tpu.memory_space<vmem>>, vector<16xf32>,
    %slice3A_398 = vector.extract_strided_slice %get3A_8 {offsets = [14], sizes = [1], strides = [1]} : vector<16xf32> to vector<1xf32>
    %squeeze3A_399 = vector.extract %slice3A_398[0] : f32 from vector<1xf32>
    %add3A_400 = vector.broadcast %squeeze3A_399 : f32 to vector<16xf32>
    %add3A_401 = arith.addf %broadcast_in_dim3A_3, %add3A_400 : vector<16xf32>
    %swap3A_402 = arith.constant 1024 : index
    %swap3A_403 = tpu.vector_load %arg6[%swap3A_402] {strides = array<i32>} : memref<1600xf32, #tpu.memory_space<vmem>>, vector<16xf32>,
    tpu.vector_store %arg6[%swap3A_402], %add3A_401 {strides = array<i32>} : memref<1600xf32, #tpu.memory_space<vmem>>, vector<16xf32>,
    %slice3A_404 = vector.extract_strided_slice %get3A_10 {offsets = [8], sizes = [1], strides = [1]} : vector<16xf32> to vector<1xf32>
    %squeeze3A_405 = vector.extract %slice3A_404[0] : f32 from vector<1xf32>
    %add3A_406 = vector.broadcast %squeeze3A_405 : f32 to vector<16xf32>
    %add3A_407 = arith.addf %broadcast_in_dim3A_3, %add3A_406 : vector<16xf32>
    %swap3A_408 = arith.constant 1040 : index
    %swap3A_409 = tpu.vector_load %arg6[%swap3A_408] {strides = array<i32>} : memref<1600xf32, #tpu.memory_space<vmem>>, vector<16xf32>,
    tpu.vector_store %arg6[%swap3A_408], %add3A_407 {strides = array<i32>} : memref<1600xf32, #tpu.memory_space<vmem>>, vector<16xf32>,
    %slice3A_410 = vector.extract_strided_slice %get3A_12 {offsets = [2], sizes = [1], strides = [1]} : vector<16xf32> to vector<1xf32>
    %squeeze3A_411 = vector.extract %slice3A_410[0] : f32 from vector<1xf32>
    %add3A_412 = vector.broadcast %squeeze3A_411 : f32 to vector<16xf32>
    %add3A_413 = arith.addf %broadcast_in_dim3A_3, %add3A_412 : vector<16xf32>
    %swap3A_414 = arith.constant 1056 : index
    %swap3A_415 = tpu.vector_load %arg6[%swap3A_414] {strides = array<i32>} : memref<1600xf32, #tpu.memory_space<vmem>>, vector<16xf32>,
    tpu.vector_store %arg6[%swap3A_414], %add3A_413 {strides = array<i32>} : memref<1600xf32, #tpu.memory_space<vmem>>, vector<16xf32>,
    %slice3A_416 = vector.extract_strided_slice %get3A_12 {offsets = [12], sizes = [1], strides = [1]} : vector<16xf32> to vector<1xf32>
    %squeeze3A_417 = vector.extract %slice3A_416[0] : f32 from vector<1xf32>
    %add3A_418 = vector.broadcast %squeeze3A_417 : f32 to vector<16xf32>
    %add3A_419 = arith.addf %broadcast_in_dim3A_3, %add3A_418 : vector<16xf32>
    %swap3A_420 = arith.constant 1072 : index
    %swap3A_421 = tpu.vector_load %arg6[%swap3A_420] {strides = array<i32>} : memref<1600xf32, #tpu.memory_space<vmem>>, vector<16xf32>,
    tpu.vector_store %arg6[%swap3A_420], %add3A_419 {strides = array<i32>} : memref<1600xf32, #tpu.memory_space<vmem>>, vector<16xf32>,
    %slice3A_422 = vector.extract_strided_slice %get3A_14 {offsets = [6], sizes = [1], strides = [1]} : vector<16xf32> to vector<1xf32>
    %squeeze3A_423 = vector.extract %slice3A_422[0] : f32 from vector<1xf32>
    %add3A_424 = vector.broadcast %squeeze3A_423 : f32 to vector<16xf32>
    %add3A_425 = arith.addf %broadcast_in_dim3A_3, %add3A_424 : vector<16xf32>
    %swap3A_426 = arith.constant 1088 : index
    %swap3A_427 = tpu.vector_load %arg6[%swap3A_426] {strides = array<i32>} : memref<1600xf32, #tpu.memory_space<vmem>>, vector<16xf32>,
    tpu.vector_store %arg6[%swap3A_426], %add3A_425 {strides = array<i32>} : memref<1600xf32, #tpu.memory_space<vmem>>, vector<16xf32>,
    %slice3A_428 = vector.extract_strided_slice %get3A_16 {offsets = [0], sizes = [1], strides = [1]} : vector<16xf32> to vector<1xf32>
    %squeeze3A_429 = vector.extract %slice3A_428[0] : f32 from vector<1xf32>
    %add3A_430 = vector.broadcast %squeeze3A_429 : f32 to vector<16xf32>
    %add3A_431 = arith.addf %broadcast_in_dim3A_3, %add3A_430 : vector<16xf32>
    %swap3A_432 = arith.constant 1104 : index
    %swap3A_433 = tpu.vector_load %arg6[%swap3A_432] {strides = array<i32>} : memref<1600xf32, #tpu.memory_space<vmem>>, vector<16xf32>,
    tpu.vector_store %arg6[%swap3A_432], %add3A_431 {strides = array<i32>} : memref<1600xf32, #tpu.memory_space<vmem>>, vector<16xf32>,
    %slice3A_434 = vector.extract_strided_slice %get3A_4 {offsets = [7], sizes = [1], strides = [1]} : vector<16xf32> to vector<1xf32>
    %squeeze3A_435 = vector.extract %slice3A_434[0] : f32 from vector<1xf32>
    %add3A_436 = vector.broadcast %squeeze3A_435 : f32 to vector<16xf32>
    %add3A_437 = arith.addf %broadcast_in_dim3A_3, %add3A_436 : vector<16xf32>
    %swap3A_438 = arith.constant 1120 : index
    %swap3A_439 = tpu.vector_load %arg6[%swap3A_438] {strides = array<i32>} : memref<1600xf32, #tpu.memory_space<vmem>>, vector<16xf32>,
    tpu.vector_store %arg6[%swap3A_438], %add3A_437 {strides = array<i32>} : memref<1600xf32, #tpu.memory_space<vmem>>, vector<16xf32>,
    %slice3A_440 = vector.extract_strided_slice %get3A_6 {offsets = [1], sizes = [1], strides = [1]} : vector<16xf32> to vector<1xf32>
    %squeeze3A_441 = vector.extract %slice3A_440[0] : f32 from vector<1xf32>
    %add3A_442 = vector.broadcast %squeeze3A_441 : f32 to vector<16xf32>
    %add3A_443 = arith.addf %broadcast_in_dim3A_3, %add3A_442 : vector<16xf32>
    %swap3A_444 = arith.constant 1136 : index
    %swap3A_445 = tpu.vector_load %arg6[%swap3A_444] {strides = array<i32>} : memref<1600xf32, #tpu.memory_space<vmem>>, vector<16xf32>,
    tpu.vector_store %arg6[%swap3A_444], %add3A_443 {strides = array<i32>} : memref<1600xf32, #tpu.memory_space<vmem>>, vector<16xf32>,
    %slice3A_446 = vector.extract_strided_slice %get3A_6 {offsets = [11], sizes = [1], strides = [1]} : vector<16xf32> to vector<1xf32>
    %squeeze3A_447 = vector.extract %slice3A_446[0] : f32 from vector<1xf32>
    %add3A_448 = vector.broadcast %squeeze3A_447 : f32 to vector<16xf32>
    %add3A_449 = arith.addf %broadcast_in_dim3A_3, %add3A_448 : vector<16xf32>
    %swap3A_450 = arith.constant 1152 : index
    %swap3A_451 = tpu.vector_load %arg6[%swap3A_450] {strides = array<i32>} : memref<1600xf32, #tpu.memory_space<vmem>>, vector<16xf32>,
    tpu.vector_store %arg6[%swap3A_450], %add3A_449 {strides = array<i32>} : memref<1600xf32, #tpu.memory_space<vmem>>, vector<16xf32>,
    %slice3A_452 = vector.extract_strided_slice %get3A_8 {offsets = [5], sizes = [1], strides = [1]} : vector<16xf32> to vector<1xf32>
    %squeeze3A_453 = vector.extract %slice3A_452[0] : f32 from vector<1xf32>
    %add3A_454 = vector.broadcast %squeeze3A_453 : f32 to vector<16xf32>
    %add3A_455 = arith.addf %broadcast_in_dim3A_3, %add3A_454 : vector<16xf32>
    %swap3A_456 = arith.constant 1168 : index
    %swap3A_457 = tpu.vector_load %arg6[%swap3A_456] {strides = array<i32>} : memref<1600xf32, #tpu.memory_space<vmem>>, vector<16xf32>,
    tpu.vector_store %arg6[%swap3A_456], %add3A_455 {strides = array<i32>} : memref<1600xf32, #tpu.memory_space<vmem>>, vector<16xf32>,
    %slice3A_458 = vector.extract_strided_slice %get3A_8 {offsets = [15], sizes = [1], strides = [1]} : vector<16xf32> to vector<1xf32>
    %squeeze3A_459 = vector.extract %slice3A_458[0] : f32 from vector<1xf32>
    %add3A_460 = vector.broadcast %squeeze3A_459 : f32 to vector<16xf32>
    %add3A_461 = arith.addf %broadcast_in_dim3A_3, %add3A_460 : vector<16xf32>
    %swap3A_462 = arith.constant 1184 : index
    %swap3A_463 = tpu.vector_load %arg6[%swap3A_462] {strides = array<i32>} : memref<1600xf32, #tpu.memory_space<vmem>>, vector<16xf32>,
    tpu.vector_store %arg6[%swap3A_462], %add3A_461 {strides = array<i32>} : memref<1600xf32, #tpu.memory_space<vmem>>, vector<16xf32>,
    %slice3A_464 = vector.extract_strided_slice %get3A_10 {offsets = [9], sizes = [1], strides = [1]} : vector<16xf32> to vector<1xf32>
    %squeeze3A_465 = vector.extract %slice3A_464[0] : f32 from vector<1xf32>
    %add3A_466 = vector.broadcast %squeeze3A_465 : f32 to vector<16xf32>
    %add3A_467 = arith.addf %broadcast_in_dim3A_3, %add3A_466 : vector<16xf32>
    %swap3A_468 = arith.constant 1200 : index
    %swap3A_469 = tpu.vector_load %arg6[%swap3A_468] {strides = array<i32>} : memref<1600xf32, #tpu.memory_space<vmem>>, vector<16xf32>,
    tpu.vector_store %arg6[%swap3A_468], %add3A_467 {strides = array<i32>} : memref<1600xf32, #tpu.memory_space<vmem>>, vector<16xf32>,
    %slice3A_470 = vector.extract_strided_slice %get3A_12 {offsets = [3], sizes = [1], strides = [1]} : vector<16xf32> to vector<1xf32>
    %squeeze3A_471 = vector.extract %slice3A_470[0] : f32 from vector<1xf32>
    %add3A_472 = vector.broadcast %squeeze3A_471 : f32 to vector<16xf32>
    %add3A_473 = arith.addf %broadcast_in_dim3A_3, %add3A_472 : vector<16xf32>
    %swap3A_474 = arith.constant 1216 : index
    %swap3A_475 = tpu.vector_load %arg6[%swap3A_474] {strides = array<i32>} : memref<1600xf32, #tpu.memory_space<vmem>>, vector<16xf32>,
    tpu.vector_store %arg6[%swap3A_474], %add3A_473 {strides = array<i32>} : memref<1600xf32, #tpu.memory_space<vmem>>, vector<16xf32>,
    %slice3A_476 = vector.extract_strided_slice %get3A_12 {offsets = [13], sizes = [1], strides = [1]} : vector<16xf32> to vector<1xf32>
    %squeeze3A_477 = vector.extract %slice3A_476[0] : f32 from vector<1xf32>
    %add3A_478 = vector.broadcast %squeeze3A_477 : f32 to vector<16xf32>
    %add3A_479 = arith.addf %broadcast_in_dim3A_3, %add3A_478 : vector<16xf32>
    %swap3A_480 = arith.constant 1232 : index
    %swap3A_481 = tpu.vector_load %arg6[%swap3A_480] {strides = array<i32>} : memref<1600xf32, #tpu.memory_space<vmem>>, vector<16xf32>,
    tpu.vector_store %arg6[%swap3A_480], %add3A_479 {strides = array<i32>} : memref<1600xf32, #tpu.memory_space<vmem>>, vector<16xf32>,
    %slice3A_482 = vector.extract_strided_slice %get3A_14 {offsets = [7], sizes = [1], strides = [1]} : vector<16xf32> to vector<1xf32>
    %squeeze3A_483 = vector.extract %slice3A_482[0] : f32 from vector<1xf32>
    %add3A_484 = vector.broadcast %squeeze3A_483 : f32 to vector<16xf32>
    %add3A_485 = arith.addf %broadcast_in_dim3A_3, %add3A_484 : vector<16xf32>
    %swap3A_486 = arith.constant 1248 : index
    %swap3A_487 = tpu.vector_load %arg6[%swap3A_486] {strides = array<i32>} : memref<1600xf32, #tpu.memory_space<vmem>>, vector<16xf32>,
    tpu.vector_store %arg6[%swap3A_486], %add3A_485 {strides = array<i32>} : memref<1600xf32, #tpu.memory_space<vmem>>, vector<16xf32>,
    %slice3A_488 = vector.extract_strided_slice %get3A_16 {offsets = [1], sizes = [1], strides = [1]} : vector<16xf32> to vector<1xf32>
    %squeeze3A_489 = vector.extract %slice3A_488[0] : f32 from vector<1xf32>
    %add3A_490 = vector.broadcast %squeeze3A_489 : f32 to vector<16xf32>
    %add3A_491 = arith.addf %broadcast_in_dim3A_3, %add3A_490 : vector<16xf32>
    %swap3A_492 = arith.constant 1264 : index
    %swap3A_493 = tpu.vector_load %arg6[%swap3A_492] {strides = array<i32>} : memref<1600xf32, #tpu.memory_space<vmem>>, vector<16xf32>,
    tpu.vector_store %arg6[%swap3A_492], %add3A_491 {strides = array<i32>} : memref<1600xf32, #tpu.memory_space<vmem>>, vector<16xf32>,
    %slice3A_494 = vector.extract_strided_slice %get3A_4 {offsets = [8], sizes = [1], strides = [1]} : vector<16xf32> to vector<1xf32>
    %squeeze3A_495 = vector.extract %slice3A_494[0] : f32 from vector<1xf32>
    %add3A_496 = vector.broadcast %squeeze3A_495 : f32 to vector<16xf32>
    %add3A_497 = arith.addf %broadcast_in_dim3A_3, %add3A_496 : vector<16xf32>
    %swap3A_498 = arith.constant 1280 : index
    %swap3A_499 = tpu.vector_load %arg6[%swap3A_498] {strides = array<i32>} : memref<1600xf32, #tpu.memory_space<vmem>>, vector<16xf32>,
    tpu.vector_store %arg6[%swap3A_498], %add3A_497 {strides = array<i32>} : memref<1600xf32, #tpu.memory_space<vmem>>, vector<16xf32>,
    %slice3A_500 = vector.extract_strided_slice %get3A_6 {offsets = [2], sizes = [1], strides = [1]} : vector<16xf32> to vector<1xf32>
    %squeeze3A_501 = vector.extract %slice3A_500[0] : f32 from vector<1xf32>
    %add3A_502 = vector.broadcast %squeeze3A_501 : f32 to vector<16xf32>
    %add3A_503 = arith.addf %broadcast_in_dim3A_3, %add3A_502 : vector<16xf32>
    %swap3A_504 = arith.constant 1296 : index
    %swap3A_505 = tpu.vector_load %arg6[%swap3A_504] {strides = array<i32>} : memref<1600xf32, #tpu.memory_space<vmem>>, vector<16xf32>,
    tpu.vector_store %arg6[%swap3A_504], %add3A_503 {strides = array<i32>} : memref<1600xf32, #tpu.memory_space<vmem>>, vector<16xf32>,
    %slice3A_506 = vector.extract_strided_slice %get3A_6 {offsets = [12], sizes = [1], strides = [1]} : vector<16xf32> to vector<1xf32>
    %squeeze3A_507 = vector.extract %slice3A_506[0] : f32 from vector<1xf32>
    %add3A_508 = vector.broadcast %squeeze3A_507 : f32 to vector<16xf32>
    %add3A_509 = arith.addf %broadcast_in_dim3A_3, %add3A_508 : vector<16xf32>
    %swap3A_510 = arith.constant 1312 : index
    %swap3A_511 = tpu.vector_load %arg6[%swap3A_510] {strides = array<i32>} : memref<1600xf32, #tpu.memory_space<vmem>>, vector<16xf32>,
    tpu.vector_store %arg6[%swap3A_510], %add3A_509 {strides = array<i32>} : memref<1600xf32, #tpu.memory_space<vmem>>, vector<16xf32>,
    %slice3A_512 = vector.extract_strided_slice %get3A_8 {offsets = [6], sizes = [1], strides = [1]} : vector<16xf32> to vector<1xf32>
    %squeeze3A_513 = vector.extract %slice3A_512[0] : f32 from vector<1xf32>
    %add3A_514 = vector.broadcast %squeeze3A_513 : f32 to vector<16xf32>
    %add3A_515 = arith.addf %broadcast_in_dim3A_3, %add3A_514 : vector<16xf32>
    %swap3A_516 = arith.constant 1328 : index
    %swap3A_517 = tpu.vector_load %arg6[%swap3A_516] {strides = array<i32>} : memref<1600xf32, #tpu.memory_space<vmem>>, vector<16xf32>,
    tpu.vector_store %arg6[%swap3A_516], %add3A_515 {strides = array<i32>} : memref<1600xf32, #tpu.memory_space<vmem>>, vector<16xf32>,
    %slice3A_518 = vector.extract_strided_slice %get3A_10 {offsets = [0], sizes = [1], strides = [1]} : vector<16xf32> to vector<1xf32>
    %squeeze3A_519 = vector.extract %slice3A_518[0] : f32 from vector<1xf32>
    %add3A_520 = vector.broadcast %squeeze3A_519 : f32 to vector<16xf32>
    %add3A_521 = arith.addf %broadcast_in_dim3A_3, %add3A_520 : vector<16xf32>
    %swap3A_522 = arith.constant 1344 : index
    %swap3A_523 = tpu.vector_load %arg6[%swap3A_522] {strides = array<i32>} : memref<1600xf32, #tpu.memory_space<vmem>>, vector<16xf32>,
    tpu.vector_store %arg6[%swap3A_522], %add3A_521 {strides = array<i32>} : memref<1600xf32, #tpu.memory_space<vmem>>, vector<16xf32>,
    %slice3A_524 = vector.extract_strided_slice %get3A_10 {offsets = [10], sizes = [1], strides = [1]} : vector<16xf32> to vector<1xf32>
    %squeeze3A_525 = vector.extract %slice3A_524[0] : f32 from vector<1xf32>
    %add3A_526 = vector.broadcast %squeeze3A_525 : f32 to vector<16xf32>
    %add3A_527 = arith.addf %broadcast_in_dim3A_3, %add3A_526 : vector<16xf32>
    %swap3A_528 = arith.constant 1360 : index
    %swap3A_529 = tpu.vector_load %arg6[%swap3A_528] {strides = array<i32>} : memref<1600xf32, #tpu.memory_space<vmem>>, vector<16xf32>,
    tpu.vector_store %arg6[%swap3A_528], %add3A_527 {strides = array<i32>} : memref<1600xf32, #tpu.memory_space<vmem>>, vector<16xf32>,
    %slice3A_530 = vector.extract_strided_slice %get3A_12 {offsets = [4], sizes = [1], strides = [1]} : vector<16xf32> to vector<1xf32>
    %squeeze3A_531 = vector.extract %slice3A_530[0] : f32 from vector<1xf32>
    %add3A_532 = vector.broadcast %squeeze3A_531 : f32 to vector<16xf32>
    %add3A_533 = arith.addf %broadcast_in_dim3A_3, %add3A_532 : vector<16xf32>
    %swap3A_534 = arith.constant 1376 : index
    %swap3A_535 = tpu.vector_load %arg6[%swap3A_534] {strides = array<i32>} : memref<1600xf32, #tpu.memory_space<vmem>>, vector<16xf32>,
    tpu.vector_store %arg6[%swap3A_534], %add3A_533 {strides = array<i32>} : memref<1600xf32, #tpu.memory_space<vmem>>, vector<16xf32>,
    %slice3A_536 = vector.extract_strided_slice %get3A_12 {offsets = [14], sizes = [1], strides = [1]} : vector<16xf32> to vector<1xf32>
    %squeeze3A_537 = vector.extract %slice3A_536[0] : f32 from vector<1xf32>
    %add3A_538 = vector.broadcast %squeeze3A_537 : f32 to vector<16xf32>
    %add3A_539 = arith.addf %broadcast_in_dim3A_3, %add3A_538 : vector<16xf32>
    %swap3A_540 = arith.constant 1392 : index
    %swap3A_541 = tpu.vector_load %arg6[%swap3A_540] {strides = array<i32>} : memref<1600xf32, #tpu.memory_space<vmem>>, vector<16xf32>,
    tpu.vector_store %arg6[%swap3A_540], %add3A_539 {strides = array<i32>} : memref<1600xf32, #tpu.memory_space<vmem>>, vector<16xf32>,
    %slice3A_542 = vector.extract_strided_slice %get3A_14 {offsets = [8], sizes = [1], strides = [1]} : vector<16xf32> to vector<1xf32>
    %squeeze3A_543 = vector.extract %slice3A_542[0] : f32 from vector<1xf32>
    %add3A_544 = vector.broadcast %squeeze3A_543 : f32 to vector<16xf32>
    %add3A_545 = arith.addf %broadcast_in_dim3A_3, %add3A_544 : vector<16xf32>
    %swap3A_546 = arith.constant 1408 : index
    %swap3A_547 = tpu.vector_load %arg6[%swap3A_546] {strides = array<i32>} : memref<1600xf32, #tpu.memory_space<vmem>>, vector<16xf32>,
    tpu.vector_store %arg6[%swap3A_546], %add3A_545 {strides = array<i32>} : memref<1600xf32, #tpu.memory_space<vmem>>, vector<16xf32>,
    %slice3A_548 = vector.extract_strided_slice %get3A_16 {offsets = [2], sizes = [1], strides = [1]} : vector<16xf32> to vector<1xf32>
    %squeeze3A_549 = vector.extract %slice3A_548[0] : f32 from vector<1xf32>
    %add3A_550 = vector.broadcast %squeeze3A_549 : f32 to vector<16xf32>
    %add3A_551 = arith.addf %broadcast_in_dim3A_3, %add3A_550 : vector<16xf32>
    %swap3A_552 = arith.constant 1424 : index
    %swap3A_553 = tpu.vector_load %arg6[%swap3A_552] {strides = array<i32>} : memref<1600xf32, #tpu.memory_space<vmem>>, vector<16xf32>,
    tpu.vector_store %arg6[%swap3A_552], %add3A_551 {strides = array<i32>} : memref<1600xf32, #tpu.memory_space<vmem>>, vector<16xf32>,
    %slice3A_554 = vector.extract_strided_slice %get3A_4 {offsets = [9], sizes = [1], strides = [1]} : vector<16xf32> to vector<1xf32>
    %squeeze3A_555 = vector.extract %slice3A_554[0] : f32 from vector<1xf32>
    %add3A_556 = vector.broadcast %squeeze3A_555 : f32 to vector<16xf32>
    %add3A_557 = arith.addf %broadcast_in_dim3A_3, %add3A_556 : vector<16xf32>
    %swap3A_558 = arith.constant 1440 : index
    %swap3A_559 = tpu.vector_load %arg6[%swap3A_558] {strides = array<i32>} : memref<1600xf32, #tpu.memory_space<vmem>>, vector<16xf32>,
    tpu.vector_store %arg6[%swap3A_558], %add3A_557 {strides = array<i32>} : memref<1600xf32, #tpu.memory_space<vmem>>, vector<16xf32>,
    %slice3A_560 = vector.extract_strided_slice %get3A_6 {offsets = [3], sizes = [1], strides = [1]} : vector<16xf32> to vector<1xf32>
    %squeeze3A_561 = vector.extract %slice3A_560[0] : f32 from vector<1xf32>
    %add3A_562 = vector.broadcast %squeeze3A_561 : f32 to vector<16xf32>
    %add3A_563 = arith.addf %broadcast_in_dim3A_3, %add3A_562 : vector<16xf32>
    %swap3A_564 = arith.constant 1456 : index
    %swap3A_565 = tpu.vector_load %arg6[%swap3A_564] {strides = array<i32>} : memref<1600xf32, #tpu.memory_space<vmem>>, vector<16xf32>,
    tpu.vector_store %arg6[%swap3A_564], %add3A_563 {strides = array<i32>} : memref<1600xf32, #tpu.memory_space<vmem>>, vector<16xf32>,
    %slice3A_566 = vector.extract_strided_slice %get3A_6 {offsets = [13], sizes = [1], strides = [1]} : vector<16xf32> to vector<1xf32>
    %squeeze3A_567 = vector.extract %slice3A_566[0] : f32 from vector<1xf32>
    %add3A_568 = vector.broadcast %squeeze3A_567 : f32 to vector<16xf32>
    %add3A_569 = arith.addf %broadcast_in_dim3A_3, %add3A_568 : vector<16xf32>
    %swap3A_570 = arith.constant 1472 : index
    %swap3A_571 = tpu.vector_load %arg6[%swap3A_570] {strides = array<i32>} : memref<1600xf32, #tpu.memory_space<vmem>>, vector<16xf32>,
    tpu.vector_store %arg6[%swap3A_570], %add3A_569 {strides = array<i32>} : memref<1600xf32, #tpu.memory_space<vmem>>, vector<16xf32>,
    %slice3A_572 = vector.extract_strided_slice %get3A_8 {offsets = [7], sizes = [1], strides = [1]} : vector<16xf32> to vector<1xf32>
    %squeeze3A_573 = vector.extract %slice3A_572[0] : f32 from vector<1xf32>
    %add3A_574 = vector.broadcast %squeeze3A_573 : f32 to vector<16xf32>
    %add3A_575 = arith.addf %broadcast_in_dim3A_3, %add3A_574 : vector<16xf32>
    %swap3A_576 = arith.constant 1488 : index
    %swap3A_577 = tpu.vector_load %arg6[%swap3A_576] {strides = array<i32>} : memref<1600xf32, #tpu.memory_space<vmem>>, vector<16xf32>,
    tpu.vector_store %arg6[%swap3A_576], %add3A_575 {strides = array<i32>} : memref<1600xf32, #tpu.memory_space<vmem>>, vector<16xf32>,
    %slice3A_578 = vector.extract_strided_slice %get3A_10 {offsets = [1], sizes = [1], strides = [1]} : vector<16xf32> to vector<1xf32>
    %squeeze3A_579 = vector.extract %slice3A_578[0] : f32 from vector<1xf32>
    %add3A_580 = vector.broadcast %squeeze3A_579 : f32 to vector<16xf32>
    %add3A_581 = arith.addf %broadcast_in_dim3A_3, %add3A_580 : vector<16xf32>
    %swap3A_582 = arith.constant 1504 : index
    %swap3A_583 = tpu.vector_load %arg6[%swap3A_582] {strides = array<i32>} : memref<1600xf32, #tpu.memory_space<vmem>>, vector<16xf32>,
    tpu.vector_store %arg6[%swap3A_582], %add3A_581 {strides = array<i32>} : memref<1600xf32, #tpu.memory_space<vmem>>, vector<16xf32>,
    %slice3A_584 = vector.extract_strided_slice %get3A_10 {offsets = [11], sizes = [1], strides = [1]} : vector<16xf32> to vector<1xf32>
    %squeeze3A_585 = vector.extract %slice3A_584[0] : f32 from vector<1xf32>
    %add3A_586 = vector.broadcast %squeeze3A_585 : f32 to vector<16xf32>
    %add3A_587 = arith.addf %broadcast_in_dim3A_3, %add3A_586 : vector<16xf32>
    %swap3A_588 = arith.constant 1520 : index
    %swap3A_589 = tpu.vector_load %arg6[%swap3A_588] {strides = array<i32>} : memref<1600xf32, #tpu.memory_space<vmem>>, vector<16xf32>,
    tpu.vector_store %arg6[%swap3A_588], %add3A_587 {strides = array<i32>} : memref<1600xf32, #tpu.memory_space<vmem>>, vector<16xf32>,
    %slice3A_590 = vector.extract_strided_slice %get3A_12 {offsets = [5], sizes = [1], strides = [1]} : vector<16xf32> to vector<1xf32>
    %squeeze3A_591 = vector.extract %slice3A_590[0] : f32 from vector<1xf32>
    %add3A_592 = vector.broadcast %squeeze3A_591 : f32 to vector<16xf32>
    %add3A_593 = arith.addf %broadcast_in_dim3A_3, %add3A_592 : vector<16xf32>
    %swap3A_594 = arith.constant 1536 : index
    %swap3A_595 = tpu.vector_load %arg6[%swap3A_594] {strides = array<i32>} : memref<1600xf32, #tpu.memory_space<vmem>>, vector<16xf32>,
    tpu.vector_store %arg6[%swap3A_594], %add3A_593 {strides = array<i32>} : memref<1600xf32, #tpu.memory_space<vmem>>, vector<16xf32>,
    %slice3A_596 = vector.extract_strided_slice %get3A_12 {offsets = [15], sizes = [1], strides = [1]} : vector<16xf32> to vector<1xf32>
    %squeeze3A_597 = vector.extract %slice3A_596[0] : f32 from vector<1xf32>
    %add3A_598 = vector.broadcast %squeeze3A_597 : f32 to vector<16xf32>
    %add3A_599 = arith.addf %broadcast_in_dim3A_3, %add3A_598 : vector<16xf32>
    %swap3A_600 = arith.constant 1552 : index
    %swap3A_601 = tpu.vector_load %arg6[%swap3A_600] {strides = array<i32>} : memref<1600xf32, #tpu.memory_space<vmem>>, vector<16xf32>,
    tpu.vector_store %arg6[%swap3A_600], %add3A_599 {strides = array<i32>} : memref<1600xf32, #tpu.memory_space<vmem>>, vector<16xf32>,
    %slice3A_602 = vector.extract_strided_slice %get3A_14 {offsets = [9], sizes = [1], strides = [1]} : vector<16xf32> to vector<1xf32>
    %squeeze3A_603 = vector.extract %slice3A_602[0] : f32 from vector<1xf32>
    %add3A_604 = vector.broadcast %squeeze3A_603 : f32 to vector<16xf32>
    %add3A_605 = arith.addf %broadcast_in_dim3A_3, %add3A_604 : vector<16xf32>
    %swap3A_606 = arith.constant 1568 : index
    %swap3A_607 = tpu.vector_load %arg6[%swap3A_606] {strides = array<i32>} : memref<1600xf32, #tpu.memory_space<vmem>>, vector<16xf32>,
    tpu.vector_store %arg6[%swap3A_606], %add3A_605 {strides = array<i32>} : memref<1600xf32, #tpu.memory_space<vmem>>, vector<16xf32>,
    %slice3A_608 = vector.extract_strided_slice %get3A_16 {offsets = [3], sizes = [1], strides = [1]} : vector<16xf32> to vector<1xf32>
    %squeeze3A_609 = vector.extract %slice3A_608[0] : f32 from vector<1xf32>
    %add3A_610 = vector.broadcast %squeeze3A_609 : f32 to vector<16xf32>
    %add3A_611 = arith.addf %broadcast_in_dim3A_3, %add3A_610 : vector<16xf32>
    %swap3A_612 = arith.constant 1584 : index
    %swap3A_613 = tpu.vector_load %arg6[%swap3A_612] {strides = array<i32>} : memref<1600xf32, #tpu.memory_space<vmem>>, vector<16xf32>,
    tpu.vector_store %arg6[%swap3A_612], %add3A_611 {strides = array<i32>} : memref<1600xf32, #tpu.memory_space<vmem>>, vector<16xf32>,
    %dma_start3A = arith.constant 0 : i32
    %dma_start3A_614 = arith.constant 0 : i32
    %dma_start3A_615 = arith.constant 0 : i32
    %dma_start3A_616 = tpu.memref_slice %arg7[%dma_start3A, %dma_start3A_614, %dma_start3A_615] : memref<2x8x512xi32, #tpu.memory_space<vmem>> -> memref<1x8x512xi32, #tpu.memory_space<vmem>>
    %dma_start3A_617 = tpu.memref_squeeze %dma_start3A_616 : memref<1x8x512xi32, #tpu.memory_space<vmem>> -> memref<8x512xi32, #tpu.memory_space<vmem>>
    %dma_start3A_618 = arith.constant 0 : i32
    %dma_start3A_619 = tpu.memref_slice %arg2[%dma_start3A_618, %mul3A_2] : memref<200x16384xi32, #tpu.memory_space<hbm>> -> memref<8x512xi32, #tpu.memory_space<hbm>>
    %dma_start3A_620 = arith.constant 0 : i32
    %dma_start3A_621 = arith.constant 0 : i32
    %dma_start3A_622 = tpu.memref_slice %arg7[%dma_start3A, %dma_start3A_620, %dma_start3A_621] : memref<2x8x512xi32, #tpu.memory_space<vmem>> -> memref<1x8x512xi32, #tpu.memory_space<vmem>>
    %dma_start3A_623 = tpu.memref_squeeze %dma_start3A_622 : memref<1x8x512xi32, #tpu.memory_space<vmem>> -> memref<8x512xi32, #tpu.memory_space<vmem>>
    %dma_start3A_624 = arith.constant 0 : i32
    %dma_start3A_625 = tpu.memref_slice %arg2[%dma_start3A_624, %mul3A_2] : memref<200x16384xi32, #tpu.memory_space<hbm>> -> memref<8x512xi32, #tpu.memory_space<hbm>>
    tpu.enqueue_dma source(%dma_start3A_625 : memref<8x512xi32, #tpu.memory_space<hbm>>) target(%dma_start3A_623 : memref<8x512xi32, #tpu.memory_space<vmem>>) target_semaphore(%arg9 : memref<!tpu.dma_semaphore, #tpu.memory_space<semaphore_mem>>)
    %scan3A = arith.constant 0 : i32
    %scan3A_626 = arith.constant 0 : i32
    %scan3A_627 = arith.constant 12 : i32
    %scan3A_628 = arith.addi %scan3A_626, %scan3A_627 : i32
    %scan3A_629 = arith.constant 1 : i32
    scf.for %scan3A_717 = %scan3A_626 to %scan3A_628 step %scan3A_629  : i32 {
      %mul3A_718 = arith.constant 2 : i32
      %mul3A_719 = arith.muli %mul3A_718, %scan3A_717 : i32
      %add3A_720 = arith.constant 1 : i32
      %add3A_721 = arith.addi %mul3A_719, %add3A_720 : i32
      %mul3A_722 = arith.constant 8 : i32
      %mul3A_723 = arith.muli %add3A_721, %mul3A_722 : i32
      %dma_start3A_724 = arith.constant 1 : i32
      %dma_start3A_725 = arith.constant 0 : i32
      %dma_start3A_726 = arith.constant 0 : i32
      %dma_start3A_727 = tpu.memref_slice %arg7[%dma_start3A_724, %dma_start3A_725, %dma_start3A_726] : memref<2x8x512xi32, #tpu.memory_space<vmem>> -> memref<1x8x512xi32, #tpu.memory_space<vmem>>
      %dma_start3A_728 = tpu.memref_squeeze %dma_start3A_727 : memref<1x8x512xi32, #tpu.memory_space<vmem>> -> memref<8x512xi32, #tpu.memory_space<vmem>>
      %dma_start3A_729 = tpu.memref_slice %arg2[%mul3A_723, %mul3A_2] : memref<200x16384xi32, #tpu.memory_space<hbm>> -> memref<8x512xi32, #tpu.memory_space<hbm>>
      %dma_start3A_730 = arith.constant 0 : i32
      %dma_start3A_731 = arith.constant 0 : i32
      %dma_start3A_732 = tpu.memref_slice %arg7[%dma_start3A_724, %dma_start3A_730, %dma_start3A_731] : memref<2x8x512xi32, #tpu.memory_space<vmem>> -> memref<1x8x512xi32, #tpu.memory_space<vmem>>
      %dma_start3A_733 = tpu.memref_squeeze %dma_start3A_732 : memref<1x8x512xi32, #tpu.memory_space<vmem>> -> memref<8x512xi32, #tpu.memory_space<vmem>>
      %dma_start3A_734 = tpu.memref_slice %arg2[%mul3A_723, %mul3A_2] : memref<200x16384xi32, #tpu.memory_space<hbm>> -> memref<8x512xi32, #tpu.memory_space<hbm>>
      tpu.enqueue_dma source(%dma_start3A_734 : memref<8x512xi32, #tpu.memory_space<hbm>>) target(%dma_start3A_733 : memref<8x512xi32, #tpu.memory_space<vmem>>) target_semaphore(%arg10 : memref<!tpu.dma_semaphore, #tpu.memory_space<semaphore_mem>>)
      %dma_wait3A_735 = arith.constant 0 : i32
      %dma_wait3A_736 = arith.constant 0 : i32
      %dma_wait3A_737 = arith.constant 0 : i32
      %dma_wait3A_738 = tpu.memref_slice %arg7[%dma_wait3A_735, %dma_wait3A_736, %dma_wait3A_737] : memref<2x8x512xi32, #tpu.memory_space<vmem>> -> memref<1x8x512xi32, #tpu.memory_space<vmem>>
      %dma_wait3A_739 = tpu.memref_squeeze %dma_wait3A_738 : memref<1x8x512xi32, #tpu.memory_space<vmem>> -> memref<8x512xi32, #tpu.memory_space<vmem>>
      %dma_wait3A_740 = arith.constant 0 : i32
      %dma_wait3A_741 = tpu.memref_slice %arg2[%dma_wait3A_740, %mul3A_2] : memref<200x16384xi32, #tpu.memory_space<hbm>> -> memref<8x512xi32, #tpu.memory_space<hbm>>
      %dma_wait3A_742 = arith.constant 0 : i32
      %dma_wait3A_743 = arith.constant 0 : i32
      %dma_wait3A_744 = tpu.memref_slice %arg7[%dma_wait3A_735, %dma_wait3A_742, %dma_wait3A_743] : memref<2x8x512xi32, #tpu.memory_space<vmem>> -> memref<1x8x512xi32, #tpu.memory_space<vmem>>
      %dma_wait3A_745 = tpu.memref_squeeze %dma_wait3A_744 : memref<1x8x512xi32, #tpu.memory_space<vmem>> -> memref<8x512xi32, #tpu.memory_space<vmem>>
      %dma_wait3A_746 = arith.constant 0 : i32
      %dma_wait3A_747 = tpu.memref_slice %arg2[%dma_wait3A_746, %mul3A_2] : memref<200x16384xi32, #tpu.memory_space<hbm>> -> memref<8x512xi32, #tpu.memory_space<hbm>>
      tpu.wait_dma2 semaphore(%arg9 : memref<!tpu.dma_semaphore, #tpu.memory_space<semaphore_mem>>) src(%dma_wait3A_747 : memref<8x512xi32, #tpu.memory_space<hbm>>) dst(%dma_wait3A_745 : memref<8x512xi32, #tpu.memory_space<vmem>>)
      %gt3A = arith.constant 0 : i32
      %gt3A_748 = arith.cmpi sgt, %scan3A_717, %gt3A : i32
      %convert_element_type3A = arith.extui %gt3A_748 : i1 to i32
      %cond3A = arith.constant 0 : i32
      %cond3A_749 = arith.cmpi ne, %convert_element_type3A, %cond3A : i32
      scf.if %cond3A_749 {
        %dma_wait3A_831 = arith.constant 0 : i32
        %dma_wait3A_832 = arith.constant 0 : i32
        %dma_wait3A_833 = arith.constant 0 : i32
        %dma_wait3A_834 = arith.constant 0 : i32
        %dma_wait3A_835 = tpu.memref_slice %arg8[%dma_wait3A_831, %dma_wait3A_832, %dma_wait3A_833, %dma_wait3A_834] : memref<2x10x8x512xf32, #tpu.memory_space<vmem>> -> memref<1x10x8x512xf32, #tpu.memory_space<vmem>>
        %dma_wait3A_836 = tpu.memref_squeeze %dma_wait3A_835 : memref<1x10x8x512xf32, #tpu.memory_space<vmem>> -> memref<10x8x512xf32, #tpu.memory_space<vmem>>
        %dma_wait3A_837 = arith.constant 0 : i32
        %dma_wait3A_838 = arith.constant 0 : i32
        %dma_wait3A_839 = tpu.memref_slice %arg4[%dma_wait3A_837, %dma_wait3A_838, %mul3A_2] : memref<10x200x16384xf32, #tpu.memory_space<hbm>> -> memref<10x8x512xf32, #tpu.memory_space<hbm>>
        %dma_wait3A_840 = arith.constant 0 : i32
        %dma_wait3A_841 = arith.constant 0 : i32
        %dma_wait3A_842 = tpu.memref_slice %arg4[%dma_wait3A_840, %dma_wait3A_841, %mul3A_2] : memref<10x200x16384xf32, #tpu.memory_space<hbm>> -> memref<10x8x512xf32, #tpu.memory_space<hbm>>
        %dma_wait3A_843 = arith.constant 0 : i32
        %dma_wait3A_844 = arith.constant 0 : i32
        %dma_wait3A_845 = arith.constant 0 : i32
        %dma_wait3A_846 = tpu.memref_slice %arg8[%dma_wait3A_831, %dma_wait3A_843, %dma_wait3A_844, %dma_wait3A_845] : memref<2x10x8x512xf32, #tpu.memory_space<vmem>> -> memref<1x10x8x512xf32, #tpu.memory_space<vmem>>
        %dma_wait3A_847 = tpu.memref_squeeze %dma_wait3A_846 : memref<1x10x8x512xf32, #tpu.memory_space<vmem>> -> memref<10x8x512xf32, #tpu.memory_space<vmem>>
        tpu.wait_dma2 semaphore(%arg11 : memref<!tpu.dma_semaphore, #tpu.memory_space<semaphore_mem>>) src(%dma_wait3A_847 : memref<10x8x512xf32, #tpu.memory_space<vmem>>) dst(%dma_wait3A_842 : memref<10x8x512xf32, #tpu.memory_space<hbm>>)
      } else {
      }
      %scan3A_750 = arith.constant 0 : i32
      %scan3A_751 = arith.constant 0 : i32
      %scan3A_752 = arith.constant 32 : i32
      %scan3A_753 = arith.addi %scan3A_751, %scan3A_752 : i32
      %scan3A_754 = arith.constant 1 : i32
      scf.for %scan3A_831 = %scan3A_751 to %scan3A_753 step %scan3A_754  : i32 {
        %mul3A_832 = arith.constant 16 : i32
        %mul3A_833 = arith.muli %scan3A_831, %mul3A_832 : i32
        %get3A_834 = arith.constant 0 : i32
        %get3A_835 = arith.constant 0 : i32
        %get3A_836 = arith.index_cast %get3A_834 : i32 to index
        %get3A_837 = arith.index_cast %get3A_835 : i32 to index
        %get3A_838 = arith.index_cast %mul3A_833 : i32 to index
        %get3A_839 = tpu.vector_load %arg7[%get3A_836, %get3A_837, %get3A_838] {strides = array<i32>} : memref<2x8x512xi32, #tpu.memory_space<vmem>>, vector<16xi32>,
        %shift_left3A = arith.constant 4 : i32
        %shift_left3A_840 = vector.broadcast %shift_left3A : i32 to vector<16xi32>
        %shift_left3A_841 = arith.shli %get3A_839, %shift_left3A_840 : vector<16xi32>
        %or3A = arith.ori %shift_left3A_841, %iota3A : vector<16xi32>
        %gather3A = arith.constant 0 : i32
        %gather3A_842 = tpu.memref_slice %arg6[%gather3A] : memref<1600xf32, #tpu.memory_space<vmem>> -> memref<160xf32, #tpu.memory_space<vmem>>
        %gather3A_843 = tpu.vector_load_idx %gather3A_842[%or3A] : memref<160xf32, #tpu.memory_space<vmem>>[vector<16xi32>], vector<16xf32>,
        %gather3A_844 = arith.constant 160 : i32
        %gather3A_845 = tpu.memref_slice %arg6[%gather3A_844] : memref<1600xf32, #tpu.memory_space<vmem>> -> memref<160xf32, #tpu.memory_space<vmem>>
        %gather3A_846 = tpu.vector_load_idx %gather3A_845[%or3A] : memref<160xf32, #tpu.memory_space<vmem>>[vector<16xi32>], vector<16xf32>,
        %gather3A_847 = arith.constant 320 : i32
        %gather3A_848 = tpu.memref_slice %arg6[%gather3A_847] : memref<1600xf32, #tpu.memory_space<vmem>> -> memref<160xf32, #tpu.memory_space<vmem>>
        %gather3A_849 = tpu.vector_load_idx %gather3A_848[%or3A] : memref<160xf32, #tpu.memory_space<vmem>>[vector<16xi32>], vector<16xf32>,
        %gather3A_850 = arith.constant 480 : i32
        %gather3A_851 = tpu.memref_slice %arg6[%gather3A_850] : memref<1600xf32, #tpu.memory_space<vmem>> -> memref<160xf32, #tpu.memory_space<vmem>>
        %gather3A_852 = tpu.vector_load_idx %gather3A_851[%or3A] : memref<160xf32, #tpu.memory_space<vmem>>[vector<16xi32>], vector<16xf32>,
        %gather3A_853 = arith.constant 640 : i32
        %gather3A_854 = tpu.memref_slice %arg6[%gather3A_853] : memref<1600xf32, #tpu.memory_space<vmem>> -> memref<160xf32, #tpu.memory_space<vmem>>
        %gather3A_855 = tpu.vector_load_idx %gather3A_854[%or3A] : memref<160xf32, #tpu.memory_space<vmem>>[vector<16xi32>], vector<16xf32>,
        %gather3A_856 = arith.constant 800 : i32
        %gather3A_857 = tpu.memref_slice %arg6[%gather3A_856] : memref<1600xf32, #tpu.memory_space<vmem>> -> memref<160xf32, #tpu.memory_space<vmem>>
        %gather3A_858 = tpu.vector_load_idx %gather3A_857[%or3A] : memref<160xf32, #tpu.memory_space<vmem>>[vector<16xi32>], vector<16xf32>,
        %gather3A_859 = arith.constant 960 : i32
        %gather3A_860 = tpu.memref_slice %arg6[%gather3A_859] : memref<1600xf32, #tpu.memory_space<vmem>> -> memref<160xf32, #tpu.memory_space<vmem>>
        %gather3A_861 = tpu.vector_load_idx %gather3A_860[%or3A] : memref<160xf32, #tpu.memory_space<vmem>>[vector<16xi32>], vector<16xf32>,
        %gather3A_862 = arith.constant 1120 : i32
        %gather3A_863 = tpu.memref_slice %arg6[%gather3A_862] : memref<1600xf32, #tpu.memory_space<vmem>> -> memref<160xf32, #tpu.memory_space<vmem>>
        %gather3A_864 = tpu.vector_load_idx %gather3A_863[%or3A] : memref<160xf32, #tpu.memory_space<vmem>>[vector<16xi32>], vector<16xf32>,
        %gather3A_865 = arith.constant 1280 : i32
        %gather3A_866 = tpu.memref_slice %arg6[%gather3A_865] : memref<1600xf32, #tpu.memory_space<vmem>> -> memref<160xf32, #tpu.memory_space<vmem>>
        %gather3A_867 = tpu.vector_load_idx %gather3A_866[%or3A] : memref<160xf32, #tpu.memory_space<vmem>>[vector<16xi32>], vector<16xf32>,
        %gather3A_868 = arith.constant 1440 : i32
        %gather3A_869 = tpu.memref_slice %arg6[%gather3A_868] : memref<1600xf32, #tpu.memory_space<vmem>> -> memref<160xf32, #tpu.memory_space<vmem>>
        %gather3A_870 = tpu.vector_load_idx %gather3A_869[%or3A] : memref<160xf32, #tpu.memory_space<vmem>>[vector<16xi32>], vector<16xf32>,
        %mul3A_871 = arith.constant 16 : i32
        %mul3A_872 = arith.muli %scan3A_831, %mul3A_871 : i32
        %get3A_873 = arith.constant 0 : i32
        %get3A_874 = arith.constant 1 : i32
        %get3A_875 = arith.index_cast %get3A_873 : i32 to index
        %get3A_876 = arith.index_cast %get3A_874 : i32 to index
        %get3A_877 = arith.index_cast %mul3A_872 : i32 to index
        %get3A_878 = tpu.vector_load %arg7[%get3A_875, %get3A_876, %get3A_877] {strides = array<i32>} : memref<2x8x512xi32, #tpu.memory_space<vmem>>, vector<16xi32>,
        %shift_left3A_879 = arith.constant 4 : i32
        %shift_left3A_880 = vector.broadcast %shift_left3A_879 : i32 to vector<16xi32>
        %shift_left3A_881 = arith.shli %get3A_878, %shift_left3A_880 : vector<16xi32>
        %or3A_882 = arith.ori %shift_left3A_881, %iota3A : vector<16xi32>
        %gather3A_883 = arith.constant 0 : i32
        %gather3A_884 = tpu.memref_slice %arg6[%gather3A_883] : memref<1600xf32, #tpu.memory_space<vmem>> -> memref<160xf32, #tpu.memory_space<vmem>>
        %gather3A_885 = tpu.vector_load_idx %gather3A_884[%or3A_882] : memref<160xf32, #tpu.memory_space<vmem>>[vector<16xi32>], vector<16xf32>,
        %mul3A_886 = arith.constant 16 : i32
        %mul3A_887 = arith.muli %scan3A_831, %mul3A_886 : i32
        %swap3A_888 = arith.constant 0 : i32
        %swap3A_889 = arith.constant 0 : i32
        %swap3A_890 = arith.constant 0 : i32
        %swap3A_891 = arith.index_cast %swap3A_888 : i32 to index
        %swap3A_892 = arith.index_cast %swap3A_889 : i32 to index
        %swap3A_893 = arith.index_cast %swap3A_890 : i32 to index
        %swap3A_894 = arith.index_cast %mul3A_887 : i32 to index
        %swap3A_895 = tpu.vector_load %arg8[%swap3A_891, %swap3A_892, %swap3A_893, %swap3A_894] {strides = array<i32>} : memref<2x10x8x512xf32, #tpu.memory_space<vmem>>, vector<16xf32>,
        tpu.vector_store %arg8[%swap3A_891, %swap3A_892, %swap3A_893, %swap3A_894], %gather3A_843 {strides = array<i32>} : memref<2x10x8x512xf32, #tpu.memory_space<vmem>>, vector<16xf32>,
        %gather3A_896 = arith.constant 160 : i32
        %gather3A_897 = tpu.memref_slice %arg6[%gather3A_896] : memref<1600xf32, #tpu.memory_space<vmem>> -> memref<160xf32, #tpu.memory_space<vmem>>
        %gather3A_898 = tpu.vector_load_idx %gather3A_897[%or3A_882] : memref<160xf32, #tpu.memory_space<vmem>>[vector<16xi32>], vector<16xf32>,
        %mul3A_899 = arith.constant 16 : i32
        %mul3A_900 = arith.muli %scan3A_831, %mul3A_899 : i32
        %swap3A_901 = arith.constant 0 : i32
        %swap3A_902 = arith.constant 1 : i32
        %swap3A_903 = arith.constant 0 : i32
        %swap3A_904 = arith.index_cast %swap3A_901 : i32 to index
        %swap3A_905 = arith.index_cast %swap3A_902 : i32 to index
        %swap3A_906 = arith.index_cast %swap3A_903 : i32 to index
        %swap3A_907 = arith.index_cast %mul3A_900 : i32 to index
        %swap3A_908 = tpu.vector_load %arg8[%swap3A_904, %swap3A_905, %swap3A_906, %swap3A_907] {strides = array<i32>} : memref<2x10x8x512xf32, #tpu.memory_space<vmem>>, vector<16xf32>,
        tpu.vector_store %arg8[%swap3A_904, %swap3A_905, %swap3A_906, %swap3A_907], %gather3A_846 {strides = array<i32>} : memref<2x10x8x512xf32, #tpu.memory_space<vmem>>, vector<16xf32>,
        %gather3A_909 = arith.constant 320 : i32
        %gather3A_910 = tpu.memref_slice %arg6[%gather3A_909] : memref<1600xf32, #tpu.memory_space<vmem>> -> memref<160xf32, #tpu.memory_space<vmem>>
        %gather3A_911 = tpu.vector_load_idx %gather3A_910[%or3A_882] : memref<160xf32, #tpu.memory_space<vmem>>[vector<16xi32>], vector<16xf32>,
        %mul3A_912 = arith.constant 16 : i32
        %mul3A_913 = arith.muli %scan3A_831, %mul3A_912 : i32
        %swap3A_914 = arith.constant 0 : i32
        %swap3A_915 = arith.constant 2 : i32
        %swap3A_916 = arith.constant 0 : i32
        %swap3A_917 = arith.index_cast %swap3A_914 : i32 to index
        %swap3A_918 = arith.index_cast %swap3A_915 : i32 to index
        %swap3A_919 = arith.index_cast %swap3A_916 : i32 to index
        %swap3A_920 = arith.index_cast %mul3A_913 : i32 to index
        %swap3A_921 = tpu.vector_load %arg8[%swap3A_917, %swap3A_918, %swap3A_919, %swap3A_920] {strides = array<i32>} : memref<2x10x8x512xf32, #tpu.memory_space<vmem>>, vector<16xf32>,
        tpu.vector_store %arg8[%swap3A_917, %swap3A_918, %swap3A_919, %swap3A_920], %gather3A_849 {strides = array<i32>} : memref<2x10x8x512xf32, #tpu.memory_space<vmem>>, vector<16xf32>,
        %gather3A_922 = arith.constant 480 : i32
        %gather3A_923 = tpu.memref_slice %arg6[%gather3A_922] : memref<1600xf32, #tpu.memory_space<vmem>> -> memref<160xf32, #tpu.memory_space<vmem>>
        %gather3A_924 = tpu.vector_load_idx %gather3A_923[%or3A_882] : memref<160xf32, #tpu.memory_space<vmem>>[vector<16xi32>], vector<16xf32>,
        %mul3A_925 = arith.constant 16 : i32
        %mul3A_926 = arith.muli %scan3A_831, %mul3A_925 : i32
        %swap3A_927 = arith.constant 0 : i32
        %swap3A_928 = arith.constant 3 : i32
        %swap3A_929 = arith.constant 0 : i32
        %swap3A_930 = arith.index_cast %swap3A_927 : i32 to index
        %swap3A_931 = arith.index_cast %swap3A_928 : i32 to index
        %swap3A_932 = arith.index_cast %swap3A_929 : i32 to index
        %swap3A_933 = arith.index_cast %mul3A_926 : i32 to index
        %swap3A_934 = tpu.vector_load %arg8[%swap3A_930, %swap3A_931, %swap3A_932, %swap3A_933] {strides = array<i32>} : memref<2x10x8x512xf32, #tpu.memory_space<vmem>>, vector<16xf32>,
        tpu.vector_store %arg8[%swap3A_930, %swap3A_931, %swap3A_932, %swap3A_933], %gather3A_852 {strides = array<i32>} : memref<2x10x8x512xf32, #tpu.memory_space<vmem>>, vector<16xf32>,
        %gather3A_935 = arith.constant 640 : i32
        %gather3A_936 = tpu.memref_slice %arg6[%gather3A_935] : memref<1600xf32, #tpu.memory_space<vmem>> -> memref<160xf32, #tpu.memory_space<vmem>>
        %gather3A_937 = tpu.vector_load_idx %gather3A_936[%or3A_882] : memref<160xf32, #tpu.memory_space<vmem>>[vector<16xi32>], vector<16xf32>,
        %mul3A_938 = arith.constant 16 : i32
        %mul3A_939 = arith.muli %scan3A_831, %mul3A_938 : i32
        %swap3A_940 = arith.constant 0 : i32
        %swap3A_941 = arith.constant 4 : i32
        %swap3A_942 = arith.constant 0 : i32
        %swap3A_943 = arith.index_cast %swap3A_940 : i32 to index
        %swap3A_944 = arith.index_cast %swap3A_941 : i32 to index
        %swap3A_945 = arith.index_cast %swap3A_942 : i32 to index
        %swap3A_946 = arith.index_cast %mul3A_939 : i32 to index
        %swap3A_947 = tpu.vector_load %arg8[%swap3A_943, %swap3A_944, %swap3A_945, %swap3A_946] {strides = array<i32>} : memref<2x10x8x512xf32, #tpu.memory_space<vmem>>, vector<16xf32>,
        tpu.vector_store %arg8[%swap3A_943, %swap3A_944, %swap3A_945, %swap3A_946], %gather3A_855 {strides = array<i32>} : memref<2x10x8x512xf32, #tpu.memory_space<vmem>>, vector<16xf32>,
        %gather3A_948 = arith.constant 800 : i32
        %gather3A_949 = tpu.memref_slice %arg6[%gather3A_948] : memref<1600xf32, #tpu.memory_space<vmem>> -> memref<160xf32, #tpu.memory_space<vmem>>
        %gather3A_950 = tpu.vector_load_idx %gather3A_949[%or3A_882] : memref<160xf32, #tpu.memory_space<vmem>>[vector<16xi32>], vector<16xf32>,
        %mul3A_951 = arith.constant 16 : i32
        %mul3A_952 = arith.muli %scan3A_831, %mul3A_951 : i32
        %swap3A_953 = arith.constant 0 : i32
        %swap3A_954 = arith.constant 5 : i32
        %swap3A_955 = arith.constant 0 : i32
        %swap3A_956 = arith.index_cast %swap3A_953 : i32 to index
        %swap3A_957 = arith.index_cast %swap3A_954 : i32 to index
        %swap3A_958 = arith.index_cast %swap3A_955 : i32 to index
        %swap3A_959 = arith.index_cast %mul3A_952 : i32 to index
        %swap3A_960 = tpu.vector_load %arg8[%swap3A_956, %swap3A_957, %swap3A_958, %swap3A_959] {strides = array<i32>} : memref<2x10x8x512xf32, #tpu.memory_space<vmem>>, vector<16xf32>,
        tpu.vector_store %arg8[%swap3A_956, %swap3A_957, %swap3A_958, %swap3A_959], %gather3A_858 {strides = array<i32>} : memref<2x10x8x512xf32, #tpu.memory_space<vmem>>, vector<16xf32>,
        %gather3A_961 = arith.constant 960 : i32
        %gather3A_962 = tpu.memref_slice %arg6[%gather3A_961] : memref<1600xf32, #tpu.memory_space<vmem>> -> memref<160xf32, #tpu.memory_space<vmem>>
        %gather3A_963 = tpu.vector_load_idx %gather3A_962[%or3A_882] : memref<160xf32, #tpu.memory_space<vmem>>[vector<16xi32>], vector<16xf32>,
        %mul3A_964 = arith.constant 16 : i32
        %mul3A_965 = arith.muli %scan3A_831, %mul3A_964 : i32
        %swap3A_966 = arith.constant 0 : i32
        %swap3A_967 = arith.constant 6 : i32
        %swap3A_968 = arith.constant 0 : i32
        %swap3A_969 = arith.index_cast %swap3A_966 : i32 to index
        %swap3A_970 = arith.index_cast %swap3A_967 : i32 to index
        %swap3A_971 = arith.index_cast %swap3A_968 : i32 to index
        %swap3A_972 = arith.index_cast %mul3A_965 : i32 to index
        %swap3A_973 = tpu.vector_load %arg8[%swap3A_969, %swap3A_970, %swap3A_971, %swap3A_972] {strides = array<i32>} : memref<2x10x8x512xf32, #tpu.memory_space<vmem>>, vector<16xf32>,
        tpu.vector_store %arg8[%swap3A_969, %swap3A_970, %swap3A_971, %swap3A_972], %gather3A_861 {strides = array<i32>} : memref<2x10x8x512xf32, #tpu.memory_space<vmem>>, vector<16xf32>,
        %gather3A_974 = arith.constant 1120 : i32
        %gather3A_975 = tpu.memref_slice %arg6[%gather3A_974] : memref<1600xf32, #tpu.memory_space<vmem>> -> memref<160xf32, #tpu.memory_space<vmem>>
        %gather3A_976 = tpu.vector_load_idx %gather3A_975[%or3A_882] : memref<160xf32, #tpu.memory_space<vmem>>[vector<16xi32>], vector<16xf32>,
        %mul3A_977 = arith.constant 16 : i32
        %mul3A_978 = arith.muli %scan3A_831, %mul3A_977 : i32
        %swap3A_979 = arith.constant 0 : i32
        %swap3A_980 = arith.constant 7 : i32
        %swap3A_981 = arith.constant 0 : i32
        %swap3A_982 = arith.index_cast %swap3A_979 : i32 to index
        %swap3A_983 = arith.index_cast %swap3A_980 : i32 to index
        %swap3A_984 = arith.index_cast %swap3A_981 : i32 to index
        %swap3A_985 = arith.index_cast %mul3A_978 : i32 to index
        %swap3A_986 = tpu.vector_load %arg8[%swap3A_982, %swap3A_983, %swap3A_984, %swap3A_985] {strides = array<i32>} : memref<2x10x8x512xf32, #tpu.memory_space<vmem>>, vector<16xf32>,
        tpu.vector_store %arg8[%swap3A_982, %swap3A_983, %swap3A_984, %swap3A_985], %gather3A_864 {strides = array<i32>} : memref<2x10x8x512xf32, #tpu.memory_space<vmem>>, vector<16xf32>,
        %gather3A_987 = arith.constant 1280 : i32
        %gather3A_988 = tpu.memref_slice %arg6[%gather3A_987] : memref<1600xf32, #tpu.memory_space<vmem>> -> memref<160xf32, #tpu.memory_space<vmem>>
        %gather3A_989 = tpu.vector_load_idx %gather3A_988[%or3A_882] : memref<160xf32, #tpu.memory_space<vmem>>[vector<16xi32>], vector<16xf32>,
        %mul3A_990 = arith.constant 16 : i32
        %mul3A_991 = arith.muli %scan3A_831, %mul3A_990 : i32
        %swap3A_992 = arith.constant 0 : i32
        %swap3A_993 = arith.constant 8 : i32
        %swap3A_994 = arith.constant 0 : i32
        %swap3A_995 = arith.index_cast %swap3A_992 : i32 to index
        %swap3A_996 = arith.index_cast %swap3A_993 : i32 to index
        %swap3A_997 = arith.index_cast %swap3A_994 : i32 to index
        %swap3A_998 = arith.index_cast %mul3A_991 : i32 to index
        %swap3A_999 = tpu.vector_load %arg8[%swap3A_995, %swap3A_996, %swap3A_997, %swap3A_998] {strides = array<i32>} : memref<2x10x8x512xf32, #tpu.memory_space<vmem>>, vector<16xf32>,
        tpu.vector_store %arg8[%swap3A_995, %swap3A_996, %swap3A_997, %swap3A_998], %gather3A_867 {strides = array<i32>} : memref<2x10x8x512xf32, #tpu.memory_space<vmem>>, vector<16xf32>,
        %gather3A_1000 = arith.constant 1440 : i32
        %gather3A_1001 = tpu.memref_slice %arg6[%gather3A_1000] : memref<1600xf32, #tpu.memory_space<vmem>> -> memref<160xf32, #tpu.memory_space<vmem>>
        %gather3A_1002 = tpu.vector_load_idx %gather3A_1001[%or3A_882] : memref<160xf32, #tpu.memory_space<vmem>>[vector<16xi32>], vector<16xf32>,
        %mul3A_1003 = arith.constant 16 : i32
        %mul3A_1004 = arith.muli %scan3A_831, %mul3A_1003 : i32
        %swap3A_1005 = arith.constant 0 : i32
        %swap3A_1006 = arith.constant 9 : i32
        %swap3A_1007 = arith.constant 0 : i32
        %swap3A_1008 = arith.index_cast %swap3A_1005 : i32 to index
        %swap3A_1009 = arith.index_cast %swap3A_1006 : i32 to index
        %swap3A_1010 = arith.index_cast %swap3A_1007 : i32 to index
        %swap3A_1011 = arith.index_cast %mul3A_1004 : i32 to index
        %swap3A_1012 = tpu.vector_load %arg8[%swap3A_1008, %swap3A_1009, %swap3A_1010, %swap3A_1011] {strides = array<i32>} : memref<2x10x8x512xf32, #tpu.memory_space<vmem>>, vector<16xf32>,
        tpu.vector_store %arg8[%swap3A_1008, %swap3A_1009, %swap3A_1010, %swap3A_1011], %gather3A_870 {strides = array<i32>} : memref<2x10x8x512xf32, #tpu.memory_space<vmem>>, vector<16xf32>,
        %mul3A_1013 = arith.constant 16 : i32
        %mul3A_1014 = arith.muli %scan3A_831, %mul3A_1013 : i32
        %get3A_1015 = arith.constant 0 : i32
        %get3A_1016 = arith.constant 2 : i32
        %get3A_1017 = arith.index_cast %get3A_1015 : i32 to index
        %get3A_1018 = arith.index_cast %get3A_1016 : i32 to index
        %get3A_1019 = arith.index_cast %mul3A_1014 : i32 to index
        %get3A_1020 = tpu.vector_load %arg7[%get3A_1017, %get3A_1018, %get3A_1019] {strides = array<i32>} : memref<2x8x512xi32, #tpu.memory_space<vmem>>, vector<16xi32>,
        %shift_left3A_1021 = arith.constant 4 : i32
        %shift_left3A_1022 = vector.broadcast %shift_left3A_1021 : i32 to vector<16xi32>
        %shift_left3A_1023 = arith.shli %get3A_1020, %shift_left3A_1022 : vector<16xi32>
        %or3A_1024 = arith.ori %shift_left3A_1023, %iota3A : vector<16xi32>
        %gather3A_1025 = arith.constant 0 : i32
        %gather3A_1026 = tpu.memref_slice %arg6[%gather3A_1025] : memref<1600xf32, #tpu.memory_space<vmem>> -> memref<160xf32, #tpu.memory_space<vmem>>
        %gather3A_1027 = tpu.vector_load_idx %gather3A_1026[%or3A_1024] : memref<160xf32, #tpu.memory_space<vmem>>[vector<16xi32>], vector<16xf32>,
        %mul3A_1028 = arith.constant 16 : i32
        %mul3A_1029 = arith.muli %scan3A_831, %mul3A_1028 : i32
        %swap3A_1030 = arith.constant 0 : i32
        %swap3A_1031 = arith.constant 0 : i32
        %swap3A_1032 = arith.constant 1 : i32
        %swap3A_1033 = arith.index_cast %swap3A_1030 : i32 to index
        %swap3A_1034 = arith.index_cast %swap3A_1031 : i32 to index
        %swap3A_1035 = arith.index_cast %swap3A_1032 : i32 to index
        %swap3A_1036 = arith.index_cast %mul3A_1029 : i32 to index
        %swap3A_1037 = tpu.vector_load %arg8[%swap3A_1033, %swap3A_1034, %swap3A_1035, %swap3A_1036] {strides = array<i32>} : memref<2x10x8x512xf32, #tpu.memory_space<vmem>>, vector<16xf32>,
        tpu.vector_store %arg8[%swap3A_1033, %swap3A_1034, %swap3A_1035, %swap3A_1036], %gather3A_885 {strides = array<i32>} : memref<2x10x8x512xf32, #tpu.memory_space<vmem>>, vector<16xf32>,
        %gather3A_1038 = arith.constant 160 : i32
        %gather3A_1039 = tpu.memref_slice %arg6[%gather3A_1038] : memref<1600xf32, #tpu.memory_space<vmem>> -> memref<160xf32, #tpu.memory_space<vmem>>
        %gather3A_1040 = tpu.vector_load_idx %gather3A_1039[%or3A_1024] : memref<160xf32, #tpu.memory_space<vmem>>[vector<16xi32>], vector<16xf32>,
        %mul3A_1041 = arith.constant 16 : i32
        %mul3A_1042 = arith.muli %scan3A_831, %mul3A_1041 : i32
        %swap3A_1043 = arith.constant 0 : i32
        %swap3A_1044 = arith.constant 1 : i32
        %swap3A_1045 = arith.constant 1 : i32
        %swap3A_1046 = arith.index_cast %swap3A_1043 : i32 to index
        %swap3A_1047 = arith.index_cast %swap3A_1044 : i32 to index
        %swap3A_1048 = arith.index_cast %swap3A_1045 : i32 to index
        %swap3A_1049 = arith.index_cast %mul3A_1042 : i32 to index
        %swap3A_1050 = tpu.vector_load %arg8[%swap3A_1046, %swap3A_1047, %swap3A_1048, %swap3A_1049] {strides = array<i32>} : memref<2x10x8x512xf32, #tpu.memory_space<vmem>>, vector<16xf32>,
        tpu.vector_store %arg8[%swap3A_1046, %swap3A_1047, %swap3A_1048, %swap3A_1049], %gather3A_898 {strides = array<i32>} : memref<2x10x8x512xf32, #tpu.memory_space<vmem>>, vector<16xf32>,
        %gather3A_1051 = arith.constant 320 : i32
        %gather3A_1052 = tpu.memref_slice %arg6[%gather3A_1051] : memref<1600xf32, #tpu.memory_space<vmem>> -> memref<160xf32, #tpu.memory_space<vmem>>
        %gather3A_1053 = tpu.vector_load_idx %gather3A_1052[%or3A_1024] : memref<160xf32, #tpu.memory_space<vmem>>[vector<16xi32>], vector<16xf32>,
        %mul3A_1054 = arith.constant 16 : i32
        %mul3A_1055 = arith.muli %scan3A_831, %mul3A_1054 : i32
        %swap3A_1056 = arith.constant 0 : i32
        %swap3A_1057 = arith.constant 2 : i32
        %swap3A_1058 = arith.constant 1 : i32
        %swap3A_1059 = arith.index_cast %swap3A_1056 : i32 to index
        %swap3A_1060 = arith.index_cast %swap3A_1057 : i32 to index
        %swap3A_1061 = arith.index_cast %swap3A_1058 : i32 to index
        %swap3A_1062 = arith.index_cast %mul3A_1055 : i32 to index
        %swap3A_1063 = tpu.vector_load %arg8[%swap3A_1059, %swap3A_1060, %swap3A_1061, %swap3A_1062] {strides = array<i32>} : memref<2x10x8x512xf32, #tpu.memory_space<vmem>>, vector<16xf32>,
        tpu.vector_store %arg8[%swap3A_1059, %swap3A_1060, %swap3A_1061, %swap3A_1062], %gather3A_911 {strides = array<i32>} : memref<2x10x8x512xf32, #tpu.memory_space<vmem>>, vector<16xf32>,
        %gather3A_1064 = arith.constant 480 : i32
        %gather3A_1065 = tpu.memref_slice %arg6[%gather3A_1064] : memref<1600xf32, #tpu.memory_space<vmem>> -> memref<160xf32, #tpu.memory_space<vmem>>
        %gather3A_1066 = tpu.vector_load_idx %gather3A_1065[%or3A_1024] : memref<160xf32, #tpu.memory_space<vmem>>[vector<16xi32>], vector<16xf32>,
        %mul3A_1067 = arith.constant 16 : i32
        %mul3A_1068 = arith.muli %scan3A_831, %mul3A_1067 : i32
        %swap3A_1069 = arith.constant 0 : i32
        %swap3A_1070 = arith.constant 3 : i32
        %swap3A_1071 = arith.constant 1 : i32
        %swap3A_1072 = arith.index_cast %swap3A_1069 : i32 to index
        %swap3A_1073 = arith.index_cast %swap3A_1070 : i32 to index
        %swap3A_1074 = arith.index_cast %swap3A_1071 : i32 to index
        %swap3A_1075 = arith.index_cast %mul3A_1068 : i32 to index
        %swap3A_1076 = tpu.vector_load %arg8[%swap3A_1072, %swap3A_1073, %swap3A_1074, %swap3A_1075] {strides = array<i32>} : memref<2x10x8x512xf32, #tpu.memory_space<vmem>>, vector<16xf32>,
        tpu.vector_store %arg8[%swap3A_1072, %swap3A_1073, %swap3A_1074, %swap3A_1075], %gather3A_924 {strides = array<i32>} : memref<2x10x8x512xf32, #tpu.memory_space<vmem>>, vector<16xf32>,
        %gather3A_1077 = arith.constant 640 : i32
        %gather3A_1078 = tpu.memref_slice %arg6[%gather3A_1077] : memref<1600xf32, #tpu.memory_space<vmem>> -> memref<160xf32, #tpu.memory_space<vmem>>
        %gather3A_1079 = tpu.vector_load_idx %gather3A_1078[%or3A_1024] : memref<160xf32, #tpu.memory_space<vmem>>[vector<16xi32>], vector<16xf32>,
        %mul3A_1080 = arith.constant 16 : i32
        %mul3A_1081 = arith.muli %scan3A_831, %mul3A_1080 : i32
        %swap3A_1082 = arith.constant 0 : i32
        %swap3A_1083 = arith.constant 4 : i32
        %swap3A_1084 = arith.constant 1 : i32
        %swap3A_1085 = arith.index_cast %swap3A_1082 : i32 to index
        %swap3A_1086 = arith.index_cast %swap3A_1083 : i32 to index
        %swap3A_1087 = arith.index_cast %swap3A_1084 : i32 to index
        %swap3A_1088 = arith.index_cast %mul3A_1081 : i32 to index
        %swap3A_1089 = tpu.vector_load %arg8[%swap3A_1085, %swap3A_1086, %swap3A_1087, %swap3A_1088] {strides = array<i32>} : memref<2x10x8x512xf32, #tpu.memory_space<vmem>>, vector<16xf32>,
        tpu.vector_store %arg8[%swap3A_1085, %swap3A_1086, %swap3A_1087, %swap3A_1088], %gather3A_937 {strides = array<i32>} : memref<2x10x8x512xf32, #tpu.memory_space<vmem>>, vector<16xf32>,
        %gather3A_1090 = arith.constant 800 : i32
        %gather3A_1091 = tpu.memref_slice %arg6[%gather3A_1090] : memref<1600xf32, #tpu.memory_space<vmem>> -> memref<160xf32, #tpu.memory_space<vmem>>
        %gather3A_1092 = tpu.vector_load_idx %gather3A_1091[%or3A_1024] : memref<160xf32, #tpu.memory_space<vmem>>[vector<16xi32>], vector<16xf32>,
        %mul3A_1093 = arith.constant 16 : i32
        %mul3A_1094 = arith.muli %scan3A_831, %mul3A_1093 : i32
        %swap3A_1095 = arith.constant 0 : i32
        %swap3A_1096 = arith.constant 5 : i32
        %swap3A_1097 = arith.constant 1 : i32
        %swap3A_1098 = arith.index_cast %swap3A_1095 : i32 to index
        %swap3A_1099 = arith.index_cast %swap3A_1096 : i32 to index
        %swap3A_1100 = arith.index_cast %swap3A_1097 : i32 to index
        %swap3A_1101 = arith.index_cast %mul3A_1094 : i32 to index
        %swap3A_1102 = tpu.vector_load %arg8[%swap3A_1098, %swap3A_1099, %swap3A_1100, %swap3A_1101] {strides = array<i32>} : memref<2x10x8x512xf32, #tpu.memory_space<vmem>>, vector<16xf32>,
        tpu.vector_store %arg8[%swap3A_1098, %swap3A_1099, %swap3A_1100, %swap3A_1101], %gather3A_950 {strides = array<i32>} : memref<2x10x8x512xf32, #tpu.memory_space<vmem>>, vector<16xf32>,
        %gather3A_1103 = arith.constant 960 : i32
        %gather3A_1104 = tpu.memref_slice %arg6[%gather3A_1103] : memref<1600xf32, #tpu.memory_space<vmem>> -> memref<160xf32, #tpu.memory_space<vmem>>
        %gather3A_1105 = tpu.vector_load_idx %gather3A_1104[%or3A_1024] : memref<160xf32, #tpu.memory_space<vmem>>[vector<16xi32>], vector<16xf32>,
        %mul3A_1106 = arith.constant 16 : i32
        %mul3A_1107 = arith.muli %scan3A_831, %mul3A_1106 : i32
        %swap3A_1108 = arith.constant 0 : i32
        %swap3A_1109 = arith.constant 6 : i32
        %swap3A_1110 = arith.constant 1 : i32
        %swap3A_1111 = arith.index_cast %swap3A_1108 : i32 to index
        %swap3A_1112 = arith.index_cast %swap3A_1109 : i32 to index
        %swap3A_1113 = arith.index_cast %swap3A_1110 : i32 to index
        %swap3A_1114 = arith.index_cast %mul3A_1107 : i32 to index
        %swap3A_1115 = tpu.vector_load %arg8[%swap3A_1111, %swap3A_1112, %swap3A_1113, %swap3A_1114] {strides = array<i32>} : memref<2x10x8x512xf32, #tpu.memory_space<vmem>>, vector<16xf32>,
        tpu.vector_store %arg8[%swap3A_1111, %swap3A_1112, %swap3A_1113, %swap3A_1114], %gather3A_963 {strides = array<i32>} : memref<2x10x8x512xf32, #tpu.memory_space<vmem>>, vector<16xf32>,
        %gather3A_1116 = arith.constant 1120 : i32
        %gather3A_1117 = tpu.memref_slice %arg6[%gather3A_1116] : memref<1600xf32, #tpu.memory_space<vmem>> -> memref<160xf32, #tpu.memory_space<vmem>>
        %gather3A_1118 = tpu.vector_load_idx %gather3A_1117[%or3A_1024] : memref<160xf32, #tpu.memory_space<vmem>>[vector<16xi32>], vector<16xf32>,
        %mul3A_1119 = arith.constant 16 : i32
        %mul3A_1120 = arith.muli %scan3A_831, %mul3A_1119 : i32
        %swap3A_1121 = arith.constant 0 : i32
        %swap3A_1122 = arith.constant 7 : i32
        %swap3A_1123 = arith.constant 1 : i32
        %swap3A_1124 = arith.index_cast %swap3A_1121 : i32 to index
        %swap3A_1125 = arith.index_cast %swap3A_1122 : i32 to index
        %swap3A_1126 = arith.index_cast %swap3A_1123 : i32 to index
        %swap3A_1127 = arith.index_cast %mul3A_1120 : i32 to index
        %swap3A_1128 = tpu.vector_load %arg8[%swap3A_1124, %swap3A_1125, %swap3A_1126, %swap3A_1127] {strides = array<i32>} : memref<2x10x8x512xf32, #tpu.memory_space<vmem>>, vector<16xf32>,
        tpu.vector_store %arg8[%swap3A_1124, %swap3A_1125, %swap3A_1126, %swap3A_1127], %gather3A_976 {strides = array<i32>} : memref<2x10x8x512xf32, #tpu.memory_space<vmem>>, vector<16xf32>,
        %gather3A_1129 = arith.constant 1280 : i32
        %gather3A_1130 = tpu.memref_slice %arg6[%gather3A_1129] : memref<1600xf32, #tpu.memory_space<vmem>> -> memref<160xf32, #tpu.memory_space<vmem>>
        %gather3A_1131 = tpu.vector_load_idx %gather3A_1130[%or3A_1024] : memref<160xf32, #tpu.memory_space<vmem>>[vector<16xi32>], vector<16xf32>,
        %mul3A_1132 = arith.constant 16 : i32
        %mul3A_1133 = arith.muli %scan3A_831, %mul3A_1132 : i32
        %swap3A_1134 = arith.constant 0 : i32
        %swap3A_1135 = arith.constant 8 : i32
        %swap3A_1136 = arith.constant 1 : i32
        %swap3A_1137 = arith.index_cast %swap3A_1134 : i32 to index
        %swap3A_1138 = arith.index_cast %swap3A_1135 : i32 to index
        %swap3A_1139 = arith.index_cast %swap3A_1136 : i32 to index
        %swap3A_1140 = arith.index_cast %mul3A_1133 : i32 to index
        %swap3A_1141 = tpu.vector_load %arg8[%swap3A_1137, %swap3A_1138, %swap3A_1139, %swap3A_1140] {strides = array<i32>} : memref<2x10x8x512xf32, #tpu.memory_space<vmem>>, vector<16xf32>,
        tpu.vector_store %arg8[%swap3A_1137, %swap3A_1138, %swap3A_1139, %swap3A_1140], %gather3A_989 {strides = array<i32>} : memref<2x10x8x512xf32, #tpu.memory_space<vmem>>, vector<16xf32>,
        %gather3A_1142 = arith.constant 1440 : i32
        %gather3A_1143 = tpu.memref_slice %arg6[%gather3A_1142] : memref<1600xf32, #tpu.memory_space<vmem>> -> memref<160xf32, #tpu.memory_space<vmem>>
        %gather3A_1144 = tpu.vector_load_idx %gather3A_1143[%or3A_1024] : memref<160xf32, #tpu.memory_space<vmem>>[vector<16xi32>], vector<16xf32>,
        %mul3A_1145 = arith.constant 16 : i32
        %mul3A_1146 = arith.muli %scan3A_831, %mul3A_1145 : i32
        %swap3A_1147 = arith.constant 0 : i32
        %swap3A_1148 = arith.constant 9 : i32
        %swap3A_1149 = arith.constant 1 : i32
        %swap3A_1150 = arith.index_cast %swap3A_1147 : i32 to index
        %swap3A_1151 = arith.index_cast %swap3A_1148 : i32 to index
        %swap3A_1152 = arith.index_cast %swap3A_1149 : i32 to index
        %swap3A_1153 = arith.index_cast %mul3A_1146 : i32 to index
        %swap3A_1154 = tpu.vector_load %arg8[%swap3A_1150, %swap3A_1151, %swap3A_1152, %swap3A_1153] {strides = array<i32>} : memref<2x10x8x512xf32, #tpu.memory_space<vmem>>, vector<16xf32>,
        tpu.vector_store %arg8[%swap3A_1150, %swap3A_1151, %swap3A_1152, %swap3A_1153], %gather3A_1002 {strides = array<i32>} : memref<2x10x8x512xf32, #tpu.memory_space<vmem>>, vector<16xf32>,
        %mul3A_1155 = arith.constant 16 : i32
        %mul3A_1156 = arith.muli %scan3A_831, %mul3A_1155 : i32
        %get3A_1157 = arith.constant 0 : i32
        %get3A_1158 = arith.constant 3 : i32
        %get3A_1159 = arith.index_cast %get3A_1157 : i32 to index
        %get3A_1160 = arith.index_cast %get3A_1158 : i32 to index
        %get3A_1161 = arith.index_cast %mul3A_1156 : i32 to index
        %get3A_1162 = tpu.vector_load %arg7[%get3A_1159, %get3A_1160, %get3A_1161] {strides = array<i32>} : memref<2x8x512xi32, #tpu.memory_space<vmem>>, vector<16xi32>,
        %shift_left3A_1163 = arith.constant 4 : i32
        %shift_left3A_1164 = vector.broadcast %shift_left3A_1163 : i32 to vector<16xi32>
        %shift_left3A_1165 = arith.shli %get3A_1162, %shift_left3A_1164 : vector<16xi32>
        %or3A_1166 = arith.ori %shift_left3A_1165, %iota3A : vector<16xi32>
        %gather3A_1167 = arith.constant 0 : i32
        %gather3A_1168 = tpu.memref_slice %arg6[%gather3A_1167] : memref<1600xf32, #tpu.memory_space<vmem>> -> memref<160xf32, #tpu.memory_space<vmem>>
        %gather3A_1169 = tpu.vector_load_idx %gather3A_1168[%or3A_1166] : memref<160xf32, #tpu.memory_space<vmem>>[vector<16xi32>], vector<16xf32>,
        %mul3A_1170 = arith.constant 16 : i32
        %mul3A_1171 = arith.muli %scan3A_831, %mul3A_1170 : i32
        %swap3A_1172 = arith.constant 0 : i32
        %swap3A_1173 = arith.constant 0 : i32
        %swap3A_1174 = arith.constant 2 : i32
        %swap3A_1175 = arith.index_cast %swap3A_1172 : i32 to index
        %swap3A_1176 = arith.index_cast %swap3A_1173 : i32 to index
        %swap3A_1177 = arith.index_cast %swap3A_1174 : i32 to index
        %swap3A_1178 = arith.index_cast %mul3A_1171 : i32 to index
        %swap3A_1179 = tpu.vector_load %arg8[%swap3A_1175, %swap3A_1176, %swap3A_1177, %swap3A_1178] {strides = array<i32>} : memref<2x10x8x512xf32, #tpu.memory_space<vmem>>, vector<16xf32>,
        tpu.vector_store %arg8[%swap3A_1175, %swap3A_1176, %swap3A_1177, %swap3A_1178], %gather3A_1027 {strides = array<i32>} : memref<2x10x8x512xf32, #tpu.memory_space<vmem>>, vector<16xf32>,
        %gather3A_1180 = arith.constant 160 : i32
        %gather3A_1181 = tpu.memref_slice %arg6[%gather3A_1180] : memref<1600xf32, #tpu.memory_space<vmem>> -> memref<160xf32, #tpu.memory_space<vmem>>
        %gather3A_1182 = tpu.vector_load_idx %gather3A_1181[%or3A_1166] : memref<160xf32, #tpu.memory_space<vmem>>[vector<16xi32>], vector<16xf32>,
        %mul3A_1183 = arith.constant 16 : i32
        %mul3A_1184 = arith.muli %scan3A_831, %mul3A_1183 : i32
        %swap3A_1185 = arith.constant 0 : i32
        %swap3A_1186 = arith.constant 1 : i32
        %swap3A_1187 = arith.constant 2 : i32
        %swap3A_1188 = arith.index_cast %swap3A_1185 : i32 to index
        %swap3A_1189 = arith.index_cast %swap3A_1186 : i32 to index
        %swap3A_1190 = arith.index_cast %swap3A_1187 : i32 to index
        %swap3A_1191 = arith.index_cast %mul3A_1184 : i32 to index
        %swap3A_1192 = tpu.vector_load %arg8[%swap3A_1188, %swap3A_1189, %swap3A_1190, %swap3A_1191] {strides = array<i32>} : memref<2x10x8x512xf32, #tpu.memory_space<vmem>>, vector<16xf32>,
        tpu.vector_store %arg8[%swap3A_1188, %swap3A_1189, %swap3A_1190, %swap3A_1191], %gather3A_1040 {strides = array<i32>} : memref<2x10x8x512xf32, #tpu.memory_space<vmem>>, vector<16xf32>,
        %gather3A_1193 = arith.constant 320 : i32
        %gather3A_1194 = tpu.memref_slice %arg6[%gather3A_1193] : memref<1600xf32, #tpu.memory_space<vmem>> -> memref<160xf32, #tpu.memory_space<vmem>>
        %gather3A_1195 = tpu.vector_load_idx %gather3A_1194[%or3A_1166] : memref<160xf32, #tpu.memory_space<vmem>>[vector<16xi32>], vector<16xf32>,
        %mul3A_1196 = arith.constant 16 : i32
        %mul3A_1197 = arith.muli %scan3A_831, %mul3A_1196 : i32
        %swap3A_1198 = arith.constant 0 : i32
        %swap3A_1199 = arith.constant 2 : i32
        %swap3A_1200 = arith.constant 2 : i32
        %swap3A_1201 = arith.index_cast %swap3A_1198 : i32 to index
        %swap3A_1202 = arith.index_cast %swap3A_1199 : i32 to index
        %swap3A_1203 = arith.index_cast %swap3A_1200 : i32 to index
        %swap3A_1204 = arith.index_cast %mul3A_1197 : i32 to index
        %swap3A_1205 = tpu.vector_load %arg8[%swap3A_1201, %swap3A_1202, %swap3A_1203, %swap3A_1204] {strides = array<i32>} : memref<2x10x8x512xf32, #tpu.memory_space<vmem>>, vector<16xf32>,
        tpu.vector_store %arg8[%swap3A_1201, %swap3A_1202, %swap3A_1203, %swap3A_1204], %gather3A_1053 {strides = array<i32>} : memref<2x10x8x512xf32, #tpu.memory_space<vmem>>, vector<16xf32>,
        %gather3A_1206 = arith.constant 480 : i32
        %gather3A_1207 = tpu.memref_slice %arg6[%gather3A_1206] : memref<1600xf32, #tpu.memory_space<vmem>> -> memref<160xf32, #tpu.memory_space<vmem>>
        %gather3A_1208 = tpu.vector_load_idx %gather3A_1207[%or3A_1166] : memref<160xf32, #tpu.memory_space<vmem>>[vector<16xi32>], vector<16xf32>,
        %mul3A_1209 = arith.constant 16 : i32
        %mul3A_1210 = arith.muli %scan3A_831, %mul3A_1209 : i32
        %swap3A_1211 = arith.constant 0 : i32
        %swap3A_1212 = arith.constant 3 : i32
        %swap3A_1213 = arith.constant 2 : i32
        %swap3A_1214 = arith.index_cast %swap3A_1211 : i32 to index
        %swap3A_1215 = arith.index_cast %swap3A_1212 : i32 to index
        %swap3A_1216 = arith.index_cast %swap3A_1213 : i32 to index
        %swap3A_1217 = arith.index_cast %mul3A_1210 : i32 to index
        %swap3A_1218 = tpu.vector_load %arg8[%swap3A_1214, %swap3A_1215, %swap3A_1216, %swap3A_1217] {strides = array<i32>} : memref<2x10x8x512xf32, #tpu.memory_space<vmem>>, vector<16xf32>,
        tpu.vector_store %arg8[%swap3A_1214, %swap3A_1215, %swap3A_1216, %swap3A_1217], %gather3A_1066 {strides = array<i32>} : memref<2x10x8x512xf32, #tpu.memory_space<vmem>>, vector<16xf32>,
        %gather3A_1219 = arith.constant 640 : i32
        %gather3A_1220 = tpu.memref_slice %arg6[%gather3A_1219] : memref<1600xf32, #tpu.memory_space<vmem>> -> memref<160xf32, #tpu.memory_space<vmem>>
        %gather3A_1221 = tpu.vector_load_idx %gather3A_1220[%or3A_1166] : memref<160xf32, #tpu.memory_space<vmem>>[vector<16xi32>], vector<16xf32>,
        %mul3A_1222 = arith.constant 16 : i32
        %mul3A_1223 = arith.muli %scan3A_831, %mul3A_1222 : i32
        %swap3A_1224 = arith.constant 0 : i32
        %swap3A_1225 = arith.constant 4 : i32
        %swap3A_1226 = arith.constant 2 : i32
        %swap3A_1227 = arith.index_cast %swap3A_1224 : i32 to index
        %swap3A_1228 = arith.index_cast %swap3A_1225 : i32 to index
        %swap3A_1229 = arith.index_cast %swap3A_1226 : i32 to index
        %swap3A_1230 = arith.index_cast %mul3A_1223 : i32 to index
        %swap3A_1231 = tpu.vector_load %arg8[%swap3A_1227, %swap3A_1228, %swap3A_1229, %swap3A_1230] {strides = array<i32>} : memref<2x10x8x512xf32, #tpu.memory_space<vmem>>, vector<16xf32>,
        tpu.vector_store %arg8[%swap3A_1227, %swap3A_1228, %swap3A_1229, %swap3A_1230], %gather3A_1079 {strides = array<i32>} : memref<2x10x8x512xf32, #tpu.memory_space<vmem>>, vector<16xf32>,
        %gather3A_1232 = arith.constant 800 : i32
        %gather3A_1233 = tpu.memref_slice %arg6[%gather3A_1232] : memref<1600xf32, #tpu.memory_space<vmem>> -> memref<160xf32, #tpu.memory_space<vmem>>
        %gather3A_1234 = tpu.vector_load_idx %gather3A_1233[%or3A_1166] : memref<160xf32, #tpu.memory_space<vmem>>[vector<16xi32>], vector<16xf32>,
        %mul3A_1235 = arith.constant 16 : i32
        %mul3A_1236 = arith.muli %scan3A_831, %mul3A_1235 : i32
        %swap3A_1237 = arith.constant 0 : i32
        %swap3A_1238 = arith.constant 5 : i32
        %swap3A_1239 = arith.constant 2 : i32
        %swap3A_1240 = arith.index_cast %swap3A_1237 : i32 to index
        %swap3A_1241 = arith.index_cast %swap3A_1238 : i32 to index
        %swap3A_1242 = arith.index_cast %swap3A_1239 : i32 to index
        %swap3A_1243 = arith.index_cast %mul3A_1236 : i32 to index
        %swap3A_1244 = tpu.vector_load %arg8[%swap3A_1240, %swap3A_1241, %swap3A_1242, %swap3A_1243] {strides = array<i32>} : memref<2x10x8x512xf32, #tpu.memory_space<vmem>>, vector<16xf32>,
        tpu.vector_store %arg8[%swap3A_1240, %swap3A_1241, %swap3A_1242, %swap3A_1243], %gather3A_1092 {strides = array<i32>} : memref<2x10x8x512xf32, #tpu.memory_space<vmem>>, vector<16xf32>,
        %gather3A_1245 = arith.constant 960 : i32
        %gather3A_1246 = tpu.memref_slice %arg6[%gather3A_1245] : memref<1600xf32, #tpu.memory_space<vmem>> -> memref<160xf32, #tpu.memory_space<vmem>>
        %gather3A_1247 = tpu.vector_load_idx %gather3A_1246[%or3A_1166] : memref<160xf32, #tpu.memory_space<vmem>>[vector<16xi32>], vector<16xf32>,
        %mul3A_1248 = arith.constant 16 : i32
        %mul3A_1249 = arith.muli %scan3A_831, %mul3A_1248 : i32
        %swap3A_1250 = arith.constant 0 : i32
        %swap3A_1251 = arith.constant 6 : i32
        %swap3A_1252 = arith.constant 2 : i32
        %swap3A_1253 = arith.index_cast %swap3A_1250 : i32 to index
        %swap3A_1254 = arith.index_cast %swap3A_1251 : i32 to index
        %swap3A_1255 = arith.index_cast %swap3A_1252 : i32 to index
        %swap3A_1256 = arith.index_cast %mul3A_1249 : i32 to index
        %swap3A_1257 = tpu.vector_load %arg8[%swap3A_1253, %swap3A_1254, %swap3A_1255, %swap3A_1256] {strides = array<i32>} : memref<2x10x8x512xf32, #tpu.memory_space<vmem>>, vector<16xf32>,
        tpu.vector_store %arg8[%swap3A_1253, %swap3A_1254, %swap3A_1255, %swap3A_1256], %gather3A_1105 {strides = array<i32>} : memref<2x10x8x512xf32, #tpu.memory_space<vmem>>, vector<16xf32>,
        %gather3A_1258 = arith.constant 1120 : i32
        %gather3A_1259 = tpu.memref_slice %arg6[%gather3A_1258] : memref<1600xf32, #tpu.memory_space<vmem>> -> memref<160xf32, #tpu.memory_space<vmem>>
        %gather3A_1260 = tpu.vector_load_idx %gather3A_1259[%or3A_1166] : memref<160xf32, #tpu.memory_space<vmem>>[vector<16xi32>], vector<16xf32>,
        %mul3A_1261 = arith.constant 16 : i32
        %mul3A_1262 = arith.muli %scan3A_831, %mul3A_1261 : i32
        %swap3A_1263 = arith.constant 0 : i32
        %swap3A_1264 = arith.constant 7 : i32
        %swap3A_1265 = arith.constant 2 : i32
        %swap3A_1266 = arith.index_cast %swap3A_1263 : i32 to index
        %swap3A_1267 = arith.index_cast %swap3A_1264 : i32 to index
        %swap3A_1268 = arith.index_cast %swap3A_1265 : i32 to index
        %swap3A_1269 = arith.index_cast %mul3A_1262 : i32 to index
        %swap3A_1270 = tpu.vector_load %arg8[%swap3A_1266, %swap3A_1267, %swap3A_1268, %swap3A_1269] {strides = array<i32>} : memref<2x10x8x512xf32, #tpu.memory_space<vmem>>, vector<16xf32>,
        tpu.vector_store %arg8[%swap3A_1266, %swap3A_1267, %swap3A_1268, %swap3A_1269], %gather3A_1118 {strides = array<i32>} : memref<2x10x8x512xf32, #tpu.memory_space<vmem>>, vector<16xf32>,
        %gather3A_1271 = arith.constant 1280 : i32
        %gather3A_1272 = tpu.memref_slice %arg6[%gather3A_1271] : memref<1600xf32, #tpu.memory_space<vmem>> -> memref<160xf32, #tpu.memory_space<vmem>>
        %gather3A_1273 = tpu.vector_load_idx %gather3A_1272[%or3A_1166] : memref<160xf32, #tpu.memory_space<vmem>>[vector<16xi32>], vector<16xf32>,
        %mul3A_1274 = arith.constant 16 : i32
        %mul3A_1275 = arith.muli %scan3A_831, %mul3A_1274 : i32
        %swap3A_1276 = arith.constant 0 : i32
        %swap3A_1277 = arith.constant 8 : i32
        %swap3A_1278 = arith.constant 2 : i32
        %swap3A_1279 = arith.index_cast %swap3A_1276 : i32 to index
        %swap3A_1280 = arith.index_cast %swap3A_1277 : i32 to index
        %swap3A_1281 = arith.index_cast %swap3A_1278 : i32 to index
        %swap3A_1282 = arith.index_cast %mul3A_1275 : i32 to index
        %swap3A_1283 = tpu.vector_load %arg8[%swap3A_1279, %swap3A_1280, %swap3A_1281, %swap3A_1282] {strides = array<i32>} : memref<2x10x8x512xf32, #tpu.memory_space<vmem>>, vector<16xf32>,
        tpu.vector_store %arg8[%swap3A_1279, %swap3A_1280, %swap3A_1281, %swap3A_1282], %gather3A_1131 {strides = array<i32>} : memref<2x10x8x512xf32, #tpu.memory_space<vmem>>, vector<16xf32>,
        %gather3A_1284 = arith.constant 1440 : i32
        %gather3A_1285 = tpu.memref_slice %arg6[%gather3A_1284] : memref<1600xf32, #tpu.memory_space<vmem>> -> memref<160xf32, #tpu.memory_space<vmem>>
        %gather3A_1286 = tpu.vector_load_idx %gather3A_1285[%or3A_1166] : memref<160xf32, #tpu.memory_space<vmem>>[vector<16xi32>], vector<16xf32>,
        %mul3A_1287 = arith.constant 16 : i32
        %mul3A_1288 = arith.muli %scan3A_831, %mul3A_1287 : i32
        %swap3A_1289 = arith.constant 0 : i32
        %swap3A_1290 = arith.constant 9 : i32
        %swap3A_1291 = arith.constant 2 : i32
        %swap3A_1292 = arith.index_cast %swap3A_1289 : i32 to index
        %swap3A_1293 = arith.index_cast %swap3A_1290 : i32 to index
        %swap3A_1294 = arith.index_cast %swap3A_1291 : i32 to index
        %swap3A_1295 = arith.index_cast %mul3A_1288 : i32 to index
        %swap3A_1296 = tpu.vector_load %arg8[%swap3A_1292, %swap3A_1293, %swap3A_1294, %swap3A_1295] {strides = array<i32>} : memref<2x10x8x512xf32, #tpu.memory_space<vmem>>, vector<16xf32>,
        tpu.vector_store %arg8[%swap3A_1292, %swap3A_1293, %swap3A_1294, %swap3A_1295], %gather3A_1144 {strides = array<i32>} : memref<2x10x8x512xf32, #tpu.memory_space<vmem>>, vector<16xf32>,
        %mul3A_1297 = arith.constant 16 : i32
        %mul3A_1298 = arith.muli %scan3A_831, %mul3A_1297 : i32
        %get3A_1299 = arith.constant 0 : i32
        %get3A_1300 = arith.constant 4 : i32
        %get3A_1301 = arith.index_cast %get3A_1299 : i32 to index
        %get3A_1302 = arith.index_cast %get3A_1300 : i32 to index
        %get3A_1303 = arith.index_cast %mul3A_1298 : i32 to index
        %get3A_1304 = tpu.vector_load %arg7[%get3A_1301, %get3A_1302, %get3A_1303] {strides = array<i32>} : memref<2x8x512xi32, #tpu.memory_space<vmem>>, vector<16xi32>,
        %shift_left3A_1305 = arith.constant 4 : i32
        %shift_left3A_1306 = vector.broadcast %shift_left3A_1305 : i32 to vector<16xi32>
        %shift_left3A_1307 = arith.shli %get3A_1304, %shift_left3A_1306 : vector<16xi32>
        %or3A_1308 = arith.ori %shift_left3A_1307, %iota3A : vector<16xi32>
        %gather3A_1309 = arith.constant 0 : i32
        %gather3A_1310 = tpu.memref_slice %arg6[%gather3A_1309] : memref<1600xf32, #tpu.memory_space<vmem>> -> memref<160xf32, #tpu.memory_space<vmem>>
        %gather3A_1311 = tpu.vector_load_idx %gather3A_1310[%or3A_1308] : memref<160xf32, #tpu.memory_space<vmem>>[vector<16xi32>], vector<16xf32>,
        %mul3A_1312 = arith.constant 16 : i32
        %mul3A_1313 = arith.muli %scan3A_831, %mul3A_1312 : i32
        %swap3A_1314 = arith.constant 0 : i32
        %swap3A_1315 = arith.constant 0 : i32
        %swap3A_1316 = arith.constant 3 : i32
        %swap3A_1317 = arith.index_cast %swap3A_1314 : i32 to index
        %swap3A_1318 = arith.index_cast %swap3A_1315 : i32 to index
        %swap3A_1319 = arith.index_cast %swap3A_1316 : i32 to index
        %swap3A_1320 = arith.index_cast %mul3A_1313 : i32 to index
        %swap3A_1321 = tpu.vector_load %arg8[%swap3A_1317, %swap3A_1318, %swap3A_1319, %swap3A_1320] {strides = array<i32>} : memref<2x10x8x512xf32, #tpu.memory_space<vmem>>, vector<16xf32>,
        tpu.vector_store %arg8[%swap3A_1317, %swap3A_1318, %swap3A_1319, %swap3A_1320], %gather3A_1169 {strides = array<i32>} : memref<2x10x8x512xf32, #tpu.memory_space<vmem>>, vector<16xf32>,
        %gather3A_1322 = arith.constant 160 : i32
        %gather3A_1323 = tpu.memref_slice %arg6[%gather3A_1322] : memref<1600xf32, #tpu.memory_space<vmem>> -> memref<160xf32, #tpu.memory_space<vmem>>
        %gather3A_1324 = tpu.vector_load_idx %gather3A_1323[%or3A_1308] : memref<160xf32, #tpu.memory_space<vmem>>[vector<16xi32>], vector<16xf32>,
        %mul3A_1325 = arith.constant 16 : i32
        %mul3A_1326 = arith.muli %scan3A_831, %mul3A_1325 : i32
        %swap3A_1327 = arith.constant 0 : i32
        %swap3A_1328 = arith.constant 1 : i32
        %swap3A_1329 = arith.constant 3 : i32
        %swap3A_1330 = arith.index_cast %swap3A_1327 : i32 to index
        %swap3A_1331 = arith.index_cast %swap3A_1328 : i32 to index
        %swap3A_1332 = arith.index_cast %swap3A_1329 : i32 to index
        %swap3A_1333 = arith.index_cast %mul3A_1326 : i32 to index
        %swap3A_1334 = tpu.vector_load %arg8[%swap3A_1330, %swap3A_1331, %swap3A_1332, %swap3A_1333] {strides = array<i32>} : memref<2x10x8x512xf32, #tpu.memory_space<vmem>>, vector<16xf32>,
        tpu.vector_store %arg8[%swap3A_1330, %swap3A_1331, %swap3A_1332, %swap3A_1333], %gather3A_1182 {strides = array<i32>} : memref<2x10x8x512xf32, #tpu.memory_space<vmem>>, vector<16xf32>,
        %gather3A_1335 = arith.constant 320 : i32
        %gather3A_1336 = tpu.memref_slice %arg6[%gather3A_1335] : memref<1600xf32, #tpu.memory_space<vmem>> -> memref<160xf32, #tpu.memory_space<vmem>>
        %gather3A_1337 = tpu.vector_load_idx %gather3A_1336[%or3A_1308] : memref<160xf32, #tpu.memory_space<vmem>>[vector<16xi32>], vector<16xf32>,
        %mul3A_1338 = arith.constant 16 : i32
        %mul3A_1339 = arith.muli %scan3A_831, %mul3A_1338 : i32
        %swap3A_1340 = arith.constant 0 : i32
        %swap3A_1341 = arith.constant 2 : i32
        %swap3A_1342 = arith.constant 3 : i32
        %swap3A_1343 = arith.index_cast %swap3A_1340 : i32 to index
        %swap3A_1344 = arith.index_cast %swap3A_1341 : i32 to index
        %swap3A_1345 = arith.index_cast %swap3A_1342 : i32 to index
        %swap3A_1346 = arith.index_cast %mul3A_1339 : i32 to index
        %swap3A_1347 = tpu.vector_load %arg8[%swap3A_1343, %swap3A_1344, %swap3A_1345, %swap3A_1346] {strides = array<i32>} : memref<2x10x8x512xf32, #tpu.memory_space<vmem>>, vector<16xf32>,
        tpu.vector_store %arg8[%swap3A_1343, %swap3A_1344, %swap3A_1345, %swap3A_1346], %gather3A_1195 {strides = array<i32>} : memref<2x10x8x512xf32, #tpu.memory_space<vmem>>, vector<16xf32>,
        %gather3A_1348 = arith.constant 480 : i32
        %gather3A_1349 = tpu.memref_slice %arg6[%gather3A_1348] : memref<1600xf32, #tpu.memory_space<vmem>> -> memref<160xf32, #tpu.memory_space<vmem>>
        %gather3A_1350 = tpu.vector_load_idx %gather3A_1349[%or3A_1308] : memref<160xf32, #tpu.memory_space<vmem>>[vector<16xi32>], vector<16xf32>,
        %mul3A_1351 = arith.constant 16 : i32
        %mul3A_1352 = arith.muli %scan3A_831, %mul3A_1351 : i32
        %swap3A_1353 = arith.constant 0 : i32
        %swap3A_1354 = arith.constant 3 : i32
        %swap3A_1355 = arith.constant 3 : i32
        %swap3A_1356 = arith.index_cast %swap3A_1353 : i32 to index
        %swap3A_1357 = arith.index_cast %swap3A_1354 : i32 to index
        %swap3A_1358 = arith.index_cast %swap3A_1355 : i32 to index
        %swap3A_1359 = arith.index_cast %mul3A_1352 : i32 to index
        %swap3A_1360 = tpu.vector_load %arg8[%swap3A_1356, %swap3A_1357, %swap3A_1358, %swap3A_1359] {strides = array<i32>} : memref<2x10x8x512xf32, #tpu.memory_space<vmem>>, vector<16xf32>,
        tpu.vector_store %arg8[%swap3A_1356, %swap3A_1357, %swap3A_1358, %swap3A_1359], %gather3A_1208 {strides = array<i32>} : memref<2x10x8x512xf32, #tpu.memory_space<vmem>>, vector<16xf32>,
        %gather3A_1361 = arith.constant 640 : i32
        %gather3A_1362 = tpu.memref_slice %arg6[%gather3A_1361] : memref<1600xf32, #tpu.memory_space<vmem>> -> memref<160xf32, #tpu.memory_space<vmem>>
        %gather3A_1363 = tpu.vector_load_idx %gather3A_1362[%or3A_1308] : memref<160xf32, #tpu.memory_space<vmem>>[vector<16xi32>], vector<16xf32>,
        %mul3A_1364 = arith.constant 16 : i32
        %mul3A_1365 = arith.muli %scan3A_831, %mul3A_1364 : i32
        %swap3A_1366 = arith.constant 0 : i32
        %swap3A_1367 = arith.constant 4 : i32
        %swap3A_1368 = arith.constant 3 : i32
        %swap3A_1369 = arith.index_cast %swap3A_1366 : i32 to index
        %swap3A_1370 = arith.index_cast %swap3A_1367 : i32 to index
        %swap3A_1371 = arith.index_cast %swap3A_1368 : i32 to index
        %swap3A_1372 = arith.index_cast %mul3A_1365 : i32 to index
        %swap3A_1373 = tpu.vector_load %arg8[%swap3A_1369, %swap3A_1370, %swap3A_1371, %swap3A_1372] {strides = array<i32>} : memref<2x10x8x512xf32, #tpu.memory_space<vmem>>, vector<16xf32>,
        tpu.vector_store %arg8[%swap3A_1369, %swap3A_1370, %swap3A_1371, %swap3A_1372], %gather3A_1221 {strides = array<i32>} : memref<2x10x8x512xf32, #tpu.memory_space<vmem>>, vector<16xf32>,
        %gather3A_1374 = arith.constant 800 : i32
        %gather3A_1375 = tpu.memref_slice %arg6[%gather3A_1374] : memref<1600xf32, #tpu.memory_space<vmem>> -> memref<160xf32, #tpu.memory_space<vmem>>
        %gather3A_1376 = tpu.vector_load_idx %gather3A_1375[%or3A_1308] : memref<160xf32, #tpu.memory_space<vmem>>[vector<16xi32>], vector<16xf32>,
        %mul3A_1377 = arith.constant 16 : i32
        %mul3A_1378 = arith.muli %scan3A_831, %mul3A_1377 : i32
        %swap3A_1379 = arith.constant 0 : i32
        %swap3A_1380 = arith.constant 5 : i32
        %swap3A_1381 = arith.constant 3 : i32
        %swap3A_1382 = arith.index_cast %swap3A_1379 : i32 to index
        %swap3A_1383 = arith.index_cast %swap3A_1380 : i32 to index
        %swap3A_1384 = arith.index_cast %swap3A_1381 : i32 to index
        %swap3A_1385 = arith.index_cast %mul3A_1378 : i32 to index
        %swap3A_1386 = tpu.vector_load %arg8[%swap3A_1382, %swap3A_1383, %swap3A_1384, %swap3A_1385] {strides = array<i32>} : memref<2x10x8x512xf32, #tpu.memory_space<vmem>>, vector<16xf32>,
        tpu.vector_store %arg8[%swap3A_1382, %swap3A_1383, %swap3A_1384, %swap3A_1385], %gather3A_1234 {strides = array<i32>} : memref<2x10x8x512xf32, #tpu.memory_space<vmem>>, vector<16xf32>,
        %gather3A_1387 = arith.constant 960 : i32
        %gather3A_1388 = tpu.memref_slice %arg6[%gather3A_1387] : memref<1600xf32, #tpu.memory_space<vmem>> -> memref<160xf32, #tpu.memory_space<vmem>>
        %gather3A_1389 = tpu.vector_load_idx %gather3A_1388[%or3A_1308] : memref<160xf32, #tpu.memory_space<vmem>>[vector<16xi32>], vector<16xf32>,
        %mul3A_1390 = arith.constant 16 : i32
        %mul3A_1391 = arith.muli %scan3A_831, %mul3A_1390 : i32
        %swap3A_1392 = arith.constant 0 : i32
        %swap3A_1393 = arith.constant 6 : i32
        %swap3A_1394 = arith.constant 3 : i32
        %swap3A_1395 = arith.index_cast %swap3A_1392 : i32 to index
        %swap3A_1396 = arith.index_cast %swap3A_1393 : i32 to index
        %swap3A_1397 = arith.index_cast %swap3A_1394 : i32 to index
        %swap3A_1398 = arith.index_cast %mul3A_1391 : i32 to index
        %swap3A_1399 = tpu.vector_load %arg8[%swap3A_1395, %swap3A_1396, %swap3A_1397, %swap3A_1398] {strides = array<i32>} : memref<2x10x8x512xf32, #tpu.memory_space<vmem>>, vector<16xf32>,
        tpu.vector_store %arg8[%swap3A_1395, %swap3A_1396, %swap3A_1397, %swap3A_1398], %gather3A_1247 {strides = array<i32>} : memref<2x10x8x512xf32, #tpu.memory_space<vmem>>, vector<16xf32>,
        %gather3A_1400 = arith.constant 1120 : i32
        %gather3A_1401 = tpu.memref_slice %arg6[%gather3A_1400] : memref<1600xf32, #tpu.memory_space<vmem>> -> memref<160xf32, #tpu.memory_space<vmem>>
        %gather3A_1402 = tpu.vector_load_idx %gather3A_1401[%or3A_1308] : memref<160xf32, #tpu.memory_space<vmem>>[vector<16xi32>], vector<16xf32>,
        %mul3A_1403 = arith.constant 16 : i32
        %mul3A_1404 = arith.muli %scan3A_831, %mul3A_1403 : i32
        %swap3A_1405 = arith.constant 0 : i32
        %swap3A_1406 = arith.constant 7 : i32
        %swap3A_1407 = arith.constant 3 : i32
        %swap3A_1408 = arith.index_cast %swap3A_1405 : i32 to index
        %swap3A_1409 = arith.index_cast %swap3A_1406 : i32 to index
        %swap3A_1410 = arith.index_cast %swap3A_1407 : i32 to index
        %swap3A_1411 = arith.index_cast %mul3A_1404 : i32 to index
        %swap3A_1412 = tpu.vector_load %arg8[%swap3A_1408, %swap3A_1409, %swap3A_1410, %swap3A_1411] {strides = array<i32>} : memref<2x10x8x512xf32, #tpu.memory_space<vmem>>, vector<16xf32>,
        tpu.vector_store %arg8[%swap3A_1408, %swap3A_1409, %swap3A_1410, %swap3A_1411], %gather3A_1260 {strides = array<i32>} : memref<2x10x8x512xf32, #tpu.memory_space<vmem>>, vector<16xf32>,
        %gather3A_1413 = arith.constant 1280 : i32
        %gather3A_1414 = tpu.memref_slice %arg6[%gather3A_1413] : memref<1600xf32, #tpu.memory_space<vmem>> -> memref<160xf32, #tpu.memory_space<vmem>>
        %gather3A_1415 = tpu.vector_load_idx %gather3A_1414[%or3A_1308] : memref<160xf32, #tpu.memory_space<vmem>>[vector<16xi32>], vector<16xf32>,
        %mul3A_1416 = arith.constant 16 : i32
        %mul3A_1417 = arith.muli %scan3A_831, %mul3A_1416 : i32
        %swap3A_1418 = arith.constant 0 : i32
        %swap3A_1419 = arith.constant 8 : i32
        %swap3A_1420 = arith.constant 3 : i32
        %swap3A_1421 = arith.index_cast %swap3A_1418 : i32 to index
        %swap3A_1422 = arith.index_cast %swap3A_1419 : i32 to index
        %swap3A_1423 = arith.index_cast %swap3A_1420 : i32 to index
        %swap3A_1424 = arith.index_cast %mul3A_1417 : i32 to index
        %swap3A_1425 = tpu.vector_load %arg8[%swap3A_1421, %swap3A_1422, %swap3A_1423, %swap3A_1424] {strides = array<i32>} : memref<2x10x8x512xf32, #tpu.memory_space<vmem>>, vector<16xf32>,
        tpu.vector_store %arg8[%swap3A_1421, %swap3A_1422, %swap3A_1423, %swap3A_1424], %gather3A_1273 {strides = array<i32>} : memref<2x10x8x512xf32, #tpu.memory_space<vmem>>, vector<16xf32>,
        %gather3A_1426 = arith.constant 1440 : i32
        %gather3A_1427 = tpu.memref_slice %arg6[%gather3A_1426] : memref<1600xf32, #tpu.memory_space<vmem>> -> memref<160xf32, #tpu.memory_space<vmem>>
        %gather3A_1428 = tpu.vector_load_idx %gather3A_1427[%or3A_1308] : memref<160xf32, #tpu.memory_space<vmem>>[vector<16xi32>], vector<16xf32>,
        %mul3A_1429 = arith.constant 16 : i32
        %mul3A_1430 = arith.muli %scan3A_831, %mul3A_1429 : i32
        %swap3A_1431 = arith.constant 0 : i32
        %swap3A_1432 = arith.constant 9 : i32
        %swap3A_1433 = arith.constant 3 : i32
        %swap3A_1434 = arith.index_cast %swap3A_1431 : i32 to index
        %swap3A_1435 = arith.index_cast %swap3A_1432 : i32 to index
        %swap3A_1436 = arith.index_cast %swap3A_1433 : i32 to index
        %swap3A_1437 = arith.index_cast %mul3A_1430 : i32 to index
        %swap3A_1438 = tpu.vector_load %arg8[%swap3A_1434, %swap3A_1435, %swap3A_1436, %swap3A_1437] {strides = array<i32>} : memref<2x10x8x512xf32, #tpu.memory_space<vmem>>, vector<16xf32>,
        tpu.vector_store %arg8[%swap3A_1434, %swap3A_1435, %swap3A_1436, %swap3A_1437], %gather3A_1286 {strides = array<i32>} : memref<2x10x8x512xf32, #tpu.memory_space<vmem>>, vector<16xf32>,
        %mul3A_1439 = arith.constant 16 : i32
        %mul3A_1440 = arith.muli %scan3A_831, %mul3A_1439 : i32
        %get3A_1441 = arith.constant 0 : i32
        %get3A_1442 = arith.constant 5 : i32
        %get3A_1443 = arith.index_cast %get3A_1441 : i32 to index
        %get3A_1444 = arith.index_cast %get3A_1442 : i32 to index
        %get3A_1445 = arith.index_cast %mul3A_1440 : i32 to index
        %get3A_1446 = tpu.vector_load %arg7[%get3A_1443, %get3A_1444, %get3A_1445] {strides = array<i32>} : memref<2x8x512xi32, #tpu.memory_space<vmem>>, vector<16xi32>,
        %shift_left3A_1447 = arith.constant 4 : i32
        %shift_left3A_1448 = vector.broadcast %shift_left3A_1447 : i32 to vector<16xi32>
        %shift_left3A_1449 = arith.shli %get3A_1446, %shift_left3A_1448 : vector<16xi32>
        %or3A_1450 = arith.ori %shift_left3A_1449, %iota3A : vector<16xi32>
        %gather3A_1451 = arith.constant 0 : i32
        %gather3A_1452 = tpu.memref_slice %arg6[%gather3A_1451] : memref<1600xf32, #tpu.memory_space<vmem>> -> memref<160xf32, #tpu.memory_space<vmem>>
        %gather3A_1453 = tpu.vector_load_idx %gather3A_1452[%or3A_1450] : memref<160xf32, #tpu.memory_space<vmem>>[vector<16xi32>], vector<16xf32>,
        %mul3A_1454 = arith.constant 16 : i32
        %mul3A_1455 = arith.muli %scan3A_831, %mul3A_1454 : i32
        %swap3A_1456 = arith.constant 0 : i32
        %swap3A_1457 = arith.constant 0 : i32
        %swap3A_1458 = arith.constant 4 : i32
        %swap3A_1459 = arith.index_cast %swap3A_1456 : i32 to index
        %swap3A_1460 = arith.index_cast %swap3A_1457 : i32 to index
        %swap3A_1461 = arith.index_cast %swap3A_1458 : i32 to index
        %swap3A_1462 = arith.index_cast %mul3A_1455 : i32 to index
        %swap3A_1463 = tpu.vector_load %arg8[%swap3A_1459, %swap3A_1460, %swap3A_1461, %swap3A_1462] {strides = array<i32>} : memref<2x10x8x512xf32, #tpu.memory_space<vmem>>, vector<16xf32>,
        tpu.vector_store %arg8[%swap3A_1459, %swap3A_1460, %swap3A_1461, %swap3A_1462], %gather3A_1311 {strides = array<i32>} : memref<2x10x8x512xf32, #tpu.memory_space<vmem>>, vector<16xf32>,
        %gather3A_1464 = arith.constant 160 : i32
        %gather3A_1465 = tpu.memref_slice %arg6[%gather3A_1464] : memref<1600xf32, #tpu.memory_space<vmem>> -> memref<160xf32, #tpu.memory_space<vmem>>
        %gather3A_1466 = tpu.vector_load_idx %gather3A_1465[%or3A_1450] : memref<160xf32, #tpu.memory_space<vmem>>[vector<16xi32>], vector<16xf32>,
        %mul3A_1467 = arith.constant 16 : i32
        %mul3A_1468 = arith.muli %scan3A_831, %mul3A_1467 : i32
        %swap3A_1469 = arith.constant 0 : i32
        %swap3A_1470 = arith.constant 1 : i32
        %swap3A_1471 = arith.constant 4 : i32
        %swap3A_1472 = arith.index_cast %swap3A_1469 : i32 to index
        %swap3A_1473 = arith.index_cast %swap3A_1470 : i32 to index
        %swap3A_1474 = arith.index_cast %swap3A_1471 : i32 to index
        %swap3A_1475 = arith.index_cast %mul3A_1468 : i32 to index
        %swap3A_1476 = tpu.vector_load %arg8[%swap3A_1472, %swap3A_1473, %swap3A_1474, %swap3A_1475] {strides = array<i32>} : memref<2x10x8x512xf32, #tpu.memory_space<vmem>>, vector<16xf32>,
        tpu.vector_store %arg8[%swap3A_1472, %swap3A_1473, %swap3A_1474, %swap3A_1475], %gather3A_1324 {strides = array<i32>} : memref<2x10x8x512xf32, #tpu.memory_space<vmem>>, vector<16xf32>,
        %gather3A_1477 = arith.constant 320 : i32
        %gather3A_1478 = tpu.memref_slice %arg6[%gather3A_1477] : memref<1600xf32, #tpu.memory_space<vmem>> -> memref<160xf32, #tpu.memory_space<vmem>>
        %gather3A_1479 = tpu.vector_load_idx %gather3A_1478[%or3A_1450] : memref<160xf32, #tpu.memory_space<vmem>>[vector<16xi32>], vector<16xf32>,
        %mul3A_1480 = arith.constant 16 : i32
        %mul3A_1481 = arith.muli %scan3A_831, %mul3A_1480 : i32
        %swap3A_1482 = arith.constant 0 : i32
        %swap3A_1483 = arith.constant 2 : i32
        %swap3A_1484 = arith.constant 4 : i32
        %swap3A_1485 = arith.index_cast %swap3A_1482 : i32 to index
        %swap3A_1486 = arith.index_cast %swap3A_1483 : i32 to index
        %swap3A_1487 = arith.index_cast %swap3A_1484 : i32 to index
        %swap3A_1488 = arith.index_cast %mul3A_1481 : i32 to index
        %swap3A_1489 = tpu.vector_load %arg8[%swap3A_1485, %swap3A_1486, %swap3A_1487, %swap3A_1488] {strides = array<i32>} : memref<2x10x8x512xf32, #tpu.memory_space<vmem>>, vector<16xf32>,
        tpu.vector_store %arg8[%swap3A_1485, %swap3A_1486, %swap3A_1487, %swap3A_1488], %gather3A_1337 {strides = array<i32>} : memref<2x10x8x512xf32, #tpu.memory_space<vmem>>, vector<16xf32>,
        %gather3A_1490 = arith.constant 480 : i32
        %gather3A_1491 = tpu.memref_slice %arg6[%gather3A_1490] : memref<1600xf32, #tpu.memory_space<vmem>> -> memref<160xf32, #tpu.memory_space<vmem>>
        %gather3A_1492 = tpu.vector_load_idx %gather3A_1491[%or3A_1450] : memref<160xf32, #tpu.memory_space<vmem>>[vector<16xi32>], vector<16xf32>,
        %mul3A_1493 = arith.constant 16 : i32
        %mul3A_1494 = arith.muli %scan3A_831, %mul3A_1493 : i32
        %swap3A_1495 = arith.constant 0 : i32
        %swap3A_1496 = arith.constant 3 : i32
        %swap3A_1497 = arith.constant 4 : i32
        %swap3A_1498 = arith.index_cast %swap3A_1495 : i32 to index
        %swap3A_1499 = arith.index_cast %swap3A_1496 : i32 to index
        %swap3A_1500 = arith.index_cast %swap3A_1497 : i32 to index
        %swap3A_1501 = arith.index_cast %mul3A_1494 : i32 to index
        %swap3A_1502 = tpu.vector_load %arg8[%swap3A_1498, %swap3A_1499, %swap3A_1500, %swap3A_1501] {strides = array<i32>} : memref<2x10x8x512xf32, #tpu.memory_space<vmem>>, vector<16xf32>,
        tpu.vector_store %arg8[%swap3A_1498, %swap3A_1499, %swap3A_1500, %swap3A_1501], %gather3A_1350 {strides = array<i32>} : memref<2x10x8x512xf32, #tpu.memory_space<vmem>>, vector<16xf32>,
        %gather3A_1503 = arith.constant 640 : i32
        %gather3A_1504 = tpu.memref_slice %arg6[%gather3A_1503] : memref<1600xf32, #tpu.memory_space<vmem>> -> memref<160xf32, #tpu.memory_space<vmem>>
        %gather3A_1505 = tpu.vector_load_idx %gather3A_1504[%or3A_1450] : memref<160xf32, #tpu.memory_space<vmem>>[vector<16xi32>], vector<16xf32>,
        %mul3A_1506 = arith.constant 16 : i32
        %mul3A_1507 = arith.muli %scan3A_831, %mul3A_1506 : i32
        %swap3A_1508 = arith.constant 0 : i32
        %swap3A_1509 = arith.constant 4 : i32
        %swap3A_1510 = arith.constant 4 : i32
        %swap3A_1511 = arith.index_cast %swap3A_1508 : i32 to index
        %swap3A_1512 = arith.index_cast %swap3A_1509 : i32 to index
        %swap3A_1513 = arith.index_cast %swap3A_1510 : i32 to index
        %swap3A_1514 = arith.index_cast %mul3A_1507 : i32 to index
        %swap3A_1515 = tpu.vector_load %arg8[%swap3A_1511, %swap3A_1512, %swap3A_1513, %swap3A_1514] {strides = array<i32>} : memref<2x10x8x512xf32, #tpu.memory_space<vmem>>, vector<16xf32>,
        tpu.vector_store %arg8[%swap3A_1511, %swap3A_1512, %swap3A_1513, %swap3A_1514], %gather3A_1363 {strides = array<i32>} : memref<2x10x8x512xf32, #tpu.memory_space<vmem>>, vector<16xf32>,
        %gather3A_1516 = arith.constant 800 : i32
        %gather3A_1517 = tpu.memref_slice %arg6[%gather3A_1516] : memref<1600xf32, #tpu.memory_space<vmem>> -> memref<160xf32, #tpu.memory_space<vmem>>
        %gather3A_1518 = tpu.vector_load_idx %gather3A_1517[%or3A_1450] : memref<160xf32, #tpu.memory_space<vmem>>[vector<16xi32>], vector<16xf32>,
        %mul3A_1519 = arith.constant 16 : i32
        %mul3A_1520 = arith.muli %scan3A_831, %mul3A_1519 : i32
        %swap3A_1521 = arith.constant 0 : i32
        %swap3A_1522 = arith.constant 5 : i32
        %swap3A_1523 = arith.constant 4 : i32
        %swap3A_1524 = arith.index_cast %swap3A_1521 : i32 to index
        %swap3A_1525 = arith.index_cast %swap3A_1522 : i32 to index
        %swap3A_1526 = arith.index_cast %swap3A_1523 : i32 to index
        %swap3A_1527 = arith.index_cast %mul3A_1520 : i32 to index
        %swap3A_1528 = tpu.vector_load %arg8[%swap3A_1524, %swap3A_1525, %swap3A_1526, %swap3A_1527] {strides = array<i32>} : memref<2x10x8x512xf32, #tpu.memory_space<vmem>>, vector<16xf32>,
        tpu.vector_store %arg8[%swap3A_1524, %swap3A_1525, %swap3A_1526, %swap3A_1527], %gather3A_1376 {strides = array<i32>} : memref<2x10x8x512xf32, #tpu.memory_space<vmem>>, vector<16xf32>,
        %gather3A_1529 = arith.constant 960 : i32
        %gather3A_1530 = tpu.memref_slice %arg6[%gather3A_1529] : memref<1600xf32, #tpu.memory_space<vmem>> -> memref<160xf32, #tpu.memory_space<vmem>>
        %gather3A_1531 = tpu.vector_load_idx %gather3A_1530[%or3A_1450] : memref<160xf32, #tpu.memory_space<vmem>>[vector<16xi32>], vector<16xf32>,
        %mul3A_1532 = arith.constant 16 : i32
        %mul3A_1533 = arith.muli %scan3A_831, %mul3A_1532 : i32
        %swap3A_1534 = arith.constant 0 : i32
        %swap3A_1535 = arith.constant 6 : i32
        %swap3A_1536 = arith.constant 4 : i32
        %swap3A_1537 = arith.index_cast %swap3A_1534 : i32 to index
        %swap3A_1538 = arith.index_cast %swap3A_1535 : i32 to index
        %swap3A_1539 = arith.index_cast %swap3A_1536 : i32 to index
        %swap3A_1540 = arith.index_cast %mul3A_1533 : i32 to index
        %swap3A_1541 = tpu.vector_load %arg8[%swap3A_1537, %swap3A_1538, %swap3A_1539, %swap3A_1540] {strides = array<i32>} : memref<2x10x8x512xf32, #tpu.memory_space<vmem>>, vector<16xf32>,
        tpu.vector_store %arg8[%swap3A_1537, %swap3A_1538, %swap3A_1539, %swap3A_1540], %gather3A_1389 {strides = array<i32>} : memref<2x10x8x512xf32, #tpu.memory_space<vmem>>, vector<16xf32>,
        %gather3A_1542 = arith.constant 1120 : i32
        %gather3A_1543 = tpu.memref_slice %arg6[%gather3A_1542] : memref<1600xf32, #tpu.memory_space<vmem>> -> memref<160xf32, #tpu.memory_space<vmem>>
        %gather3A_1544 = tpu.vector_load_idx %gather3A_1543[%or3A_1450] : memref<160xf32, #tpu.memory_space<vmem>>[vector<16xi32>], vector<16xf32>,
        %mul3A_1545 = arith.constant 16 : i32
        %mul3A_1546 = arith.muli %scan3A_831, %mul3A_1545 : i32
        %swap3A_1547 = arith.constant 0 : i32
        %swap3A_1548 = arith.constant 7 : i32
        %swap3A_1549 = arith.constant 4 : i32
        %swap3A_1550 = arith.index_cast %swap3A_1547 : i32 to index
        %swap3A_1551 = arith.index_cast %swap3A_1548 : i32 to index
        %swap3A_1552 = arith.index_cast %swap3A_1549 : i32 to index
        %swap3A_1553 = arith.index_cast %mul3A_1546 : i32 to index
        %swap3A_1554 = tpu.vector_load %arg8[%swap3A_1550, %swap3A_1551, %swap3A_1552, %swap3A_1553] {strides = array<i32>} : memref<2x10x8x512xf32, #tpu.memory_space<vmem>>, vector<16xf32>,
        tpu.vector_store %arg8[%swap3A_1550, %swap3A_1551, %swap3A_1552, %swap3A_1553], %gather3A_1402 {strides = array<i32>} : memref<2x10x8x512xf32, #tpu.memory_space<vmem>>, vector<16xf32>,
        %gather3A_1555 = arith.constant 1280 : i32
        %gather3A_1556 = tpu.memref_slice %arg6[%gather3A_1555] : memref<1600xf32, #tpu.memory_space<vmem>> -> memref<160xf32, #tpu.memory_space<vmem>>
        %gather3A_1557 = tpu.vector_load_idx %gather3A_1556[%or3A_1450] : memref<160xf32, #tpu.memory_space<vmem>>[vector<16xi32>], vector<16xf32>,
        %mul3A_1558 = arith.constant 16 : i32
        %mul3A_1559 = arith.muli %scan3A_831, %mul3A_1558 : i32
        %swap3A_1560 = arith.constant 0 : i32
        %swap3A_1561 = arith.constant 8 : i32
        %swap3A_1562 = arith.constant 4 : i32
        %swap3A_1563 = arith.index_cast %swap3A_1560 : i32 to index
        %swap3A_1564 = arith.index_cast %swap3A_1561 : i32 to index
        %swap3A_1565 = arith.index_cast %swap3A_1562 : i32 to index
        %swap3A_1566 = arith.index_cast %mul3A_1559 : i32 to index
        %swap3A_1567 = tpu.vector_load %arg8[%swap3A_1563, %swap3A_1564, %swap3A_1565, %swap3A_1566] {strides = array<i32>} : memref<2x10x8x512xf32, #tpu.memory_space<vmem>>, vector<16xf32>,
        tpu.vector_store %arg8[%swap3A_1563, %swap3A_1564, %swap3A_1565, %swap3A_1566], %gather3A_1415 {strides = array<i32>} : memref<2x10x8x512xf32, #tpu.memory_space<vmem>>, vector<16xf32>,
        %gather3A_1568 = arith.constant 1440 : i32
        %gather3A_1569 = tpu.memref_slice %arg6[%gather3A_1568] : memref<1600xf32, #tpu.memory_space<vmem>> -> memref<160xf32, #tpu.memory_space<vmem>>
        %gather3A_1570 = tpu.vector_load_idx %gather3A_1569[%or3A_1450] : memref<160xf32, #tpu.memory_space<vmem>>[vector<16xi32>], vector<16xf32>,
        %mul3A_1571 = arith.constant 16 : i32
        %mul3A_1572 = arith.muli %scan3A_831, %mul3A_1571 : i32
        %swap3A_1573 = arith.constant 0 : i32
        %swap3A_1574 = arith.constant 9 : i32
        %swap3A_1575 = arith.constant 4 : i32
        %swap3A_1576 = arith.index_cast %swap3A_1573 : i32 to index
        %swap3A_1577 = arith.index_cast %swap3A_1574 : i32 to index
        %swap3A_1578 = arith.index_cast %swap3A_1575 : i32 to index
        %swap3A_1579 = arith.index_cast %mul3A_1572 : i32 to index
        %swap3A_1580 = tpu.vector_load %arg8[%swap3A_1576, %swap3A_1577, %swap3A_1578, %swap3A_1579] {strides = array<i32>} : memref<2x10x8x512xf32, #tpu.memory_space<vmem>>, vector<16xf32>,
        tpu.vector_store %arg8[%swap3A_1576, %swap3A_1577, %swap3A_1578, %swap3A_1579], %gather3A_1428 {strides = array<i32>} : memref<2x10x8x512xf32, #tpu.memory_space<vmem>>, vector<16xf32>,
        %mul3A_1581 = arith.constant 16 : i32
        %mul3A_1582 = arith.muli %scan3A_831, %mul3A_1581 : i32
        %get3A_1583 = arith.constant 0 : i32
        %get3A_1584 = arith.constant 6 : i32
        %get3A_1585 = arith.index_cast %get3A_1583 : i32 to index
        %get3A_1586 = arith.index_cast %get3A_1584 : i32 to index
        %get3A_1587 = arith.index_cast %mul3A_1582 : i32 to index
        %get3A_1588 = tpu.vector_load %arg7[%get3A_1585, %get3A_1586, %get3A_1587] {strides = array<i32>} : memref<2x8x512xi32, #tpu.memory_space<vmem>>, vector<16xi32>,
        %shift_left3A_1589 = arith.constant 4 : i32
        %shift_left3A_1590 = vector.broadcast %shift_left3A_1589 : i32 to vector<16xi32>
        %shift_left3A_1591 = arith.shli %get3A_1588, %shift_left3A_1590 : vector<16xi32>
        %or3A_1592 = arith.ori %shift_left3A_1591, %iota3A : vector<16xi32>
        %gather3A_1593 = arith.constant 0 : i32
        %gather3A_1594 = tpu.memref_slice %arg6[%gather3A_1593] : memref<1600xf32, #tpu.memory_space<vmem>> -> memref<160xf32, #tpu.memory_space<vmem>>
        %gather3A_1595 = tpu.vector_load_idx %gather3A_1594[%or3A_1592] : memref<160xf32, #tpu.memory_space<vmem>>[vector<16xi32>], vector<16xf32>,
        %mul3A_1596 = arith.constant 16 : i32
        %mul3A_1597 = arith.muli %scan3A_831, %mul3A_1596 : i32
        %swap3A_1598 = arith.constant 0 : i32
        %swap3A_1599 = arith.constant 0 : i32
        %swap3A_1600 = arith.constant 5 : i32
        %swap3A_1601 = arith.index_cast %swap3A_1598 : i32 to index
        %swap3A_1602 = arith.index_cast %swap3A_1599 : i32 to index
        %swap3A_1603 = arith.index_cast %swap3A_1600 : i32 to index
        %swap3A_1604 = arith.index_cast %mul3A_1597 : i32 to index
        %swap3A_1605 = tpu.vector_load %arg8[%swap3A_1601, %swap3A_1602, %swap3A_1603, %swap3A_1604] {strides = array<i32>} : memref<2x10x8x512xf32, #tpu.memory_space<vmem>>, vector<16xf32>,
        tpu.vector_store %arg8[%swap3A_1601, %swap3A_1602, %swap3A_1603, %swap3A_1604], %gather3A_1453 {strides = array<i32>} : memref<2x10x8x512xf32, #tpu.memory_space<vmem>>, vector<16xf32>,
        %gather3A_1606 = arith.constant 160 : i32
        %gather3A_1607 = tpu.memref_slice %arg6[%gather3A_1606] : memref<1600xf32, #tpu.memory_space<vmem>> -> memref<160xf32, #tpu.memory_space<vmem>>
        %gather3A_1608 = tpu.vector_load_idx %gather3A_1607[%or3A_1592] : memref<160xf32, #tpu.memory_space<vmem>>[vector<16xi32>], vector<16xf32>,
        %mul3A_1609 = arith.constant 16 : i32
        %mul3A_1610 = arith.muli %scan3A_831, %mul3A_1609 : i32
        %swap3A_1611 = arith.constant 0 : i32
        %swap3A_1612 = arith.constant 1 : i32
        %swap3A_1613 = arith.constant 5 : i32
        %swap3A_1614 = arith.index_cast %swap3A_1611 : i32 to index
        %swap3A_1615 = arith.index_cast %swap3A_1612 : i32 to index
        %swap3A_1616 = arith.index_cast %swap3A_1613 : i32 to index
        %swap3A_1617 = arith.index_cast %mul3A_1610 : i32 to index
        %swap3A_1618 = tpu.vector_load %arg8[%swap3A_1614, %swap3A_1615, %swap3A_1616, %swap3A_1617] {strides = array<i32>} : memref<2x10x8x512xf32, #tpu.memory_space<vmem>>, vector<16xf32>,
        tpu.vector_store %arg8[%swap3A_1614, %swap3A_1615, %swap3A_1616, %swap3A_1617], %gather3A_1466 {strides = array<i32>} : memref<2x10x8x512xf32, #tpu.memory_space<vmem>>, vector<16xf32>,
        %gather3A_1619 = arith.constant 320 : i32
        %gather3A_1620 = tpu.memref_slice %arg6[%gather3A_1619] : memref<1600xf32, #tpu.memory_space<vmem>> -> memref<160xf32, #tpu.memory_space<vmem>>
        %gather3A_1621 = tpu.vector_load_idx %gather3A_1620[%or3A_1592] : memref<160xf32, #tpu.memory_space<vmem>>[vector<16xi32>], vector<16xf32>,
        %mul3A_1622 = arith.constant 16 : i32
        %mul3A_1623 = arith.muli %scan3A_831, %mul3A_1622 : i32
        %swap3A_1624 = arith.constant 0 : i32
        %swap3A_1625 = arith.constant 2 : i32
        %swap3A_1626 = arith.constant 5 : i32
        %swap3A_1627 = arith.index_cast %swap3A_1624 : i32 to index
        %swap3A_1628 = arith.index_cast %swap3A_1625 : i32 to index
        %swap3A_1629 = arith.index_cast %swap3A_1626 : i32 to index
        %swap3A_1630 = arith.index_cast %mul3A_1623 : i32 to index
        %swap3A_1631 = tpu.vector_load %arg8[%swap3A_1627, %swap3A_1628, %swap3A_1629, %swap3A_1630] {strides = array<i32>} : memref<2x10x8x512xf32, #tpu.memory_space<vmem>>, vector<16xf32>,
        tpu.vector_store %arg8[%swap3A_1627, %swap3A_1628, %swap3A_1629, %swap3A_1630], %gather3A_1479 {strides = array<i32>} : memref<2x10x8x512xf32, #tpu.memory_space<vmem>>, vector<16xf32>,
        %gather3A_1632 = arith.constant 480 : i32
        %gather3A_1633 = tpu.memref_slice %arg6[%gather3A_1632] : memref<1600xf32, #tpu.memory_space<vmem>> -> memref<160xf32, #tpu.memory_space<vmem>>
        %gather3A_1634 = tpu.vector_load_idx %gather3A_1633[%or3A_1592] : memref<160xf32, #tpu.memory_space<vmem>>[vector<16xi32>], vector<16xf32>,
        %mul3A_1635 = arith.constant 16 : i32
        %mul3A_1636 = arith.muli %scan3A_831, %mul3A_1635 : i32
        %swap3A_1637 = arith.constant 0 : i32
        %swap3A_1638 = arith.constant 3 : i32
        %swap3A_1639 = arith.constant 5 : i32
        %swap3A_1640 = arith.index_cast %swap3A_1637 : i32 to index
        %swap3A_1641 = arith.index_cast %swap3A_1638 : i32 to index
        %swap3A_1642 = arith.index_cast %swap3A_1639 : i32 to index
        %swap3A_1643 = arith.index_cast %mul3A_1636 : i32 to index
        %swap3A_1644 = tpu.vector_load %arg8[%swap3A_1640, %swap3A_1641, %swap3A_1642, %swap3A_1643] {strides = array<i32>} : memref<2x10x8x512xf32, #tpu.memory_space<vmem>>, vector<16xf32>,
        tpu.vector_store %arg8[%swap3A_1640, %swap3A_1641, %swap3A_1642, %swap3A_1643], %gather3A_1492 {strides = array<i32>} : memref<2x10x8x512xf32, #tpu.memory_space<vmem>>, vector<16xf32>,
        %gather3A_1645 = arith.constant 640 : i32
        %gather3A_1646 = tpu.memref_slice %arg6[%gather3A_1645] : memref<1600xf32, #tpu.memory_space<vmem>> -> memref<160xf32, #tpu.memory_space<vmem>>
        %gather3A_1647 = tpu.vector_load_idx %gather3A_1646[%or3A_1592] : memref<160xf32, #tpu.memory_space<vmem>>[vector<16xi32>], vector<16xf32>,
        %mul3A_1648 = arith.constant 16 : i32
        %mul3A_1649 = arith.muli %scan3A_831, %mul3A_1648 : i32
        %swap3A_1650 = arith.constant 0 : i32
        %swap3A_1651 = arith.constant 4 : i32
        %swap3A_1652 = arith.constant 5 : i32
        %swap3A_1653 = arith.index_cast %swap3A_1650 : i32 to index
        %swap3A_1654 = arith.index_cast %swap3A_1651 : i32 to index
        %swap3A_1655 = arith.index_cast %swap3A_1652 : i32 to index
        %swap3A_1656 = arith.index_cast %mul3A_1649 : i32 to index
        %swap3A_1657 = tpu.vector_load %arg8[%swap3A_1653, %swap3A_1654, %swap3A_1655, %swap3A_1656] {strides = array<i32>} : memref<2x10x8x512xf32, #tpu.memory_space<vmem>>, vector<16xf32>,
        tpu.vector_store %arg8[%swap3A_1653, %swap3A_1654, %swap3A_1655, %swap3A_1656], %gather3A_1505 {strides = array<i32>} : memref<2x10x8x512xf32, #tpu.memory_space<vmem>>, vector<16xf32>,
        %gather3A_1658 = arith.constant 800 : i32
        %gather3A_1659 = tpu.memref_slice %arg6[%gather3A_1658] : memref<1600xf32, #tpu.memory_space<vmem>> -> memref<160xf32, #tpu.memory_space<vmem>>
        %gather3A_1660 = tpu.vector_load_idx %gather3A_1659[%or3A_1592] : memref<160xf32, #tpu.memory_space<vmem>>[vector<16xi32>], vector<16xf32>,
        %mul3A_1661 = arith.constant 16 : i32
        %mul3A_1662 = arith.muli %scan3A_831, %mul3A_1661 : i32
        %swap3A_1663 = arith.constant 0 : i32
        %swap3A_1664 = arith.constant 5 : i32
        %swap3A_1665 = arith.constant 5 : i32
        %swap3A_1666 = arith.index_cast %swap3A_1663 : i32 to index
        %swap3A_1667 = arith.index_cast %swap3A_1664 : i32 to index
        %swap3A_1668 = arith.index_cast %swap3A_1665 : i32 to index
        %swap3A_1669 = arith.index_cast %mul3A_1662 : i32 to index
        %swap3A_1670 = tpu.vector_load %arg8[%swap3A_1666, %swap3A_1667, %swap3A_1668, %swap3A_1669] {strides = array<i32>} : memref<2x10x8x512xf32, #tpu.memory_space<vmem>>, vector<16xf32>,
        tpu.vector_store %arg8[%swap3A_1666, %swap3A_1667, %swap3A_1668, %swap3A_1669], %gather3A_1518 {strides = array<i32>} : memref<2x10x8x512xf32, #tpu.memory_space<vmem>>, vector<16xf32>,
        %gather3A_1671 = arith.constant 960 : i32
        %gather3A_1672 = tpu.memref_slice %arg6[%gather3A_1671] : memref<1600xf32, #tpu.memory_space<vmem>> -> memref<160xf32, #tpu.memory_space<vmem>>
        %gather3A_1673 = tpu.vector_load_idx %gather3A_1672[%or3A_1592] : memref<160xf32, #tpu.memory_space<vmem>>[vector<16xi32>], vector<16xf32>,
        %mul3A_1674 = arith.constant 16 : i32
        %mul3A_1675 = arith.muli %scan3A_831, %mul3A_1674 : i32
        %swap3A_1676 = arith.constant 0 : i32
        %swap3A_1677 = arith.constant 6 : i32
        %swap3A_1678 = arith.constant 5 : i32
        %swap3A_1679 = arith.index_cast %swap3A_1676 : i32 to index
        %swap3A_1680 = arith.index_cast %swap3A_1677 : i32 to index
        %swap3A_1681 = arith.index_cast %swap3A_1678 : i32 to index
        %swap3A_1682 = arith.index_cast %mul3A_1675 : i32 to index
        %swap3A_1683 = tpu.vector_load %arg8[%swap3A_1679, %swap3A_1680, %swap3A_1681, %swap3A_1682] {strides = array<i32>} : memref<2x10x8x512xf32, #tpu.memory_space<vmem>>, vector<16xf32>,
        tpu.vector_store %arg8[%swap3A_1679, %swap3A_1680, %swap3A_1681, %swap3A_1682], %gather3A_1531 {strides = array<i32>} : memref<2x10x8x512xf32, #tpu.memory_space<vmem>>, vector<16xf32>,
        %gather3A_1684 = arith.constant 1120 : i32
        %gather3A_1685 = tpu.memref_slice %arg6[%gather3A_1684] : memref<1600xf32, #tpu.memory_space<vmem>> -> memref<160xf32, #tpu.memory_space<vmem>>
        %gather3A_1686 = tpu.vector_load_idx %gather3A_1685[%or3A_1592] : memref<160xf32, #tpu.memory_space<vmem>>[vector<16xi32>], vector<16xf32>,
        %mul3A_1687 = arith.constant 16 : i32
        %mul3A_1688 = arith.muli %scan3A_831, %mul3A_1687 : i32
        %swap3A_1689 = arith.constant 0 : i32
        %swap3A_1690 = arith.constant 7 : i32
        %swap3A_1691 = arith.constant 5 : i32
        %swap3A_1692 = arith.index_cast %swap3A_1689 : i32 to index
        %swap3A_1693 = arith.index_cast %swap3A_1690 : i32 to index
        %swap3A_1694 = arith.index_cast %swap3A_1691 : i32 to index
        %swap3A_1695 = arith.index_cast %mul3A_1688 : i32 to index
        %swap3A_1696 = tpu.vector_load %arg8[%swap3A_1692, %swap3A_1693, %swap3A_1694, %swap3A_1695] {strides = array<i32>} : memref<2x10x8x512xf32, #tpu.memory_space<vmem>>, vector<16xf32>,
        tpu.vector_store %arg8[%swap3A_1692, %swap3A_1693, %swap3A_1694, %swap3A_1695], %gather3A_1544 {strides = array<i32>} : memref<2x10x8x512xf32, #tpu.memory_space<vmem>>, vector<16xf32>,
        %gather3A_1697 = arith.constant 1280 : i32
        %gather3A_1698 = tpu.memref_slice %arg6[%gather3A_1697] : memref<1600xf32, #tpu.memory_space<vmem>> -> memref<160xf32, #tpu.memory_space<vmem>>
        %gather3A_1699 = tpu.vector_load_idx %gather3A_1698[%or3A_1592] : memref<160xf32, #tpu.memory_space<vmem>>[vector<16xi32>], vector<16xf32>,
        %mul3A_1700 = arith.constant 16 : i32
        %mul3A_1701 = arith.muli %scan3A_831, %mul3A_1700 : i32
        %swap3A_1702 = arith.constant 0 : i32
        %swap3A_1703 = arith.constant 8 : i32
        %swap3A_1704 = arith.constant 5 : i32
        %swap3A_1705 = arith.index_cast %swap3A_1702 : i32 to index
        %swap3A_1706 = arith.index_cast %swap3A_1703 : i32 to index
        %swap3A_1707 = arith.index_cast %swap3A_1704 : i32 to index
        %swap3A_1708 = arith.index_cast %mul3A_1701 : i32 to index
        %swap3A_1709 = tpu.vector_load %arg8[%swap3A_1705, %swap3A_1706, %swap3A_1707, %swap3A_1708] {strides = array<i32>} : memref<2x10x8x512xf32, #tpu.memory_space<vmem>>, vector<16xf32>,
        tpu.vector_store %arg8[%swap3A_1705, %swap3A_1706, %swap3A_1707, %swap3A_1708], %gather3A_1557 {strides = array<i32>} : memref<2x10x8x512xf32, #tpu.memory_space<vmem>>, vector<16xf32>,
        %gather3A_1710 = arith.constant 1440 : i32
        %gather3A_1711 = tpu.memref_slice %arg6[%gather3A_1710] : memref<1600xf32, #tpu.memory_space<vmem>> -> memref<160xf32, #tpu.memory_space<vmem>>
        %gather3A_1712 = tpu.vector_load_idx %gather3A_1711[%or3A_1592] : memref<160xf32, #tpu.memory_space<vmem>>[vector<16xi32>], vector<16xf32>,
        %mul3A_1713 = arith.constant 16 : i32
        %mul3A_1714 = arith.muli %scan3A_831, %mul3A_1713 : i32
        %swap3A_1715 = arith.constant 0 : i32
        %swap3A_1716 = arith.constant 9 : i32
        %swap3A_1717 = arith.constant 5 : i32
        %swap3A_1718 = arith.index_cast %swap3A_1715 : i32 to index
        %swap3A_1719 = arith.index_cast %swap3A_1716 : i32 to index
        %swap3A_1720 = arith.index_cast %swap3A_1717 : i32 to index
        %swap3A_1721 = arith.index_cast %mul3A_1714 : i32 to index
        %swap3A_1722 = tpu.vector_load %arg8[%swap3A_1718, %swap3A_1719, %swap3A_1720, %swap3A_1721] {strides = array<i32>} : memref<2x10x8x512xf32, #tpu.memory_space<vmem>>, vector<16xf32>,
        tpu.vector_store %arg8[%swap3A_1718, %swap3A_1719, %swap3A_1720, %swap3A_1721], %gather3A_1570 {strides = array<i32>} : memref<2x10x8x512xf32, #tpu.memory_space<vmem>>, vector<16xf32>,
        %mul3A_1723 = arith.constant 16 : i32
        %mul3A_1724 = arith.muli %scan3A_831, %mul3A_1723 : i32
        %get3A_1725 = arith.constant 0 : i32
        %get3A_1726 = arith.constant 7 : i32
        %get3A_1727 = arith.index_cast %get3A_1725 : i32 to index
        %get3A_1728 = arith.index_cast %get3A_1726 : i32 to index
        %get3A_1729 = arith.index_cast %mul3A_1724 : i32 to index
        %get3A_1730 = tpu.vector_load %arg7[%get3A_1727, %get3A_1728, %get3A_1729] {strides = array<i32>} : memref<2x8x512xi32, #tpu.memory_space<vmem>>, vector<16xi32>,
        %shift_left3A_1731 = arith.constant 4 : i32
        %shift_left3A_1732 = vector.broadcast %shift_left3A_1731 : i32 to vector<16xi32>
        %shift_left3A_1733 = arith.shli %get3A_1730, %shift_left3A_1732 : vector<16xi32>
        %or3A_1734 = arith.ori %shift_left3A_1733, %iota3A : vector<16xi32>
        %gather3A_1735 = arith.constant 0 : i32
        %gather3A_1736 = tpu.memref_slice %arg6[%gather3A_1735] : memref<1600xf32, #tpu.memory_space<vmem>> -> memref<160xf32, #tpu.memory_space<vmem>>
        %gather3A_1737 = tpu.vector_load_idx %gather3A_1736[%or3A_1734] : memref<160xf32, #tpu.memory_space<vmem>>[vector<16xi32>], vector<16xf32>,
        %mul3A_1738 = arith.constant 16 : i32
        %mul3A_1739 = arith.muli %scan3A_831, %mul3A_1738 : i32
        %swap3A_1740 = arith.constant 0 : i32
        %swap3A_1741 = arith.constant 0 : i32
        %swap3A_1742 = arith.constant 6 : i32
        %swap3A_1743 = arith.index_cast %swap3A_1740 : i32 to index
        %swap3A_1744 = arith.index_cast %swap3A_1741 : i32 to index
        %swap3A_1745 = arith.index_cast %swap3A_1742 : i32 to index
        %swap3A_1746 = arith.index_cast %mul3A_1739 : i32 to index
        %swap3A_1747 = tpu.vector_load %arg8[%swap3A_1743, %swap3A_1744, %swap3A_1745, %swap3A_1746] {strides = array<i32>} : memref<2x10x8x512xf32, #tpu.memory_space<vmem>>, vector<16xf32>,
        tpu.vector_store %arg8[%swap3A_1743, %swap3A_1744, %swap3A_1745, %swap3A_1746], %gather3A_1595 {strides = array<i32>} : memref<2x10x8x512xf32, #tpu.memory_space<vmem>>, vector<16xf32>,
        %gather3A_1748 = arith.constant 160 : i32
        %gather3A_1749 = tpu.memref_slice %arg6[%gather3A_1748] : memref<1600xf32, #tpu.memory_space<vmem>> -> memref<160xf32, #tpu.memory_space<vmem>>
        %gather3A_1750 = tpu.vector_load_idx %gather3A_1749[%or3A_1734] : memref<160xf32, #tpu.memory_space<vmem>>[vector<16xi32>], vector<16xf32>,
        %mul3A_1751 = arith.constant 16 : i32
        %mul3A_1752 = arith.muli %scan3A_831, %mul3A_1751 : i32
        %swap3A_1753 = arith.constant 0 : i32
        %swap3A_1754 = arith.constant 1 : i32
        %swap3A_1755 = arith.constant 6 : i32
        %swap3A_1756 = arith.index_cast %swap3A_1753 : i32 to index
        %swap3A_1757 = arith.index_cast %swap3A_1754 : i32 to index
        %swap3A_1758 = arith.index_cast %swap3A_1755 : i32 to index
        %swap3A_1759 = arith.index_cast %mul3A_1752 : i32 to index
        %swap3A_1760 = tpu.vector_load %arg8[%swap3A_1756, %swap3A_1757, %swap3A_1758, %swap3A_1759] {strides = array<i32>} : memref<2x10x8x512xf32, #tpu.memory_space<vmem>>, vector<16xf32>,
        tpu.vector_store %arg8[%swap3A_1756, %swap3A_1757, %swap3A_1758, %swap3A_1759], %gather3A_1608 {strides = array<i32>} : memref<2x10x8x512xf32, #tpu.memory_space<vmem>>, vector<16xf32>,
        %gather3A_1761 = arith.constant 320 : i32
        %gather3A_1762 = tpu.memref_slice %arg6[%gather3A_1761] : memref<1600xf32, #tpu.memory_space<vmem>> -> memref<160xf32, #tpu.memory_space<vmem>>
        %gather3A_1763 = tpu.vector_load_idx %gather3A_1762[%or3A_1734] : memref<160xf32, #tpu.memory_space<vmem>>[vector<16xi32>], vector<16xf32>,
        %mul3A_1764 = arith.constant 16 : i32
        %mul3A_1765 = arith.muli %scan3A_831, %mul3A_1764 : i32
        %swap3A_1766 = arith.constant 0 : i32
        %swap3A_1767 = arith.constant 2 : i32
        %swap3A_1768 = arith.constant 6 : i32
        %swap3A_1769 = arith.index_cast %swap3A_1766 : i32 to index
        %swap3A_1770 = arith.index_cast %swap3A_1767 : i32 to index
        %swap3A_1771 = arith.index_cast %swap3A_1768 : i32 to index
        %swap3A_1772 = arith.index_cast %mul3A_1765 : i32 to index
        %swap3A_1773 = tpu.vector_load %arg8[%swap3A_1769, %swap3A_1770, %swap3A_1771, %swap3A_1772] {strides = array<i32>} : memref<2x10x8x512xf32, #tpu.memory_space<vmem>>, vector<16xf32>,
        tpu.vector_store %arg8[%swap3A_1769, %swap3A_1770, %swap3A_1771, %swap3A_1772], %gather3A_1621 {strides = array<i32>} : memref<2x10x8x512xf32, #tpu.memory_space<vmem>>, vector<16xf32>,
        %gather3A_1774 = arith.constant 480 : i32
        %gather3A_1775 = tpu.memref_slice %arg6[%gather3A_1774] : memref<1600xf32, #tpu.memory_space<vmem>> -> memref<160xf32, #tpu.memory_space<vmem>>
        %gather3A_1776 = tpu.vector_load_idx %gather3A_1775[%or3A_1734] : memref<160xf32, #tpu.memory_space<vmem>>[vector<16xi32>], vector<16xf32>,
        %mul3A_1777 = arith.constant 16 : i32
        %mul3A_1778 = arith.muli %scan3A_831, %mul3A_1777 : i32
        %swap3A_1779 = arith.constant 0 : i32
        %swap3A_1780 = arith.constant 3 : i32
        %swap3A_1781 = arith.constant 6 : i32
        %swap3A_1782 = arith.index_cast %swap3A_1779 : i32 to index
        %swap3A_1783 = arith.index_cast %swap3A_1780 : i32 to index
        %swap3A_1784 = arith.index_cast %swap3A_1781 : i32 to index
        %swap3A_1785 = arith.index_cast %mul3A_1778 : i32 to index
        %swap3A_1786 = tpu.vector_load %arg8[%swap3A_1782, %swap3A_1783, %swap3A_1784, %swap3A_1785] {strides = array<i32>} : memref<2x10x8x512xf32, #tpu.memory_space<vmem>>, vector<16xf32>,
        tpu.vector_store %arg8[%swap3A_1782, %swap3A_1783, %swap3A_1784, %swap3A_1785], %gather3A_1634 {strides = array<i32>} : memref<2x10x8x512xf32, #tpu.memory_space<vmem>>, vector<16xf32>,
        %gather3A_1787 = arith.constant 640 : i32
        %gather3A_1788 = tpu.memref_slice %arg6[%gather3A_1787] : memref<1600xf32, #tpu.memory_space<vmem>> -> memref<160xf32, #tpu.memory_space<vmem>>
        %gather3A_1789 = tpu.vector_load_idx %gather3A_1788[%or3A_1734] : memref<160xf32, #tpu.memory_space<vmem>>[vector<16xi32>], vector<16xf32>,
        %mul3A_1790 = arith.constant 16 : i32
        %mul3A_1791 = arith.muli %scan3A_831, %mul3A_1790 : i32
        %swap3A_1792 = arith.constant 0 : i32
        %swap3A_1793 = arith.constant 4 : i32
        %swap3A_1794 = arith.constant 6 : i32
        %swap3A_1795 = arith.index_cast %swap3A_1792 : i32 to index
        %swap3A_1796 = arith.index_cast %swap3A_1793 : i32 to index
        %swap3A_1797 = arith.index_cast %swap3A_1794 : i32 to index
        %swap3A_1798 = arith.index_cast %mul3A_1791 : i32 to index
        %swap3A_1799 = tpu.vector_load %arg8[%swap3A_1795, %swap3A_1796, %swap3A_1797, %swap3A_1798] {strides = array<i32>} : memref<2x10x8x512xf32, #tpu.memory_space<vmem>>, vector<16xf32>,
        tpu.vector_store %arg8[%swap3A_1795, %swap3A_1796, %swap3A_1797, %swap3A_1798], %gather3A_1647 {strides = array<i32>} : memref<2x10x8x512xf32, #tpu.memory_space<vmem>>, vector<16xf32>,
        %gather3A_1800 = arith.constant 800 : i32
        %gather3A_1801 = tpu.memref_slice %arg6[%gather3A_1800] : memref<1600xf32, #tpu.memory_space<vmem>> -> memref<160xf32, #tpu.memory_space<vmem>>
        %gather3A_1802 = tpu.vector_load_idx %gather3A_1801[%or3A_1734] : memref<160xf32, #tpu.memory_space<vmem>>[vector<16xi32>], vector<16xf32>,
        %mul3A_1803 = arith.constant 16 : i32
        %mul3A_1804 = arith.muli %scan3A_831, %mul3A_1803 : i32
        %swap3A_1805 = arith.constant 0 : i32
        %swap3A_1806 = arith.constant 5 : i32
        %swap3A_1807 = arith.constant 6 : i32
        %swap3A_1808 = arith.index_cast %swap3A_1805 : i32 to index
        %swap3A_1809 = arith.index_cast %swap3A_1806 : i32 to index
        %swap3A_1810 = arith.index_cast %swap3A_1807 : i32 to index
        %swap3A_1811 = arith.index_cast %mul3A_1804 : i32 to index
        %swap3A_1812 = tpu.vector_load %arg8[%swap3A_1808, %swap3A_1809, %swap3A_1810, %swap3A_1811] {strides = array<i32>} : memref<2x10x8x512xf32, #tpu.memory_space<vmem>>, vector<16xf32>,
        tpu.vector_store %arg8[%swap3A_1808, %swap3A_1809, %swap3A_1810, %swap3A_1811], %gather3A_1660 {strides = array<i32>} : memref<2x10x8x512xf32, #tpu.memory_space<vmem>>, vector<16xf32>,
        %gather3A_1813 = arith.constant 960 : i32
        %gather3A_1814 = tpu.memref_slice %arg6[%gather3A_1813] : memref<1600xf32, #tpu.memory_space<vmem>> -> memref<160xf32, #tpu.memory_space<vmem>>
        %gather3A_1815 = tpu.vector_load_idx %gather3A_1814[%or3A_1734] : memref<160xf32, #tpu.memory_space<vmem>>[vector<16xi32>], vector<16xf32>,
        %mul3A_1816 = arith.constant 16 : i32
        %mul3A_1817 = arith.muli %scan3A_831, %mul3A_1816 : i32
        %swap3A_1818 = arith.constant 0 : i32
        %swap3A_1819 = arith.constant 6 : i32
        %swap3A_1820 = arith.constant 6 : i32
        %swap3A_1821 = arith.index_cast %swap3A_1818 : i32 to index
        %swap3A_1822 = arith.index_cast %swap3A_1819 : i32 to index
        %swap3A_1823 = arith.index_cast %swap3A_1820 : i32 to index
        %swap3A_1824 = arith.index_cast %mul3A_1817 : i32 to index
        %swap3A_1825 = tpu.vector_load %arg8[%swap3A_1821, %swap3A_1822, %swap3A_1823, %swap3A_1824] {strides = array<i32>} : memref<2x10x8x512xf32, #tpu.memory_space<vmem>>, vector<16xf32>,
        tpu.vector_store %arg8[%swap3A_1821, %swap3A_1822, %swap3A_1823, %swap3A_1824], %gather3A_1673 {strides = array<i32>} : memref<2x10x8x512xf32, #tpu.memory_space<vmem>>, vector<16xf32>,
        %gather3A_1826 = arith.constant 1120 : i32
        %gather3A_1827 = tpu.memref_slice %arg6[%gather3A_1826] : memref<1600xf32, #tpu.memory_space<vmem>> -> memref<160xf32, #tpu.memory_space<vmem>>
        %gather3A_1828 = tpu.vector_load_idx %gather3A_1827[%or3A_1734] : memref<160xf32, #tpu.memory_space<vmem>>[vector<16xi32>], vector<16xf32>,
        %mul3A_1829 = arith.constant 16 : i32
        %mul3A_1830 = arith.muli %scan3A_831, %mul3A_1829 : i32
        %swap3A_1831 = arith.constant 0 : i32
        %swap3A_1832 = arith.constant 7 : i32
        %swap3A_1833 = arith.constant 6 : i32
        %swap3A_1834 = arith.index_cast %swap3A_1831 : i32 to index
        %swap3A_1835 = arith.index_cast %swap3A_1832 : i32 to index
        %swap3A_1836 = arith.index_cast %swap3A_1833 : i32 to index
        %swap3A_1837 = arith.index_cast %mul3A_1830 : i32 to index
        %swap3A_1838 = tpu.vector_load %arg8[%swap3A_1834, %swap3A_1835, %swap3A_1836, %swap3A_1837] {strides = array<i32>} : memref<2x10x8x512xf32, #tpu.memory_space<vmem>>, vector<16xf32>,
        tpu.vector_store %arg8[%swap3A_1834, %swap3A_1835, %swap3A_1836, %swap3A_1837], %gather3A_1686 {strides = array<i32>} : memref<2x10x8x512xf32, #tpu.memory_space<vmem>>, vector<16xf32>,
        %gather3A_1839 = arith.constant 1280 : i32
        %gather3A_1840 = tpu.memref_slice %arg6[%gather3A_1839] : memref<1600xf32, #tpu.memory_space<vmem>> -> memref<160xf32, #tpu.memory_space<vmem>>
        %gather3A_1841 = tpu.vector_load_idx %gather3A_1840[%or3A_1734] : memref<160xf32, #tpu.memory_space<vmem>>[vector<16xi32>], vector<16xf32>,
        %mul3A_1842 = arith.constant 16 : i32
        %mul3A_1843 = arith.muli %scan3A_831, %mul3A_1842 : i32
        %swap3A_1844 = arith.constant 0 : i32
        %swap3A_1845 = arith.constant 8 : i32
        %swap3A_1846 = arith.constant 6 : i32
        %swap3A_1847 = arith.index_cast %swap3A_1844 : i32 to index
        %swap3A_1848 = arith.index_cast %swap3A_1845 : i32 to index
        %swap3A_1849 = arith.index_cast %swap3A_1846 : i32 to index
        %swap3A_1850 = arith.index_cast %mul3A_1843 : i32 to index
        %swap3A_1851 = tpu.vector_load %arg8[%swap3A_1847, %swap3A_1848, %swap3A_1849, %swap3A_1850] {strides = array<i32>} : memref<2x10x8x512xf32, #tpu.memory_space<vmem>>, vector<16xf32>,
        tpu.vector_store %arg8[%swap3A_1847, %swap3A_1848, %swap3A_1849, %swap3A_1850], %gather3A_1699 {strides = array<i32>} : memref<2x10x8x512xf32, #tpu.memory_space<vmem>>, vector<16xf32>,
        %gather3A_1852 = arith.constant 1440 : i32
        %gather3A_1853 = tpu.memref_slice %arg6[%gather3A_1852] : memref<1600xf32, #tpu.memory_space<vmem>> -> memref<160xf32, #tpu.memory_space<vmem>>
        %gather3A_1854 = tpu.vector_load_idx %gather3A_1853[%or3A_1734] : memref<160xf32, #tpu.memory_space<vmem>>[vector<16xi32>], vector<16xf32>,
        %mul3A_1855 = arith.constant 16 : i32
        %mul3A_1856 = arith.muli %scan3A_831, %mul3A_1855 : i32
        %swap3A_1857 = arith.constant 0 : i32
        %swap3A_1858 = arith.constant 9 : i32
        %swap3A_1859 = arith.constant 6 : i32
        %swap3A_1860 = arith.index_cast %swap3A_1857 : i32 to index
        %swap3A_1861 = arith.index_cast %swap3A_1858 : i32 to index
        %swap3A_1862 = arith.index_cast %swap3A_1859 : i32 to index
        %swap3A_1863 = arith.index_cast %mul3A_1856 : i32 to index
        %swap3A_1864 = tpu.vector_load %arg8[%swap3A_1860, %swap3A_1861, %swap3A_1862, %swap3A_1863] {strides = array<i32>} : memref<2x10x8x512xf32, #tpu.memory_space<vmem>>, vector<16xf32>,
        tpu.vector_store %arg8[%swap3A_1860, %swap3A_1861, %swap3A_1862, %swap3A_1863], %gather3A_1712 {strides = array<i32>} : memref<2x10x8x512xf32, #tpu.memory_space<vmem>>, vector<16xf32>,
        %mul3A_1865 = arith.constant 16 : i32
        %mul3A_1866 = arith.muli %scan3A_831, %mul3A_1865 : i32
        %swap3A_1867 = arith.constant 0 : i32
        %swap3A_1868 = arith.constant 0 : i32
        %swap3A_1869 = arith.constant 7 : i32
        %swap3A_1870 = arith.index_cast %swap3A_1867 : i32 to index
        %swap3A_1871 = arith.index_cast %swap3A_1868 : i32 to index
        %swap3A_1872 = arith.index_cast %swap3A_1869 : i32 to index
        %swap3A_1873 = arith.index_cast %mul3A_1866 : i32 to index
        %swap3A_1874 = tpu.vector_load %arg8[%swap3A_1870, %swap3A_1871, %swap3A_1872, %swap3A_1873] {strides = array<i32>} : memref<2x10x8x512xf32, #tpu.memory_space<vmem>>, vector<16xf32>,
        tpu.vector_store %arg8[%swap3A_1870, %swap3A_1871, %swap3A_1872, %swap3A_1873], %gather3A_1737 {strides = array<i32>} : memref<2x10x8x512xf32, #tpu.memory_space<vmem>>, vector<16xf32>,
        %mul3A_1875 = arith.constant 16 : i32
        %mul3A_1876 = arith.muli %scan3A_831, %mul3A_1875 : i32
        %swap3A_1877 = arith.constant 0 : i32
        %swap3A_1878 = arith.constant 1 : i32
        %swap3A_1879 = arith.constant 7 : i32
        %swap3A_1880 = arith.index_cast %swap3A_1877 : i32 to index
        %swap3A_1881 = arith.index_cast %swap3A_1878 : i32 to index
        %swap3A_1882 = arith.index_cast %swap3A_1879 : i32 to index
        %swap3A_1883 = arith.index_cast %mul3A_1876 : i32 to index
        %swap3A_1884 = tpu.vector_load %arg8[%swap3A_1880, %swap3A_1881, %swap3A_1882, %swap3A_1883] {strides = array<i32>} : memref<2x10x8x512xf32, #tpu.memory_space<vmem>>, vector<16xf32>,
        tpu.vector_store %arg8[%swap3A_1880, %swap3A_1881, %swap3A_1882, %swap3A_1883], %gather3A_1750 {strides = array<i32>} : memref<2x10x8x512xf32, #tpu.memory_space<vmem>>, vector<16xf32>,
        %mul3A_1885 = arith.constant 16 : i32
        %mul3A_1886 = arith.muli %scan3A_831, %mul3A_1885 : i32
        %swap3A_1887 = arith.constant 0 : i32
        %swap3A_1888 = arith.constant 2 : i32
        %swap3A_1889 = arith.constant 7 : i32
        %swap3A_1890 = arith.index_cast %swap3A_1887 : i32 to index
        %swap3A_1891 = arith.index_cast %swap3A_1888 : i32 to index
        %swap3A_1892 = arith.index_cast %swap3A_1889 : i32 to index
        %swap3A_1893 = arith.index_cast %mul3A_1886 : i32 to index
        %swap3A_1894 = tpu.vector_load %arg8[%swap3A_1890, %swap3A_1891, %swap3A_1892, %swap3A_1893] {strides = array<i32>} : memref<2x10x8x512xf32, #tpu.memory_space<vmem>>, vector<16xf32>,
        tpu.vector_store %arg8[%swap3A_1890, %swap3A_1891, %swap3A_1892, %swap3A_1893], %gather3A_1763 {strides = array<i32>} : memref<2x10x8x512xf32, #tpu.memory_space<vmem>>, vector<16xf32>,
        %mul3A_1895 = arith.constant 16 : i32
        %mul3A_1896 = arith.muli %scan3A_831, %mul3A_1895 : i32
        %swap3A_1897 = arith.constant 0 : i32
        %swap3A_1898 = arith.constant 3 : i32
        %swap3A_1899 = arith.constant 7 : i32
        %swap3A_1900 = arith.index_cast %swap3A_1897 : i32 to index
        %swap3A_1901 = arith.index_cast %swap3A_1898 : i32 to index
        %swap3A_1902 = arith.index_cast %swap3A_1899 : i32 to index
        %swap3A_1903 = arith.index_cast %mul3A_1896 : i32 to index
        %swap3A_1904 = tpu.vector_load %arg8[%swap3A_1900, %swap3A_1901, %swap3A_1902, %swap3A_1903] {strides = array<i32>} : memref<2x10x8x512xf32, #tpu.memory_space<vmem>>, vector<16xf32>,
        tpu.vector_store %arg8[%swap3A_1900, %swap3A_1901, %swap3A_1902, %swap3A_1903], %gather3A_1776 {strides = array<i32>} : memref<2x10x8x512xf32, #tpu.memory_space<vmem>>, vector<16xf32>,
        %mul3A_1905 = arith.constant 16 : i32
        %mul3A_1906 = arith.muli %scan3A_831, %mul3A_1905 : i32
        %swap3A_1907 = arith.constant 0 : i32
        %swap3A_1908 = arith.constant 4 : i32
        %swap3A_1909 = arith.constant 7 : i32
        %swap3A_1910 = arith.index_cast %swap3A_1907 : i32 to index
        %swap3A_1911 = arith.index_cast %swap3A_1908 : i32 to index
        %swap3A_1912 = arith.index_cast %swap3A_1909 : i32 to index
        %swap3A_1913 = arith.index_cast %mul3A_1906 : i32 to index
        %swap3A_1914 = tpu.vector_load %arg8[%swap3A_1910, %swap3A_1911, %swap3A_1912, %swap3A_1913] {strides = array<i32>} : memref<2x10x8x512xf32, #tpu.memory_space<vmem>>, vector<16xf32>,
        tpu.vector_store %arg8[%swap3A_1910, %swap3A_1911, %swap3A_1912, %swap3A_1913], %gather3A_1789 {strides = array<i32>} : memref<2x10x8x512xf32, #tpu.memory_space<vmem>>, vector<16xf32>,
        %mul3A_1915 = arith.constant 16 : i32
        %mul3A_1916 = arith.muli %scan3A_831, %mul3A_1915 : i32
        %swap3A_1917 = arith.constant 0 : i32
        %swap3A_1918 = arith.constant 5 : i32
        %swap3A_1919 = arith.constant 7 : i32
        %swap3A_1920 = arith.index_cast %swap3A_1917 : i32 to index
        %swap3A_1921 = arith.index_cast %swap3A_1918 : i32 to index
        %swap3A_1922 = arith.index_cast %swap3A_1919 : i32 to index
        %swap3A_1923 = arith.index_cast %mul3A_1916 : i32 to index
        %swap3A_1924 = tpu.vector_load %arg8[%swap3A_1920, %swap3A_1921, %swap3A_1922, %swap3A_1923] {strides = array<i32>} : memref<2x10x8x512xf32, #tpu.memory_space<vmem>>, vector<16xf32>,
        tpu.vector_store %arg8[%swap3A_1920, %swap3A_1921, %swap3A_1922, %swap3A_1923], %gather3A_1802 {strides = array<i32>} : memref<2x10x8x512xf32, #tpu.memory_space<vmem>>, vector<16xf32>,
        %mul3A_1925 = arith.constant 16 : i32
        %mul3A_1926 = arith.muli %scan3A_831, %mul3A_1925 : i32
        %swap3A_1927 = arith.constant 0 : i32
        %swap3A_1928 = arith.constant 6 : i32
        %swap3A_1929 = arith.constant 7 : i32
        %swap3A_1930 = arith.index_cast %swap3A_1927 : i32 to index
        %swap3A_1931 = arith.index_cast %swap3A_1928 : i32 to index
        %swap3A_1932 = arith.index_cast %swap3A_1929 : i32 to index
        %swap3A_1933 = arith.index_cast %mul3A_1926 : i32 to index
        %swap3A_1934 = tpu.vector_load %arg8[%swap3A_1930, %swap3A_1931, %swap3A_1932, %swap3A_1933] {strides = array<i32>} : memref<2x10x8x512xf32, #tpu.memory_space<vmem>>, vector<16xf32>,
        tpu.vector_store %arg8[%swap3A_1930, %swap3A_1931, %swap3A_1932, %swap3A_1933], %gather3A_1815 {strides = array<i32>} : memref<2x10x8x512xf32, #tpu.memory_space<vmem>>, vector<16xf32>,
        %mul3A_1935 = arith.constant 16 : i32
        %mul3A_1936 = arith.muli %scan3A_831, %mul3A_1935 : i32
        %swap3A_1937 = arith.constant 0 : i32
        %swap3A_1938 = arith.constant 7 : i32
        %swap3A_1939 = arith.constant 7 : i32
        %swap3A_1940 = arith.index_cast %swap3A_1937 : i32 to index
        %swap3A_1941 = arith.index_cast %swap3A_1938 : i32 to index
        %swap3A_1942 = arith.index_cast %swap3A_1939 : i32 to index
        %swap3A_1943 = arith.index_cast %mul3A_1936 : i32 to index
        %swap3A_1944 = tpu.vector_load %arg8[%swap3A_1940, %swap3A_1941, %swap3A_1942, %swap3A_1943] {strides = array<i32>} : memref<2x10x8x512xf32, #tpu.memory_space<vmem>>, vector<16xf32>,
        tpu.vector_store %arg8[%swap3A_1940, %swap3A_1941, %swap3A_1942, %swap3A_1943], %gather3A_1828 {strides = array<i32>} : memref<2x10x8x512xf32, #tpu.memory_space<vmem>>, vector<16xf32>,
        %mul3A_1945 = arith.constant 16 : i32
        %mul3A_1946 = arith.muli %scan3A_831, %mul3A_1945 : i32
        %swap3A_1947 = arith.constant 0 : i32
        %swap3A_1948 = arith.constant 8 : i32
        %swap3A_1949 = arith.constant 7 : i32
        %swap3A_1950 = arith.index_cast %swap3A_1947 : i32 to index
        %swap3A_1951 = arith.index_cast %swap3A_1948 : i32 to index
        %swap3A_1952 = arith.index_cast %swap3A_1949 : i32 to index
        %swap3A_1953 = arith.index_cast %mul3A_1946 : i32 to index
        %swap3A_1954 = tpu.vector_load %arg8[%swap3A_1950, %swap3A_1951, %swap3A_1952, %swap3A_1953] {strides = array<i32>} : memref<2x10x8x512xf32, #tpu.memory_space<vmem>>, vector<16xf32>,
        tpu.vector_store %arg8[%swap3A_1950, %swap3A_1951, %swap3A_1952, %swap3A_1953], %gather3A_1841 {strides = array<i32>} : memref<2x10x8x512xf32, #tpu.memory_space<vmem>>, vector<16xf32>,
        %mul3A_1955 = arith.constant 16 : i32
        %mul3A_1956 = arith.muli %scan3A_831, %mul3A_1955 : i32
        %swap3A_1957 = arith.constant 0 : i32
        %swap3A_1958 = arith.constant 9 : i32
        %swap3A_1959 = arith.constant 7 : i32
        %swap3A_1960 = arith.index_cast %swap3A_1957 : i32 to index
        %swap3A_1961 = arith.index_cast %swap3A_1958 : i32 to index
        %swap3A_1962 = arith.index_cast %swap3A_1959 : i32 to index
        %swap3A_1963 = arith.index_cast %mul3A_1956 : i32 to index
        %swap3A_1964 = tpu.vector_load %arg8[%swap3A_1960, %swap3A_1961, %swap3A_1962, %swap3A_1963] {strides = array<i32>} : memref<2x10x8x512xf32, #tpu.memory_space<vmem>>, vector<16xf32>,
        tpu.vector_store %arg8[%swap3A_1960, %swap3A_1961, %swap3A_1962, %swap3A_1963], %gather3A_1854 {strides = array<i32>} : memref<2x10x8x512xf32, #tpu.memory_space<vmem>>, vector<16xf32>,
      }
      %scan3A_755 = arith.constant 32 : i32
      %mul3A_756 = arith.constant 8 : i32
      %mul3A_757 = arith.muli %mul3A_719, %mul3A_756 : i32
      %dma_start3A_758 = arith.constant 0 : i32
      %dma_start3A_759 = arith.constant 0 : i32
      %dma_start3A_760 = arith.constant 0 : i32
      %dma_start3A_761 = arith.constant 0 : i32
      %dma_start3A_762 = tpu.memref_slice %arg8[%dma_start3A_758, %dma_start3A_759, %dma_start3A_760, %dma_start3A_761] : memref<2x10x8x512xf32, #tpu.memory_space<vmem>> -> memref<1x10x8x512xf32, #tpu.memory_space<vmem>>
      %dma_start3A_763 = tpu.memref_squeeze %dma_start3A_762 : memref<1x10x8x512xf32, #tpu.memory_space<vmem>> -> memref<10x8x512xf32, #tpu.memory_space<vmem>>
      %dma_start3A_764 = arith.constant 0 : i32
      %dma_start3A_765 = tpu.memref_slice %arg4[%dma_start3A_764, %mul3A_757, %mul3A_2] : memref<10x200x16384xf32, #tpu.memory_space<hbm>> -> memref<10x8x512xf32, #tpu.memory_space<hbm>>
      %dma_start3A_766 = arith.constant 0 : i32
      %dma_start3A_767 = tpu.memref_slice %arg4[%dma_start3A_766, %mul3A_757, %mul3A_2] : memref<10x200x16384xf32, #tpu.memory_space<hbm>> -> memref<10x8x512xf32, #tpu.memory_space<hbm>>
      %dma_start3A_768 = arith.constant 0 : i32
      %dma_start3A_769 = arith.constant 0 : i32
      %dma_start3A_770 = arith.constant 0 : i32
      %dma_start3A_771 = tpu.memref_slice %arg8[%dma_start3A_758, %dma_start3A_768, %dma_start3A_769, %dma_start3A_770] : memref<2x10x8x512xf32, #tpu.memory_space<vmem>> -> memref<1x10x8x512xf32, #tpu.memory_space<vmem>>
      %dma_start3A_772 = tpu.memref_squeeze %dma_start3A_771 : memref<1x10x8x512xf32, #tpu.memory_space<vmem>> -> memref<10x8x512xf32, #tpu.memory_space<vmem>>
      tpu.enqueue_dma source(%dma_start3A_772 : memref<10x8x512xf32, #tpu.memory_space<vmem>>) target(%dma_start3A_767 : memref<10x8x512xf32, #tpu.memory_space<hbm>>) target_semaphore(%arg11 : memref<!tpu.dma_semaphore, #tpu.memory_space<semaphore_mem>>)
      %add3A_773 = arith.constant 2 : i32
      %add3A_774 = arith.addi %mul3A_719, %add3A_773 : i32
      %mul3A_775 = arith.constant 8 : i32
      %mul3A_776 = arith.muli %add3A_774, %mul3A_775 : i32
      %dma_start3A_777 = arith.constant 0 : i32
      %dma_start3A_778 = arith.constant 0 : i32
      %dma_start3A_779 = arith.constant 0 : i32
      %dma_start3A_780 = tpu.memref_slice %arg7[%dma_start3A_777, %dma_start3A_778, %dma_start3A_779] : memref<2x8x512xi32, #tpu.memory_space<vmem>> -> memref<1x8x512xi32, #tpu.memory_space<vmem>>
      %dma_start3A_781 = tpu.memref_squeeze %dma_start3A_780 : memref<1x8x512xi32, #tpu.memory_space<vmem>> -> memref<8x512xi32, #tpu.memory_space<vmem>>
      %dma_start3A_782 = tpu.memref_slice %arg2[%mul3A_776, %mul3A_2] : memref<200x16384xi32, #tpu.memory_space<hbm>> -> memref<8x512xi32, #tpu.memory_space<hbm>>
      %dma_start3A_783 = arith.constant 0 : i32
      %dma_start3A_784 = arith.constant 0 : i32
      %dma_start3A_785 = tpu.memref_slice %arg7[%dma_start3A_777, %dma_start3A_783, %dma_start3A_784] : memref<2x8x512xi32, #tpu.memory_space<vmem>> -> memref<1x8x512xi32, #tpu.memory_space<vmem>>
      %dma_start3A_786 = tpu.memref_squeeze %dma_start3A_785 : memref<1x8x512xi32, #tpu.memory_space<vmem>> -> memref<8x512xi32, #tpu.memory_space<vmem>>
      %dma_start3A_787 = tpu.memref_slice %arg2[%mul3A_776, %mul3A_2] : memref<200x16384xi32, #tpu.memory_space<hbm>> -> memref<8x512xi32, #tpu.memory_space<hbm>>
      tpu.enqueue_dma source(%dma_start3A_787 : memref<8x512xi32, #tpu.memory_space<hbm>>) target(%dma_start3A_786 : memref<8x512xi32, #tpu.memory_space<vmem>>) target_semaphore(%arg9 : memref<!tpu.dma_semaphore, #tpu.memory_space<semaphore_mem>>)
      %dma_wait3A_788 = arith.constant 1 : i32
      %dma_wait3A_789 = arith.constant 0 : i32
      %dma_wait3A_790 = arith.constant 0 : i32
      %dma_wait3A_791 = tpu.memref_slice %arg7[%dma_wait3A_788, %dma_wait3A_789, %dma_wait3A_790] : memref<2x8x512xi32, #tpu.memory_space<vmem>> -> memref<1x8x512xi32, #tpu.memory_space<vmem>>
      %dma_wait3A_792 = tpu.memref_squeeze %dma_wait3A_791 : memref<1x8x512xi32, #tpu.memory_space<vmem>> -> memref<8x512xi32, #tpu.memory_space<vmem>>
      %dma_wait3A_793 = arith.constant 0 : i32
      %dma_wait3A_794 = tpu.memref_slice %arg2[%dma_wait3A_793, %mul3A_2] : memref<200x16384xi32, #tpu.memory_space<hbm>> -> memref<8x512xi32, #tpu.memory_space<hbm>>
      %dma_wait3A_795 = arith.constant 0 : i32
      %dma_wait3A_796 = arith.constant 0 : i32
      %dma_wait3A_797 = tpu.memref_slice %arg7[%dma_wait3A_788, %dma_wait3A_795, %dma_wait3A_796] : memref<2x8x512xi32, #tpu.memory_space<vmem>> -> memref<1x8x512xi32, #tpu.memory_space<vmem>>
      %dma_wait3A_798 = tpu.memref_squeeze %dma_wait3A_797 : memref<1x8x512xi32, #tpu.memory_space<vmem>> -> memref<8x512xi32, #tpu.memory_space<vmem>>
      %dma_wait3A_799 = arith.constant 0 : i32
      %dma_wait3A_800 = tpu.memref_slice %arg2[%dma_wait3A_799, %mul3A_2] : memref<200x16384xi32, #tpu.memory_space<hbm>> -> memref<8x512xi32, #tpu.memory_space<hbm>>
      tpu.wait_dma2 semaphore(%arg10 : memref<!tpu.dma_semaphore, #tpu.memory_space<semaphore_mem>>) src(%dma_wait3A_800 : memref<8x512xi32, #tpu.memory_space<hbm>>) dst(%dma_wait3A_798 : memref<8x512xi32, #tpu.memory_space<vmem>>)
      %gt3A_801 = arith.constant 0 : i32
      %gt3A_802 = arith.cmpi sgt, %scan3A_717, %gt3A_801 : i32
      %convert_element_type3A_803 = arith.extui %gt3A_802 : i1 to i32
      %cond3A_804 = arith.constant 0 : i32
      %cond3A_805 = arith.cmpi ne, %convert_element_type3A_803, %cond3A_804 : i32
      scf.if %cond3A_805 {
        %dma_wait3A_831 = arith.constant 1 : i32
        %dma_wait3A_832 = arith.constant 0 : i32
        %dma_wait3A_833 = arith.constant 0 : i32
        %dma_wait3A_834 = arith.constant 0 : i32
        %dma_wait3A_835 = tpu.memref_slice %arg8[%dma_wait3A_831, %dma_wait3A_832, %dma_wait3A_833, %dma_wait3A_834] : memref<2x10x8x512xf32, #tpu.memory_space<vmem>> -> memref<1x10x8x512xf32, #tpu.memory_space<vmem>>
        %dma_wait3A_836 = tpu.memref_squeeze %dma_wait3A_835 : memref<1x10x8x512xf32, #tpu.memory_space<vmem>> -> memref<10x8x512xf32, #tpu.memory_space<vmem>>
        %dma_wait3A_837 = arith.constant 0 : i32
        %dma_wait3A_838 = arith.constant 0 : i32
        %dma_wait3A_839 = tpu.memref_slice %arg4[%dma_wait3A_837, %dma_wait3A_838, %mul3A_2] : memref<10x200x16384xf32, #tpu.memory_space<hbm>> -> memref<10x8x512xf32, #tpu.memory_space<hbm>>
        %dma_wait3A_840 = arith.constant 0 : i32
        %dma_wait3A_841 = arith.constant 0 : i32
        %dma_wait3A_842 = tpu.memref_slice %arg4[%dma_wait3A_840, %dma_wait3A_841, %mul3A_2] : memref<10x200x16384xf32, #tpu.memory_space<hbm>> -> memref<10x8x512xf32, #tpu.memory_space<hbm>>
        %dma_wait3A_843 = arith.constant 0 : i32
        %dma_wait3A_844 = arith.constant 0 : i32
        %dma_wait3A_845 = arith.constant 0 : i32
        %dma_wait3A_846 = tpu.memref_slice %arg8[%dma_wait3A_831, %dma_wait3A_843, %dma_wait3A_844, %dma_wait3A_845] : memref<2x10x8x512xf32, #tpu.memory_space<vmem>> -> memref<1x10x8x512xf32, #tpu.memory_space<vmem>>
        %dma_wait3A_847 = tpu.memref_squeeze %dma_wait3A_846 : memref<1x10x8x512xf32, #tpu.memory_space<vmem>> -> memref<10x8x512xf32, #tpu.memory_space<vmem>>
        tpu.wait_dma2 semaphore(%arg12 : memref<!tpu.dma_semaphore, #tpu.memory_space<semaphore_mem>>) src(%dma_wait3A_847 : memref<10x8x512xf32, #tpu.memory_space<vmem>>) dst(%dma_wait3A_842 : memref<10x8x512xf32, #tpu.memory_space<hbm>>)
      } else {
      }
      %scan3A_806 = arith.constant 0 : i32
      %scan3A_807 = arith.constant 0 : i32
      %scan3A_808 = arith.constant 32 : i32
      %scan3A_809 = arith.addi %scan3A_807, %scan3A_808 : i32
      %scan3A_810 = arith.constant 1 : i32
      scf.for %scan3A_831 = %scan3A_807 to %scan3A_809 step %scan3A_810  : i32 {
        %mul3A_832 = arith.constant 16 : i32
        %mul3A_833 = arith.muli %scan3A_831, %mul3A_832 : i32
        %get3A_834 = arith.constant 1 : i32
        %get3A_835 = arith.constant 0 : i32
        %get3A_836 = arith.index_cast %get3A_834 : i32 to index
        %get3A_837 = arith.index_cast %get3A_835 : i32 to index
        %get3A_838 = arith.index_cast %mul3A_833 : i32 to index
        %get3A_839 = tpu.vector_load %arg7[%get3A_836, %get3A_837, %get3A_838] {strides = array<i32>} : memref<2x8x512xi32, #tpu.memory_space<vmem>>, vector<16xi32>,
        %shift_left3A = arith.constant 4 : i32
        %shift_left3A_840 = vector.broadcast %shift_left3A : i32 to vector<16xi32>
        %shift_left3A_841 = arith.shli %get3A_839, %shift_left3A_840 : vector<16xi32>
        %or3A = arith.ori %shift_left3A_841, %iota3A : vector<16xi32>
        %gather3A = arith.constant 0 : i32
        %gather3A_842 = tpu.memref_slice %arg6[%gather3A] : memref<1600xf32, #tpu.memory_space<vmem>> -> memref<160xf32, #tpu.memory_space<vmem>>
        %gather3A_843 = tpu.vector_load_idx %gather3A_842[%or3A] : memref<160xf32, #tpu.memory_space<vmem>>[vector<16xi32>], vector<16xf32>,
        %gather3A_844 = arith.constant 160 : i32
        %gather3A_845 = tpu.memref_slice %arg6[%gather3A_844] : memref<1600xf32, #tpu.memory_space<vmem>> -> memref<160xf32, #tpu.memory_space<vmem>>
        %gather3A_846 = tpu.vector_load_idx %gather3A_845[%or3A] : memref<160xf32, #tpu.memory_space<vmem>>[vector<16xi32>], vector<16xf32>,
        %gather3A_847 = arith.constant 320 : i32
        %gather3A_848 = tpu.memref_slice %arg6[%gather3A_847] : memref<1600xf32, #tpu.memory_space<vmem>> -> memref<160xf32, #tpu.memory_space<vmem>>
        %gather3A_849 = tpu.vector_load_idx %gather3A_848[%or3A] : memref<160xf32, #tpu.memory_space<vmem>>[vector<16xi32>], vector<16xf32>,
        %gather3A_850 = arith.constant 480 : i32
        %gather3A_851 = tpu.memref_slice %arg6[%gather3A_850] : memref<1600xf32, #tpu.memory_space<vmem>> -> memref<160xf32, #tpu.memory_space<vmem>>
        %gather3A_852 = tpu.vector_load_idx %gather3A_851[%or3A] : memref<160xf32, #tpu.memory_space<vmem>>[vector<16xi32>], vector<16xf32>,
        %gather3A_853 = arith.constant 640 : i32
        %gather3A_854 = tpu.memref_slice %arg6[%gather3A_853] : memref<1600xf32, #tpu.memory_space<vmem>> -> memref<160xf32, #tpu.memory_space<vmem>>
        %gather3A_855 = tpu.vector_load_idx %gather3A_854[%or3A] : memref<160xf32, #tpu.memory_space<vmem>>[vector<16xi32>], vector<16xf32>,
        %gather3A_856 = arith.constant 800 : i32
        %gather3A_857 = tpu.memref_slice %arg6[%gather3A_856] : memref<1600xf32, #tpu.memory_space<vmem>> -> memref<160xf32, #tpu.memory_space<vmem>>
        %gather3A_858 = tpu.vector_load_idx %gather3A_857[%or3A] : memref<160xf32, #tpu.memory_space<vmem>>[vector<16xi32>], vector<16xf32>,
        %gather3A_859 = arith.constant 960 : i32
        %gather3A_860 = tpu.memref_slice %arg6[%gather3A_859] : memref<1600xf32, #tpu.memory_space<vmem>> -> memref<160xf32, #tpu.memory_space<vmem>>
        %gather3A_861 = tpu.vector_load_idx %gather3A_860[%or3A] : memref<160xf32, #tpu.memory_space<vmem>>[vector<16xi32>], vector<16xf32>,
        %gather3A_862 = arith.constant 1120 : i32
        %gather3A_863 = tpu.memref_slice %arg6[%gather3A_862] : memref<1600xf32, #tpu.memory_space<vmem>> -> memref<160xf32, #tpu.memory_space<vmem>>
        %gather3A_864 = tpu.vector_load_idx %gather3A_863[%or3A] : memref<160xf32, #tpu.memory_space<vmem>>[vector<16xi32>], vector<16xf32>,
        %gather3A_865 = arith.constant 1280 : i32
        %gather3A_866 = tpu.memref_slice %arg6[%gather3A_865] : memref<1600xf32, #tpu.memory_space<vmem>> -> memref<160xf32, #tpu.memory_space<vmem>>
        %gather3A_867 = tpu.vector_load_idx %gather3A_866[%or3A] : memref<160xf32, #tpu.memory_space<vmem>>[vector<16xi32>], vector<16xf32>,
        %gather3A_868 = arith.constant 1440 : i32
        %gather3A_869 = tpu.memref_slice %arg6[%gather3A_868] : memref<1600xf32, #tpu.memory_space<vmem>> -> memref<160xf32, #tpu.memory_space<vmem>>
        %gather3A_870 = tpu.vector_load_idx %gather3A_869[%or3A] : memref<160xf32, #tpu.memory_space<vmem>>[vector<16xi32>], vector<16xf32>,
        %mul3A_871 = arith.constant 16 : i32
        %mul3A_872 = arith.muli %scan3A_831, %mul3A_871 : i32
        %get3A_873 = arith.constant 1 : i32
        %get3A_874 = arith.constant 1 : i32
        %get3A_875 = arith.index_cast %get3A_873 : i32 to index
        %get3A_876 = arith.index_cast %get3A_874 : i32 to index
        %get3A_877 = arith.index_cast %mul3A_872 : i32 to index
        %get3A_878 = tpu.vector_load %arg7[%get3A_875, %get3A_876, %get3A_877] {strides = array<i32>} : memref<2x8x512xi32, #tpu.memory_space<vmem>>, vector<16xi32>,
        %shift_left3A_879 = arith.constant 4 : i32
        %shift_left3A_880 = vector.broadcast %shift_left3A_879 : i32 to vector<16xi32>
        %shift_left3A_881 = arith.shli %get3A_878, %shift_left3A_880 : vector<16xi32>
        %or3A_882 = arith.ori %shift_left3A_881, %iota3A : vector<16xi32>
        %gather3A_883 = arith.constant 0 : i32
        %gather3A_884 = tpu.memref_slice %arg6[%gather3A_883] : memref<1600xf32, #tpu.memory_space<vmem>> -> memref<160xf32, #tpu.memory_space<vmem>>
        %gather3A_885 = tpu.vector_load_idx %gather3A_884[%or3A_882] : memref<160xf32, #tpu.memory_space<vmem>>[vector<16xi32>], vector<16xf32>,
        %mul3A_886 = arith.constant 16 : i32
        %mul3A_887 = arith.muli %scan3A_831, %mul3A_886 : i32
        %swap3A_888 = arith.constant 1 : i32
        %swap3A_889 = arith.constant 0 : i32
        %swap3A_890 = arith.constant 0 : i32
        %swap3A_891 = arith.index_cast %swap3A_888 : i32 to index
        %swap3A_892 = arith.index_cast %swap3A_889 : i32 to index
        %swap3A_893 = arith.index_cast %swap3A_890 : i32 to index
        %swap3A_894 = arith.index_cast %mul3A_887 : i32 to index
        %swap3A_895 = tpu.vector_load %arg8[%swap3A_891, %swap3A_892, %swap3A_893, %swap3A_894] {strides = array<i32>} : memref<2x10x8x512xf32, #tpu.memory_space<vmem>>, vector<16xf32>,
        tpu.vector_store %arg8[%swap3A_891, %swap3A_892, %swap3A_893, %swap3A_894], %gather3A_843 {strides = array<i32>} : memref<2x10x8x512xf32, #tpu.memory_space<vmem>>, vector<16xf32>,
        %gather3A_896 = arith.constant 160 : i32
        %gather3A_897 = tpu.memref_slice %arg6[%gather3A_896] : memref<1600xf32, #tpu.memory_space<vmem>> -> memref<160xf32, #tpu.memory_space<vmem>>
        %gather3A_898 = tpu.vector_load_idx %gather3A_897[%or3A_882] : memref<160xf32, #tpu.memory_space<vmem>>[vector<16xi32>], vector<16xf32>,
        %mul3A_899 = arith.constant 16 : i32
        %mul3A_900 = arith.muli %scan3A_831, %mul3A_899 : i32
        %swap3A_901 = arith.constant 1 : i32
        %swap3A_902 = arith.constant 1 : i32
        %swap3A_903 = arith.constant 0 : i32
        %swap3A_904 = arith.index_cast %swap3A_901 : i32 to index
        %swap3A_905 = arith.index_cast %swap3A_902 : i32 to index
        %swap3A_906 = arith.index_cast %swap3A_903 : i32 to index
        %swap3A_907 = arith.index_cast %mul3A_900 : i32 to index
        %swap3A_908 = tpu.vector_load %arg8[%swap3A_904, %swap3A_905, %swap3A_906, %swap3A_907] {strides = array<i32>} : memref<2x10x8x512xf32, #tpu.memory_space<vmem>>, vector<16xf32>,
        tpu.vector_store %arg8[%swap3A_904, %swap3A_905, %swap3A_906, %swap3A_907], %gather3A_846 {strides = array<i32>} : memref<2x10x8x512xf32, #tpu.memory_space<vmem>>, vector<16xf32>,
        %gather3A_909 = arith.constant 320 : i32
        %gather3A_910 = tpu.memref_slice %arg6[%gather3A_909] : memref<1600xf32, #tpu.memory_space<vmem>> -> memref<160xf32, #tpu.memory_space<vmem>>
        %gather3A_911 = tpu.vector_load_idx %gather3A_910[%or3A_882] : memref<160xf32, #tpu.memory_space<vmem>>[vector<16xi32>], vector<16xf32>,
        %mul3A_912 = arith.constant 16 : i32
        %mul3A_913 = arith.muli %scan3A_831, %mul3A_912 : i32
        %swap3A_914 = arith.constant 1 : i32
        %swap3A_915 = arith.constant 2 : i32
        %swap3A_916 = arith.constant 0 : i32
        %swap3A_917 = arith.index_cast %swap3A_914 : i32 to index
        %swap3A_918 = arith.index_cast %swap3A_915 : i32 to index
        %swap3A_919 = arith.index_cast %swap3A_916 : i32 to index
        %swap3A_920 = arith.index_cast %mul3A_913 : i32 to index
        %swap3A_921 = tpu.vector_load %arg8[%swap3A_917, %swap3A_918, %swap3A_919, %swap3A_920] {strides = array<i32>} : memref<2x10x8x512xf32, #tpu.memory_space<vmem>>, vector<16xf32>,
        tpu.vector_store %arg8[%swap3A_917, %swap3A_918, %swap3A_919, %swap3A_920], %gather3A_849 {strides = array<i32>} : memref<2x10x8x512xf32, #tpu.memory_space<vmem>>, vector<16xf32>,
        %gather3A_922 = arith.constant 480 : i32
        %gather3A_923 = tpu.memref_slice %arg6[%gather3A_922] : memref<1600xf32, #tpu.memory_space<vmem>> -> memref<160xf32, #tpu.memory_space<vmem>>
        %gather3A_924 = tpu.vector_load_idx %gather3A_923[%or3A_882] : memref<160xf32, #tpu.memory_space<vmem>>[vector<16xi32>], vector<16xf32>,
        %mul3A_925 = arith.constant 16 : i32
        %mul3A_926 = arith.muli %scan3A_831, %mul3A_925 : i32
        %swap3A_927 = arith.constant 1 : i32
        %swap3A_928 = arith.constant 3 : i32
        %swap3A_929 = arith.constant 0 : i32
        %swap3A_930 = arith.index_cast %swap3A_927 : i32 to index
        %swap3A_931 = arith.index_cast %swap3A_928 : i32 to index
        %swap3A_932 = arith.index_cast %swap3A_929 : i32 to index
        %swap3A_933 = arith.index_cast %mul3A_926 : i32 to index
        %swap3A_934 = tpu.vector_load %arg8[%swap3A_930, %swap3A_931, %swap3A_932, %swap3A_933] {strides = array<i32>} : memref<2x10x8x512xf32, #tpu.memory_space<vmem>>, vector<16xf32>,
        tpu.vector_store %arg8[%swap3A_930, %swap3A_931, %swap3A_932, %swap3A_933], %gather3A_852 {strides = array<i32>} : memref<2x10x8x512xf32, #tpu.memory_space<vmem>>, vector<16xf32>,
        %gather3A_935 = arith.constant 640 : i32
        %gather3A_936 = tpu.memref_slice %arg6[%gather3A_935] : memref<1600xf32, #tpu.memory_space<vmem>> -> memref<160xf32, #tpu.memory_space<vmem>>
        %gather3A_937 = tpu.vector_load_idx %gather3A_936[%or3A_882] : memref<160xf32, #tpu.memory_space<vmem>>[vector<16xi32>], vector<16xf32>,
        %mul3A_938 = arith.constant 16 : i32
        %mul3A_939 = arith.muli %scan3A_831, %mul3A_938 : i32
        %swap3A_940 = arith.constant 1 : i32
        %swap3A_941 = arith.constant 4 : i32
        %swap3A_942 = arith.constant 0 : i32
        %swap3A_943 = arith.index_cast %swap3A_940 : i32 to index
        %swap3A_944 = arith.index_cast %swap3A_941 : i32 to index
        %swap3A_945 = arith.index_cast %swap3A_942 : i32 to index
        %swap3A_946 = arith.index_cast %mul3A_939 : i32 to index
        %swap3A_947 = tpu.vector_load %arg8[%swap3A_943, %swap3A_944, %swap3A_945, %swap3A_946] {strides = array<i32>} : memref<2x10x8x512xf32, #tpu.memory_space<vmem>>, vector<16xf32>,
        tpu.vector_store %arg8[%swap3A_943, %swap3A_944, %swap3A_945, %swap3A_946], %gather3A_855 {strides = array<i32>} : memref<2x10x8x512xf32, #tpu.memory_space<vmem>>, vector<16xf32>,
        %gather3A_948 = arith.constant 800 : i32
        %gather3A_949 = tpu.memref_slice %arg6[%gather3A_948] : memref<1600xf32, #tpu.memory_space<vmem>> -> memref<160xf32, #tpu.memory_space<vmem>>
        %gather3A_950 = tpu.vector_load_idx %gather3A_949[%or3A_882] : memref<160xf32, #tpu.memory_space<vmem>>[vector<16xi32>], vector<16xf32>,
        %mul3A_951 = arith.constant 16 : i32
        %mul3A_952 = arith.muli %scan3A_831, %mul3A_951 : i32
        %swap3A_953 = arith.constant 1 : i32
        %swap3A_954 = arith.constant 5 : i32
        %swap3A_955 = arith.constant 0 : i32
        %swap3A_956 = arith.index_cast %swap3A_953 : i32 to index
        %swap3A_957 = arith.index_cast %swap3A_954 : i32 to index
        %swap3A_958 = arith.index_cast %swap3A_955 : i32 to index
        %swap3A_959 = arith.index_cast %mul3A_952 : i32 to index
        %swap3A_960 = tpu.vector_load %arg8[%swap3A_956, %swap3A_957, %swap3A_958, %swap3A_959] {strides = array<i32>} : memref<2x10x8x512xf32, #tpu.memory_space<vmem>>, vector<16xf32>,
        tpu.vector_store %arg8[%swap3A_956, %swap3A_957, %swap3A_958, %swap3A_959], %gather3A_858 {strides = array<i32>} : memref<2x10x8x512xf32, #tpu.memory_space<vmem>>, vector<16xf32>,
        %gather3A_961 = arith.constant 960 : i32
        %gather3A_962 = tpu.memref_slice %arg6[%gather3A_961] : memref<1600xf32, #tpu.memory_space<vmem>> -> memref<160xf32, #tpu.memory_space<vmem>>
        %gather3A_963 = tpu.vector_load_idx %gather3A_962[%or3A_882] : memref<160xf32, #tpu.memory_space<vmem>>[vector<16xi32>], vector<16xf32>,
        %mul3A_964 = arith.constant 16 : i32
        %mul3A_965 = arith.muli %scan3A_831, %mul3A_964 : i32
        %swap3A_966 = arith.constant 1 : i32
        %swap3A_967 = arith.constant 6 : i32
        %swap3A_968 = arith.constant 0 : i32
        %swap3A_969 = arith.index_cast %swap3A_966 : i32 to index
        %swap3A_970 = arith.index_cast %swap3A_967 : i32 to index
        %swap3A_971 = arith.index_cast %swap3A_968 : i32 to index
        %swap3A_972 = arith.index_cast %mul3A_965 : i32 to index
        %swap3A_973 = tpu.vector_load %arg8[%swap3A_969, %swap3A_970, %swap3A_971, %swap3A_972] {strides = array<i32>} : memref<2x10x8x512xf32, #tpu.memory_space<vmem>>, vector<16xf32>,
        tpu.vector_store %arg8[%swap3A_969, %swap3A_970, %swap3A_971, %swap3A_972], %gather3A_861 {strides = array<i32>} : memref<2x10x8x512xf32, #tpu.memory_space<vmem>>, vector<16xf32>,
        %gather3A_974 = arith.constant 1120 : i32
        %gather3A_975 = tpu.memref_slice %arg6[%gather3A_974] : memref<1600xf32, #tpu.memory_space<vmem>> -> memref<160xf32, #tpu.memory_space<vmem>>
        %gather3A_976 = tpu.vector_load_idx %gather3A_975[%or3A_882] : memref<160xf32, #tpu.memory_space<vmem>>[vector<16xi32>], vector<16xf32>,
        %mul3A_977 = arith.constant 16 : i32
        %mul3A_978 = arith.muli %scan3A_831, %mul3A_977 : i32
        %swap3A_979 = arith.constant 1 : i32
        %swap3A_980 = arith.constant 7 : i32
        %swap3A_981 = arith.constant 0 : i32
        %swap3A_982 = arith.index_cast %swap3A_979 : i32 to index
        %swap3A_983 = arith.index_cast %swap3A_980 : i32 to index
        %swap3A_984 = arith.index_cast %swap3A_981 : i32 to index
        %swap3A_985 = arith.index_cast %mul3A_978 : i32 to index
        %swap3A_986 = tpu.vector_load %arg8[%swap3A_982, %swap3A_983, %swap3A_984, %swap3A_985] {strides = array<i32>} : memref<2x10x8x512xf32, #tpu.memory_space<vmem>>, vector<16xf32>,
        tpu.vector_store %arg8[%swap3A_982, %swap3A_983, %swap3A_984, %swap3A_985], %gather3A_864 {strides = array<i32>} : memref<2x10x8x512xf32, #tpu.memory_space<vmem>>, vector<16xf32>,
        %gather3A_987 = arith.constant 1280 : i32
        %gather3A_988 = tpu.memref_slice %arg6[%gather3A_987] : memref<1600xf32, #tpu.memory_space<vmem>> -> memref<160xf32, #tpu.memory_space<vmem>>
        %gather3A_989 = tpu.vector_load_idx %gather3A_988[%or3A_882] : memref<160xf32, #tpu.memory_space<vmem>>[vector<16xi32>], vector<16xf32>,
        %mul3A_990 = arith.constant 16 : i32
        %mul3A_991 = arith.muli %scan3A_831, %mul3A_990 : i32
        %swap3A_992 = arith.constant 1 : i32
        %swap3A_993 = arith.constant 8 : i32
        %swap3A_994 = arith.constant 0 : i32
        %swap3A_995 = arith.index_cast %swap3A_992 : i32 to index
        %swap3A_996 = arith.index_cast %swap3A_993 : i32 to index
        %swap3A_997 = arith.index_cast %swap3A_994 : i32 to index
        %swap3A_998 = arith.index_cast %mul3A_991 : i32 to index
        %swap3A_999 = tpu.vector_load %arg8[%swap3A_995, %swap3A_996, %swap3A_997, %swap3A_998] {strides = array<i32>} : memref<2x10x8x512xf32, #tpu.memory_space<vmem>>, vector<16xf32>,
        tpu.vector_store %arg8[%swap3A_995, %swap3A_996, %swap3A_997, %swap3A_998], %gather3A_867 {strides = array<i32>} : memref<2x10x8x512xf32, #tpu.memory_space<vmem>>, vector<16xf32>,
        %gather3A_1000 = arith.constant 1440 : i32
        %gather3A_1001 = tpu.memref_slice %arg6[%gather3A_1000] : memref<1600xf32, #tpu.memory_space<vmem>> -> memref<160xf32, #tpu.memory_space<vmem>>
        %gather3A_1002 = tpu.vector_load_idx %gather3A_1001[%or3A_882] : memref<160xf32, #tpu.memory_space<vmem>>[vector<16xi32>], vector<16xf32>,
        %mul3A_1003 = arith.constant 16 : i32
        %mul3A_1004 = arith.muli %scan3A_831, %mul3A_1003 : i32
        %swap3A_1005 = arith.constant 1 : i32
        %swap3A_1006 = arith.constant 9 : i32
        %swap3A_1007 = arith.constant 0 : i32
        %swap3A_1008 = arith.index_cast %swap3A_1005 : i32 to index
        %swap3A_1009 = arith.index_cast %swap3A_1006 : i32 to index
        %swap3A_1010 = arith.index_cast %swap3A_1007 : i32 to index
        %swap3A_1011 = arith.index_cast %mul3A_1004 : i32 to index
        %swap3A_1012 = tpu.vector_load %arg8[%swap3A_1008, %swap3A_1009, %swap3A_1010, %swap3A_1011] {strides = array<i32>} : memref<2x10x8x512xf32, #tpu.memory_space<vmem>>, vector<16xf32>,
        tpu.vector_store %arg8[%swap3A_1008, %swap3A_1009, %swap3A_1010, %swap3A_1011], %gather3A_870 {strides = array<i32>} : memref<2x10x8x512xf32, #tpu.memory_space<vmem>>, vector<16xf32>,
        %mul3A_1013 = arith.constant 16 : i32
        %mul3A_1014 = arith.muli %scan3A_831, %mul3A_1013 : i32
        %get3A_1015 = arith.constant 1 : i32
        %get3A_1016 = arith.constant 2 : i32
        %get3A_1017 = arith.index_cast %get3A_1015 : i32 to index
        %get3A_1018 = arith.index_cast %get3A_1016 : i32 to index
        %get3A_1019 = arith.index_cast %mul3A_1014 : i32 to index
        %get3A_1020 = tpu.vector_load %arg7[%get3A_1017, %get3A_1018, %get3A_1019] {strides = array<i32>} : memref<2x8x512xi32, #tpu.memory_space<vmem>>, vector<16xi32>,
        %shift_left3A_1021 = arith.constant 4 : i32
        %shift_left3A_1022 = vector.broadcast %shift_left3A_1021 : i32 to vector<16xi32>
        %shift_left3A_1023 = arith.shli %get3A_1020, %shift_left3A_1022 : vector<16xi32>
        %or3A_1024 = arith.ori %shift_left3A_1023, %iota3A : vector<16xi32>
        %gather3A_1025 = arith.constant 0 : i32
        %gather3A_1026 = tpu.memref_slice %arg6[%gather3A_1025] : memref<1600xf32, #tpu.memory_space<vmem>> -> memref<160xf32, #tpu.memory_space<vmem>>
        %gather3A_1027 = tpu.vector_load_idx %gather3A_1026[%or3A_1024] : memref<160xf32, #tpu.memory_space<vmem>>[vector<16xi32>], vector<16xf32>,
        %mul3A_1028 = arith.constant 16 : i32
        %mul3A_1029 = arith.muli %scan3A_831, %mul3A_1028 : i32
        %swap3A_1030 = arith.constant 1 : i32
        %swap3A_1031 = arith.constant 0 : i32
        %swap3A_1032 = arith.constant 1 : i32
        %swap3A_1033 = arith.index_cast %swap3A_1030 : i32 to index
        %swap3A_1034 = arith.index_cast %swap3A_1031 : i32 to index
        %swap3A_1035 = arith.index_cast %swap3A_1032 : i32 to index
        %swap3A_1036 = arith.index_cast %mul3A_1029 : i32 to index
        %swap3A_1037 = tpu.vector_load %arg8[%swap3A_1033, %swap3A_1034, %swap3A_1035, %swap3A_1036] {strides = array<i32>} : memref<2x10x8x512xf32, #tpu.memory_space<vmem>>, vector<16xf32>,
        tpu.vector_store %arg8[%swap3A_1033, %swap3A_1034, %swap3A_1035, %swap3A_1036], %gather3A_885 {strides = array<i32>} : memref<2x10x8x512xf32, #tpu.memory_space<vmem>>, vector<16xf32>,
        %gather3A_1038 = arith.constant 160 : i32
        %gather3A_1039 = tpu.memref_slice %arg6[%gather3A_1038] : memref<1600xf32, #tpu.memory_space<vmem>> -> memref<160xf32, #tpu.memory_space<vmem>>
        %gather3A_1040 = tpu.vector_load_idx %gather3A_1039[%or3A_1024] : memref<160xf32, #tpu.memory_space<vmem>>[vector<16xi32>], vector<16xf32>,
        %mul3A_1041 = arith.constant 16 : i32
        %mul3A_1042 = arith.muli %scan3A_831, %mul3A_1041 : i32
        %swap3A_1043 = arith.constant 1 : i32
        %swap3A_1044 = arith.constant 1 : i32
        %swap3A_1045 = arith.constant 1 : i32
        %swap3A_1046 = arith.index_cast %swap3A_1043 : i32 to index
        %swap3A_1047 = arith.index_cast %swap3A_1044 : i32 to index
        %swap3A_1048 = arith.index_cast %swap3A_1045 : i32 to index
        %swap3A_1049 = arith.index_cast %mul3A_1042 : i32 to index
        %swap3A_1050 = tpu.vector_load %arg8[%swap3A_1046, %swap3A_1047, %swap3A_1048, %swap3A_1049] {strides = array<i32>} : memref<2x10x8x512xf32, #tpu.memory_space<vmem>>, vector<16xf32>,
        tpu.vector_store %arg8[%swap3A_1046, %swap3A_1047, %swap3A_1048, %swap3A_1049], %gather3A_898 {strides = array<i32>} : memref<2x10x8x512xf32, #tpu.memory_space<vmem>>, vector<16xf32>,
        %gather3A_1051 = arith.constant 320 : i32
        %gather3A_1052 = tpu.memref_slice %arg6[%gather3A_1051] : memref<1600xf32, #tpu.memory_space<vmem>> -> memref<160xf32, #tpu.memory_space<vmem>>
        %gather3A_1053 = tpu.vector_load_idx %gather3A_1052[%or3A_1024] : memref<160xf32, #tpu.memory_space<vmem>>[vector<16xi32>], vector<16xf32>,
        %mul3A_1054 = arith.constant 16 : i32
        %mul3A_1055 = arith.muli %scan3A_831, %mul3A_1054 : i32
        %swap3A_1056 = arith.constant 1 : i32
        %swap3A_1057 = arith.constant 2 : i32
        %swap3A_1058 = arith.constant 1 : i32
        %swap3A_1059 = arith.index_cast %swap3A_1056 : i32 to index
        %swap3A_1060 = arith.index_cast %swap3A_1057 : i32 to index
        %swap3A_1061 = arith.index_cast %swap3A_1058 : i32 to index
        %swap3A_1062 = arith.index_cast %mul3A_1055 : i32 to index
        %swap3A_1063 = tpu.vector_load %arg8[%swap3A_1059, %swap3A_1060, %swap3A_1061, %swap3A_1062] {strides = array<i32>} : memref<2x10x8x512xf32, #tpu.memory_space<vmem>>, vector<16xf32>,
        tpu.vector_store %arg8[%swap3A_1059, %swap3A_1060, %swap3A_1061, %swap3A_1062], %gather3A_911 {strides = array<i32>} : memref<2x10x8x512xf32, #tpu.memory_space<vmem>>, vector<16xf32>,
        %gather3A_1064 = arith.constant 480 : i32
        %gather3A_1065 = tpu.memref_slice %arg6[%gather3A_1064] : memref<1600xf32, #tpu.memory_space<vmem>> -> memref<160xf32, #tpu.memory_space<vmem>>
        %gather3A_1066 = tpu.vector_load_idx %gather3A_1065[%or3A_1024] : memref<160xf32, #tpu.memory_space<vmem>>[vector<16xi32>], vector<16xf32>,
        %mul3A_1067 = arith.constant 16 : i32
        %mul3A_1068 = arith.muli %scan3A_831, %mul3A_1067 : i32
        %swap3A_1069 = arith.constant 1 : i32
        %swap3A_1070 = arith.constant 3 : i32
        %swap3A_1071 = arith.constant 1 : i32
        %swap3A_1072 = arith.index_cast %swap3A_1069 : i32 to index
        %swap3A_1073 = arith.index_cast %swap3A_1070 : i32 to index
        %swap3A_1074 = arith.index_cast %swap3A_1071 : i32 to index
        %swap3A_1075 = arith.index_cast %mul3A_1068 : i32 to index
        %swap3A_1076 = tpu.vector_load %arg8[%swap3A_1072, %swap3A_1073, %swap3A_1074, %swap3A_1075] {strides = array<i32>} : memref<2x10x8x512xf32, #tpu.memory_space<vmem>>, vector<16xf32>,
        tpu.vector_store %arg8[%swap3A_1072, %swap3A_1073, %swap3A_1074, %swap3A_1075], %gather3A_924 {strides = array<i32>} : memref<2x10x8x512xf32, #tpu.memory_space<vmem>>, vector<16xf32>,
        %gather3A_1077 = arith.constant 640 : i32
        %gather3A_1078 = tpu.memref_slice %arg6[%gather3A_1077] : memref<1600xf32, #tpu.memory_space<vmem>> -> memref<160xf32, #tpu.memory_space<vmem>>
        %gather3A_1079 = tpu.vector_load_idx %gather3A_1078[%or3A_1024] : memref<160xf32, #tpu.memory_space<vmem>>[vector<16xi32>], vector<16xf32>,
        %mul3A_1080 = arith.constant 16 : i32
        %mul3A_1081 = arith.muli %scan3A_831, %mul3A_1080 : i32
        %swap3A_1082 = arith.constant 1 : i32
        %swap3A_1083 = arith.constant 4 : i32
        %swap3A_1084 = arith.constant 1 : i32
        %swap3A_1085 = arith.index_cast %swap3A_1082 : i32 to index
        %swap3A_1086 = arith.index_cast %swap3A_1083 : i32 to index
        %swap3A_1087 = arith.index_cast %swap3A_1084 : i32 to index
        %swap3A_1088 = arith.index_cast %mul3A_1081 : i32 to index
        %swap3A_1089 = tpu.vector_load %arg8[%swap3A_1085, %swap3A_1086, %swap3A_1087, %swap3A_1088] {strides = array<i32>} : memref<2x10x8x512xf32, #tpu.memory_space<vmem>>, vector<16xf32>,
        tpu.vector_store %arg8[%swap3A_1085, %swap3A_1086, %swap3A_1087, %swap3A_1088], %gather3A_937 {strides = array<i32>} : memref<2x10x8x512xf32, #tpu.memory_space<vmem>>, vector<16xf32>,
        %gather3A_1090 = arith.constant 800 : i32
        %gather3A_1091 = tpu.memref_slice %arg6[%gather3A_1090] : memref<1600xf32, #tpu.memory_space<vmem>> -> memref<160xf32, #tpu.memory_space<vmem>>
        %gather3A_1092 = tpu.vector_load_idx %gather3A_1091[%or3A_1024] : memref<160xf32, #tpu.memory_space<vmem>>[vector<16xi32>], vector<16xf32>,
        %mul3A_1093 = arith.constant 16 : i32
        %mul3A_1094 = arith.muli %scan3A_831, %mul3A_1093 : i32
        %swap3A_1095 = arith.constant 1 : i32
        %swap3A_1096 = arith.constant 5 : i32
        %swap3A_1097 = arith.constant 1 : i32
        %swap3A_1098 = arith.index_cast %swap3A_1095 : i32 to index
        %swap3A_1099 = arith.index_cast %swap3A_1096 : i32 to index
        %swap3A_1100 = arith.index_cast %swap3A_1097 : i32 to index
        %swap3A_1101 = arith.index_cast %mul3A_1094 : i32 to index
        %swap3A_1102 = tpu.vector_load %arg8[%swap3A_1098, %swap3A_1099, %swap3A_1100, %swap3A_1101] {strides = array<i32>} : memref<2x10x8x512xf32, #tpu.memory_space<vmem>>, vector<16xf32>,
        tpu.vector_store %arg8[%swap3A_1098, %swap3A_1099, %swap3A_1100, %swap3A_1101], %gather3A_950 {strides = array<i32>} : memref<2x10x8x512xf32, #tpu.memory_space<vmem>>, vector<16xf32>,
        %gather3A_1103 = arith.constant 960 : i32
        %gather3A_1104 = tpu.memref_slice %arg6[%gather3A_1103] : memref<1600xf32, #tpu.memory_space<vmem>> -> memref<160xf32, #tpu.memory_space<vmem>>
        %gather3A_1105 = tpu.vector_load_idx %gather3A_1104[%or3A_1024] : memref<160xf32, #tpu.memory_space<vmem>>[vector<16xi32>], vector<16xf32>,
        %mul3A_1106 = arith.constant 16 : i32
        %mul3A_1107 = arith.muli %scan3A_831, %mul3A_1106 : i32
        %swap3A_1108 = arith.constant 1 : i32
        %swap3A_1109 = arith.constant 6 : i32
        %swap3A_1110 = arith.constant 1 : i32
        %swap3A_1111 = arith.index_cast %swap3A_1108 : i32 to index
        %swap3A_1112 = arith.index_cast %swap3A_1109 : i32 to index
        %swap3A_1113 = arith.index_cast %swap3A_1110 : i32 to index
        %swap3A_1114 = arith.index_cast %mul3A_1107 : i32 to index
        %swap3A_1115 = tpu.vector_load %arg8[%swap3A_1111, %swap3A_1112, %swap3A_1113, %swap3A_1114] {strides = array<i32>} : memref<2x10x8x512xf32, #tpu.memory_space<vmem>>, vector<16xf32>,
        tpu.vector_store %arg8[%swap3A_1111, %swap3A_1112, %swap3A_1113, %swap3A_1114], %gather3A_963 {strides = array<i32>} : memref<2x10x8x512xf32, #tpu.memory_space<vmem>>, vector<16xf32>,
        %gather3A_1116 = arith.constant 1120 : i32
        %gather3A_1117 = tpu.memref_slice %arg6[%gather3A_1116] : memref<1600xf32, #tpu.memory_space<vmem>> -> memref<160xf32, #tpu.memory_space<vmem>>
        %gather3A_1118 = tpu.vector_load_idx %gather3A_1117[%or3A_1024] : memref<160xf32, #tpu.memory_space<vmem>>[vector<16xi32>], vector<16xf32>,
        %mul3A_1119 = arith.constant 16 : i32
        %mul3A_1120 = arith.muli %scan3A_831, %mul3A_1119 : i32
        %swap3A_1121 = arith.constant 1 : i32
        %swap3A_1122 = arith.constant 7 : i32
        %swap3A_1123 = arith.constant 1 : i32
        %swap3A_1124 = arith.index_cast %swap3A_1121 : i32 to index
        %swap3A_1125 = arith.index_cast %swap3A_1122 : i32 to index
        %swap3A_1126 = arith.index_cast %swap3A_1123 : i32 to index
        %swap3A_1127 = arith.index_cast %mul3A_1120 : i32 to index
        %swap3A_1128 = tpu.vector_load %arg8[%swap3A_1124, %swap3A_1125, %swap3A_1126, %swap3A_1127] {strides = array<i32>} : memref<2x10x8x512xf32, #tpu.memory_space<vmem>>, vector<16xf32>,
        tpu.vector_store %arg8[%swap3A_1124, %swap3A_1125, %swap3A_1126, %swap3A_1127], %gather3A_976 {strides = array<i32>} : memref<2x10x8x512xf32, #tpu.memory_space<vmem>>, vector<16xf32>,
        %gather3A_1129 = arith.constant 1280 : i32
        %gather3A_1130 = tpu.memref_slice %arg6[%gather3A_1129] : memref<1600xf32, #tpu.memory_space<vmem>> -> memref<160xf32, #tpu.memory_space<vmem>>
        %gather3A_1131 = tpu.vector_load_idx %gather3A_1130[%or3A_1024] : memref<160xf32, #tpu.memory_space<vmem>>[vector<16xi32>], vector<16xf32>,
        %mul3A_1132 = arith.constant 16 : i32
        %mul3A_1133 = arith.muli %scan3A_831, %mul3A_1132 : i32
        %swap3A_1134 = arith.constant 1 : i32
        %swap3A_1135 = arith.constant 8 : i32
        %swap3A_1136 = arith.constant 1 : i32
        %swap3A_1137 = arith.index_cast %swap3A_1134 : i32 to index
        %swap3A_1138 = arith.index_cast %swap3A_1135 : i32 to index
        %swap3A_1139 = arith.index_cast %swap3A_1136 : i32 to index
        %swap3A_1140 = arith.index_cast %mul3A_1133 : i32 to index
        %swap3A_1141 = tpu.vector_load %arg8[%swap3A_1137, %swap3A_1138, %swap3A_1139, %swap3A_1140] {strides = array<i32>} : memref<2x10x8x512xf32, #tpu.memory_space<vmem>>, vector<16xf32>,
        tpu.vector_store %arg8[%swap3A_1137, %swap3A_1138, %swap3A_1139, %swap3A_1140], %gather3A_989 {strides = array<i32>} : memref<2x10x8x512xf32, #tpu.memory_space<vmem>>, vector<16xf32>,
        %gather3A_1142 = arith.constant 1440 : i32
        %gather3A_1143 = tpu.memref_slice %arg6[%gather3A_1142] : memref<1600xf32, #tpu.memory_space<vmem>> -> memref<160xf32, #tpu.memory_space<vmem>>
        %gather3A_1144 = tpu.vector_load_idx %gather3A_1143[%or3A_1024] : memref<160xf32, #tpu.memory_space<vmem>>[vector<16xi32>], vector<16xf32>,
        %mul3A_1145 = arith.constant 16 : i32
        %mul3A_1146 = arith.muli %scan3A_831, %mul3A_1145 : i32
        %swap3A_1147 = arith.constant 1 : i32
        %swap3A_1148 = arith.constant 9 : i32
        %swap3A_1149 = arith.constant 1 : i32
        %swap3A_1150 = arith.index_cast %swap3A_1147 : i32 to index
        %swap3A_1151 = arith.index_cast %swap3A_1148 : i32 to index
        %swap3A_1152 = arith.index_cast %swap3A_1149 : i32 to index
        %swap3A_1153 = arith.index_cast %mul3A_1146 : i32 to index
        %swap3A_1154 = tpu.vector_load %arg8[%swap3A_1150, %swap3A_1151, %swap3A_1152, %swap3A_1153] {strides = array<i32>} : memref<2x10x8x512xf32, #tpu.memory_space<vmem>>, vector<16xf32>,
        tpu.vector_store %arg8[%swap3A_1150, %swap3A_1151, %swap3A_1152, %swap3A_1153], %gather3A_1002 {strides = array<i32>} : memref<2x10x8x512xf32, #tpu.memory_space<vmem>>, vector<16xf32>,
        %mul3A_1155 = arith.constant 16 : i32
        %mul3A_1156 = arith.muli %scan3A_831, %mul3A_1155 : i32
        %get3A_1157 = arith.constant 1 : i32
        %get3A_1158 = arith.constant 3 : i32
        %get3A_1159 = arith.index_cast %get3A_1157 : i32 to index
        %get3A_1160 = arith.index_cast %get3A_1158 : i32 to index
        %get3A_1161 = arith.index_cast %mul3A_1156 : i32 to index
        %get3A_1162 = tpu.vector_load %arg7[%get3A_1159, %get3A_1160, %get3A_1161] {strides = array<i32>} : memref<2x8x512xi32, #tpu.memory_space<vmem>>, vector<16xi32>,
        %shift_left3A_1163 = arith.constant 4 : i32
        %shift_left3A_1164 = vector.broadcast %shift_left3A_1163 : i32 to vector<16xi32>
        %shift_left3A_1165 = arith.shli %get3A_1162, %shift_left3A_1164 : vector<16xi32>
        %or3A_1166 = arith.ori %shift_left3A_1165, %iota3A : vector<16xi32>
        %gather3A_1167 = arith.constant 0 : i32
        %gather3A_1168 = tpu.memref_slice %arg6[%gather3A_1167] : memref<1600xf32, #tpu.memory_space<vmem>> -> memref<160xf32, #tpu.memory_space<vmem>>
        %gather3A_1169 = tpu.vector_load_idx %gather3A_1168[%or3A_1166] : memref<160xf32, #tpu.memory_space<vmem>>[vector<16xi32>], vector<16xf32>,
        %mul3A_1170 = arith.constant 16 : i32
        %mul3A_1171 = arith.muli %scan3A_831, %mul3A_1170 : i32
        %swap3A_1172 = arith.constant 1 : i32
        %swap3A_1173 = arith.constant 0 : i32
        %swap3A_1174 = arith.constant 2 : i32
        %swap3A_1175 = arith.index_cast %swap3A_1172 : i32 to index
        %swap3A_1176 = arith.index_cast %swap3A_1173 : i32 to index
        %swap3A_1177 = arith.index_cast %swap3A_1174 : i32 to index
        %swap3A_1178 = arith.index_cast %mul3A_1171 : i32 to index
        %swap3A_1179 = tpu.vector_load %arg8[%swap3A_1175, %swap3A_1176, %swap3A_1177, %swap3A_1178] {strides = array<i32>} : memref<2x10x8x512xf32, #tpu.memory_space<vmem>>, vector<16xf32>,
        tpu.vector_store %arg8[%swap3A_1175, %swap3A_1176, %swap3A_1177, %swap3A_1178], %gather3A_1027 {strides = array<i32>} : memref<2x10x8x512xf32, #tpu.memory_space<vmem>>, vector<16xf32>,
        %gather3A_1180 = arith.constant 160 : i32
        %gather3A_1181 = tpu.memref_slice %arg6[%gather3A_1180] : memref<1600xf32, #tpu.memory_space<vmem>> -> memref<160xf32, #tpu.memory_space<vmem>>
        %gather3A_1182 = tpu.vector_load_idx %gather3A_1181[%or3A_1166] : memref<160xf32, #tpu.memory_space<vmem>>[vector<16xi32>], vector<16xf32>,
        %mul3A_1183 = arith.constant 16 : i32
        %mul3A_1184 = arith.muli %scan3A_831, %mul3A_1183 : i32
        %swap3A_1185 = arith.constant 1 : i32
        %swap3A_1186 = arith.constant 1 : i32
        %swap3A_1187 = arith.constant 2 : i32
        %swap3A_1188 = arith.index_cast %swap3A_1185 : i32 to index
        %swap3A_1189 = arith.index_cast %swap3A_1186 : i32 to index
        %swap3A_1190 = arith.index_cast %swap3A_1187 : i32 to index
        %swap3A_1191 = arith.index_cast %mul3A_1184 : i32 to index
        %swap3A_1192 = tpu.vector_load %arg8[%swap3A_1188, %swap3A_1189, %swap3A_1190, %swap3A_1191] {strides = array<i32>} : memref<2x10x8x512xf32, #tpu.memory_space<vmem>>, vector<16xf32>,
        tpu.vector_store %arg8[%swap3A_1188, %swap3A_1189, %swap3A_1190, %swap3A_1191], %gather3A_1040 {strides = array<i32>} : memref<2x10x8x512xf32, #tpu.memory_space<vmem>>, vector<16xf32>,
        %gather3A_1193 = arith.constant 320 : i32
        %gather3A_1194 = tpu.memref_slice %arg6[%gather3A_1193] : memref<1600xf32, #tpu.memory_space<vmem>> -> memref<160xf32, #tpu.memory_space<vmem>>
        %gather3A_1195 = tpu.vector_load_idx %gather3A_1194[%or3A_1166] : memref<160xf32, #tpu.memory_space<vmem>>[vector<16xi32>], vector<16xf32>,
        %mul3A_1196 = arith.constant 16 : i32
        %mul3A_1197 = arith.muli %scan3A_831, %mul3A_1196 : i32
        %swap3A_1198 = arith.constant 1 : i32
        %swap3A_1199 = arith.constant 2 : i32
        %swap3A_1200 = arith.constant 2 : i32
        %swap3A_1201 = arith.index_cast %swap3A_1198 : i32 to index
        %swap3A_1202 = arith.index_cast %swap3A_1199 : i32 to index
        %swap3A_1203 = arith.index_cast %swap3A_1200 : i32 to index
        %swap3A_1204 = arith.index_cast %mul3A_1197 : i32 to index
        %swap3A_1205 = tpu.vector_load %arg8[%swap3A_1201, %swap3A_1202, %swap3A_1203, %swap3A_1204] {strides = array<i32>} : memref<2x10x8x512xf32, #tpu.memory_space<vmem>>, vector<16xf32>,
        tpu.vector_store %arg8[%swap3A_1201, %swap3A_1202, %swap3A_1203, %swap3A_1204], %gather3A_1053 {strides = array<i32>} : memref<2x10x8x512xf32, #tpu.memory_space<vmem>>, vector<16xf32>,
        %gather3A_1206 = arith.constant 480 : i32
        %gather3A_1207 = tpu.memref_slice %arg6[%gather3A_1206] : memref<1600xf32, #tpu.memory_space<vmem>> -> memref<160xf32, #tpu.memory_space<vmem>>
        %gather3A_1208 = tpu.vector_load_idx %gather3A_1207[%or3A_1166] : memref<160xf32, #tpu.memory_space<vmem>>[vector<16xi32>], vector<16xf32>,
        %mul3A_1209 = arith.constant 16 : i32
        %mul3A_1210 = arith.muli %scan3A_831, %mul3A_1209 : i32
        %swap3A_1211 = arith.constant 1 : i32
        %swap3A_1212 = arith.constant 3 : i32
        %swap3A_1213 = arith.constant 2 : i32
        %swap3A_1214 = arith.index_cast %swap3A_1211 : i32 to index
        %swap3A_1215 = arith.index_cast %swap3A_1212 : i32 to index
        %swap3A_1216 = arith.index_cast %swap3A_1213 : i32 to index
        %swap3A_1217 = arith.index_cast %mul3A_1210 : i32 to index
        %swap3A_1218 = tpu.vector_load %arg8[%swap3A_1214, %swap3A_1215, %swap3A_1216, %swap3A_1217] {strides = array<i32>} : memref<2x10x8x512xf32, #tpu.memory_space<vmem>>, vector<16xf32>,
        tpu.vector_store %arg8[%swap3A_1214, %swap3A_1215, %swap3A_1216, %swap3A_1217], %gather3A_1066 {strides = array<i32>} : memref<2x10x8x512xf32, #tpu.memory_space<vmem>>, vector<16xf32>,
        %gather3A_1219 = arith.constant 640 : i32
        %gather3A_1220 = tpu.memref_slice %arg6[%gather3A_1219] : memref<1600xf32, #tpu.memory_space<vmem>> -> memref<160xf32, #tpu.memory_space<vmem>>
        %gather3A_1221 = tpu.vector_load_idx %gather3A_1220[%or3A_1166] : memref<160xf32, #tpu.memory_space<vmem>>[vector<16xi32>], vector<16xf32>,
        %mul3A_1222 = arith.constant 16 : i32
        %mul3A_1223 = arith.muli %scan3A_831, %mul3A_1222 : i32
        %swap3A_1224 = arith.constant 1 : i32
        %swap3A_1225 = arith.constant 4 : i32
        %swap3A_1226 = arith.constant 2 : i32
        %swap3A_1227 = arith.index_cast %swap3A_1224 : i32 to index
        %swap3A_1228 = arith.index_cast %swap3A_1225 : i32 to index
        %swap3A_1229 = arith.index_cast %swap3A_1226 : i32 to index
        %swap3A_1230 = arith.index_cast %mul3A_1223 : i32 to index
        %swap3A_1231 = tpu.vector_load %arg8[%swap3A_1227, %swap3A_1228, %swap3A_1229, %swap3A_1230] {strides = array<i32>} : memref<2x10x8x512xf32, #tpu.memory_space<vmem>>, vector<16xf32>,
        tpu.vector_store %arg8[%swap3A_1227, %swap3A_1228, %swap3A_1229, %swap3A_1230], %gather3A_1079 {strides = array<i32>} : memref<2x10x8x512xf32, #tpu.memory_space<vmem>>, vector<16xf32>,
        %gather3A_1232 = arith.constant 800 : i32
        %gather3A_1233 = tpu.memref_slice %arg6[%gather3A_1232] : memref<1600xf32, #tpu.memory_space<vmem>> -> memref<160xf32, #tpu.memory_space<vmem>>
        %gather3A_1234 = tpu.vector_load_idx %gather3A_1233[%or3A_1166] : memref<160xf32, #tpu.memory_space<vmem>>[vector<16xi32>], vector<16xf32>,
        %mul3A_1235 = arith.constant 16 : i32
        %mul3A_1236 = arith.muli %scan3A_831, %mul3A_1235 : i32
        %swap3A_1237 = arith.constant 1 : i32
        %swap3A_1238 = arith.constant 5 : i32
        %swap3A_1239 = arith.constant 2 : i32
        %swap3A_1240 = arith.index_cast %swap3A_1237 : i32 to index
        %swap3A_1241 = arith.index_cast %swap3A_1238 : i32 to index
        %swap3A_1242 = arith.index_cast %swap3A_1239 : i32 to index
        %swap3A_1243 = arith.index_cast %mul3A_1236 : i32 to index
        %swap3A_1244 = tpu.vector_load %arg8[%swap3A_1240, %swap3A_1241, %swap3A_1242, %swap3A_1243] {strides = array<i32>} : memref<2x10x8x512xf32, #tpu.memory_space<vmem>>, vector<16xf32>,
        tpu.vector_store %arg8[%swap3A_1240, %swap3A_1241, %swap3A_1242, %swap3A_1243], %gather3A_1092 {strides = array<i32>} : memref<2x10x8x512xf32, #tpu.memory_space<vmem>>, vector<16xf32>,
        %gather3A_1245 = arith.constant 960 : i32
        %gather3A_1246 = tpu.memref_slice %arg6[%gather3A_1245] : memref<1600xf32, #tpu.memory_space<vmem>> -> memref<160xf32, #tpu.memory_space<vmem>>
        %gather3A_1247 = tpu.vector_load_idx %gather3A_1246[%or3A_1166] : memref<160xf32, #tpu.memory_space<vmem>>[vector<16xi32>], vector<16xf32>,
        %mul3A_1248 = arith.constant 16 : i32
        %mul3A_1249 = arith.muli %scan3A_831, %mul3A_1248 : i32
        %swap3A_1250 = arith.constant 1 : i32
        %swap3A_1251 = arith.constant 6 : i32
        %swap3A_1252 = arith.constant 2 : i32
        %swap3A_1253 = arith.index_cast %swap3A_1250 : i32 to index
        %swap3A_1254 = arith.index_cast %swap3A_1251 : i32 to index
        %swap3A_1255 = arith.index_cast %swap3A_1252 : i32 to index
        %swap3A_1256 = arith.index_cast %mul3A_1249 : i32 to index
        %swap3A_1257 = tpu.vector_load %arg8[%swap3A_1253, %swap3A_1254, %swap3A_1255, %swap3A_1256] {strides = array<i32>} : memref<2x10x8x512xf32, #tpu.memory_space<vmem>>, vector<16xf32>,
        tpu.vector_store %arg8[%swap3A_1253, %swap3A_1254, %swap3A_1255, %swap3A_1256], %gather3A_1105 {strides = array<i32>} : memref<2x10x8x512xf32, #tpu.memory_space<vmem>>, vector<16xf32>,
        %gather3A_1258 = arith.constant 1120 : i32
        %gather3A_1259 = tpu.memref_slice %arg6[%gather3A_1258] : memref<1600xf32, #tpu.memory_space<vmem>> -> memref<160xf32, #tpu.memory_space<vmem>>
        %gather3A_1260 = tpu.vector_load_idx %gather3A_1259[%or3A_1166] : memref<160xf32, #tpu.memory_space<vmem>>[vector<16xi32>], vector<16xf32>,
        %mul3A_1261 = arith.constant 16 : i32
        %mul3A_1262 = arith.muli %scan3A_831, %mul3A_1261 : i32
        %swap3A_1263 = arith.constant 1 : i32
        %swap3A_1264 = arith.constant 7 : i32
        %swap3A_1265 = arith.constant 2 : i32
        %swap3A_1266 = arith.index_cast %swap3A_1263 : i32 to index
        %swap3A_1267 = arith.index_cast %swap3A_1264 : i32 to index
        %swap3A_1268 = arith.index_cast %swap3A_1265 : i32 to index
        %swap3A_1269 = arith.index_cast %mul3A_1262 : i32 to index
        %swap3A_1270 = tpu.vector_load %arg8[%swap3A_1266, %swap3A_1267, %swap3A_1268, %swap3A_1269] {strides = array<i32>} : memref<2x10x8x512xf32, #tpu.memory_space<vmem>>, vector<16xf32>,
        tpu.vector_store %arg8[%swap3A_1266, %swap3A_1267, %swap3A_1268, %swap3A_1269], %gather3A_1118 {strides = array<i32>} : memref<2x10x8x512xf32, #tpu.memory_space<vmem>>, vector<16xf32>,
        %gather3A_1271 = arith.constant 1280 : i32
        %gather3A_1272 = tpu.memref_slice %arg6[%gather3A_1271] : memref<1600xf32, #tpu.memory_space<vmem>> -> memref<160xf32, #tpu.memory_space<vmem>>
        %gather3A_1273 = tpu.vector_load_idx %gather3A_1272[%or3A_1166] : memref<160xf32, #tpu.memory_space<vmem>>[vector<16xi32>], vector<16xf32>,
        %mul3A_1274 = arith.constant 16 : i32
        %mul3A_1275 = arith.muli %scan3A_831, %mul3A_1274 : i32
        %swap3A_1276 = arith.constant 1 : i32
        %swap3A_1277 = arith.constant 8 : i32
        %swap3A_1278 = arith.constant 2 : i32
        %swap3A_1279 = arith.index_cast %swap3A_1276 : i32 to index
        %swap3A_1280 = arith.index_cast %swap3A_1277 : i32 to index
        %swap3A_1281 = arith.index_cast %swap3A_1278 : i32 to index
        %swap3A_1282 = arith.index_cast %mul3A_1275 : i32 to index
        %swap3A_1283 = tpu.vector_load %arg8[%swap3A_1279, %swap3A_1280, %swap3A_1281, %swap3A_1282] {strides = array<i32>} : memref<2x10x8x512xf32, #tpu.memory_space<vmem>>, vector<16xf32>,
        tpu.vector_store %arg8[%swap3A_1279, %swap3A_1280, %swap3A_1281, %swap3A_1282], %gather3A_1131 {strides = array<i32>} : memref<2x10x8x512xf32, #tpu.memory_space<vmem>>, vector<16xf32>,
        %gather3A_1284 = arith.constant 1440 : i32
        %gather3A_1285 = tpu.memref_slice %arg6[%gather3A_1284] : memref<1600xf32, #tpu.memory_space<vmem>> -> memref<160xf32, #tpu.memory_space<vmem>>
        %gather3A_1286 = tpu.vector_load_idx %gather3A_1285[%or3A_1166] : memref<160xf32, #tpu.memory_space<vmem>>[vector<16xi32>], vector<16xf32>,
        %mul3A_1287 = arith.constant 16 : i32
        %mul3A_1288 = arith.muli %scan3A_831, %mul3A_1287 : i32
        %swap3A_1289 = arith.constant 1 : i32
        %swap3A_1290 = arith.constant 9 : i32
        %swap3A_1291 = arith.constant 2 : i32
        %swap3A_1292 = arith.index_cast %swap3A_1289 : i32 to index
        %swap3A_1293 = arith.index_cast %swap3A_1290 : i32 to index
        %swap3A_1294 = arith.index_cast %swap3A_1291 : i32 to index
        %swap3A_1295 = arith.index_cast %mul3A_1288 : i32 to index
        %swap3A_1296 = tpu.vector_load %arg8[%swap3A_1292, %swap3A_1293, %swap3A_1294, %swap3A_1295] {strides = array<i32>} : memref<2x10x8x512xf32, #tpu.memory_space<vmem>>, vector<16xf32>,
        tpu.vector_store %arg8[%swap3A_1292, %swap3A_1293, %swap3A_1294, %swap3A_1295], %gather3A_1144 {strides = array<i32>} : memref<2x10x8x512xf32, #tpu.memory_space<vmem>>, vector<16xf32>,
        %mul3A_1297 = arith.constant 16 : i32
        %mul3A_1298 = arith.muli %scan3A_831, %mul3A_1297 : i32
        %get3A_1299 = arith.constant 1 : i32
        %get3A_1300 = arith.constant 4 : i32
        %get3A_1301 = arith.index_cast %get3A_1299 : i32 to index
        %get3A_1302 = arith.index_cast %get3A_1300 : i32 to index
        %get3A_1303 = arith.index_cast %mul3A_1298 : i32 to index
        %get3A_1304 = tpu.vector_load %arg7[%get3A_1301, %get3A_1302, %get3A_1303] {strides = array<i32>} : memref<2x8x512xi32, #tpu.memory_space<vmem>>, vector<16xi32>,
        %shift_left3A_1305 = arith.constant 4 : i32
        %shift_left3A_1306 = vector.broadcast %shift_left3A_1305 : i32 to vector<16xi32>
        %shift_left3A_1307 = arith.shli %get3A_1304, %shift_left3A_1306 : vector<16xi32>
        %or3A_1308 = arith.ori %shift_left3A_1307, %iota3A : vector<16xi32>
        %gather3A_1309 = arith.constant 0 : i32
        %gather3A_1310 = tpu.memref_slice %arg6[%gather3A_1309] : memref<1600xf32, #tpu.memory_space<vmem>> -> memref<160xf32, #tpu.memory_space<vmem>>
        %gather3A_1311 = tpu.vector_load_idx %gather3A_1310[%or3A_1308] : memref<160xf32, #tpu.memory_space<vmem>>[vector<16xi32>], vector<16xf32>,
        %mul3A_1312 = arith.constant 16 : i32
        %mul3A_1313 = arith.muli %scan3A_831, %mul3A_1312 : i32
        %swap3A_1314 = arith.constant 1 : i32
        %swap3A_1315 = arith.constant 0 : i32
        %swap3A_1316 = arith.constant 3 : i32
        %swap3A_1317 = arith.index_cast %swap3A_1314 : i32 to index
        %swap3A_1318 = arith.index_cast %swap3A_1315 : i32 to index
        %swap3A_1319 = arith.index_cast %swap3A_1316 : i32 to index
        %swap3A_1320 = arith.index_cast %mul3A_1313 : i32 to index
        %swap3A_1321 = tpu.vector_load %arg8[%swap3A_1317, %swap3A_1318, %swap3A_1319, %swap3A_1320] {strides = array<i32>} : memref<2x10x8x512xf32, #tpu.memory_space<vmem>>, vector<16xf32>,
        tpu.vector_store %arg8[%swap3A_1317, %swap3A_1318, %swap3A_1319, %swap3A_1320], %gather3A_1169 {strides = array<i32>} : memref<2x10x8x512xf32, #tpu.memory_space<vmem>>, vector<16xf32>,
        %gather3A_1322 = arith.constant 160 : i32
        %gather3A_1323 = tpu.memref_slice %arg6[%gather3A_1322] : memref<1600xf32, #tpu.memory_space<vmem>> -> memref<160xf32, #tpu.memory_space<vmem>>
        %gather3A_1324 = tpu.vector_load_idx %gather3A_1323[%or3A_1308] : memref<160xf32, #tpu.memory_space<vmem>>[vector<16xi32>], vector<16xf32>,
        %mul3A_1325 = arith.constant 16 : i32
        %mul3A_1326 = arith.muli %scan3A_831, %mul3A_1325 : i32
        %swap3A_1327 = arith.constant 1 : i32
        %swap3A_1328 = arith.constant 1 : i32
        %swap3A_1329 = arith.constant 3 : i32
        %swap3A_1330 = arith.index_cast %swap3A_1327 : i32 to index
        %swap3A_1331 = arith.index_cast %swap3A_1328 : i32 to index
        %swap3A_1332 = arith.index_cast %swap3A_1329 : i32 to index
        %swap3A_1333 = arith.index_cast %mul3A_1326 : i32 to index
        %swap3A_1334 = tpu.vector_load %arg8[%swap3A_1330, %swap3A_1331, %swap3A_1332, %swap3A_1333] {strides = array<i32>} : memref<2x10x8x512xf32, #tpu.memory_space<vmem>>, vector<16xf32>,
        tpu.vector_store %arg8[%swap3A_1330, %swap3A_1331, %swap3A_1332, %swap3A_1333], %gather3A_1182 {strides = array<i32>} : memref<2x10x8x512xf32, #tpu.memory_space<vmem>>, vector<16xf32>,
        %gather3A_1335 = arith.constant 320 : i32
        %gather3A_1336 = tpu.memref_slice %arg6[%gather3A_1335] : memref<1600xf32, #tpu.memory_space<vmem>> -> memref<160xf32, #tpu.memory_space<vmem>>
        %gather3A_1337 = tpu.vector_load_idx %gather3A_1336[%or3A_1308] : memref<160xf32, #tpu.memory_space<vmem>>[vector<16xi32>], vector<16xf32>,
        %mul3A_1338 = arith.constant 16 : i32
        %mul3A_1339 = arith.muli %scan3A_831, %mul3A_1338 : i32
        %swap3A_1340 = arith.constant 1 : i32
        %swap3A_1341 = arith.constant 2 : i32
        %swap3A_1342 = arith.constant 3 : i32
        %swap3A_1343 = arith.index_cast %swap3A_1340 : i32 to index
        %swap3A_1344 = arith.index_cast %swap3A_1341 : i32 to index
        %swap3A_1345 = arith.index_cast %swap3A_1342 : i32 to index
        %swap3A_1346 = arith.index_cast %mul3A_1339 : i32 to index
        %swap3A_1347 = tpu.vector_load %arg8[%swap3A_1343, %swap3A_1344, %swap3A_1345, %swap3A_1346] {strides = array<i32>} : memref<2x10x8x512xf32, #tpu.memory_space<vmem>>, vector<16xf32>,
        tpu.vector_store %arg8[%swap3A_1343, %swap3A_1344, %swap3A_1345, %swap3A_1346], %gather3A_1195 {strides = array<i32>} : memref<2x10x8x512xf32, #tpu.memory_space<vmem>>, vector<16xf32>,
        %gather3A_1348 = arith.constant 480 : i32
        %gather3A_1349 = tpu.memref_slice %arg6[%gather3A_1348] : memref<1600xf32, #tpu.memory_space<vmem>> -> memref<160xf32, #tpu.memory_space<vmem>>
        %gather3A_1350 = tpu.vector_load_idx %gather3A_1349[%or3A_1308] : memref<160xf32, #tpu.memory_space<vmem>>[vector<16xi32>], vector<16xf32>,
        %mul3A_1351 = arith.constant 16 : i32
        %mul3A_1352 = arith.muli %scan3A_831, %mul3A_1351 : i32
        %swap3A_1353 = arith.constant 1 : i32
        %swap3A_1354 = arith.constant 3 : i32
        %swap3A_1355 = arith.constant 3 : i32
        %swap3A_1356 = arith.index_cast %swap3A_1353 : i32 to index
        %swap3A_1357 = arith.index_cast %swap3A_1354 : i32 to index
        %swap3A_1358 = arith.index_cast %swap3A_1355 : i32 to index
        %swap3A_1359 = arith.index_cast %mul3A_1352 : i32 to index
        %swap3A_1360 = tpu.vector_load %arg8[%swap3A_1356, %swap3A_1357, %swap3A_1358, %swap3A_1359] {strides = array<i32>} : memref<2x10x8x512xf32, #tpu.memory_space<vmem>>, vector<16xf32>,
        tpu.vector_store %arg8[%swap3A_1356, %swap3A_1357, %swap3A_1358, %swap3A_1359], %gather3A_1208 {strides = array<i32>} : memref<2x10x8x512xf32, #tpu.memory_space<vmem>>, vector<16xf32>,
        %gather3A_1361 = arith.constant 640 : i32
        %gather3A_1362 = tpu.memref_slice %arg6[%gather3A_1361] : memref<1600xf32, #tpu.memory_space<vmem>> -> memref<160xf32, #tpu.memory_space<vmem>>
        %gather3A_1363 = tpu.vector_load_idx %gather3A_1362[%or3A_1308] : memref<160xf32, #tpu.memory_space<vmem>>[vector<16xi32>], vector<16xf32>,
        %mul3A_1364 = arith.constant 16 : i32
        %mul3A_1365 = arith.muli %scan3A_831, %mul3A_1364 : i32
        %swap3A_1366 = arith.constant 1 : i32
        %swap3A_1367 = arith.constant 4 : i32
        %swap3A_1368 = arith.constant 3 : i32
        %swap3A_1369 = arith.index_cast %swap3A_1366 : i32 to index
        %swap3A_1370 = arith.index_cast %swap3A_1367 : i32 to index
        %swap3A_1371 = arith.index_cast %swap3A_1368 : i32 to index
        %swap3A_1372 = arith.index_cast %mul3A_1365 : i32 to index
        %swap3A_1373 = tpu.vector_load %arg8[%swap3A_1369, %swap3A_1370, %swap3A_1371, %swap3A_1372] {strides = array<i32>} : memref<2x10x8x512xf32, #tpu.memory_space<vmem>>, vector<16xf32>,
        tpu.vector_store %arg8[%swap3A_1369, %swap3A_1370, %swap3A_1371, %swap3A_1372], %gather3A_1221 {strides = array<i32>} : memref<2x10x8x512xf32, #tpu.memory_space<vmem>>, vector<16xf32>,
        %gather3A_1374 = arith.constant 800 : i32
        %gather3A_1375 = tpu.memref_slice %arg6[%gather3A_1374] : memref<1600xf32, #tpu.memory_space<vmem>> -> memref<160xf32, #tpu.memory_space<vmem>>
        %gather3A_1376 = tpu.vector_load_idx %gather3A_1375[%or3A_1308] : memref<160xf32, #tpu.memory_space<vmem>>[vector<16xi32>], vector<16xf32>,
        %mul3A_1377 = arith.constant 16 : i32
        %mul3A_1378 = arith.muli %scan3A_831, %mul3A_1377 : i32
        %swap3A_1379 = arith.constant 1 : i32
        %swap3A_1380 = arith.constant 5 : i32
        %swap3A_1381 = arith.constant 3 : i32
        %swap3A_1382 = arith.index_cast %swap3A_1379 : i32 to index
        %swap3A_1383 = arith.index_cast %swap3A_1380 : i32 to index
        %swap3A_1384 = arith.index_cast %swap3A_1381 : i32 to index
        %swap3A_1385 = arith.index_cast %mul3A_1378 : i32 to index
        %swap3A_1386 = tpu.vector_load %arg8[%swap3A_1382, %swap3A_1383, %swap3A_1384, %swap3A_1385] {strides = array<i32>} : memref<2x10x8x512xf32, #tpu.memory_space<vmem>>, vector<16xf32>,
        tpu.vector_store %arg8[%swap3A_1382, %swap3A_1383, %swap3A_1384, %swap3A_1385], %gather3A_1234 {strides = array<i32>} : memref<2x10x8x512xf32, #tpu.memory_space<vmem>>, vector<16xf32>,
        %gather3A_1387 = arith.constant 960 : i32
        %gather3A_1388 = tpu.memref_slice %arg6[%gather3A_1387] : memref<1600xf32, #tpu.memory_space<vmem>> -> memref<160xf32, #tpu.memory_space<vmem>>
        %gather3A_1389 = tpu.vector_load_idx %gather3A_1388[%or3A_1308] : memref<160xf32, #tpu.memory_space<vmem>>[vector<16xi32>], vector<16xf32>,
        %mul3A_1390 = arith.constant 16 : i32
        %mul3A_1391 = arith.muli %scan3A_831, %mul3A_1390 : i32
        %swap3A_1392 = arith.constant 1 : i32
        %swap3A_1393 = arith.constant 6 : i32
        %swap3A_1394 = arith.constant 3 : i32
        %swap3A_1395 = arith.index_cast %swap3A_1392 : i32 to index
        %swap3A_1396 = arith.index_cast %swap3A_1393 : i32 to index
        %swap3A_1397 = arith.index_cast %swap3A_1394 : i32 to index
        %swap3A_1398 = arith.index_cast %mul3A_1391 : i32 to index
        %swap3A_1399 = tpu.vector_load %arg8[%swap3A_1395, %swap3A_1396, %swap3A_1397, %swap3A_1398] {strides = array<i32>} : memref<2x10x8x512xf32, #tpu.memory_space<vmem>>, vector<16xf32>,
        tpu.vector_store %arg8[%swap3A_1395, %swap3A_1396, %swap3A_1397, %swap3A_1398], %gather3A_1247 {strides = array<i32>} : memref<2x10x8x512xf32, #tpu.memory_space<vmem>>, vector<16xf32>,
        %gather3A_1400 = arith.constant 1120 : i32
        %gather3A_1401 = tpu.memref_slice %arg6[%gather3A_1400] : memref<1600xf32, #tpu.memory_space<vmem>> -> memref<160xf32, #tpu.memory_space<vmem>>
        %gather3A_1402 = tpu.vector_load_idx %gather3A_1401[%or3A_1308] : memref<160xf32, #tpu.memory_space<vmem>>[vector<16xi32>], vector<16xf32>,
        %mul3A_1403 = arith.constant 16 : i32
        %mul3A_1404 = arith.muli %scan3A_831, %mul3A_1403 : i32
        %swap3A_1405 = arith.constant 1 : i32
        %swap3A_1406 = arith.constant 7 : i32
        %swap3A_1407 = arith.constant 3 : i32
        %swap3A_1408 = arith.index_cast %swap3A_1405 : i32 to index
        %swap3A_1409 = arith.index_cast %swap3A_1406 : i32 to index
        %swap3A_1410 = arith.index_cast %swap3A_1407 : i32 to index
        %swap3A_1411 = arith.index_cast %mul3A_1404 : i32 to index
        %swap3A_1412 = tpu.vector_load %arg8[%swap3A_1408, %swap3A_1409, %swap3A_1410, %swap3A_1411] {strides = array<i32>} : memref<2x10x8x512xf32, #tpu.memory_space<vmem>>, vector<16xf32>,
        tpu.vector_store %arg8[%swap3A_1408, %swap3A_1409, %swap3A_1410, %swap3A_1411], %gather3A_1260 {strides = array<i32>} : memref<2x10x8x512xf32, #tpu.memory_space<vmem>>, vector<16xf32>,
        %gather3A_1413 = arith.constant 1280 : i32
        %gather3A_1414 = tpu.memref_slice %arg6[%gather3A_1413] : memref<1600xf32, #tpu.memory_space<vmem>> -> memref<160xf32, #tpu.memory_space<vmem>>
        %gather3A_1415 = tpu.vector_load_idx %gather3A_1414[%or3A_1308] : memref<160xf32, #tpu.memory_space<vmem>>[vector<16xi32>], vector<16xf32>,
        %mul3A_1416 = arith.constant 16 : i32
        %mul3A_1417 = arith.muli %scan3A_831, %mul3A_1416 : i32
        %swap3A_1418 = arith.constant 1 : i32
        %swap3A_1419 = arith.constant 8 : i32
        %swap3A_1420 = arith.constant 3 : i32
        %swap3A_1421 = arith.index_cast %swap3A_1418 : i32 to index
        %swap3A_1422 = arith.index_cast %swap3A_1419 : i32 to index
        %swap3A_1423 = arith.index_cast %swap3A_1420 : i32 to index
        %swap3A_1424 = arith.index_cast %mul3A_1417 : i32 to index
        %swap3A_1425 = tpu.vector_load %arg8[%swap3A_1421, %swap3A_1422, %swap3A_1423, %swap3A_1424] {strides = array<i32>} : memref<2x10x8x512xf32, #tpu.memory_space<vmem>>, vector<16xf32>,
        tpu.vector_store %arg8[%swap3A_1421, %swap3A_1422, %swap3A_1423, %swap3A_1424], %gather3A_1273 {strides = array<i32>} : memref<2x10x8x512xf32, #tpu.memory_space<vmem>>, vector<16xf32>,
        %gather3A_1426 = arith.constant 1440 : i32
        %gather3A_1427 = tpu.memref_slice %arg6[%gather3A_1426] : memref<1600xf32, #tpu.memory_space<vmem>> -> memref<160xf32, #tpu.memory_space<vmem>>
        %gather3A_1428 = tpu.vector_load_idx %gather3A_1427[%or3A_1308] : memref<160xf32, #tpu.memory_space<vmem>>[vector<16xi32>], vector<16xf32>,
        %mul3A_1429 = arith.constant 16 : i32
        %mul3A_1430 = arith.muli %scan3A_831, %mul3A_1429 : i32
        %swap3A_1431 = arith.constant 1 : i32
        %swap3A_1432 = arith.constant 9 : i32
        %swap3A_1433 = arith.constant 3 : i32
        %swap3A_1434 = arith.index_cast %swap3A_1431 : i32 to index
        %swap3A_1435 = arith.index_cast %swap3A_1432 : i32 to index
        %swap3A_1436 = arith.index_cast %swap3A_1433 : i32 to index
        %swap3A_1437 = arith.index_cast %mul3A_1430 : i32 to index
        %swap3A_1438 = tpu.vector_load %arg8[%swap3A_1434, %swap3A_1435, %swap3A_1436, %swap3A_1437] {strides = array<i32>} : memref<2x10x8x512xf32, #tpu.memory_space<vmem>>, vector<16xf32>,
        tpu.vector_store %arg8[%swap3A_1434, %swap3A_1435, %swap3A_1436, %swap3A_1437], %gather3A_1286 {strides = array<i32>} : memref<2x10x8x512xf32, #tpu.memory_space<vmem>>, vector<16xf32>,
        %mul3A_1439 = arith.constant 16 : i32
        %mul3A_1440 = arith.muli %scan3A_831, %mul3A_1439 : i32
        %get3A_1441 = arith.constant 1 : i32
        %get3A_1442 = arith.constant 5 : i32
        %get3A_1443 = arith.index_cast %get3A_1441 : i32 to index
        %get3A_1444 = arith.index_cast %get3A_1442 : i32 to index
        %get3A_1445 = arith.index_cast %mul3A_1440 : i32 to index
        %get3A_1446 = tpu.vector_load %arg7[%get3A_1443, %get3A_1444, %get3A_1445] {strides = array<i32>} : memref<2x8x512xi32, #tpu.memory_space<vmem>>, vector<16xi32>,
        %shift_left3A_1447 = arith.constant 4 : i32
        %shift_left3A_1448 = vector.broadcast %shift_left3A_1447 : i32 to vector<16xi32>
        %shift_left3A_1449 = arith.shli %get3A_1446, %shift_left3A_1448 : vector<16xi32>
        %or3A_1450 = arith.ori %shift_left3A_1449, %iota3A : vector<16xi32>
        %gather3A_1451 = arith.constant 0 : i32
        %gather3A_1452 = tpu.memref_slice %arg6[%gather3A_1451] : memref<1600xf32, #tpu.memory_space<vmem>> -> memref<160xf32, #tpu.memory_space<vmem>>
        %gather3A_1453 = tpu.vector_load_idx %gather3A_1452[%or3A_1450] : memref<160xf32, #tpu.memory_space<vmem>>[vector<16xi32>], vector<16xf32>,
        %mul3A_1454 = arith.constant 16 : i32
        %mul3A_1455 = arith.muli %scan3A_831, %mul3A_1454 : i32
        %swap3A_1456 = arith.constant 1 : i32
        %swap3A_1457 = arith.constant 0 : i32
        %swap3A_1458 = arith.constant 4 : i32
        %swap3A_1459 = arith.index_cast %swap3A_1456 : i32 to index
        %swap3A_1460 = arith.index_cast %swap3A_1457 : i32 to index
        %swap3A_1461 = arith.index_cast %swap3A_1458 : i32 to index
        %swap3A_1462 = arith.index_cast %mul3A_1455 : i32 to index
        %swap3A_1463 = tpu.vector_load %arg8[%swap3A_1459, %swap3A_1460, %swap3A_1461, %swap3A_1462] {strides = array<i32>} : memref<2x10x8x512xf32, #tpu.memory_space<vmem>>, vector<16xf32>,
        tpu.vector_store %arg8[%swap3A_1459, %swap3A_1460, %swap3A_1461, %swap3A_1462], %gather3A_1311 {strides = array<i32>} : memref<2x10x8x512xf32, #tpu.memory_space<vmem>>, vector<16xf32>,
        %gather3A_1464 = arith.constant 160 : i32
        %gather3A_1465 = tpu.memref_slice %arg6[%gather3A_1464] : memref<1600xf32, #tpu.memory_space<vmem>> -> memref<160xf32, #tpu.memory_space<vmem>>
        %gather3A_1466 = tpu.vector_load_idx %gather3A_1465[%or3A_1450] : memref<160xf32, #tpu.memory_space<vmem>>[vector<16xi32>], vector<16xf32>,
        %mul3A_1467 = arith.constant 16 : i32
        %mul3A_1468 = arith.muli %scan3A_831, %mul3A_1467 : i32
        %swap3A_1469 = arith.constant 1 : i32
        %swap3A_1470 = arith.constant 1 : i32
        %swap3A_1471 = arith.constant 4 : i32
        %swap3A_1472 = arith.index_cast %swap3A_1469 : i32 to index
        %swap3A_1473 = arith.index_cast %swap3A_1470 : i32 to index
        %swap3A_1474 = arith.index_cast %swap3A_1471 : i32 to index
        %swap3A_1475 = arith.index_cast %mul3A_1468 : i32 to index
        %swap3A_1476 = tpu.vector_load %arg8[%swap3A_1472, %swap3A_1473, %swap3A_1474, %swap3A_1475] {strides = array<i32>} : memref<2x10x8x512xf32, #tpu.memory_space<vmem>>, vector<16xf32>,
        tpu.vector_store %arg8[%swap3A_1472, %swap3A_1473, %swap3A_1474, %swap3A_1475], %gather3A_1324 {strides = array<i32>} : memref<2x10x8x512xf32, #tpu.memory_space<vmem>>, vector<16xf32>,
        %gather3A_1477 = arith.constant 320 : i32
        %gather3A_1478 = tpu.memref_slice %arg6[%gather3A_1477] : memref<1600xf32, #tpu.memory_space<vmem>> -> memref<160xf32, #tpu.memory_space<vmem>>
        %gather3A_1479 = tpu.vector_load_idx %gather3A_1478[%or3A_1450] : memref<160xf32, #tpu.memory_space<vmem>>[vector<16xi32>], vector<16xf32>,
        %mul3A_1480 = arith.constant 16 : i32
        %mul3A_1481 = arith.muli %scan3A_831, %mul3A_1480 : i32
        %swap3A_1482 = arith.constant 1 : i32
        %swap3A_1483 = arith.constant 2 : i32
        %swap3A_1484 = arith.constant 4 : i32
        %swap3A_1485 = arith.index_cast %swap3A_1482 : i32 to index
        %swap3A_1486 = arith.index_cast %swap3A_1483 : i32 to index
        %swap3A_1487 = arith.index_cast %swap3A_1484 : i32 to index
        %swap3A_1488 = arith.index_cast %mul3A_1481 : i32 to index
        %swap3A_1489 = tpu.vector_load %arg8[%swap3A_1485, %swap3A_1486, %swap3A_1487, %swap3A_1488] {strides = array<i32>} : memref<2x10x8x512xf32, #tpu.memory_space<vmem>>, vector<16xf32>,
        tpu.vector_store %arg8[%swap3A_1485, %swap3A_1486, %swap3A_1487, %swap3A_1488], %gather3A_1337 {strides = array<i32>} : memref<2x10x8x512xf32, #tpu.memory_space<vmem>>, vector<16xf32>,
        %gather3A_1490 = arith.constant 480 : i32
        %gather3A_1491 = tpu.memref_slice %arg6[%gather3A_1490] : memref<1600xf32, #tpu.memory_space<vmem>> -> memref<160xf32, #tpu.memory_space<vmem>>
        %gather3A_1492 = tpu.vector_load_idx %gather3A_1491[%or3A_1450] : memref<160xf32, #tpu.memory_space<vmem>>[vector<16xi32>], vector<16xf32>,
        %mul3A_1493 = arith.constant 16 : i32
        %mul3A_1494 = arith.muli %scan3A_831, %mul3A_1493 : i32
        %swap3A_1495 = arith.constant 1 : i32
        %swap3A_1496 = arith.constant 3 : i32
        %swap3A_1497 = arith.constant 4 : i32
        %swap3A_1498 = arith.index_cast %swap3A_1495 : i32 to index
        %swap3A_1499 = arith.index_cast %swap3A_1496 : i32 to index
        %swap3A_1500 = arith.index_cast %swap3A_1497 : i32 to index
        %swap3A_1501 = arith.index_cast %mul3A_1494 : i32 to index
        %swap3A_1502 = tpu.vector_load %arg8[%swap3A_1498, %swap3A_1499, %swap3A_1500, %swap3A_1501] {strides = array<i32>} : memref<2x10x8x512xf32, #tpu.memory_space<vmem>>, vector<16xf32>,
        tpu.vector_store %arg8[%swap3A_1498, %swap3A_1499, %swap3A_1500, %swap3A_1501], %gather3A_1350 {strides = array<i32>} : memref<2x10x8x512xf32, #tpu.memory_space<vmem>>, vector<16xf32>,
        %gather3A_1503 = arith.constant 640 : i32
        %gather3A_1504 = tpu.memref_slice %arg6[%gather3A_1503] : memref<1600xf32, #tpu.memory_space<vmem>> -> memref<160xf32, #tpu.memory_space<vmem>>
        %gather3A_1505 = tpu.vector_load_idx %gather3A_1504[%or3A_1450] : memref<160xf32, #tpu.memory_space<vmem>>[vector<16xi32>], vector<16xf32>,
        %mul3A_1506 = arith.constant 16 : i32
        %mul3A_1507 = arith.muli %scan3A_831, %mul3A_1506 : i32
        %swap3A_1508 = arith.constant 1 : i32
        %swap3A_1509 = arith.constant 4 : i32
        %swap3A_1510 = arith.constant 4 : i32
        %swap3A_1511 = arith.index_cast %swap3A_1508 : i32 to index
        %swap3A_1512 = arith.index_cast %swap3A_1509 : i32 to index
        %swap3A_1513 = arith.index_cast %swap3A_1510 : i32 to index
        %swap3A_1514 = arith.index_cast %mul3A_1507 : i32 to index
        %swap3A_1515 = tpu.vector_load %arg8[%swap3A_1511, %swap3A_1512, %swap3A_1513, %swap3A_1514] {strides = array<i32>} : memref<2x10x8x512xf32, #tpu.memory_space<vmem>>, vector<16xf32>,
        tpu.vector_store %arg8[%swap3A_1511, %swap3A_1512, %swap3A_1513, %swap3A_1514], %gather3A_1363 {strides = array<i32>} : memref<2x10x8x512xf32, #tpu.memory_space<vmem>>, vector<16xf32>,
        %gather3A_1516 = arith.constant 800 : i32
        %gather3A_1517 = tpu.memref_slice %arg6[%gather3A_1516] : memref<1600xf32, #tpu.memory_space<vmem>> -> memref<160xf32, #tpu.memory_space<vmem>>
        %gather3A_1518 = tpu.vector_load_idx %gather3A_1517[%or3A_1450] : memref<160xf32, #tpu.memory_space<vmem>>[vector<16xi32>], vector<16xf32>,
        %mul3A_1519 = arith.constant 16 : i32
        %mul3A_1520 = arith.muli %scan3A_831, %mul3A_1519 : i32
        %swap3A_1521 = arith.constant 1 : i32
        %swap3A_1522 = arith.constant 5 : i32
        %swap3A_1523 = arith.constant 4 : i32
        %swap3A_1524 = arith.index_cast %swap3A_1521 : i32 to index
        %swap3A_1525 = arith.index_cast %swap3A_1522 : i32 to index
        %swap3A_1526 = arith.index_cast %swap3A_1523 : i32 to index
        %swap3A_1527 = arith.index_cast %mul3A_1520 : i32 to index
        %swap3A_1528 = tpu.vector_load %arg8[%swap3A_1524, %swap3A_1525, %swap3A_1526, %swap3A_1527] {strides = array<i32>} : memref<2x10x8x512xf32, #tpu.memory_space<vmem>>, vector<16xf32>,
        tpu.vector_store %arg8[%swap3A_1524, %swap3A_1525, %swap3A_1526, %swap3A_1527], %gather3A_1376 {strides = array<i32>} : memref<2x10x8x512xf32, #tpu.memory_space<vmem>>, vector<16xf32>,
        %gather3A_1529 = arith.constant 960 : i32
        %gather3A_1530 = tpu.memref_slice %arg6[%gather3A_1529] : memref<1600xf32, #tpu.memory_space<vmem>> -> memref<160xf32, #tpu.memory_space<vmem>>
        %gather3A_1531 = tpu.vector_load_idx %gather3A_1530[%or3A_1450] : memref<160xf32, #tpu.memory_space<vmem>>[vector<16xi32>], vector<16xf32>,
        %mul3A_1532 = arith.constant 16 : i32
        %mul3A_1533 = arith.muli %scan3A_831, %mul3A_1532 : i32
        %swap3A_1534 = arith.constant 1 : i32
        %swap3A_1535 = arith.constant 6 : i32
        %swap3A_1536 = arith.constant 4 : i32
        %swap3A_1537 = arith.index_cast %swap3A_1534 : i32 to index
        %swap3A_1538 = arith.index_cast %swap3A_1535 : i32 to index
        %swap3A_1539 = arith.index_cast %swap3A_1536 : i32 to index
        %swap3A_1540 = arith.index_cast %mul3A_1533 : i32 to index
        %swap3A_1541 = tpu.vector_load %arg8[%swap3A_1537, %swap3A_1538, %swap3A_1539, %swap3A_1540] {strides = array<i32>} : memref<2x10x8x512xf32, #tpu.memory_space<vmem>>, vector<16xf32>,
        tpu.vector_store %arg8[%swap3A_1537, %swap3A_1538, %swap3A_1539, %swap3A_1540], %gather3A_1389 {strides = array<i32>} : memref<2x10x8x512xf32, #tpu.memory_space<vmem>>, vector<16xf32>,
        %gather3A_1542 = arith.constant 1120 : i32
        %gather3A_1543 = tpu.memref_slice %arg6[%gather3A_1542] : memref<1600xf32, #tpu.memory_space<vmem>> -> memref<160xf32, #tpu.memory_space<vmem>>
        %gather3A_1544 = tpu.vector_load_idx %gather3A_1543[%or3A_1450] : memref<160xf32, #tpu.memory_space<vmem>>[vector<16xi32>], vector<16xf32>,
        %mul3A_1545 = arith.constant 16 : i32
        %mul3A_1546 = arith.muli %scan3A_831, %mul3A_1545 : i32
        %swap3A_1547 = arith.constant 1 : i32
        %swap3A_1548 = arith.constant 7 : i32
        %swap3A_1549 = arith.constant 4 : i32
        %swap3A_1550 = arith.index_cast %swap3A_1547 : i32 to index
        %swap3A_1551 = arith.index_cast %swap3A_1548 : i32 to index
        %swap3A_1552 = arith.index_cast %swap3A_1549 : i32 to index
        %swap3A_1553 = arith.index_cast %mul3A_1546 : i32 to index
        %swap3A_1554 = tpu.vector_load %arg8[%swap3A_1550, %swap3A_1551, %swap3A_1552, %swap3A_1553] {strides = array<i32>} : memref<2x10x8x512xf32, #tpu.memory_space<vmem>>, vector<16xf32>,
        tpu.vector_store %arg8[%swap3A_1550, %swap3A_1551, %swap3A_1552, %swap3A_1553], %gather3A_1402 {strides = array<i32>} : memref<2x10x8x512xf32, #tpu.memory_space<vmem>>, vector<16xf32>,
        %gather3A_1555 = arith.constant 1280 : i32
        %gather3A_1556 = tpu.memref_slice %arg6[%gather3A_1555] : memref<1600xf32, #tpu.memory_space<vmem>> -> memref<160xf32, #tpu.memory_space<vmem>>
        %gather3A_1557 = tpu.vector_load_idx %gather3A_1556[%or3A_1450] : memref<160xf32, #tpu.memory_space<vmem>>[vector<16xi32>], vector<16xf32>,
        %mul3A_1558 = arith.constant 16 : i32
        %mul3A_1559 = arith.muli %scan3A_831, %mul3A_1558 : i32
        %swap3A_1560 = arith.constant 1 : i32
        %swap3A_1561 = arith.constant 8 : i32
        %swap3A_1562 = arith.constant 4 : i32
        %swap3A_1563 = arith.index_cast %swap3A_1560 : i32 to index
        %swap3A_1564 = arith.index_cast %swap3A_1561 : i32 to index
        %swap3A_1565 = arith.index_cast %swap3A_1562 : i32 to index
        %swap3A_1566 = arith.index_cast %mul3A_1559 : i32 to index
        %swap3A_1567 = tpu.vector_load %arg8[%swap3A_1563, %swap3A_1564, %swap3A_1565, %swap3A_1566] {strides = array<i32>} : memref<2x10x8x512xf32, #tpu.memory_space<vmem>>, vector<16xf32>,
        tpu.vector_store %arg8[%swap3A_1563, %swap3A_1564, %swap3A_1565, %swap3A_1566], %gather3A_1415 {strides = array<i32>} : memref<2x10x8x512xf32, #tpu.memory_space<vmem>>, vector<16xf32>,
        %gather3A_1568 = arith.constant 1440 : i32
        %gather3A_1569 = tpu.memref_slice %arg6[%gather3A_1568] : memref<1600xf32, #tpu.memory_space<vmem>> -> memref<160xf32, #tpu.memory_space<vmem>>
        %gather3A_1570 = tpu.vector_load_idx %gather3A_1569[%or3A_1450] : memref<160xf32, #tpu.memory_space<vmem>>[vector<16xi32>], vector<16xf32>,
        %mul3A_1571 = arith.constant 16 : i32
        %mul3A_1572 = arith.muli %scan3A_831, %mul3A_1571 : i32
        %swap3A_1573 = arith.constant 1 : i32
        %swap3A_1574 = arith.constant 9 : i32
        %swap3A_1575 = arith.constant 4 : i32
        %swap3A_1576 = arith.index_cast %swap3A_1573 : i32 to index
        %swap3A_1577 = arith.index_cast %swap3A_1574 : i32 to index
        %swap3A_1578 = arith.index_cast %swap3A_1575 : i32 to index
        %swap3A_1579 = arith.index_cast %mul3A_1572 : i32 to index
        %swap3A_1580 = tpu.vector_load %arg8[%swap3A_1576, %swap3A_1577, %swap3A_1578, %swap3A_1579] {strides = array<i32>} : memref<2x10x8x512xf32, #tpu.memory_space<vmem>>, vector<16xf32>,
        tpu.vector_store %arg8[%swap3A_1576, %swap3A_1577, %swap3A_1578, %swap3A_1579], %gather3A_1428 {strides = array<i32>} : memref<2x10x8x512xf32, #tpu.memory_space<vmem>>, vector<16xf32>,
        %mul3A_1581 = arith.constant 16 : i32
        %mul3A_1582 = arith.muli %scan3A_831, %mul3A_1581 : i32
        %get3A_1583 = arith.constant 1 : i32
        %get3A_1584 = arith.constant 6 : i32
        %get3A_1585 = arith.index_cast %get3A_1583 : i32 to index
        %get3A_1586 = arith.index_cast %get3A_1584 : i32 to index
        %get3A_1587 = arith.index_cast %mul3A_1582 : i32 to index
        %get3A_1588 = tpu.vector_load %arg7[%get3A_1585, %get3A_1586, %get3A_1587] {strides = array<i32>} : memref<2x8x512xi32, #tpu.memory_space<vmem>>, vector<16xi32>,
        %shift_left3A_1589 = arith.constant 4 : i32
        %shift_left3A_1590 = vector.broadcast %shift_left3A_1589 : i32 to vector<16xi32>
        %shift_left3A_1591 = arith.shli %get3A_1588, %shift_left3A_1590 : vector<16xi32>
        %or3A_1592 = arith.ori %shift_left3A_1591, %iota3A : vector<16xi32>
        %gather3A_1593 = arith.constant 0 : i32
        %gather3A_1594 = tpu.memref_slice %arg6[%gather3A_1593] : memref<1600xf32, #tpu.memory_space<vmem>> -> memref<160xf32, #tpu.memory_space<vmem>>
        %gather3A_1595 = tpu.vector_load_idx %gather3A_1594[%or3A_1592] : memref<160xf32, #tpu.memory_space<vmem>>[vector<16xi32>], vector<16xf32>,
        %mul3A_1596 = arith.constant 16 : i32
        %mul3A_1597 = arith.muli %scan3A_831, %mul3A_1596 : i32
        %swap3A_1598 = arith.constant 1 : i32
        %swap3A_1599 = arith.constant 0 : i32
        %swap3A_1600 = arith.constant 5 : i32
        %swap3A_1601 = arith.index_cast %swap3A_1598 : i32 to index
        %swap3A_1602 = arith.index_cast %swap3A_1599 : i32 to index
        %swap3A_1603 = arith.index_cast %swap3A_1600 : i32 to index
        %swap3A_1604 = arith.index_cast %mul3A_1597 : i32 to index
        %swap3A_1605 = tpu.vector_load %arg8[%swap3A_1601, %swap3A_1602, %swap3A_1603, %swap3A_1604] {strides = array<i32>} : memref<2x10x8x512xf32, #tpu.memory_space<vmem>>, vector<16xf32>,
        tpu.vector_store %arg8[%swap3A_1601, %swap3A_1602, %swap3A_1603, %swap3A_1604], %gather3A_1453 {strides = array<i32>} : memref<2x10x8x512xf32, #tpu.memory_space<vmem>>, vector<16xf32>,
        %gather3A_1606 = arith.constant 160 : i32
        %gather3A_1607 = tpu.memref_slice %arg6[%gather3A_1606] : memref<1600xf32, #tpu.memory_space<vmem>> -> memref<160xf32, #tpu.memory_space<vmem>>
        %gather3A_1608 = tpu.vector_load_idx %gather3A_1607[%or3A_1592] : memref<160xf32, #tpu.memory_space<vmem>>[vector<16xi32>], vector<16xf32>,
        %mul3A_1609 = arith.constant 16 : i32
        %mul3A_1610 = arith.muli %scan3A_831, %mul3A_1609 : i32
        %swap3A_1611 = arith.constant 1 : i32
        %swap3A_1612 = arith.constant 1 : i32
        %swap3A_1613 = arith.constant 5 : i32
        %swap3A_1614 = arith.index_cast %swap3A_1611 : i32 to index
        %swap3A_1615 = arith.index_cast %swap3A_1612 : i32 to index
        %swap3A_1616 = arith.index_cast %swap3A_1613 : i32 to index
        %swap3A_1617 = arith.index_cast %mul3A_1610 : i32 to index
        %swap3A_1618 = tpu.vector_load %arg8[%swap3A_1614, %swap3A_1615, %swap3A_1616, %swap3A_1617] {strides = array<i32>} : memref<2x10x8x512xf32, #tpu.memory_space<vmem>>, vector<16xf32>,
        tpu.vector_store %arg8[%swap3A_1614, %swap3A_1615, %swap3A_1616, %swap3A_1617], %gather3A_1466 {strides = array<i32>} : memref<2x10x8x512xf32, #tpu.memory_space<vmem>>, vector<16xf32>,
        %gather3A_1619 = arith.constant 320 : i32
        %gather3A_1620 = tpu.memref_slice %arg6[%gather3A_1619] : memref<1600xf32, #tpu.memory_space<vmem>> -> memref<160xf32, #tpu.memory_space<vmem>>
        %gather3A_1621 = tpu.vector_load_idx %gather3A_1620[%or3A_1592] : memref<160xf32, #tpu.memory_space<vmem>>[vector<16xi32>], vector<16xf32>,
        %mul3A_1622 = arith.constant 16 : i32
        %mul3A_1623 = arith.muli %scan3A_831, %mul3A_1622 : i32
        %swap3A_1624 = arith.constant 1 : i32
        %swap3A_1625 = arith.constant 2 : i32
        %swap3A_1626 = arith.constant 5 : i32
        %swap3A_1627 = arith.index_cast %swap3A_1624 : i32 to index
        %swap3A_1628 = arith.index_cast %swap3A_1625 : i32 to index
        %swap3A_1629 = arith.index_cast %swap3A_1626 : i32 to index
        %swap3A_1630 = arith.index_cast %mul3A_1623 : i32 to index
        %swap3A_1631 = tpu.vector_load %arg8[%swap3A_1627, %swap3A_1628, %swap3A_1629, %swap3A_1630] {strides = array<i32>} : memref<2x10x8x512xf32, #tpu.memory_space<vmem>>, vector<16xf32>,
        tpu.vector_store %arg8[%swap3A_1627, %swap3A_1628, %swap3A_1629, %swap3A_1630], %gather3A_1479 {strides = array<i32>} : memref<2x10x8x512xf32, #tpu.memory_space<vmem>>, vector<16xf32>,
        %gather3A_1632 = arith.constant 480 : i32
        %gather3A_1633 = tpu.memref_slice %arg6[%gather3A_1632] : memref<1600xf32, #tpu.memory_space<vmem>> -> memref<160xf32, #tpu.memory_space<vmem>>
        %gather3A_1634 = tpu.vector_load_idx %gather3A_1633[%or3A_1592] : memref<160xf32, #tpu.memory_space<vmem>>[vector<16xi32>], vector<16xf32>,
        %mul3A_1635 = arith.constant 16 : i32
        %mul3A_1636 = arith.muli %scan3A_831, %mul3A_1635 : i32
        %swap3A_1637 = arith.constant 1 : i32
        %swap3A_1638 = arith.constant 3 : i32
        %swap3A_1639 = arith.constant 5 : i32
        %swap3A_1640 = arith.index_cast %swap3A_1637 : i32 to index
        %swap3A_1641 = arith.index_cast %swap3A_1638 : i32 to index
        %swap3A_1642 = arith.index_cast %swap3A_1639 : i32 to index
        %swap3A_1643 = arith.index_cast %mul3A_1636 : i32 to index
        %swap3A_1644 = tpu.vector_load %arg8[%swap3A_1640, %swap3A_1641, %swap3A_1642, %swap3A_1643] {strides = array<i32>} : memref<2x10x8x512xf32, #tpu.memory_space<vmem>>, vector<16xf32>,
        tpu.vector_store %arg8[%swap3A_1640, %swap3A_1641, %swap3A_1642, %swap3A_1643], %gather3A_1492 {strides = array<i32>} : memref<2x10x8x512xf32, #tpu.memory_space<vmem>>, vector<16xf32>,
        %gather3A_1645 = arith.constant 640 : i32
        %gather3A_1646 = tpu.memref_slice %arg6[%gather3A_1645] : memref<1600xf32, #tpu.memory_space<vmem>> -> memref<160xf32, #tpu.memory_space<vmem>>
        %gather3A_1647 = tpu.vector_load_idx %gather3A_1646[%or3A_1592] : memref<160xf32, #tpu.memory_space<vmem>>[vector<16xi32>], vector<16xf32>,
        %mul3A_1648 = arith.constant 16 : i32
        %mul3A_1649 = arith.muli %scan3A_831, %mul3A_1648 : i32
        %swap3A_1650 = arith.constant 1 : i32
        %swap3A_1651 = arith.constant 4 : i32
        %swap3A_1652 = arith.constant 5 : i32
        %swap3A_1653 = arith.index_cast %swap3A_1650 : i32 to index
        %swap3A_1654 = arith.index_cast %swap3A_1651 : i32 to index
        %swap3A_1655 = arith.index_cast %swap3A_1652 : i32 to index
        %swap3A_1656 = arith.index_cast %mul3A_1649 : i32 to index
        %swap3A_1657 = tpu.vector_load %arg8[%swap3A_1653, %swap3A_1654, %swap3A_1655, %swap3A_1656] {strides = array<i32>} : memref<2x10x8x512xf32, #tpu.memory_space<vmem>>, vector<16xf32>,
        tpu.vector_store %arg8[%swap3A_1653, %swap3A_1654, %swap3A_1655, %swap3A_1656], %gather3A_1505 {strides = array<i32>} : memref<2x10x8x512xf32, #tpu.memory_space<vmem>>, vector<16xf32>,
        %gather3A_1658 = arith.constant 800 : i32
        %gather3A_1659 = tpu.memref_slice %arg6[%gather3A_1658] : memref<1600xf32, #tpu.memory_space<vmem>> -> memref<160xf32, #tpu.memory_space<vmem>>
        %gather3A_1660 = tpu.vector_load_idx %gather3A_1659[%or3A_1592] : memref<160xf32, #tpu.memory_space<vmem>>[vector<16xi32>], vector<16xf32>,
        %mul3A_1661 = arith.constant 16 : i32
        %mul3A_1662 = arith.muli %scan3A_831, %mul3A_1661 : i32
        %swap3A_1663 = arith.constant 1 : i32
        %swap3A_1664 = arith.constant 5 : i32
        %swap3A_1665 = arith.constant 5 : i32
        %swap3A_1666 = arith.index_cast %swap3A_1663 : i32 to index
        %swap3A_1667 = arith.index_cast %swap3A_1664 : i32 to index
        %swap3A_1668 = arith.index_cast %swap3A_1665 : i32 to index
        %swap3A_1669 = arith.index_cast %mul3A_1662 : i32 to index
        %swap3A_1670 = tpu.vector_load %arg8[%swap3A_1666, %swap3A_1667, %swap3A_1668, %swap3A_1669] {strides = array<i32>} : memref<2x10x8x512xf32, #tpu.memory_space<vmem>>, vector<16xf32>,
        tpu.vector_store %arg8[%swap3A_1666, %swap3A_1667, %swap3A_1668, %swap3A_1669], %gather3A_1518 {strides = array<i32>} : memref<2x10x8x512xf32, #tpu.memory_space<vmem>>, vector<16xf32>,
        %gather3A_1671 = arith.constant 960 : i32
        %gather3A_1672 = tpu.memref_slice %arg6[%gather3A_1671] : memref<1600xf32, #tpu.memory_space<vmem>> -> memref<160xf32, #tpu.memory_space<vmem>>
        %gather3A_1673 = tpu.vector_load_idx %gather3A_1672[%or3A_1592] : memref<160xf32, #tpu.memory_space<vmem>>[vector<16xi32>], vector<16xf32>,
        %mul3A_1674 = arith.constant 16 : i32
        %mul3A_1675 = arith.muli %scan3A_831, %mul3A_1674 : i32
        %swap3A_1676 = arith.constant 1 : i32
        %swap3A_1677 = arith.constant 6 : i32
        %swap3A_1678 = arith.constant 5 : i32
        %swap3A_1679 = arith.index_cast %swap3A_1676 : i32 to index
        %swap3A_1680 = arith.index_cast %swap3A_1677 : i32 to index
        %swap3A_1681 = arith.index_cast %swap3A_1678 : i32 to index
        %swap3A_1682 = arith.index_cast %mul3A_1675 : i32 to index
        %swap3A_1683 = tpu.vector_load %arg8[%swap3A_1679, %swap3A_1680, %swap3A_1681, %swap3A_1682] {strides = array<i32>} : memref<2x10x8x512xf32, #tpu.memory_space<vmem>>, vector<16xf32>,
        tpu.vector_store %arg8[%swap3A_1679, %swap3A_1680, %swap3A_1681, %swap3A_1682], %gather3A_1531 {strides = array<i32>} : memref<2x10x8x512xf32, #tpu.memory_space<vmem>>, vector<16xf32>,
        %gather3A_1684 = arith.constant 1120 : i32
        %gather3A_1685 = tpu.memref_slice %arg6[%gather3A_1684] : memref<1600xf32, #tpu.memory_space<vmem>> -> memref<160xf32, #tpu.memory_space<vmem>>
        %gather3A_1686 = tpu.vector_load_idx %gather3A_1685[%or3A_1592] : memref<160xf32, #tpu.memory_space<vmem>>[vector<16xi32>], vector<16xf32>,
        %mul3A_1687 = arith.constant 16 : i32
        %mul3A_1688 = arith.muli %scan3A_831, %mul3A_1687 : i32
        %swap3A_1689 = arith.constant 1 : i32
        %swap3A_1690 = arith.constant 7 : i32
        %swap3A_1691 = arith.constant 5 : i32
        %swap3A_1692 = arith.index_cast %swap3A_1689 : i32 to index
        %swap3A_1693 = arith.index_cast %swap3A_1690 : i32 to index
        %swap3A_1694 = arith.index_cast %swap3A_1691 : i32 to index
        %swap3A_1695 = arith.index_cast %mul3A_1688 : i32 to index
        %swap3A_1696 = tpu.vector_load %arg8[%swap3A_1692, %swap3A_1693, %swap3A_1694, %swap3A_1695] {strides = array<i32>} : memref<2x10x8x512xf32, #tpu.memory_space<vmem>>, vector<16xf32>,
        tpu.vector_store %arg8[%swap3A_1692, %swap3A_1693, %swap3A_1694, %swap3A_1695], %gather3A_1544 {strides = array<i32>} : memref<2x10x8x512xf32, #tpu.memory_space<vmem>>, vector<16xf32>,
        %gather3A_1697 = arith.constant 1280 : i32
        %gather3A_1698 = tpu.memref_slice %arg6[%gather3A_1697] : memref<1600xf32, #tpu.memory_space<vmem>> -> memref<160xf32, #tpu.memory_space<vmem>>
        %gather3A_1699 = tpu.vector_load_idx %gather3A_1698[%or3A_1592] : memref<160xf32, #tpu.memory_space<vmem>>[vector<16xi32>], vector<16xf32>,
        %mul3A_1700 = arith.constant 16 : i32
        %mul3A_1701 = arith.muli %scan3A_831, %mul3A_1700 : i32
        %swap3A_1702 = arith.constant 1 : i32
        %swap3A_1703 = arith.constant 8 : i32
        %swap3A_1704 = arith.constant 5 : i32
        %swap3A_1705 = arith.index_cast %swap3A_1702 : i32 to index
        %swap3A_1706 = arith.index_cast %swap3A_1703 : i32 to index
        %swap3A_1707 = arith.index_cast %swap3A_1704 : i32 to index
        %swap3A_1708 = arith.index_cast %mul3A_1701 : i32 to index
        %swap3A_1709 = tpu.vector_load %arg8[%swap3A_1705, %swap3A_1706, %swap3A_1707, %swap3A_1708] {strides = array<i32>} : memref<2x10x8x512xf32, #tpu.memory_space<vmem>>, vector<16xf32>,
        tpu.vector_store %arg8[%swap3A_1705, %swap3A_1706, %swap3A_1707, %swap3A_1708], %gather3A_1557 {strides = array<i32>} : memref<2x10x8x512xf32, #tpu.memory_space<vmem>>, vector<16xf32>,
        %gather3A_1710 = arith.constant 1440 : i32
        %gather3A_1711 = tpu.memref_slice %arg6[%gather3A_1710] : memref<1600xf32, #tpu.memory_space<vmem>> -> memref<160xf32, #tpu.memory_space<vmem>>
        %gather3A_1712 = tpu.vector_load_idx %gather3A_1711[%or3A_1592] : memref<160xf32, #tpu.memory_space<vmem>>[vector<16xi32>], vector<16xf32>,
        %mul3A_1713 = arith.constant 16 : i32
        %mul3A_1714 = arith.muli %scan3A_831, %mul3A_1713 : i32
        %swap3A_1715 = arith.constant 1 : i32
        %swap3A_1716 = arith.constant 9 : i32
        %swap3A_1717 = arith.constant 5 : i32
        %swap3A_1718 = arith.index_cast %swap3A_1715 : i32 to index
        %swap3A_1719 = arith.index_cast %swap3A_1716 : i32 to index
        %swap3A_1720 = arith.index_cast %swap3A_1717 : i32 to index
        %swap3A_1721 = arith.index_cast %mul3A_1714 : i32 to index
        %swap3A_1722 = tpu.vector_load %arg8[%swap3A_1718, %swap3A_1719, %swap3A_1720, %swap3A_1721] {strides = array<i32>} : memref<2x10x8x512xf32, #tpu.memory_space<vmem>>, vector<16xf32>,
        tpu.vector_store %arg8[%swap3A_1718, %swap3A_1719, %swap3A_1720, %swap3A_1721], %gather3A_1570 {strides = array<i32>} : memref<2x10x8x512xf32, #tpu.memory_space<vmem>>, vector<16xf32>,
        %mul3A_1723 = arith.constant 16 : i32
        %mul3A_1724 = arith.muli %scan3A_831, %mul3A_1723 : i32
        %get3A_1725 = arith.constant 1 : i32
        %get3A_1726 = arith.constant 7 : i32
        %get3A_1727 = arith.index_cast %get3A_1725 : i32 to index
        %get3A_1728 = arith.index_cast %get3A_1726 : i32 to index
        %get3A_1729 = arith.index_cast %mul3A_1724 : i32 to index
        %get3A_1730 = tpu.vector_load %arg7[%get3A_1727, %get3A_1728, %get3A_1729] {strides = array<i32>} : memref<2x8x512xi32, #tpu.memory_space<vmem>>, vector<16xi32>,
        %shift_left3A_1731 = arith.constant 4 : i32
        %shift_left3A_1732 = vector.broadcast %shift_left3A_1731 : i32 to vector<16xi32>
        %shift_left3A_1733 = arith.shli %get3A_1730, %shift_left3A_1732 : vector<16xi32>
        %or3A_1734 = arith.ori %shift_left3A_1733, %iota3A : vector<16xi32>
        %gather3A_1735 = arith.constant 0 : i32
        %gather3A_1736 = tpu.memref_slice %arg6[%gather3A_1735] : memref<1600xf32, #tpu.memory_space<vmem>> -> memref<160xf32, #tpu.memory_space<vmem>>
        %gather3A_1737 = tpu.vector_load_idx %gather3A_1736[%or3A_1734] : memref<160xf32, #tpu.memory_space<vmem>>[vector<16xi32>], vector<16xf32>,
        %mul3A_1738 = arith.constant 16 : i32
        %mul3A_1739 = arith.muli %scan3A_831, %mul3A_1738 : i32
        %swap3A_1740 = arith.constant 1 : i32
        %swap3A_1741 = arith.constant 0 : i32
        %swap3A_1742 = arith.constant 6 : i32
        %swap3A_1743 = arith.index_cast %swap3A_1740 : i32 to index
        %swap3A_1744 = arith.index_cast %swap3A_1741 : i32 to index
        %swap3A_1745 = arith.index_cast %swap3A_1742 : i32 to index
        %swap3A_1746 = arith.index_cast %mul3A_1739 : i32 to index
        %swap3A_1747 = tpu.vector_load %arg8[%swap3A_1743, %swap3A_1744, %swap3A_1745, %swap3A_1746] {strides = array<i32>} : memref<2x10x8x512xf32, #tpu.memory_space<vmem>>, vector<16xf32>,
        tpu.vector_store %arg8[%swap3A_1743, %swap3A_1744, %swap3A_1745, %swap3A_1746], %gather3A_1595 {strides = array<i32>} : memref<2x10x8x512xf32, #tpu.memory_space<vmem>>, vector<16xf32>,
        %gather3A_1748 = arith.constant 160 : i32
        %gather3A_1749 = tpu.memref_slice %arg6[%gather3A_1748] : memref<1600xf32, #tpu.memory_space<vmem>> -> memref<160xf32, #tpu.memory_space<vmem>>
        %gather3A_1750 = tpu.vector_load_idx %gather3A_1749[%or3A_1734] : memref<160xf32, #tpu.memory_space<vmem>>[vector<16xi32>], vector<16xf32>,
        %mul3A_1751 = arith.constant 16 : i32
        %mul3A_1752 = arith.muli %scan3A_831, %mul3A_1751 : i32
        %swap3A_1753 = arith.constant 1 : i32
        %swap3A_1754 = arith.constant 1 : i32
        %swap3A_1755 = arith.constant 6 : i32
        %swap3A_1756 = arith.index_cast %swap3A_1753 : i32 to index
        %swap3A_1757 = arith.index_cast %swap3A_1754 : i32 to index
        %swap3A_1758 = arith.index_cast %swap3A_1755 : i32 to index
        %swap3A_1759 = arith.index_cast %mul3A_1752 : i32 to index
        %swap3A_1760 = tpu.vector_load %arg8[%swap3A_1756, %swap3A_1757, %swap3A_1758, %swap3A_1759] {strides = array<i32>} : memref<2x10x8x512xf32, #tpu.memory_space<vmem>>, vector<16xf32>,
        tpu.vector_store %arg8[%swap3A_1756, %swap3A_1757, %swap3A_1758, %swap3A_1759], %gather3A_1608 {strides = array<i32>} : memref<2x10x8x512xf32, #tpu.memory_space<vmem>>, vector<16xf32>,
        %gather3A_1761 = arith.constant 320 : i32
        %gather3A_1762 = tpu.memref_slice %arg6[%gather3A_1761] : memref<1600xf32, #tpu.memory_space<vmem>> -> memref<160xf32, #tpu.memory_space<vmem>>
        %gather3A_1763 = tpu.vector_load_idx %gather3A_1762[%or3A_1734] : memref<160xf32, #tpu.memory_space<vmem>>[vector<16xi32>], vector<16xf32>,
        %mul3A_1764 = arith.constant 16 : i32
        %mul3A_1765 = arith.muli %scan3A_831, %mul3A_1764 : i32
        %swap3A_1766 = arith.constant 1 : i32
        %swap3A_1767 = arith.constant 2 : i32
        %swap3A_1768 = arith.constant 6 : i32
        %swap3A_1769 = arith.index_cast %swap3A_1766 : i32 to index
        %swap3A_1770 = arith.index_cast %swap3A_1767 : i32 to index
        %swap3A_1771 = arith.index_cast %swap3A_1768 : i32 to index
        %swap3A_1772 = arith.index_cast %mul3A_1765 : i32 to index
        %swap3A_1773 = tpu.vector_load %arg8[%swap3A_1769, %swap3A_1770, %swap3A_1771, %swap3A_1772] {strides = array<i32>} : memref<2x10x8x512xf32, #tpu.memory_space<vmem>>, vector<16xf32>,
        tpu.vector_store %arg8[%swap3A_1769, %swap3A_1770, %swap3A_1771, %swap3A_1772], %gather3A_1621 {strides = array<i32>} : memref<2x10x8x512xf32, #tpu.memory_space<vmem>>, vector<16xf32>,
        %gather3A_1774 = arith.constant 480 : i32
        %gather3A_1775 = tpu.memref_slice %arg6[%gather3A_1774] : memref<1600xf32, #tpu.memory_space<vmem>> -> memref<160xf32, #tpu.memory_space<vmem>>
        %gather3A_1776 = tpu.vector_load_idx %gather3A_1775[%or3A_1734] : memref<160xf32, #tpu.memory_space<vmem>>[vector<16xi32>], vector<16xf32>,
        %mul3A_1777 = arith.constant 16 : i32
        %mul3A_1778 = arith.muli %scan3A_831, %mul3A_1777 : i32
        %swap3A_1779 = arith.constant 1 : i32
        %swap3A_1780 = arith.constant 3 : i32
        %swap3A_1781 = arith.constant 6 : i32
        %swap3A_1782 = arith.index_cast %swap3A_1779 : i32 to index
        %swap3A_1783 = arith.index_cast %swap3A_1780 : i32 to index
        %swap3A_1784 = arith.index_cast %swap3A_1781 : i32 to index
        %swap3A_1785 = arith.index_cast %mul3A_1778 : i32 to index
        %swap3A_1786 = tpu.vector_load %arg8[%swap3A_1782, %swap3A_1783, %swap3A_1784, %swap3A_1785] {strides = array<i32>} : memref<2x10x8x512xf32, #tpu.memory_space<vmem>>, vector<16xf32>,
        tpu.vector_store %arg8[%swap3A_1782, %swap3A_1783, %swap3A_1784, %swap3A_1785], %gather3A_1634 {strides = array<i32>} : memref<2x10x8x512xf32, #tpu.memory_space<vmem>>, vector<16xf32>,
        %gather3A_1787 = arith.constant 640 : i32
        %gather3A_1788 = tpu.memref_slice %arg6[%gather3A_1787] : memref<1600xf32, #tpu.memory_space<vmem>> -> memref<160xf32, #tpu.memory_space<vmem>>
        %gather3A_1789 = tpu.vector_load_idx %gather3A_1788[%or3A_1734] : memref<160xf32, #tpu.memory_space<vmem>>[vector<16xi32>], vector<16xf32>,
        %mul3A_1790 = arith.constant 16 : i32
        %mul3A_1791 = arith.muli %scan3A_831, %mul3A_1790 : i32
        %swap3A_1792 = arith.constant 1 : i32
        %swap3A_1793 = arith.constant 4 : i32
        %swap3A_1794 = arith.constant 6 : i32
        %swap3A_1795 = arith.index_cast %swap3A_1792 : i32 to index
        %swap3A_1796 = arith.index_cast %swap3A_1793 : i32 to index
        %swap3A_1797 = arith.index_cast %swap3A_1794 : i32 to index
        %swap3A_1798 = arith.index_cast %mul3A_1791 : i32 to index
        %swap3A_1799 = tpu.vector_load %arg8[%swap3A_1795, %swap3A_1796, %swap3A_1797, %swap3A_1798] {strides = array<i32>} : memref<2x10x8x512xf32, #tpu.memory_space<vmem>>, vector<16xf32>,
        tpu.vector_store %arg8[%swap3A_1795, %swap3A_1796, %swap3A_1797, %swap3A_1798], %gather3A_1647 {strides = array<i32>} : memref<2x10x8x512xf32, #tpu.memory_space<vmem>>, vector<16xf32>,
        %gather3A_1800 = arith.constant 800 : i32
        %gather3A_1801 = tpu.memref_slice %arg6[%gather3A_1800] : memref<1600xf32, #tpu.memory_space<vmem>> -> memref<160xf32, #tpu.memory_space<vmem>>
        %gather3A_1802 = tpu.vector_load_idx %gather3A_1801[%or3A_1734] : memref<160xf32, #tpu.memory_space<vmem>>[vector<16xi32>], vector<16xf32>,
        %mul3A_1803 = arith.constant 16 : i32
        %mul3A_1804 = arith.muli %scan3A_831, %mul3A_1803 : i32
        %swap3A_1805 = arith.constant 1 : i32
        %swap3A_1806 = arith.constant 5 : i32
        %swap3A_1807 = arith.constant 6 : i32
        %swap3A_1808 = arith.index_cast %swap3A_1805 : i32 to index
        %swap3A_1809 = arith.index_cast %swap3A_1806 : i32 to index
        %swap3A_1810 = arith.index_cast %swap3A_1807 : i32 to index
        %swap3A_1811 = arith.index_cast %mul3A_1804 : i32 to index
        %swap3A_1812 = tpu.vector_load %arg8[%swap3A_1808, %swap3A_1809, %swap3A_1810, %swap3A_1811] {strides = array<i32>} : memref<2x10x8x512xf32, #tpu.memory_space<vmem>>, vector<16xf32>,
        tpu.vector_store %arg8[%swap3A_1808, %swap3A_1809, %swap3A_1810, %swap3A_1811], %gather3A_1660 {strides = array<i32>} : memref<2x10x8x512xf32, #tpu.memory_space<vmem>>, vector<16xf32>,
        %gather3A_1813 = arith.constant 960 : i32
        %gather3A_1814 = tpu.memref_slice %arg6[%gather3A_1813] : memref<1600xf32, #tpu.memory_space<vmem>> -> memref<160xf32, #tpu.memory_space<vmem>>
        %gather3A_1815 = tpu.vector_load_idx %gather3A_1814[%or3A_1734] : memref<160xf32, #tpu.memory_space<vmem>>[vector<16xi32>], vector<16xf32>,
        %mul3A_1816 = arith.constant 16 : i32
        %mul3A_1817 = arith.muli %scan3A_831, %mul3A_1816 : i32
        %swap3A_1818 = arith.constant 1 : i32
        %swap3A_1819 = arith.constant 6 : i32
        %swap3A_1820 = arith.constant 6 : i32
        %swap3A_1821 = arith.index_cast %swap3A_1818 : i32 to index
        %swap3A_1822 = arith.index_cast %swap3A_1819 : i32 to index
        %swap3A_1823 = arith.index_cast %swap3A_1820 : i32 to index
        %swap3A_1824 = arith.index_cast %mul3A_1817 : i32 to index
        %swap3A_1825 = tpu.vector_load %arg8[%swap3A_1821, %swap3A_1822, %swap3A_1823, %swap3A_1824] {strides = array<i32>} : memref<2x10x8x512xf32, #tpu.memory_space<vmem>>, vector<16xf32>,
        tpu.vector_store %arg8[%swap3A_1821, %swap3A_1822, %swap3A_1823, %swap3A_1824], %gather3A_1673 {strides = array<i32>} : memref<2x10x8x512xf32, #tpu.memory_space<vmem>>, vector<16xf32>,
        %gather3A_1826 = arith.constant 1120 : i32
        %gather3A_1827 = tpu.memref_slice %arg6[%gather3A_1826] : memref<1600xf32, #tpu.memory_space<vmem>> -> memref<160xf32, #tpu.memory_space<vmem>>
        %gather3A_1828 = tpu.vector_load_idx %gather3A_1827[%or3A_1734] : memref<160xf32, #tpu.memory_space<vmem>>[vector<16xi32>], vector<16xf32>,
        %mul3A_1829 = arith.constant 16 : i32
        %mul3A_1830 = arith.muli %scan3A_831, %mul3A_1829 : i32
        %swap3A_1831 = arith.constant 1 : i32
        %swap3A_1832 = arith.constant 7 : i32
        %swap3A_1833 = arith.constant 6 : i32
        %swap3A_1834 = arith.index_cast %swap3A_1831 : i32 to index
        %swap3A_1835 = arith.index_cast %swap3A_1832 : i32 to index
        %swap3A_1836 = arith.index_cast %swap3A_1833 : i32 to index
        %swap3A_1837 = arith.index_cast %mul3A_1830 : i32 to index
        %swap3A_1838 = tpu.vector_load %arg8[%swap3A_1834, %swap3A_1835, %swap3A_1836, %swap3A_1837] {strides = array<i32>} : memref<2x10x8x512xf32, #tpu.memory_space<vmem>>, vector<16xf32>,
        tpu.vector_store %arg8[%swap3A_1834, %swap3A_1835, %swap3A_1836, %swap3A_1837], %gather3A_1686 {strides = array<i32>} : memref<2x10x8x512xf32, #tpu.memory_space<vmem>>, vector<16xf32>,
        %gather3A_1839 = arith.constant 1280 : i32
        %gather3A_1840 = tpu.memref_slice %arg6[%gather3A_1839] : memref<1600xf32, #tpu.memory_space<vmem>> -> memref<160xf32, #tpu.memory_space<vmem>>
        %gather3A_1841 = tpu.vector_load_idx %gather3A_1840[%or3A_1734] : memref<160xf32, #tpu.memory_space<vmem>>[vector<16xi32>], vector<16xf32>,
        %mul3A_1842 = arith.constant 16 : i32
        %mul3A_1843 = arith.muli %scan3A_831, %mul3A_1842 : i32
        %swap3A_1844 = arith.constant 1 : i32
        %swap3A_1845 = arith.constant 8 : i32
        %swap3A_1846 = arith.constant 6 : i32
        %swap3A_1847 = arith.index_cast %swap3A_1844 : i32 to index
        %swap3A_1848 = arith.index_cast %swap3A_1845 : i32 to index
        %swap3A_1849 = arith.index_cast %swap3A_1846 : i32 to index
        %swap3A_1850 = arith.index_cast %mul3A_1843 : i32 to index
        %swap3A_1851 = tpu.vector_load %arg8[%swap3A_1847, %swap3A_1848, %swap3A_1849, %swap3A_1850] {strides = array<i32>} : memref<2x10x8x512xf32, #tpu.memory_space<vmem>>, vector<16xf32>,
        tpu.vector_store %arg8[%swap3A_1847, %swap3A_1848, %swap3A_1849, %swap3A_1850], %gather3A_1699 {strides = array<i32>} : memref<2x10x8x512xf32, #tpu.memory_space<vmem>>, vector<16xf32>,
        %gather3A_1852 = arith.constant 1440 : i32
        %gather3A_1853 = tpu.memref_slice %arg6[%gather3A_1852] : memref<1600xf32, #tpu.memory_space<vmem>> -> memref<160xf32, #tpu.memory_space<vmem>>
        %gather3A_1854 = tpu.vector_load_idx %gather3A_1853[%or3A_1734] : memref<160xf32, #tpu.memory_space<vmem>>[vector<16xi32>], vector<16xf32>,
        %mul3A_1855 = arith.constant 16 : i32
        %mul3A_1856 = arith.muli %scan3A_831, %mul3A_1855 : i32
        %swap3A_1857 = arith.constant 1 : i32
        %swap3A_1858 = arith.constant 9 : i32
        %swap3A_1859 = arith.constant 6 : i32
        %swap3A_1860 = arith.index_cast %swap3A_1857 : i32 to index
        %swap3A_1861 = arith.index_cast %swap3A_1858 : i32 to index
        %swap3A_1862 = arith.index_cast %swap3A_1859 : i32 to index
        %swap3A_1863 = arith.index_cast %mul3A_1856 : i32 to index
        %swap3A_1864 = tpu.vector_load %arg8[%swap3A_1860, %swap3A_1861, %swap3A_1862, %swap3A_1863] {strides = array<i32>} : memref<2x10x8x512xf32, #tpu.memory_space<vmem>>, vector<16xf32>,
        tpu.vector_store %arg8[%swap3A_1860, %swap3A_1861, %swap3A_1862, %swap3A_1863], %gather3A_1712 {strides = array<i32>} : memref<2x10x8x512xf32, #tpu.memory_space<vmem>>, vector<16xf32>,
        %mul3A_1865 = arith.constant 16 : i32
        %mul3A_1866 = arith.muli %scan3A_831, %mul3A_1865 : i32
        %swap3A_1867 = arith.constant 1 : i32
        %swap3A_1868 = arith.constant 0 : i32
        %swap3A_1869 = arith.constant 7 : i32
        %swap3A_1870 = arith.index_cast %swap3A_1867 : i32 to index
        %swap3A_1871 = arith.index_cast %swap3A_1868 : i32 to index
        %swap3A_1872 = arith.index_cast %swap3A_1869 : i32 to index
        %swap3A_1873 = arith.index_cast %mul3A_1866 : i32 to index
        %swap3A_1874 = tpu.vector_load %arg8[%swap3A_1870, %swap3A_1871, %swap3A_1872, %swap3A_1873] {strides = array<i32>} : memref<2x10x8x512xf32, #tpu.memory_space<vmem>>, vector<16xf32>,
        tpu.vector_store %arg8[%swap3A_1870, %swap3A_1871, %swap3A_1872, %swap3A_1873], %gather3A_1737 {strides = array<i32>} : memref<2x10x8x512xf32, #tpu.memory_space<vmem>>, vector<16xf32>,
        %mul3A_1875 = arith.constant 16 : i32
        %mul3A_1876 = arith.muli %scan3A_831, %mul3A_1875 : i32
        %swap3A_1877 = arith.constant 1 : i32
        %swap3A_1878 = arith.constant 1 : i32
        %swap3A_1879 = arith.constant 7 : i32
        %swap3A_1880 = arith.index_cast %swap3A_1877 : i32 to index
        %swap3A_1881 = arith.index_cast %swap3A_1878 : i32 to index
        %swap3A_1882 = arith.index_cast %swap3A_1879 : i32 to index
        %swap3A_1883 = arith.index_cast %mul3A_1876 : i32 to index
        %swap3A_1884 = tpu.vector_load %arg8[%swap3A_1880, %swap3A_1881, %swap3A_1882, %swap3A_1883] {strides = array<i32>} : memref<2x10x8x512xf32, #tpu.memory_space<vmem>>, vector<16xf32>,
        tpu.vector_store %arg8[%swap3A_1880, %swap3A_1881, %swap3A_1882, %swap3A_1883], %gather3A_1750 {strides = array<i32>} : memref<2x10x8x512xf32, #tpu.memory_space<vmem>>, vector<16xf32>,
        %mul3A_1885 = arith.constant 16 : i32
        %mul3A_1886 = arith.muli %scan3A_831, %mul3A_1885 : i32
        %swap3A_1887 = arith.constant 1 : i32
        %swap3A_1888 = arith.constant 2 : i32
        %swap3A_1889 = arith.constant 7 : i32
        %swap3A_1890 = arith.index_cast %swap3A_1887 : i32 to index
        %swap3A_1891 = arith.index_cast %swap3A_1888 : i32 to index
        %swap3A_1892 = arith.index_cast %swap3A_1889 : i32 to index
        %swap3A_1893 = arith.index_cast %mul3A_1886 : i32 to index
        %swap3A_1894 = tpu.vector_load %arg8[%swap3A_1890, %swap3A_1891, %swap3A_1892, %swap3A_1893] {strides = array<i32>} : memref<2x10x8x512xf32, #tpu.memory_space<vmem>>, vector<16xf32>,
        tpu.vector_store %arg8[%swap3A_1890, %swap3A_1891, %swap3A_1892, %swap3A_1893], %gather3A_1763 {strides = array<i32>} : memref<2x10x8x512xf32, #tpu.memory_space<vmem>>, vector<16xf32>,
        %mul3A_1895 = arith.constant 16 : i32
        %mul3A_1896 = arith.muli %scan3A_831, %mul3A_1895 : i32
        %swap3A_1897 = arith.constant 1 : i32
        %swap3A_1898 = arith.constant 3 : i32
        %swap3A_1899 = arith.constant 7 : i32
        %swap3A_1900 = arith.index_cast %swap3A_1897 : i32 to index
        %swap3A_1901 = arith.index_cast %swap3A_1898 : i32 to index
        %swap3A_1902 = arith.index_cast %swap3A_1899 : i32 to index
        %swap3A_1903 = arith.index_cast %mul3A_1896 : i32 to index
        %swap3A_1904 = tpu.vector_load %arg8[%swap3A_1900, %swap3A_1901, %swap3A_1902, %swap3A_1903] {strides = array<i32>} : memref<2x10x8x512xf32, #tpu.memory_space<vmem>>, vector<16xf32>,
        tpu.vector_store %arg8[%swap3A_1900, %swap3A_1901, %swap3A_1902, %swap3A_1903], %gather3A_1776 {strides = array<i32>} : memref<2x10x8x512xf32, #tpu.memory_space<vmem>>, vector<16xf32>,
        %mul3A_1905 = arith.constant 16 : i32
        %mul3A_1906 = arith.muli %scan3A_831, %mul3A_1905 : i32
        %swap3A_1907 = arith.constant 1 : i32
        %swap3A_1908 = arith.constant 4 : i32
        %swap3A_1909 = arith.constant 7 : i32
        %swap3A_1910 = arith.index_cast %swap3A_1907 : i32 to index
        %swap3A_1911 = arith.index_cast %swap3A_1908 : i32 to index
        %swap3A_1912 = arith.index_cast %swap3A_1909 : i32 to index
        %swap3A_1913 = arith.index_cast %mul3A_1906 : i32 to index
        %swap3A_1914 = tpu.vector_load %arg8[%swap3A_1910, %swap3A_1911, %swap3A_1912, %swap3A_1913] {strides = array<i32>} : memref<2x10x8x512xf32, #tpu.memory_space<vmem>>, vector<16xf32>,
        tpu.vector_store %arg8[%swap3A_1910, %swap3A_1911, %swap3A_1912, %swap3A_1913], %gather3A_1789 {strides = array<i32>} : memref<2x10x8x512xf32, #tpu.memory_space<vmem>>, vector<16xf32>,
        %mul3A_1915 = arith.constant 16 : i32
        %mul3A_1916 = arith.muli %scan3A_831, %mul3A_1915 : i32
        %swap3A_1917 = arith.constant 1 : i32
        %swap3A_1918 = arith.constant 5 : i32
        %swap3A_1919 = arith.constant 7 : i32
        %swap3A_1920 = arith.index_cast %swap3A_1917 : i32 to index
        %swap3A_1921 = arith.index_cast %swap3A_1918 : i32 to index
        %swap3A_1922 = arith.index_cast %swap3A_1919 : i32 to index
        %swap3A_1923 = arith.index_cast %mul3A_1916 : i32 to index
        %swap3A_1924 = tpu.vector_load %arg8[%swap3A_1920, %swap3A_1921, %swap3A_1922, %swap3A_1923] {strides = array<i32>} : memref<2x10x8x512xf32, #tpu.memory_space<vmem>>, vector<16xf32>,
        tpu.vector_store %arg8[%swap3A_1920, %swap3A_1921, %swap3A_1922, %swap3A_1923], %gather3A_1802 {strides = array<i32>} : memref<2x10x8x512xf32, #tpu.memory_space<vmem>>, vector<16xf32>,
        %mul3A_1925 = arith.constant 16 : i32
        %mul3A_1926 = arith.muli %scan3A_831, %mul3A_1925 : i32
        %swap3A_1927 = arith.constant 1 : i32
        %swap3A_1928 = arith.constant 6 : i32
        %swap3A_1929 = arith.constant 7 : i32
        %swap3A_1930 = arith.index_cast %swap3A_1927 : i32 to index
        %swap3A_1931 = arith.index_cast %swap3A_1928 : i32 to index
        %swap3A_1932 = arith.index_cast %swap3A_1929 : i32 to index
        %swap3A_1933 = arith.index_cast %mul3A_1926 : i32 to index
        %swap3A_1934 = tpu.vector_load %arg8[%swap3A_1930, %swap3A_1931, %swap3A_1932, %swap3A_1933] {strides = array<i32>} : memref<2x10x8x512xf32, #tpu.memory_space<vmem>>, vector<16xf32>,
        tpu.vector_store %arg8[%swap3A_1930, %swap3A_1931, %swap3A_1932, %swap3A_1933], %gather3A_1815 {strides = array<i32>} : memref<2x10x8x512xf32, #tpu.memory_space<vmem>>, vector<16xf32>,
        %mul3A_1935 = arith.constant 16 : i32
        %mul3A_1936 = arith.muli %scan3A_831, %mul3A_1935 : i32
        %swap3A_1937 = arith.constant 1 : i32
        %swap3A_1938 = arith.constant 7 : i32
        %swap3A_1939 = arith.constant 7 : i32
        %swap3A_1940 = arith.index_cast %swap3A_1937 : i32 to index
        %swap3A_1941 = arith.index_cast %swap3A_1938 : i32 to index
        %swap3A_1942 = arith.index_cast %swap3A_1939 : i32 to index
        %swap3A_1943 = arith.index_cast %mul3A_1936 : i32 to index
        %swap3A_1944 = tpu.vector_load %arg8[%swap3A_1940, %swap3A_1941, %swap3A_1942, %swap3A_1943] {strides = array<i32>} : memref<2x10x8x512xf32, #tpu.memory_space<vmem>>, vector<16xf32>,
        tpu.vector_store %arg8[%swap3A_1940, %swap3A_1941, %swap3A_1942, %swap3A_1943], %gather3A_1828 {strides = array<i32>} : memref<2x10x8x512xf32, #tpu.memory_space<vmem>>, vector<16xf32>,
        %mul3A_1945 = arith.constant 16 : i32
        %mul3A_1946 = arith.muli %scan3A_831, %mul3A_1945 : i32
        %swap3A_1947 = arith.constant 1 : i32
        %swap3A_1948 = arith.constant 8 : i32
        %swap3A_1949 = arith.constant 7 : i32
        %swap3A_1950 = arith.index_cast %swap3A_1947 : i32 to index
        %swap3A_1951 = arith.index_cast %swap3A_1948 : i32 to index
        %swap3A_1952 = arith.index_cast %swap3A_1949 : i32 to index
        %swap3A_1953 = arith.index_cast %mul3A_1946 : i32 to index
        %swap3A_1954 = tpu.vector_load %arg8[%swap3A_1950, %swap3A_1951, %swap3A_1952, %swap3A_1953] {strides = array<i32>} : memref<2x10x8x512xf32, #tpu.memory_space<vmem>>, vector<16xf32>,
        tpu.vector_store %arg8[%swap3A_1950, %swap3A_1951, %swap3A_1952, %swap3A_1953], %gather3A_1841 {strides = array<i32>} : memref<2x10x8x512xf32, #tpu.memory_space<vmem>>, vector<16xf32>,
        %mul3A_1955 = arith.constant 16 : i32
        %mul3A_1956 = arith.muli %scan3A_831, %mul3A_1955 : i32
        %swap3A_1957 = arith.constant 1 : i32
        %swap3A_1958 = arith.constant 9 : i32
        %swap3A_1959 = arith.constant 7 : i32
        %swap3A_1960 = arith.index_cast %swap3A_1957 : i32 to index
        %swap3A_1961 = arith.index_cast %swap3A_1958 : i32 to index
        %swap3A_1962 = arith.index_cast %swap3A_1959 : i32 to index
        %swap3A_1963 = arith.index_cast %mul3A_1956 : i32 to index
        %swap3A_1964 = tpu.vector_load %arg8[%swap3A_1960, %swap3A_1961, %swap3A_1962, %swap3A_1963] {strides = array<i32>} : memref<2x10x8x512xf32, #tpu.memory_space<vmem>>, vector<16xf32>,
        tpu.vector_store %arg8[%swap3A_1960, %swap3A_1961, %swap3A_1962, %swap3A_1963], %gather3A_1854 {strides = array<i32>} : memref<2x10x8x512xf32, #tpu.memory_space<vmem>>, vector<16xf32>,
      }
      %scan3A_811 = arith.constant 32 : i32
      %add3A_812 = arith.constant 1 : i32
      %add3A_813 = arith.addi %mul3A_719, %add3A_812 : i32
      %mul3A_814 = arith.constant 8 : i32
      %mul3A_815 = arith.muli %add3A_813, %mul3A_814 : i32
      %dma_start3A_816 = arith.constant 1 : i32
      %dma_start3A_817 = arith.constant 0 : i32
      %dma_start3A_818 = arith.constant 0 : i32
      %dma_start3A_819 = arith.constant 0 : i32
      %dma_start3A_820 = tpu.memref_slice %arg8[%dma_start3A_816, %dma_start3A_817, %dma_start3A_818, %dma_start3A_819] : memref<2x10x8x512xf32, #tpu.memory_space<vmem>> -> memref<1x10x8x512xf32, #tpu.memory_space<vmem>>
      %dma_start3A_821 = tpu.memref_squeeze %dma_start3A_820 : memref<1x10x8x512xf32, #tpu.memory_space<vmem>> -> memref<10x8x512xf32, #tpu.memory_space<vmem>>
      %dma_start3A_822 = arith.constant 0 : i32
      %dma_start3A_823 = tpu.memref_slice %arg4[%dma_start3A_822, %mul3A_815, %mul3A_2] : memref<10x200x16384xf32, #tpu.memory_space<hbm>> -> memref<10x8x512xf32, #tpu.memory_space<hbm>>
      %dma_start3A_824 = arith.constant 0 : i32
      %dma_start3A_825 = tpu.memref_slice %arg4[%dma_start3A_824, %mul3A_815, %mul3A_2] : memref<10x200x16384xf32, #tpu.memory_space<hbm>> -> memref<10x8x512xf32, #tpu.memory_space<hbm>>
      %dma_start3A_826 = arith.constant 0 : i32
      %dma_start3A_827 = arith.constant 0 : i32
      %dma_start3A_828 = arith.constant 0 : i32
      %dma_start3A_829 = tpu.memref_slice %arg8[%dma_start3A_816, %dma_start3A_826, %dma_start3A_827, %dma_start3A_828] : memref<2x10x8x512xf32, #tpu.memory_space<vmem>> -> memref<1x10x8x512xf32, #tpu.memory_space<vmem>>
      %dma_start3A_830 = tpu.memref_squeeze %dma_start3A_829 : memref<1x10x8x512xf32, #tpu.memory_space<vmem>> -> memref<10x8x512xf32, #tpu.memory_space<vmem>>
      tpu.enqueue_dma source(%dma_start3A_830 : memref<10x8x512xf32, #tpu.memory_space<vmem>>) target(%dma_start3A_825 : memref<10x8x512xf32, #tpu.memory_space<hbm>>) target_semaphore(%arg12 : memref<!tpu.dma_semaphore, #tpu.memory_space<semaphore_mem>>)
    }
    %scan3A_630 = arith.constant 12 : i32
    %dma_wait3A = arith.constant 0 : i32
    %dma_wait3A_631 = arith.constant 0 : i32
    %dma_wait3A_632 = arith.constant 0 : i32
    %dma_wait3A_633 = tpu.memref_slice %arg7[%dma_wait3A, %dma_wait3A_631, %dma_wait3A_632] : memref<2x8x512xi32, #tpu.memory_space<vmem>> -> memref<1x8x512xi32, #tpu.memory_space<vmem>>
    %dma_wait3A_634 = tpu.memref_squeeze %dma_wait3A_633 : memref<1x8x512xi32, #tpu.memory_space<vmem>> -> memref<8x512xi32, #tpu.memory_space<vmem>>
    %dma_wait3A_635 = arith.constant 0 : i32
    %dma_wait3A_636 = tpu.memref_slice %arg2[%dma_wait3A_635, %mul3A_2] : memref<200x16384xi32, #tpu.memory_space<hbm>> -> memref<8x512xi32, #tpu.memory_space<hbm>>
    %dma_wait3A_637 = arith.constant 0 : i32
    %dma_wait3A_638 = arith.constant 0 : i32
    %dma_wait3A_639 = tpu.memref_slice %arg7[%dma_wait3A, %dma_wait3A_637, %dma_wait3A_638] : memref<2x8x512xi32, #tpu.memory_space<vmem>> -> memref<1x8x512xi32, #tpu.memory_space<vmem>>
    %dma_wait3A_640 = tpu.memref_squeeze %dma_wait3A_639 : memref<1x8x512xi32, #tpu.memory_space<vmem>> -> memref<8x512xi32, #tpu.memory_space<vmem>>
    %dma_wait3A_641 = arith.constant 0 : i32
    %dma_wait3A_642 = tpu.memref_slice %arg2[%dma_wait3A_641, %mul3A_2] : memref<200x16384xi32, #tpu.memory_space<hbm>> -> memref<8x512xi32, #tpu.memory_space<hbm>>
    tpu.wait_dma2 semaphore(%arg9 : memref<!tpu.dma_semaphore, #tpu.memory_space<semaphore_mem>>) src(%dma_wait3A_642 : memref<8x512xi32, #tpu.memory_space<hbm>>) dst(%dma_wait3A_640 : memref<8x512xi32, #tpu.memory_space<vmem>>)
    %dma_wait3A_643 = arith.constant 0 : i32
    %dma_wait3A_644 = arith.constant 0 : i32
    %dma_wait3A_645 = arith.constant 0 : i32
    %dma_wait3A_646 = arith.constant 0 : i32
    %dma_wait3A_647 = tpu.memref_slice %arg8[%dma_wait3A_643, %dma_wait3A_644, %dma_wait3A_645, %dma_wait3A_646] : memref<2x10x8x512xf32, #tpu.memory_space<vmem>> -> memref<1x10x8x512xf32, #tpu.memory_space<vmem>>
    %dma_wait3A_648 = tpu.memref_squeeze %dma_wait3A_647 : memref<1x10x8x512xf32, #tpu.memory_space<vmem>> -> memref<10x8x512xf32, #tpu.memory_space<vmem>>
    %dma_wait3A_649 = arith.constant 0 : i32
    %dma_wait3A_650 = arith.constant 0 : i32
    %dma_wait3A_651 = tpu.memref_slice %arg4[%dma_wait3A_649, %dma_wait3A_650, %mul3A_2] : memref<10x200x16384xf32, #tpu.memory_space<hbm>> -> memref<10x8x512xf32, #tpu.memory_space<hbm>>
    %dma_wait3A_652 = arith.constant 0 : i32
    %dma_wait3A_653 = arith.constant 0 : i32
    %dma_wait3A_654 = tpu.memref_slice %arg4[%dma_wait3A_652, %dma_wait3A_653, %mul3A_2] : memref<10x200x16384xf32, #tpu.memory_space<hbm>> -> memref<10x8x512xf32, #tpu.memory_space<hbm>>
    %dma_wait3A_655 = arith.constant 0 : i32
    %dma_wait3A_656 = arith.constant 0 : i32
    %dma_wait3A_657 = arith.constant 0 : i32
    %dma_wait3A_658 = tpu.memref_slice %arg8[%dma_wait3A_643, %dma_wait3A_655, %dma_wait3A_656, %dma_wait3A_657] : memref<2x10x8x512xf32, #tpu.memory_space<vmem>> -> memref<1x10x8x512xf32, #tpu.memory_space<vmem>>
    %dma_wait3A_659 = tpu.memref_squeeze %dma_wait3A_658 : memref<1x10x8x512xf32, #tpu.memory_space<vmem>> -> memref<10x8x512xf32, #tpu.memory_space<vmem>>
    tpu.wait_dma2 semaphore(%arg11 : memref<!tpu.dma_semaphore, #tpu.memory_space<semaphore_mem>>) src(%dma_wait3A_659 : memref<10x8x512xf32, #tpu.memory_space<vmem>>) dst(%dma_wait3A_654 : memref<10x8x512xf32, #tpu.memory_space<hbm>>)
    %scan3A_660 = arith.constant 0 : i32
    %scan3A_661 = arith.constant 0 : i32
    %scan3A_662 = arith.constant 32 : i32
    %scan3A_663 = arith.addi %scan3A_661, %scan3A_662 : i32
    %scan3A_664 = arith.constant 1 : i32
    scf.for %scan3A_717 = %scan3A_661 to %scan3A_663 step %scan3A_664  : i32 {
      %mul3A_718 = arith.constant 16 : i32
      %mul3A_719 = arith.muli %scan3A_717, %mul3A_718 : i32
      %get3A_720 = arith.constant 0 : i32
      %get3A_721 = arith.constant 0 : i32
      %get3A_722 = arith.index_cast %get3A_720 : i32 to index
      %get3A_723 = arith.index_cast %get3A_721 : i32 to index
      %get3A_724 = arith.index_cast %mul3A_719 : i32 to index
      %get3A_725 = tpu.vector_load %arg7[%get3A_722, %get3A_723, %get3A_724] {strides = array<i32>} : memref<2x8x512xi32, #tpu.memory_space<vmem>>, vector<16xi32>,
      %shift_left3A = arith.constant 4 : i32
      %shift_left3A_726 = vector.broadcast %shift_left3A : i32 to vector<16xi32>
      %shift_left3A_727 = arith.shli %get3A_725, %shift_left3A_726 : vector<16xi32>
      %or3A = arith.ori %shift_left3A_727, %iota3A : vector<16xi32>
      %gather3A = arith.constant 0 : i32
      %gather3A_728 = tpu.memref_slice %arg6[%gather3A] : memref<1600xf32, #tpu.memory_space<vmem>> -> memref<160xf32, #tpu.memory_space<vmem>>
      %gather3A_729 = tpu.vector_load_idx %gather3A_728[%or3A] : memref<160xf32, #tpu.memory_space<vmem>>[vector<16xi32>], vector<16xf32>,
      %gather3A_730 = arith.constant 160 : i32
      %gather3A_731 = tpu.memref_slice %arg6[%gather3A_730] : memref<1600xf32, #tpu.memory_space<vmem>> -> memref<160xf32, #tpu.memory_space<vmem>>
      %gather3A_732 = tpu.vector_load_idx %gather3A_731[%or3A] : memref<160xf32, #tpu.memory_space<vmem>>[vector<16xi32>], vector<16xf32>,
      %gather3A_733 = arith.constant 320 : i32
      %gather3A_734 = tpu.memref_slice %arg6[%gather3A_733] : memref<1600xf32, #tpu.memory_space<vmem>> -> memref<160xf32, #tpu.memory_space<vmem>>
      %gather3A_735 = tpu.vector_load_idx %gather3A_734[%or3A] : memref<160xf32, #tpu.memory_space<vmem>>[vector<16xi32>], vector<16xf32>,
      %gather3A_736 = arith.constant 480 : i32
      %gather3A_737 = tpu.memref_slice %arg6[%gather3A_736] : memref<1600xf32, #tpu.memory_space<vmem>> -> memref<160xf32, #tpu.memory_space<vmem>>
      %gather3A_738 = tpu.vector_load_idx %gather3A_737[%or3A] : memref<160xf32, #tpu.memory_space<vmem>>[vector<16xi32>], vector<16xf32>,
      %gather3A_739 = arith.constant 640 : i32
      %gather3A_740 = tpu.memref_slice %arg6[%gather3A_739] : memref<1600xf32, #tpu.memory_space<vmem>> -> memref<160xf32, #tpu.memory_space<vmem>>
      %gather3A_741 = tpu.vector_load_idx %gather3A_740[%or3A] : memref<160xf32, #tpu.memory_space<vmem>>[vector<16xi32>], vector<16xf32>,
      %gather3A_742 = arith.constant 800 : i32
      %gather3A_743 = tpu.memref_slice %arg6[%gather3A_742] : memref<1600xf32, #tpu.memory_space<vmem>> -> memref<160xf32, #tpu.memory_space<vmem>>
      %gather3A_744 = tpu.vector_load_idx %gather3A_743[%or3A] : memref<160xf32, #tpu.memory_space<vmem>>[vector<16xi32>], vector<16xf32>,
      %gather3A_745 = arith.constant 960 : i32
      %gather3A_746 = tpu.memref_slice %arg6[%gather3A_745] : memref<1600xf32, #tpu.memory_space<vmem>> -> memref<160xf32, #tpu.memory_space<vmem>>
      %gather3A_747 = tpu.vector_load_idx %gather3A_746[%or3A] : memref<160xf32, #tpu.memory_space<vmem>>[vector<16xi32>], vector<16xf32>,
      %gather3A_748 = arith.constant 1120 : i32
      %gather3A_749 = tpu.memref_slice %arg6[%gather3A_748] : memref<1600xf32, #tpu.memory_space<vmem>> -> memref<160xf32, #tpu.memory_space<vmem>>
      %gather3A_750 = tpu.vector_load_idx %gather3A_749[%or3A] : memref<160xf32, #tpu.memory_space<vmem>>[vector<16xi32>], vector<16xf32>,
      %gather3A_751 = arith.constant 1280 : i32
      %gather3A_752 = tpu.memref_slice %arg6[%gather3A_751] : memref<1600xf32, #tpu.memory_space<vmem>> -> memref<160xf32, #tpu.memory_space<vmem>>
      %gather3A_753 = tpu.vector_load_idx %gather3A_752[%or3A] : memref<160xf32, #tpu.memory_space<vmem>>[vector<16xi32>], vector<16xf32>,
      %gather3A_754 = arith.constant 1440 : i32
      %gather3A_755 = tpu.memref_slice %arg6[%gather3A_754] : memref<1600xf32, #tpu.memory_space<vmem>> -> memref<160xf32, #tpu.memory_space<vmem>>
      %gather3A_756 = tpu.vector_load_idx %gather3A_755[%or3A] : memref<160xf32, #tpu.memory_space<vmem>>[vector<16xi32>], vector<16xf32>,
      %mul3A_757 = arith.constant 16 : i32
      %mul3A_758 = arith.muli %scan3A_717, %mul3A_757 : i32
      %get3A_759 = arith.constant 0 : i32
      %get3A_760 = arith.constant 1 : i32
      %get3A_761 = arith.index_cast %get3A_759 : i32 to index
      %get3A_762 = arith.index_cast %get3A_760 : i32 to index
      %get3A_763 = arith.index_cast %mul3A_758 : i32 to index
      %get3A_764 = tpu.vector_load %arg7[%get3A_761, %get3A_762, %get3A_763] {strides = array<i32>} : memref<2x8x512xi32, #tpu.memory_space<vmem>>, vector<16xi32>,
      %shift_left3A_765 = arith.constant 4 : i32
      %shift_left3A_766 = vector.broadcast %shift_left3A_765 : i32 to vector<16xi32>
      %shift_left3A_767 = arith.shli %get3A_764, %shift_left3A_766 : vector<16xi32>
      %or3A_768 = arith.ori %shift_left3A_767, %iota3A : vector<16xi32>
      %gather3A_769 = arith.constant 0 : i32
      %gather3A_770 = tpu.memref_slice %arg6[%gather3A_769] : memref<1600xf32, #tpu.memory_space<vmem>> -> memref<160xf32, #tpu.memory_space<vmem>>
      %gather3A_771 = tpu.vector_load_idx %gather3A_770[%or3A_768] : memref<160xf32, #tpu.memory_space<vmem>>[vector<16xi32>], vector<16xf32>,
      %mul3A_772 = arith.constant 16 : i32
      %mul3A_773 = arith.muli %scan3A_717, %mul3A_772 : i32
      %swap3A_774 = arith.constant 0 : i32
      %swap3A_775 = arith.constant 0 : i32
      %swap3A_776 = arith.constant 0 : i32
      %swap3A_777 = arith.index_cast %swap3A_774 : i32 to index
      %swap3A_778 = arith.index_cast %swap3A_775 : i32 to index
      %swap3A_779 = arith.index_cast %swap3A_776 : i32 to index
      %swap3A_780 = arith.index_cast %mul3A_773 : i32 to index
      %swap3A_781 = tpu.vector_load %arg8[%swap3A_777, %swap3A_778, %swap3A_779, %swap3A_780] {strides = array<i32>} : memref<2x10x8x512xf32, #tpu.memory_space<vmem>>, vector<16xf32>,
      tpu.vector_store %arg8[%swap3A_777, %swap3A_778, %swap3A_779, %swap3A_780], %gather3A_729 {strides = array<i32>} : memref<2x10x8x512xf32, #tpu.memory_space<vmem>>, vector<16xf32>,
      %gather3A_782 = arith.constant 160 : i32
      %gather3A_783 = tpu.memref_slice %arg6[%gather3A_782] : memref<1600xf32, #tpu.memory_space<vmem>> -> memref<160xf32, #tpu.memory_space<vmem>>
      %gather3A_784 = tpu.vector_load_idx %gather3A_783[%or3A_768] : memref<160xf32, #tpu.memory_space<vmem>>[vector<16xi32>], vector<16xf32>,
      %mul3A_785 = arith.constant 16 : i32
      %mul3A_786 = arith.muli %scan3A_717, %mul3A_785 : i32
      %swap3A_787 = arith.constant 0 : i32
      %swap3A_788 = arith.constant 1 : i32
      %swap3A_789 = arith.constant 0 : i32
      %swap3A_790 = arith.index_cast %swap3A_787 : i32 to index
      %swap3A_791 = arith.index_cast %swap3A_788 : i32 to index
      %swap3A_792 = arith.index_cast %swap3A_789 : i32 to index
      %swap3A_793 = arith.index_cast %mul3A_786 : i32 to index
      %swap3A_794 = tpu.vector_load %arg8[%swap3A_790, %swap3A_791, %swap3A_792, %swap3A_793] {strides = array<i32>} : memref<2x10x8x512xf32, #tpu.memory_space<vmem>>, vector<16xf32>,
      tpu.vector_store %arg8[%swap3A_790, %swap3A_791, %swap3A_792, %swap3A_793], %gather3A_732 {strides = array<i32>} : memref<2x10x8x512xf32, #tpu.memory_space<vmem>>, vector<16xf32>,
      %gather3A_795 = arith.constant 320 : i32
      %gather3A_796 = tpu.memref_slice %arg6[%gather3A_795] : memref<1600xf32, #tpu.memory_space<vmem>> -> memref<160xf32, #tpu.memory_space<vmem>>
      %gather3A_797 = tpu.vector_load_idx %gather3A_796[%or3A_768] : memref<160xf32, #tpu.memory_space<vmem>>[vector<16xi32>], vector<16xf32>,
      %mul3A_798 = arith.constant 16 : i32
      %mul3A_799 = arith.muli %scan3A_717, %mul3A_798 : i32
      %swap3A_800 = arith.constant 0 : i32
      %swap3A_801 = arith.constant 2 : i32
      %swap3A_802 = arith.constant 0 : i32
      %swap3A_803 = arith.index_cast %swap3A_800 : i32 to index
      %swap3A_804 = arith.index_cast %swap3A_801 : i32 to index
      %swap3A_805 = arith.index_cast %swap3A_802 : i32 to index
      %swap3A_806 = arith.index_cast %mul3A_799 : i32 to index
      %swap3A_807 = tpu.vector_load %arg8[%swap3A_803, %swap3A_804, %swap3A_805, %swap3A_806] {strides = array<i32>} : memref<2x10x8x512xf32, #tpu.memory_space<vmem>>, vector<16xf32>,
      tpu.vector_store %arg8[%swap3A_803, %swap3A_804, %swap3A_805, %swap3A_806], %gather3A_735 {strides = array<i32>} : memref<2x10x8x512xf32, #tpu.memory_space<vmem>>, vector<16xf32>,
      %gather3A_808 = arith.constant 480 : i32
      %gather3A_809 = tpu.memref_slice %arg6[%gather3A_808] : memref<1600xf32, #tpu.memory_space<vmem>> -> memref<160xf32, #tpu.memory_space<vmem>>
      %gather3A_810 = tpu.vector_load_idx %gather3A_809[%or3A_768] : memref<160xf32, #tpu.memory_space<vmem>>[vector<16xi32>], vector<16xf32>,
      %mul3A_811 = arith.constant 16 : i32
      %mul3A_812 = arith.muli %scan3A_717, %mul3A_811 : i32
      %swap3A_813 = arith.constant 0 : i32
      %swap3A_814 = arith.constant 3 : i32
      %swap3A_815 = arith.constant 0 : i32
      %swap3A_816 = arith.index_cast %swap3A_813 : i32 to index
      %swap3A_817 = arith.index_cast %swap3A_814 : i32 to index
      %swap3A_818 = arith.index_cast %swap3A_815 : i32 to index
      %swap3A_819 = arith.index_cast %mul3A_812 : i32 to index
      %swap3A_820 = tpu.vector_load %arg8[%swap3A_816, %swap3A_817, %swap3A_818, %swap3A_819] {strides = array<i32>} : memref<2x10x8x512xf32, #tpu.memory_space<vmem>>, vector<16xf32>,
      tpu.vector_store %arg8[%swap3A_816, %swap3A_817, %swap3A_818, %swap3A_819], %gather3A_738 {strides = array<i32>} : memref<2x10x8x512xf32, #tpu.memory_space<vmem>>, vector<16xf32>,
      %gather3A_821 = arith.constant 640 : i32
      %gather3A_822 = tpu.memref_slice %arg6[%gather3A_821] : memref<1600xf32, #tpu.memory_space<vmem>> -> memref<160xf32, #tpu.memory_space<vmem>>
      %gather3A_823 = tpu.vector_load_idx %gather3A_822[%or3A_768] : memref<160xf32, #tpu.memory_space<vmem>>[vector<16xi32>], vector<16xf32>,
      %mul3A_824 = arith.constant 16 : i32
      %mul3A_825 = arith.muli %scan3A_717, %mul3A_824 : i32
      %swap3A_826 = arith.constant 0 : i32
      %swap3A_827 = arith.constant 4 : i32
      %swap3A_828 = arith.constant 0 : i32
      %swap3A_829 = arith.index_cast %swap3A_826 : i32 to index
      %swap3A_830 = arith.index_cast %swap3A_827 : i32 to index
      %swap3A_831 = arith.index_cast %swap3A_828 : i32 to index
      %swap3A_832 = arith.index_cast %mul3A_825 : i32 to index
      %swap3A_833 = tpu.vector_load %arg8[%swap3A_829, %swap3A_830, %swap3A_831, %swap3A_832] {strides = array<i32>} : memref<2x10x8x512xf32, #tpu.memory_space<vmem>>, vector<16xf32>,
      tpu.vector_store %arg8[%swap3A_829, %swap3A_830, %swap3A_831, %swap3A_832], %gather3A_741 {strides = array<i32>} : memref<2x10x8x512xf32, #tpu.memory_space<vmem>>, vector<16xf32>,
      %gather3A_834 = arith.constant 800 : i32
      %gather3A_835 = tpu.memref_slice %arg6[%gather3A_834] : memref<1600xf32, #tpu.memory_space<vmem>> -> memref<160xf32, #tpu.memory_space<vmem>>
      %gather3A_836 = tpu.vector_load_idx %gather3A_835[%or3A_768] : memref<160xf32, #tpu.memory_space<vmem>>[vector<16xi32>], vector<16xf32>,
      %mul3A_837 = arith.constant 16 : i32
      %mul3A_838 = arith.muli %scan3A_717, %mul3A_837 : i32
      %swap3A_839 = arith.constant 0 : i32
      %swap3A_840 = arith.constant 5 : i32
      %swap3A_841 = arith.constant 0 : i32
      %swap3A_842 = arith.index_cast %swap3A_839 : i32 to index
      %swap3A_843 = arith.index_cast %swap3A_840 : i32 to index
      %swap3A_844 = arith.index_cast %swap3A_841 : i32 to index
      %swap3A_845 = arith.index_cast %mul3A_838 : i32 to index
      %swap3A_846 = tpu.vector_load %arg8[%swap3A_842, %swap3A_843, %swap3A_844, %swap3A_845] {strides = array<i32>} : memref<2x10x8x512xf32, #tpu.memory_space<vmem>>, vector<16xf32>,
      tpu.vector_store %arg8[%swap3A_842, %swap3A_843, %swap3A_844, %swap3A_845], %gather3A_744 {strides = array<i32>} : memref<2x10x8x512xf32, #tpu.memory_space<vmem>>, vector<16xf32>,
      %gather3A_847 = arith.constant 960 : i32
      %gather3A_848 = tpu.memref_slice %arg6[%gather3A_847] : memref<1600xf32, #tpu.memory_space<vmem>> -> memref<160xf32, #tpu.memory_space<vmem>>
      %gather3A_849 = tpu.vector_load_idx %gather3A_848[%or3A_768] : memref<160xf32, #tpu.memory_space<vmem>>[vector<16xi32>], vector<16xf32>,
      %mul3A_850 = arith.constant 16 : i32
      %mul3A_851 = arith.muli %scan3A_717, %mul3A_850 : i32
      %swap3A_852 = arith.constant 0 : i32
      %swap3A_853 = arith.constant 6 : i32
      %swap3A_854 = arith.constant 0 : i32
      %swap3A_855 = arith.index_cast %swap3A_852 : i32 to index
      %swap3A_856 = arith.index_cast %swap3A_853 : i32 to index
      %swap3A_857 = arith.index_cast %swap3A_854 : i32 to index
      %swap3A_858 = arith.index_cast %mul3A_851 : i32 to index
      %swap3A_859 = tpu.vector_load %arg8[%swap3A_855, %swap3A_856, %swap3A_857, %swap3A_858] {strides = array<i32>} : memref<2x10x8x512xf32, #tpu.memory_space<vmem>>, vector<16xf32>,
      tpu.vector_store %arg8[%swap3A_855, %swap3A_856, %swap3A_857, %swap3A_858], %gather3A_747 {strides = array<i32>} : memref<2x10x8x512xf32, #tpu.memory_space<vmem>>, vector<16xf32>,
      %gather3A_860 = arith.constant 1120 : i32
      %gather3A_861 = tpu.memref_slice %arg6[%gather3A_860] : memref<1600xf32, #tpu.memory_space<vmem>> -> memref<160xf32, #tpu.memory_space<vmem>>
      %gather3A_862 = tpu.vector_load_idx %gather3A_861[%or3A_768] : memref<160xf32, #tpu.memory_space<vmem>>[vector<16xi32>], vector<16xf32>,
      %mul3A_863 = arith.constant 16 : i32
      %mul3A_864 = arith.muli %scan3A_717, %mul3A_863 : i32
      %swap3A_865 = arith.constant 0 : i32
      %swap3A_866 = arith.constant 7 : i32
      %swap3A_867 = arith.constant 0 : i32
      %swap3A_868 = arith.index_cast %swap3A_865 : i32 to index
      %swap3A_869 = arith.index_cast %swap3A_866 : i32 to index
      %swap3A_870 = arith.index_cast %swap3A_867 : i32 to index
      %swap3A_871 = arith.index_cast %mul3A_864 : i32 to index
      %swap3A_872 = tpu.vector_load %arg8[%swap3A_868, %swap3A_869, %swap3A_870, %swap3A_871] {strides = array<i32>} : memref<2x10x8x512xf32, #tpu.memory_space<vmem>>, vector<16xf32>,
      tpu.vector_store %arg8[%swap3A_868, %swap3A_869, %swap3A_870, %swap3A_871], %gather3A_750 {strides = array<i32>} : memref<2x10x8x512xf32, #tpu.memory_space<vmem>>, vector<16xf32>,
      %gather3A_873 = arith.constant 1280 : i32
      %gather3A_874 = tpu.memref_slice %arg6[%gather3A_873] : memref<1600xf32, #tpu.memory_space<vmem>> -> memref<160xf32, #tpu.memory_space<vmem>>
      %gather3A_875 = tpu.vector_load_idx %gather3A_874[%or3A_768] : memref<160xf32, #tpu.memory_space<vmem>>[vector<16xi32>], vector<16xf32>,
      %mul3A_876 = arith.constant 16 : i32
      %mul3A_877 = arith.muli %scan3A_717, %mul3A_876 : i32
      %swap3A_878 = arith.constant 0 : i32
      %swap3A_879 = arith.constant 8 : i32
      %swap3A_880 = arith.constant 0 : i32
      %swap3A_881 = arith.index_cast %swap3A_878 : i32 to index
      %swap3A_882 = arith.index_cast %swap3A_879 : i32 to index
      %swap3A_883 = arith.index_cast %swap3A_880 : i32 to index
      %swap3A_884 = arith.index_cast %mul3A_877 : i32 to index
      %swap3A_885 = tpu.vector_load %arg8[%swap3A_881, %swap3A_882, %swap3A_883, %swap3A_884] {strides = array<i32>} : memref<2x10x8x512xf32, #tpu.memory_space<vmem>>, vector<16xf32>,
      tpu.vector_store %arg8[%swap3A_881, %swap3A_882, %swap3A_883, %swap3A_884], %gather3A_753 {strides = array<i32>} : memref<2x10x8x512xf32, #tpu.memory_space<vmem>>, vector<16xf32>,
      %gather3A_886 = arith.constant 1440 : i32
      %gather3A_887 = tpu.memref_slice %arg6[%gather3A_886] : memref<1600xf32, #tpu.memory_space<vmem>> -> memref<160xf32, #tpu.memory_space<vmem>>
      %gather3A_888 = tpu.vector_load_idx %gather3A_887[%or3A_768] : memref<160xf32, #tpu.memory_space<vmem>>[vector<16xi32>], vector<16xf32>,
      %mul3A_889 = arith.constant 16 : i32
      %mul3A_890 = arith.muli %scan3A_717, %mul3A_889 : i32
      %swap3A_891 = arith.constant 0 : i32
      %swap3A_892 = arith.constant 9 : i32
      %swap3A_893 = arith.constant 0 : i32
      %swap3A_894 = arith.index_cast %swap3A_891 : i32 to index
      %swap3A_895 = arith.index_cast %swap3A_892 : i32 to index
      %swap3A_896 = arith.index_cast %swap3A_893 : i32 to index
      %swap3A_897 = arith.index_cast %mul3A_890 : i32 to index
      %swap3A_898 = tpu.vector_load %arg8[%swap3A_894, %swap3A_895, %swap3A_896, %swap3A_897] {strides = array<i32>} : memref<2x10x8x512xf32, #tpu.memory_space<vmem>>, vector<16xf32>,
      tpu.vector_store %arg8[%swap3A_894, %swap3A_895, %swap3A_896, %swap3A_897], %gather3A_756 {strides = array<i32>} : memref<2x10x8x512xf32, #tpu.memory_space<vmem>>, vector<16xf32>,
      %mul3A_899 = arith.constant 16 : i32
      %mul3A_900 = arith.muli %scan3A_717, %mul3A_899 : i32
      %get3A_901 = arith.constant 0 : i32
      %get3A_902 = arith.constant 2 : i32
      %get3A_903 = arith.index_cast %get3A_901 : i32 to index
      %get3A_904 = arith.index_cast %get3A_902 : i32 to index
      %get3A_905 = arith.index_cast %mul3A_900 : i32 to index
      %get3A_906 = tpu.vector_load %arg7[%get3A_903, %get3A_904, %get3A_905] {strides = array<i32>} : memref<2x8x512xi32, #tpu.memory_space<vmem>>, vector<16xi32>,
      %shift_left3A_907 = arith.constant 4 : i32
      %shift_left3A_908 = vector.broadcast %shift_left3A_907 : i32 to vector<16xi32>
      %shift_left3A_909 = arith.shli %get3A_906, %shift_left3A_908 : vector<16xi32>
      %or3A_910 = arith.ori %shift_left3A_909, %iota3A : vector<16xi32>
      %gather3A_911 = arith.constant 0 : i32
      %gather3A_912 = tpu.memref_slice %arg6[%gather3A_911] : memref<1600xf32, #tpu.memory_space<vmem>> -> memref<160xf32, #tpu.memory_space<vmem>>
      %gather3A_913 = tpu.vector_load_idx %gather3A_912[%or3A_910] : memref<160xf32, #tpu.memory_space<vmem>>[vector<16xi32>], vector<16xf32>,
      %mul3A_914 = arith.constant 16 : i32
      %mul3A_915 = arith.muli %scan3A_717, %mul3A_914 : i32
      %swap3A_916 = arith.constant 0 : i32
      %swap3A_917 = arith.constant 0 : i32
      %swap3A_918 = arith.constant 1 : i32
      %swap3A_919 = arith.index_cast %swap3A_916 : i32 to index
      %swap3A_920 = arith.index_cast %swap3A_917 : i32 to index
      %swap3A_921 = arith.index_cast %swap3A_918 : i32 to index
      %swap3A_922 = arith.index_cast %mul3A_915 : i32 to index
      %swap3A_923 = tpu.vector_load %arg8[%swap3A_919, %swap3A_920, %swap3A_921, %swap3A_922] {strides = array<i32>} : memref<2x10x8x512xf32, #tpu.memory_space<vmem>>, vector<16xf32>,
      tpu.vector_store %arg8[%swap3A_919, %swap3A_920, %swap3A_921, %swap3A_922], %gather3A_771 {strides = array<i32>} : memref<2x10x8x512xf32, #tpu.memory_space<vmem>>, vector<16xf32>,
      %gather3A_924 = arith.constant 160 : i32
      %gather3A_925 = tpu.memref_slice %arg6[%gather3A_924] : memref<1600xf32, #tpu.memory_space<vmem>> -> memref<160xf32, #tpu.memory_space<vmem>>
      %gather3A_926 = tpu.vector_load_idx %gather3A_925[%or3A_910] : memref<160xf32, #tpu.memory_space<vmem>>[vector<16xi32>], vector<16xf32>,
      %mul3A_927 = arith.constant 16 : i32
      %mul3A_928 = arith.muli %scan3A_717, %mul3A_927 : i32
      %swap3A_929 = arith.constant 0 : i32
      %swap3A_930 = arith.constant 1 : i32
      %swap3A_931 = arith.constant 1 : i32
      %swap3A_932 = arith.index_cast %swap3A_929 : i32 to index
      %swap3A_933 = arith.index_cast %swap3A_930 : i32 to index
      %swap3A_934 = arith.index_cast %swap3A_931 : i32 to index
      %swap3A_935 = arith.index_cast %mul3A_928 : i32 to index
      %swap3A_936 = tpu.vector_load %arg8[%swap3A_932, %swap3A_933, %swap3A_934, %swap3A_935] {strides = array<i32>} : memref<2x10x8x512xf32, #tpu.memory_space<vmem>>, vector<16xf32>,
      tpu.vector_store %arg8[%swap3A_932, %swap3A_933, %swap3A_934, %swap3A_935], %gather3A_784 {strides = array<i32>} : memref<2x10x8x512xf32, #tpu.memory_space<vmem>>, vector<16xf32>,
      %gather3A_937 = arith.constant 320 : i32
      %gather3A_938 = tpu.memref_slice %arg6[%gather3A_937] : memref<1600xf32, #tpu.memory_space<vmem>> -> memref<160xf32, #tpu.memory_space<vmem>>
      %gather3A_939 = tpu.vector_load_idx %gather3A_938[%or3A_910] : memref<160xf32, #tpu.memory_space<vmem>>[vector<16xi32>], vector<16xf32>,
      %mul3A_940 = arith.constant 16 : i32
      %mul3A_941 = arith.muli %scan3A_717, %mul3A_940 : i32
      %swap3A_942 = arith.constant 0 : i32
      %swap3A_943 = arith.constant 2 : i32
      %swap3A_944 = arith.constant 1 : i32
      %swap3A_945 = arith.index_cast %swap3A_942 : i32 to index
      %swap3A_946 = arith.index_cast %swap3A_943 : i32 to index
      %swap3A_947 = arith.index_cast %swap3A_944 : i32 to index
      %swap3A_948 = arith.index_cast %mul3A_941 : i32 to index
      %swap3A_949 = tpu.vector_load %arg8[%swap3A_945, %swap3A_946, %swap3A_947, %swap3A_948] {strides = array<i32>} : memref<2x10x8x512xf32, #tpu.memory_space<vmem>>, vector<16xf32>,
      tpu.vector_store %arg8[%swap3A_945, %swap3A_946, %swap3A_947, %swap3A_948], %gather3A_797 {strides = array<i32>} : memref<2x10x8x512xf32, #tpu.memory_space<vmem>>, vector<16xf32>,
      %gather3A_950 = arith.constant 480 : i32
      %gather3A_951 = tpu.memref_slice %arg6[%gather3A_950] : memref<1600xf32, #tpu.memory_space<vmem>> -> memref<160xf32, #tpu.memory_space<vmem>>
      %gather3A_952 = tpu.vector_load_idx %gather3A_951[%or3A_910] : memref<160xf32, #tpu.memory_space<vmem>>[vector<16xi32>], vector<16xf32>,
      %mul3A_953 = arith.constant 16 : i32
      %mul3A_954 = arith.muli %scan3A_717, %mul3A_953 : i32
      %swap3A_955 = arith.constant 0 : i32
      %swap3A_956 = arith.constant 3 : i32
      %swap3A_957 = arith.constant 1 : i32
      %swap3A_958 = arith.index_cast %swap3A_955 : i32 to index
      %swap3A_959 = arith.index_cast %swap3A_956 : i32 to index
      %swap3A_960 = arith.index_cast %swap3A_957 : i32 to index
      %swap3A_961 = arith.index_cast %mul3A_954 : i32 to index
      %swap3A_962 = tpu.vector_load %arg8[%swap3A_958, %swap3A_959, %swap3A_960, %swap3A_961] {strides = array<i32>} : memref<2x10x8x512xf32, #tpu.memory_space<vmem>>, vector<16xf32>,
      tpu.vector_store %arg8[%swap3A_958, %swap3A_959, %swap3A_960, %swap3A_961], %gather3A_810 {strides = array<i32>} : memref<2x10x8x512xf32, #tpu.memory_space<vmem>>, vector<16xf32>,
      %gather3A_963 = arith.constant 640 : i32
      %gather3A_964 = tpu.memref_slice %arg6[%gather3A_963] : memref<1600xf32, #tpu.memory_space<vmem>> -> memref<160xf32, #tpu.memory_space<vmem>>
      %gather3A_965 = tpu.vector_load_idx %gather3A_964[%or3A_910] : memref<160xf32, #tpu.memory_space<vmem>>[vector<16xi32>], vector<16xf32>,
      %mul3A_966 = arith.constant 16 : i32
      %mul3A_967 = arith.muli %scan3A_717, %mul3A_966 : i32
      %swap3A_968 = arith.constant 0 : i32
      %swap3A_969 = arith.constant 4 : i32
      %swap3A_970 = arith.constant 1 : i32
      %swap3A_971 = arith.index_cast %swap3A_968 : i32 to index
      %swap3A_972 = arith.index_cast %swap3A_969 : i32 to index
      %swap3A_973 = arith.index_cast %swap3A_970 : i32 to index
      %swap3A_974 = arith.index_cast %mul3A_967 : i32 to index
      %swap3A_975 = tpu.vector_load %arg8[%swap3A_971, %swap3A_972, %swap3A_973, %swap3A_974] {strides = array<i32>} : memref<2x10x8x512xf32, #tpu.memory_space<vmem>>, vector<16xf32>,
      tpu.vector_store %arg8[%swap3A_971, %swap3A_972, %swap3A_973, %swap3A_974], %gather3A_823 {strides = array<i32>} : memref<2x10x8x512xf32, #tpu.memory_space<vmem>>, vector<16xf32>,
      %gather3A_976 = arith.constant 800 : i32
      %gather3A_977 = tpu.memref_slice %arg6[%gather3A_976] : memref<1600xf32, #tpu.memory_space<vmem>> -> memref<160xf32, #tpu.memory_space<vmem>>
      %gather3A_978 = tpu.vector_load_idx %gather3A_977[%or3A_910] : memref<160xf32, #tpu.memory_space<vmem>>[vector<16xi32>], vector<16xf32>,
      %mul3A_979 = arith.constant 16 : i32
      %mul3A_980 = arith.muli %scan3A_717, %mul3A_979 : i32
      %swap3A_981 = arith.constant 0 : i32
      %swap3A_982 = arith.constant 5 : i32
      %swap3A_983 = arith.constant 1 : i32
      %swap3A_984 = arith.index_cast %swap3A_981 : i32 to index
      %swap3A_985 = arith.index_cast %swap3A_982 : i32 to index
      %swap3A_986 = arith.index_cast %swap3A_983 : i32 to index
      %swap3A_987 = arith.index_cast %mul3A_980 : i32 to index
      %swap3A_988 = tpu.vector_load %arg8[%swap3A_984, %swap3A_985, %swap3A_986, %swap3A_987] {strides = array<i32>} : memref<2x10x8x512xf32, #tpu.memory_space<vmem>>, vector<16xf32>,
      tpu.vector_store %arg8[%swap3A_984, %swap3A_985, %swap3A_986, %swap3A_987], %gather3A_836 {strides = array<i32>} : memref<2x10x8x512xf32, #tpu.memory_space<vmem>>, vector<16xf32>,
      %gather3A_989 = arith.constant 960 : i32
      %gather3A_990 = tpu.memref_slice %arg6[%gather3A_989] : memref<1600xf32, #tpu.memory_space<vmem>> -> memref<160xf32, #tpu.memory_space<vmem>>
      %gather3A_991 = tpu.vector_load_idx %gather3A_990[%or3A_910] : memref<160xf32, #tpu.memory_space<vmem>>[vector<16xi32>], vector<16xf32>,
      %mul3A_992 = arith.constant 16 : i32
      %mul3A_993 = arith.muli %scan3A_717, %mul3A_992 : i32
      %swap3A_994 = arith.constant 0 : i32
      %swap3A_995 = arith.constant 6 : i32
      %swap3A_996 = arith.constant 1 : i32
      %swap3A_997 = arith.index_cast %swap3A_994 : i32 to index
      %swap3A_998 = arith.index_cast %swap3A_995 : i32 to index
      %swap3A_999 = arith.index_cast %swap3A_996 : i32 to index
      %swap3A_1000 = arith.index_cast %mul3A_993 : i32 to index
      %swap3A_1001 = tpu.vector_load %arg8[%swap3A_997, %swap3A_998, %swap3A_999, %swap3A_1000] {strides = array<i32>} : memref<2x10x8x512xf32, #tpu.memory_space<vmem>>, vector<16xf32>,
      tpu.vector_store %arg8[%swap3A_997, %swap3A_998, %swap3A_999, %swap3A_1000], %gather3A_849 {strides = array<i32>} : memref<2x10x8x512xf32, #tpu.memory_space<vmem>>, vector<16xf32>,
      %gather3A_1002 = arith.constant 1120 : i32
      %gather3A_1003 = tpu.memref_slice %arg6[%gather3A_1002] : memref<1600xf32, #tpu.memory_space<vmem>> -> memref<160xf32, #tpu.memory_space<vmem>>
      %gather3A_1004 = tpu.vector_load_idx %gather3A_1003[%or3A_910] : memref<160xf32, #tpu.memory_space<vmem>>[vector<16xi32>], vector<16xf32>,
      %mul3A_1005 = arith.constant 16 : i32
      %mul3A_1006 = arith.muli %scan3A_717, %mul3A_1005 : i32
      %swap3A_1007 = arith.constant 0 : i32
      %swap3A_1008 = arith.constant 7 : i32
      %swap3A_1009 = arith.constant 1 : i32
      %swap3A_1010 = arith.index_cast %swap3A_1007 : i32 to index
      %swap3A_1011 = arith.index_cast %swap3A_1008 : i32 to index
      %swap3A_1012 = arith.index_cast %swap3A_1009 : i32 to index
      %swap3A_1013 = arith.index_cast %mul3A_1006 : i32 to index
      %swap3A_1014 = tpu.vector_load %arg8[%swap3A_1010, %swap3A_1011, %swap3A_1012, %swap3A_1013] {strides = array<i32>} : memref<2x10x8x512xf32, #tpu.memory_space<vmem>>, vector<16xf32>,
      tpu.vector_store %arg8[%swap3A_1010, %swap3A_1011, %swap3A_1012, %swap3A_1013], %gather3A_862 {strides = array<i32>} : memref<2x10x8x512xf32, #tpu.memory_space<vmem>>, vector<16xf32>,
      %gather3A_1015 = arith.constant 1280 : i32
      %gather3A_1016 = tpu.memref_slice %arg6[%gather3A_1015] : memref<1600xf32, #tpu.memory_space<vmem>> -> memref<160xf32, #tpu.memory_space<vmem>>
      %gather3A_1017 = tpu.vector_load_idx %gather3A_1016[%or3A_910] : memref<160xf32, #tpu.memory_space<vmem>>[vector<16xi32>], vector<16xf32>,
      %mul3A_1018 = arith.constant 16 : i32
      %mul3A_1019 = arith.muli %scan3A_717, %mul3A_1018 : i32
      %swap3A_1020 = arith.constant 0 : i32
      %swap3A_1021 = arith.constant 8 : i32
      %swap3A_1022 = arith.constant 1 : i32
      %swap3A_1023 = arith.index_cast %swap3A_1020 : i32 to index
      %swap3A_1024 = arith.index_cast %swap3A_1021 : i32 to index
      %swap3A_1025 = arith.index_cast %swap3A_1022 : i32 to index
      %swap3A_1026 = arith.index_cast %mul3A_1019 : i32 to index
      %swap3A_1027 = tpu.vector_load %arg8[%swap3A_1023, %swap3A_1024, %swap3A_1025, %swap3A_1026] {strides = array<i32>} : memref<2x10x8x512xf32, #tpu.memory_space<vmem>>, vector<16xf32>,
      tpu.vector_store %arg8[%swap3A_1023, %swap3A_1024, %swap3A_1025, %swap3A_1026], %gather3A_875 {strides = array<i32>} : memref<2x10x8x512xf32, #tpu.memory_space<vmem>>, vector<16xf32>,
      %gather3A_1028 = arith.constant 1440 : i32
      %gather3A_1029 = tpu.memref_slice %arg6[%gather3A_1028] : memref<1600xf32, #tpu.memory_space<vmem>> -> memref<160xf32, #tpu.memory_space<vmem>>
      %gather3A_1030 = tpu.vector_load_idx %gather3A_1029[%or3A_910] : memref<160xf32, #tpu.memory_space<vmem>>[vector<16xi32>], vector<16xf32>,
      %mul3A_1031 = arith.constant 16 : i32
      %mul3A_1032 = arith.muli %scan3A_717, %mul3A_1031 : i32
      %swap3A_1033 = arith.constant 0 : i32
      %swap3A_1034 = arith.constant 9 : i32
      %swap3A_1035 = arith.constant 1 : i32
      %swap3A_1036 = arith.index_cast %swap3A_1033 : i32 to index
      %swap3A_1037 = arith.index_cast %swap3A_1034 : i32 to index
      %swap3A_1038 = arith.index_cast %swap3A_1035 : i32 to index
      %swap3A_1039 = arith.index_cast %mul3A_1032 : i32 to index
      %swap3A_1040 = tpu.vector_load %arg8[%swap3A_1036, %swap3A_1037, %swap3A_1038, %swap3A_1039] {strides = array<i32>} : memref<2x10x8x512xf32, #tpu.memory_space<vmem>>, vector<16xf32>,
      tpu.vector_store %arg8[%swap3A_1036, %swap3A_1037, %swap3A_1038, %swap3A_1039], %gather3A_888 {strides = array<i32>} : memref<2x10x8x512xf32, #tpu.memory_space<vmem>>, vector<16xf32>,
      %mul3A_1041 = arith.constant 16 : i32
      %mul3A_1042 = arith.muli %scan3A_717, %mul3A_1041 : i32
      %get3A_1043 = arith.constant 0 : i32
      %get3A_1044 = arith.constant 3 : i32
      %get3A_1045 = arith.index_cast %get3A_1043 : i32 to index
      %get3A_1046 = arith.index_cast %get3A_1044 : i32 to index
      %get3A_1047 = arith.index_cast %mul3A_1042 : i32 to index
      %get3A_1048 = tpu.vector_load %arg7[%get3A_1045, %get3A_1046, %get3A_1047] {strides = array<i32>} : memref<2x8x512xi32, #tpu.memory_space<vmem>>, vector<16xi32>,
      %shift_left3A_1049 = arith.constant 4 : i32
      %shift_left3A_1050 = vector.broadcast %shift_left3A_1049 : i32 to vector<16xi32>
      %shift_left3A_1051 = arith.shli %get3A_1048, %shift_left3A_1050 : vector<16xi32>
      %or3A_1052 = arith.ori %shift_left3A_1051, %iota3A : vector<16xi32>
      %gather3A_1053 = arith.constant 0 : i32
      %gather3A_1054 = tpu.memref_slice %arg6[%gather3A_1053] : memref<1600xf32, #tpu.memory_space<vmem>> -> memref<160xf32, #tpu.memory_space<vmem>>
      %gather3A_1055 = tpu.vector_load_idx %gather3A_1054[%or3A_1052] : memref<160xf32, #tpu.memory_space<vmem>>[vector<16xi32>], vector<16xf32>,
      %mul3A_1056 = arith.constant 16 : i32
      %mul3A_1057 = arith.muli %scan3A_717, %mul3A_1056 : i32
      %swap3A_1058 = arith.constant 0 : i32
      %swap3A_1059 = arith.constant 0 : i32
      %swap3A_1060 = arith.constant 2 : i32
      %swap3A_1061 = arith.index_cast %swap3A_1058 : i32 to index
      %swap3A_1062 = arith.index_cast %swap3A_1059 : i32 to index
      %swap3A_1063 = arith.index_cast %swap3A_1060 : i32 to index
      %swap3A_1064 = arith.index_cast %mul3A_1057 : i32 to index
      %swap3A_1065 = tpu.vector_load %arg8[%swap3A_1061, %swap3A_1062, %swap3A_1063, %swap3A_1064] {strides = array<i32>} : memref<2x10x8x512xf32, #tpu.memory_space<vmem>>, vector<16xf32>,
      tpu.vector_store %arg8[%swap3A_1061, %swap3A_1062, %swap3A_1063, %swap3A_1064], %gather3A_913 {strides = array<i32>} : memref<2x10x8x512xf32, #tpu.memory_space<vmem>>, vector<16xf32>,
      %gather3A_1066 = arith.constant 160 : i32
      %gather3A_1067 = tpu.memref_slice %arg6[%gather3A_1066] : memref<1600xf32, #tpu.memory_space<vmem>> -> memref<160xf32, #tpu.memory_space<vmem>>
      %gather3A_1068 = tpu.vector_load_idx %gather3A_1067[%or3A_1052] : memref<160xf32, #tpu.memory_space<vmem>>[vector<16xi32>], vector<16xf32>,
      %mul3A_1069 = arith.constant 16 : i32
      %mul3A_1070 = arith.muli %scan3A_717, %mul3A_1069 : i32
      %swap3A_1071 = arith.constant 0 : i32
      %swap3A_1072 = arith.constant 1 : i32
      %swap3A_1073 = arith.constant 2 : i32
      %swap3A_1074 = arith.index_cast %swap3A_1071 : i32 to index
      %swap3A_1075 = arith.index_cast %swap3A_1072 : i32 to index
      %swap3A_1076 = arith.index_cast %swap3A_1073 : i32 to index
      %swap3A_1077 = arith.index_cast %mul3A_1070 : i32 to index
      %swap3A_1078 = tpu.vector_load %arg8[%swap3A_1074, %swap3A_1075, %swap3A_1076, %swap3A_1077] {strides = array<i32>} : memref<2x10x8x512xf32, #tpu.memory_space<vmem>>, vector<16xf32>,
      tpu.vector_store %arg8[%swap3A_1074, %swap3A_1075, %swap3A_1076, %swap3A_1077], %gather3A_926 {strides = array<i32>} : memref<2x10x8x512xf32, #tpu.memory_space<vmem>>, vector<16xf32>,
      %gather3A_1079 = arith.constant 320 : i32
      %gather3A_1080 = tpu.memref_slice %arg6[%gather3A_1079] : memref<1600xf32, #tpu.memory_space<vmem>> -> memref<160xf32, #tpu.memory_space<vmem>>
      %gather3A_1081 = tpu.vector_load_idx %gather3A_1080[%or3A_1052] : memref<160xf32, #tpu.memory_space<vmem>>[vector<16xi32>], vector<16xf32>,
      %mul3A_1082 = arith.constant 16 : i32
      %mul3A_1083 = arith.muli %scan3A_717, %mul3A_1082 : i32
      %swap3A_1084 = arith.constant 0 : i32
      %swap3A_1085 = arith.constant 2 : i32
      %swap3A_1086 = arith.constant 2 : i32
      %swap3A_1087 = arith.index_cast %swap3A_1084 : i32 to index
      %swap3A_1088 = arith.index_cast %swap3A_1085 : i32 to index
      %swap3A_1089 = arith.index_cast %swap3A_1086 : i32 to index
      %swap3A_1090 = arith.index_cast %mul3A_1083 : i32 to index
      %swap3A_1091 = tpu.vector_load %arg8[%swap3A_1087, %swap3A_1088, %swap3A_1089, %swap3A_1090] {strides = array<i32>} : memref<2x10x8x512xf32, #tpu.memory_space<vmem>>, vector<16xf32>,
      tpu.vector_store %arg8[%swap3A_1087, %swap3A_1088, %swap3A_1089, %swap3A_1090], %gather3A_939 {strides = array<i32>} : memref<2x10x8x512xf32, #tpu.memory_space<vmem>>, vector<16xf32>,
      %gather3A_1092 = arith.constant 480 : i32
      %gather3A_1093 = tpu.memref_slice %arg6[%gather3A_1092] : memref<1600xf32, #tpu.memory_space<vmem>> -> memref<160xf32, #tpu.memory_space<vmem>>
      %gather3A_1094 = tpu.vector_load_idx %gather3A_1093[%or3A_1052] : memref<160xf32, #tpu.memory_space<vmem>>[vector<16xi32>], vector<16xf32>,
      %mul3A_1095 = arith.constant 16 : i32
      %mul3A_1096 = arith.muli %scan3A_717, %mul3A_1095 : i32
      %swap3A_1097 = arith.constant 0 : i32
      %swap3A_1098 = arith.constant 3 : i32
      %swap3A_1099 = arith.constant 2 : i32
      %swap3A_1100 = arith.index_cast %swap3A_1097 : i32 to index
      %swap3A_1101 = arith.index_cast %swap3A_1098 : i32 to index
      %swap3A_1102 = arith.index_cast %swap3A_1099 : i32 to index
      %swap3A_1103 = arith.index_cast %mul3A_1096 : i32 to index
      %swap3A_1104 = tpu.vector_load %arg8[%swap3A_1100, %swap3A_1101, %swap3A_1102, %swap3A_1103] {strides = array<i32>} : memref<2x10x8x512xf32, #tpu.memory_space<vmem>>, vector<16xf32>,
      tpu.vector_store %arg8[%swap3A_1100, %swap3A_1101, %swap3A_1102, %swap3A_1103], %gather3A_952 {strides = array<i32>} : memref<2x10x8x512xf32, #tpu.memory_space<vmem>>, vector<16xf32>,
      %gather3A_1105 = arith.constant 640 : i32
      %gather3A_1106 = tpu.memref_slice %arg6[%gather3A_1105] : memref<1600xf32, #tpu.memory_space<vmem>> -> memref<160xf32, #tpu.memory_space<vmem>>
      %gather3A_1107 = tpu.vector_load_idx %gather3A_1106[%or3A_1052] : memref<160xf32, #tpu.memory_space<vmem>>[vector<16xi32>], vector<16xf32>,
      %mul3A_1108 = arith.constant 16 : i32
      %mul3A_1109 = arith.muli %scan3A_717, %mul3A_1108 : i32
      %swap3A_1110 = arith.constant 0 : i32
      %swap3A_1111 = arith.constant 4 : i32
      %swap3A_1112 = arith.constant 2 : i32
      %swap3A_1113 = arith.index_cast %swap3A_1110 : i32 to index
      %swap3A_1114 = arith.index_cast %swap3A_1111 : i32 to index
      %swap3A_1115 = arith.index_cast %swap3A_1112 : i32 to index
      %swap3A_1116 = arith.index_cast %mul3A_1109 : i32 to index
      %swap3A_1117 = tpu.vector_load %arg8[%swap3A_1113, %swap3A_1114, %swap3A_1115, %swap3A_1116] {strides = array<i32>} : memref<2x10x8x512xf32, #tpu.memory_space<vmem>>, vector<16xf32>,
      tpu.vector_store %arg8[%swap3A_1113, %swap3A_1114, %swap3A_1115, %swap3A_1116], %gather3A_965 {strides = array<i32>} : memref<2x10x8x512xf32, #tpu.memory_space<vmem>>, vector<16xf32>,
      %gather3A_1118 = arith.constant 800 : i32
      %gather3A_1119 = tpu.memref_slice %arg6[%gather3A_1118] : memref<1600xf32, #tpu.memory_space<vmem>> -> memref<160xf32, #tpu.memory_space<vmem>>
      %gather3A_1120 = tpu.vector_load_idx %gather3A_1119[%or3A_1052] : memref<160xf32, #tpu.memory_space<vmem>>[vector<16xi32>], vector<16xf32>,
      %mul3A_1121 = arith.constant 16 : i32
      %mul3A_1122 = arith.muli %scan3A_717, %mul3A_1121 : i32
      %swap3A_1123 = arith.constant 0 : i32
      %swap3A_1124 = arith.constant 5 : i32
      %swap3A_1125 = arith.constant 2 : i32
      %swap3A_1126 = arith.index_cast %swap3A_1123 : i32 to index
      %swap3A_1127 = arith.index_cast %swap3A_1124 : i32 to index
      %swap3A_1128 = arith.index_cast %swap3A_1125 : i32 to index
      %swap3A_1129 = arith.index_cast %mul3A_1122 : i32 to index
      %swap3A_1130 = tpu.vector_load %arg8[%swap3A_1126, %swap3A_1127, %swap3A_1128, %swap3A_1129] {strides = array<i32>} : memref<2x10x8x512xf32, #tpu.memory_space<vmem>>, vector<16xf32>,
      tpu.vector_store %arg8[%swap3A_1126, %swap3A_1127, %swap3A_1128, %swap3A_1129], %gather3A_978 {strides = array<i32>} : memref<2x10x8x512xf32, #tpu.memory_space<vmem>>, vector<16xf32>,
      %gather3A_1131 = arith.constant 960 : i32
      %gather3A_1132 = tpu.memref_slice %arg6[%gather3A_1131] : memref<1600xf32, #tpu.memory_space<vmem>> -> memref<160xf32, #tpu.memory_space<vmem>>
      %gather3A_1133 = tpu.vector_load_idx %gather3A_1132[%or3A_1052] : memref<160xf32, #tpu.memory_space<vmem>>[vector<16xi32>], vector<16xf32>,
      %mul3A_1134 = arith.constant 16 : i32
      %mul3A_1135 = arith.muli %scan3A_717, %mul3A_1134 : i32
      %swap3A_1136 = arith.constant 0 : i32
      %swap3A_1137 = arith.constant 6 : i32
      %swap3A_1138 = arith.constant 2 : i32
      %swap3A_1139 = arith.index_cast %swap3A_1136 : i32 to index
      %swap3A_1140 = arith.index_cast %swap3A_1137 : i32 to index
      %swap3A_1141 = arith.index_cast %swap3A_1138 : i32 to index
      %swap3A_1142 = arith.index_cast %mul3A_1135 : i32 to index
      %swap3A_1143 = tpu.vector_load %arg8[%swap3A_1139, %swap3A_1140, %swap3A_1141, %swap3A_1142] {strides = array<i32>} : memref<2x10x8x512xf32, #tpu.memory_space<vmem>>, vector<16xf32>,
      tpu.vector_store %arg8[%swap3A_1139, %swap3A_1140, %swap3A_1141, %swap3A_1142], %gather3A_991 {strides = array<i32>} : memref<2x10x8x512xf32, #tpu.memory_space<vmem>>, vector<16xf32>,
      %gather3A_1144 = arith.constant 1120 : i32
      %gather3A_1145 = tpu.memref_slice %arg6[%gather3A_1144] : memref<1600xf32, #tpu.memory_space<vmem>> -> memref<160xf32, #tpu.memory_space<vmem>>
      %gather3A_1146 = tpu.vector_load_idx %gather3A_1145[%or3A_1052] : memref<160xf32, #tpu.memory_space<vmem>>[vector<16xi32>], vector<16xf32>,
      %mul3A_1147 = arith.constant 16 : i32
      %mul3A_1148 = arith.muli %scan3A_717, %mul3A_1147 : i32
      %swap3A_1149 = arith.constant 0 : i32
      %swap3A_1150 = arith.constant 7 : i32
      %swap3A_1151 = arith.constant 2 : i32
      %swap3A_1152 = arith.index_cast %swap3A_1149 : i32 to index
      %swap3A_1153 = arith.index_cast %swap3A_1150 : i32 to index
      %swap3A_1154 = arith.index_cast %swap3A_1151 : i32 to index
      %swap3A_1155 = arith.index_cast %mul3A_1148 : i32 to index
      %swap3A_1156 = tpu.vector_load %arg8[%swap3A_1152, %swap3A_1153, %swap3A_1154, %swap3A_1155] {strides = array<i32>} : memref<2x10x8x512xf32, #tpu.memory_space<vmem>>, vector<16xf32>,
      tpu.vector_store %arg8[%swap3A_1152, %swap3A_1153, %swap3A_1154, %swap3A_1155], %gather3A_1004 {strides = array<i32>} : memref<2x10x8x512xf32, #tpu.memory_space<vmem>>, vector<16xf32>,
      %gather3A_1157 = arith.constant 1280 : i32
      %gather3A_1158 = tpu.memref_slice %arg6[%gather3A_1157] : memref<1600xf32, #tpu.memory_space<vmem>> -> memref<160xf32, #tpu.memory_space<vmem>>
      %gather3A_1159 = tpu.vector_load_idx %gather3A_1158[%or3A_1052] : memref<160xf32, #tpu.memory_space<vmem>>[vector<16xi32>], vector<16xf32>,
      %mul3A_1160 = arith.constant 16 : i32
      %mul3A_1161 = arith.muli %scan3A_717, %mul3A_1160 : i32
      %swap3A_1162 = arith.constant 0 : i32
      %swap3A_1163 = arith.constant 8 : i32
      %swap3A_1164 = arith.constant 2 : i32
      %swap3A_1165 = arith.index_cast %swap3A_1162 : i32 to index
      %swap3A_1166 = arith.index_cast %swap3A_1163 : i32 to index
      %swap3A_1167 = arith.index_cast %swap3A_1164 : i32 to index
      %swap3A_1168 = arith.index_cast %mul3A_1161 : i32 to index
      %swap3A_1169 = tpu.vector_load %arg8[%swap3A_1165, %swap3A_1166, %swap3A_1167, %swap3A_1168] {strides = array<i32>} : memref<2x10x8x512xf32, #tpu.memory_space<vmem>>, vector<16xf32>,
      tpu.vector_store %arg8[%swap3A_1165, %swap3A_1166, %swap3A_1167, %swap3A_1168], %gather3A_1017 {strides = array<i32>} : memref<2x10x8x512xf32, #tpu.memory_space<vmem>>, vector<16xf32>,
      %gather3A_1170 = arith.constant 1440 : i32
      %gather3A_1171 = tpu.memref_slice %arg6[%gather3A_1170] : memref<1600xf32, #tpu.memory_space<vmem>> -> memref<160xf32, #tpu.memory_space<vmem>>
      %gather3A_1172 = tpu.vector_load_idx %gather3A_1171[%or3A_1052] : memref<160xf32, #tpu.memory_space<vmem>>[vector<16xi32>], vector<16xf32>,
      %mul3A_1173 = arith.constant 16 : i32
      %mul3A_1174 = arith.muli %scan3A_717, %mul3A_1173 : i32
      %swap3A_1175 = arith.constant 0 : i32
      %swap3A_1176 = arith.constant 9 : i32
      %swap3A_1177 = arith.constant 2 : i32
      %swap3A_1178 = arith.index_cast %swap3A_1175 : i32 to index
      %swap3A_1179 = arith.index_cast %swap3A_1176 : i32 to index
      %swap3A_1180 = arith.index_cast %swap3A_1177 : i32 to index
      %swap3A_1181 = arith.index_cast %mul3A_1174 : i32 to index
      %swap3A_1182 = tpu.vector_load %arg8[%swap3A_1178, %swap3A_1179, %swap3A_1180, %swap3A_1181] {strides = array<i32>} : memref<2x10x8x512xf32, #tpu.memory_space<vmem>>, vector<16xf32>,
      tpu.vector_store %arg8[%swap3A_1178, %swap3A_1179, %swap3A_1180, %swap3A_1181], %gather3A_1030 {strides = array<i32>} : memref<2x10x8x512xf32, #tpu.memory_space<vmem>>, vector<16xf32>,
      %mul3A_1183 = arith.constant 16 : i32
      %mul3A_1184 = arith.muli %scan3A_717, %mul3A_1183 : i32
      %get3A_1185 = arith.constant 0 : i32
      %get3A_1186 = arith.constant 4 : i32
      %get3A_1187 = arith.index_cast %get3A_1185 : i32 to index
      %get3A_1188 = arith.index_cast %get3A_1186 : i32 to index
      %get3A_1189 = arith.index_cast %mul3A_1184 : i32 to index
      %get3A_1190 = tpu.vector_load %arg7[%get3A_1187, %get3A_1188, %get3A_1189] {strides = array<i32>} : memref<2x8x512xi32, #tpu.memory_space<vmem>>, vector<16xi32>,
      %shift_left3A_1191 = arith.constant 4 : i32
      %shift_left3A_1192 = vector.broadcast %shift_left3A_1191 : i32 to vector<16xi32>
      %shift_left3A_1193 = arith.shli %get3A_1190, %shift_left3A_1192 : vector<16xi32>
      %or3A_1194 = arith.ori %shift_left3A_1193, %iota3A : vector<16xi32>
      %gather3A_1195 = arith.constant 0 : i32
      %gather3A_1196 = tpu.memref_slice %arg6[%gather3A_1195] : memref<1600xf32, #tpu.memory_space<vmem>> -> memref<160xf32, #tpu.memory_space<vmem>>
      %gather3A_1197 = tpu.vector_load_idx %gather3A_1196[%or3A_1194] : memref<160xf32, #tpu.memory_space<vmem>>[vector<16xi32>], vector<16xf32>,
      %mul3A_1198 = arith.constant 16 : i32
      %mul3A_1199 = arith.muli %scan3A_717, %mul3A_1198 : i32
      %swap3A_1200 = arith.constant 0 : i32
      %swap3A_1201 = arith.constant 0 : i32
      %swap3A_1202 = arith.constant 3 : i32
      %swap3A_1203 = arith.index_cast %swap3A_1200 : i32 to index
      %swap3A_1204 = arith.index_cast %swap3A_1201 : i32 to index
      %swap3A_1205 = arith.index_cast %swap3A_1202 : i32 to index
      %swap3A_1206 = arith.index_cast %mul3A_1199 : i32 to index
      %swap3A_1207 = tpu.vector_load %arg8[%swap3A_1203, %swap3A_1204, %swap3A_1205, %swap3A_1206] {strides = array<i32>} : memref<2x10x8x512xf32, #tpu.memory_space<vmem>>, vector<16xf32>,
      tpu.vector_store %arg8[%swap3A_1203, %swap3A_1204, %swap3A_1205, %swap3A_1206], %gather3A_1055 {strides = array<i32>} : memref<2x10x8x512xf32, #tpu.memory_space<vmem>>, vector<16xf32>,
      %gather3A_1208 = arith.constant 160 : i32
      %gather3A_1209 = tpu.memref_slice %arg6[%gather3A_1208] : memref<1600xf32, #tpu.memory_space<vmem>> -> memref<160xf32, #tpu.memory_space<vmem>>
      %gather3A_1210 = tpu.vector_load_idx %gather3A_1209[%or3A_1194] : memref<160xf32, #tpu.memory_space<vmem>>[vector<16xi32>], vector<16xf32>,
      %mul3A_1211 = arith.constant 16 : i32
      %mul3A_1212 = arith.muli %scan3A_717, %mul3A_1211 : i32
      %swap3A_1213 = arith.constant 0 : i32
      %swap3A_1214 = arith.constant 1 : i32
      %swap3A_1215 = arith.constant 3 : i32
      %swap3A_1216 = arith.index_cast %swap3A_1213 : i32 to index
      %swap3A_1217 = arith.index_cast %swap3A_1214 : i32 to index
      %swap3A_1218 = arith.index_cast %swap3A_1215 : i32 to index
      %swap3A_1219 = arith.index_cast %mul3A_1212 : i32 to index
      %swap3A_1220 = tpu.vector_load %arg8[%swap3A_1216, %swap3A_1217, %swap3A_1218, %swap3A_1219] {strides = array<i32>} : memref<2x10x8x512xf32, #tpu.memory_space<vmem>>, vector<16xf32>,
      tpu.vector_store %arg8[%swap3A_1216, %swap3A_1217, %swap3A_1218, %swap3A_1219], %gather3A_1068 {strides = array<i32>} : memref<2x10x8x512xf32, #tpu.memory_space<vmem>>, vector<16xf32>,
      %gather3A_1221 = arith.constant 320 : i32
      %gather3A_1222 = tpu.memref_slice %arg6[%gather3A_1221] : memref<1600xf32, #tpu.memory_space<vmem>> -> memref<160xf32, #tpu.memory_space<vmem>>
      %gather3A_1223 = tpu.vector_load_idx %gather3A_1222[%or3A_1194] : memref<160xf32, #tpu.memory_space<vmem>>[vector<16xi32>], vector<16xf32>,
      %mul3A_1224 = arith.constant 16 : i32
      %mul3A_1225 = arith.muli %scan3A_717, %mul3A_1224 : i32
      %swap3A_1226 = arith.constant 0 : i32
      %swap3A_1227 = arith.constant 2 : i32
      %swap3A_1228 = arith.constant 3 : i32
      %swap3A_1229 = arith.index_cast %swap3A_1226 : i32 to index
      %swap3A_1230 = arith.index_cast %swap3A_1227 : i32 to index
      %swap3A_1231 = arith.index_cast %swap3A_1228 : i32 to index
      %swap3A_1232 = arith.index_cast %mul3A_1225 : i32 to index
      %swap3A_1233 = tpu.vector_load %arg8[%swap3A_1229, %swap3A_1230, %swap3A_1231, %swap3A_1232] {strides = array<i32>} : memref<2x10x8x512xf32, #tpu.memory_space<vmem>>, vector<16xf32>,
      tpu.vector_store %arg8[%swap3A_1229, %swap3A_1230, %swap3A_1231, %swap3A_1232], %gather3A_1081 {strides = array<i32>} : memref<2x10x8x512xf32, #tpu.memory_space<vmem>>, vector<16xf32>,
      %gather3A_1234 = arith.constant 480 : i32
      %gather3A_1235 = tpu.memref_slice %arg6[%gather3A_1234] : memref<1600xf32, #tpu.memory_space<vmem>> -> memref<160xf32, #tpu.memory_space<vmem>>
      %gather3A_1236 = tpu.vector_load_idx %gather3A_1235[%or3A_1194] : memref<160xf32, #tpu.memory_space<vmem>>[vector<16xi32>], vector<16xf32>,
      %mul3A_1237 = arith.constant 16 : i32
      %mul3A_1238 = arith.muli %scan3A_717, %mul3A_1237 : i32
      %swap3A_1239 = arith.constant 0 : i32
      %swap3A_1240 = arith.constant 3 : i32
      %swap3A_1241 = arith.constant 3 : i32
      %swap3A_1242 = arith.index_cast %swap3A_1239 : i32 to index
      %swap3A_1243 = arith.index_cast %swap3A_1240 : i32 to index
      %swap3A_1244 = arith.index_cast %swap3A_1241 : i32 to index
      %swap3A_1245 = arith.index_cast %mul3A_1238 : i32 to index
      %swap3A_1246 = tpu.vector_load %arg8[%swap3A_1242, %swap3A_1243, %swap3A_1244, %swap3A_1245] {strides = array<i32>} : memref<2x10x8x512xf32, #tpu.memory_space<vmem>>, vector<16xf32>,
      tpu.vector_store %arg8[%swap3A_1242, %swap3A_1243, %swap3A_1244, %swap3A_1245], %gather3A_1094 {strides = array<i32>} : memref<2x10x8x512xf32, #tpu.memory_space<vmem>>, vector<16xf32>,
      %gather3A_1247 = arith.constant 640 : i32
      %gather3A_1248 = tpu.memref_slice %arg6[%gather3A_1247] : memref<1600xf32, #tpu.memory_space<vmem>> -> memref<160xf32, #tpu.memory_space<vmem>>
      %gather3A_1249 = tpu.vector_load_idx %gather3A_1248[%or3A_1194] : memref<160xf32, #tpu.memory_space<vmem>>[vector<16xi32>], vector<16xf32>,
      %mul3A_1250 = arith.constant 16 : i32
      %mul3A_1251 = arith.muli %scan3A_717, %mul3A_1250 : i32
      %swap3A_1252 = arith.constant 0 : i32
      %swap3A_1253 = arith.constant 4 : i32
      %swap3A_1254 = arith.constant 3 : i32
      %swap3A_1255 = arith.index_cast %swap3A_1252 : i32 to index
      %swap3A_1256 = arith.index_cast %swap3A_1253 : i32 to index
      %swap3A_1257 = arith.index_cast %swap3A_1254 : i32 to index
      %swap3A_1258 = arith.index_cast %mul3A_1251 : i32 to index
      %swap3A_1259 = tpu.vector_load %arg8[%swap3A_1255, %swap3A_1256, %swap3A_1257, %swap3A_1258] {strides = array<i32>} : memref<2x10x8x512xf32, #tpu.memory_space<vmem>>, vector<16xf32>,
      tpu.vector_store %arg8[%swap3A_1255, %swap3A_1256, %swap3A_1257, %swap3A_1258], %gather3A_1107 {strides = array<i32>} : memref<2x10x8x512xf32, #tpu.memory_space<vmem>>, vector<16xf32>,
      %gather3A_1260 = arith.constant 800 : i32
      %gather3A_1261 = tpu.memref_slice %arg6[%gather3A_1260] : memref<1600xf32, #tpu.memory_space<vmem>> -> memref<160xf32, #tpu.memory_space<vmem>>
      %gather3A_1262 = tpu.vector_load_idx %gather3A_1261[%or3A_1194] : memref<160xf32, #tpu.memory_space<vmem>>[vector<16xi32>], vector<16xf32>,
      %mul3A_1263 = arith.constant 16 : i32
      %mul3A_1264 = arith.muli %scan3A_717, %mul3A_1263 : i32
      %swap3A_1265 = arith.constant 0 : i32
      %swap3A_1266 = arith.constant 5 : i32
      %swap3A_1267 = arith.constant 3 : i32
      %swap3A_1268 = arith.index_cast %swap3A_1265 : i32 to index
      %swap3A_1269 = arith.index_cast %swap3A_1266 : i32 to index
      %swap3A_1270 = arith.index_cast %swap3A_1267 : i32 to index
      %swap3A_1271 = arith.index_cast %mul3A_1264 : i32 to index
      %swap3A_1272 = tpu.vector_load %arg8[%swap3A_1268, %swap3A_1269, %swap3A_1270, %swap3A_1271] {strides = array<i32>} : memref<2x10x8x512xf32, #tpu.memory_space<vmem>>, vector<16xf32>,
      tpu.vector_store %arg8[%swap3A_1268, %swap3A_1269, %swap3A_1270, %swap3A_1271], %gather3A_1120 {strides = array<i32>} : memref<2x10x8x512xf32, #tpu.memory_space<vmem>>, vector<16xf32>,
      %gather3A_1273 = arith.constant 960 : i32
      %gather3A_1274 = tpu.memref_slice %arg6[%gather3A_1273] : memref<1600xf32, #tpu.memory_space<vmem>> -> memref<160xf32, #tpu.memory_space<vmem>>
      %gather3A_1275 = tpu.vector_load_idx %gather3A_1274[%or3A_1194] : memref<160xf32, #tpu.memory_space<vmem>>[vector<16xi32>], vector<16xf32>,
      %mul3A_1276 = arith.constant 16 : i32
      %mul3A_1277 = arith.muli %scan3A_717, %mul3A_1276 : i32
      %swap3A_1278 = arith.constant 0 : i32
      %swap3A_1279 = arith.constant 6 : i32
      %swap3A_1280 = arith.constant 3 : i32
      %swap3A_1281 = arith.index_cast %swap3A_1278 : i32 to index
      %swap3A_1282 = arith.index_cast %swap3A_1279 : i32 to index
      %swap3A_1283 = arith.index_cast %swap3A_1280 : i32 to index
      %swap3A_1284 = arith.index_cast %mul3A_1277 : i32 to index
      %swap3A_1285 = tpu.vector_load %arg8[%swap3A_1281, %swap3A_1282, %swap3A_1283, %swap3A_1284] {strides = array<i32>} : memref<2x10x8x512xf32, #tpu.memory_space<vmem>>, vector<16xf32>,
      tpu.vector_store %arg8[%swap3A_1281, %swap3A_1282, %swap3A_1283, %swap3A_1284], %gather3A_1133 {strides = array<i32>} : memref<2x10x8x512xf32, #tpu.memory_space<vmem>>, vector<16xf32>,
      %gather3A_1286 = arith.constant 1120 : i32
      %gather3A_1287 = tpu.memref_slice %arg6[%gather3A_1286] : memref<1600xf32, #tpu.memory_space<vmem>> -> memref<160xf32, #tpu.memory_space<vmem>>
      %gather3A_1288 = tpu.vector_load_idx %gather3A_1287[%or3A_1194] : memref<160xf32, #tpu.memory_space<vmem>>[vector<16xi32>], vector<16xf32>,
      %mul3A_1289 = arith.constant 16 : i32
      %mul3A_1290 = arith.muli %scan3A_717, %mul3A_1289 : i32
      %swap3A_1291 = arith.constant 0 : i32
      %swap3A_1292 = arith.constant 7 : i32
      %swap3A_1293 = arith.constant 3 : i32
      %swap3A_1294 = arith.index_cast %swap3A_1291 : i32 to index
      %swap3A_1295 = arith.index_cast %swap3A_1292 : i32 to index
      %swap3A_1296 = arith.index_cast %swap3A_1293 : i32 to index
      %swap3A_1297 = arith.index_cast %mul3A_1290 : i32 to index
      %swap3A_1298 = tpu.vector_load %arg8[%swap3A_1294, %swap3A_1295, %swap3A_1296, %swap3A_1297] {strides = array<i32>} : memref<2x10x8x512xf32, #tpu.memory_space<vmem>>, vector<16xf32>,
      tpu.vector_store %arg8[%swap3A_1294, %swap3A_1295, %swap3A_1296, %swap3A_1297], %gather3A_1146 {strides = array<i32>} : memref<2x10x8x512xf32, #tpu.memory_space<vmem>>, vector<16xf32>,
      %gather3A_1299 = arith.constant 1280 : i32
      %gather3A_1300 = tpu.memref_slice %arg6[%gather3A_1299] : memref<1600xf32, #tpu.memory_space<vmem>> -> memref<160xf32, #tpu.memory_space<vmem>>
      %gather3A_1301 = tpu.vector_load_idx %gather3A_1300[%or3A_1194] : memref<160xf32, #tpu.memory_space<vmem>>[vector<16xi32>], vector<16xf32>,
      %mul3A_1302 = arith.constant 16 : i32
      %mul3A_1303 = arith.muli %scan3A_717, %mul3A_1302 : i32
      %swap3A_1304 = arith.constant 0 : i32
      %swap3A_1305 = arith.constant 8 : i32
      %swap3A_1306 = arith.constant 3 : i32
      %swap3A_1307 = arith.index_cast %swap3A_1304 : i32 to index
      %swap3A_1308 = arith.index_cast %swap3A_1305 : i32 to index
      %swap3A_1309 = arith.index_cast %swap3A_1306 : i32 to index
      %swap3A_1310 = arith.index_cast %mul3A_1303 : i32 to index
      %swap3A_1311 = tpu.vector_load %arg8[%swap3A_1307, %swap3A_1308, %swap3A_1309, %swap3A_1310] {strides = array<i32>} : memref<2x10x8x512xf32, #tpu.memory_space<vmem>>, vector<16xf32>,
      tpu.vector_store %arg8[%swap3A_1307, %swap3A_1308, %swap3A_1309, %swap3A_1310], %gather3A_1159 {strides = array<i32>} : memref<2x10x8x512xf32, #tpu.memory_space<vmem>>, vector<16xf32>,
      %gather3A_1312 = arith.constant 1440 : i32
      %gather3A_1313 = tpu.memref_slice %arg6[%gather3A_1312] : memref<1600xf32, #tpu.memory_space<vmem>> -> memref<160xf32, #tpu.memory_space<vmem>>
      %gather3A_1314 = tpu.vector_load_idx %gather3A_1313[%or3A_1194] : memref<160xf32, #tpu.memory_space<vmem>>[vector<16xi32>], vector<16xf32>,
      %mul3A_1315 = arith.constant 16 : i32
      %mul3A_1316 = arith.muli %scan3A_717, %mul3A_1315 : i32
      %swap3A_1317 = arith.constant 0 : i32
      %swap3A_1318 = arith.constant 9 : i32
      %swap3A_1319 = arith.constant 3 : i32
      %swap3A_1320 = arith.index_cast %swap3A_1317 : i32 to index
      %swap3A_1321 = arith.index_cast %swap3A_1318 : i32 to index
      %swap3A_1322 = arith.index_cast %swap3A_1319 : i32 to index
      %swap3A_1323 = arith.index_cast %mul3A_1316 : i32 to index
      %swap3A_1324 = tpu.vector_load %arg8[%swap3A_1320, %swap3A_1321, %swap3A_1322, %swap3A_1323] {strides = array<i32>} : memref<2x10x8x512xf32, #tpu.memory_space<vmem>>, vector<16xf32>,
      tpu.vector_store %arg8[%swap3A_1320, %swap3A_1321, %swap3A_1322, %swap3A_1323], %gather3A_1172 {strides = array<i32>} : memref<2x10x8x512xf32, #tpu.memory_space<vmem>>, vector<16xf32>,
      %mul3A_1325 = arith.constant 16 : i32
      %mul3A_1326 = arith.muli %scan3A_717, %mul3A_1325 : i32
      %get3A_1327 = arith.constant 0 : i32
      %get3A_1328 = arith.constant 5 : i32
      %get3A_1329 = arith.index_cast %get3A_1327 : i32 to index
      %get3A_1330 = arith.index_cast %get3A_1328 : i32 to index
      %get3A_1331 = arith.index_cast %mul3A_1326 : i32 to index
      %get3A_1332 = tpu.vector_load %arg7[%get3A_1329, %get3A_1330, %get3A_1331] {strides = array<i32>} : memref<2x8x512xi32, #tpu.memory_space<vmem>>, vector<16xi32>,
      %shift_left3A_1333 = arith.constant 4 : i32
      %shift_left3A_1334 = vector.broadcast %shift_left3A_1333 : i32 to vector<16xi32>
      %shift_left3A_1335 = arith.shli %get3A_1332, %shift_left3A_1334 : vector<16xi32>
      %or3A_1336 = arith.ori %shift_left3A_1335, %iota3A : vector<16xi32>
      %gather3A_1337 = arith.constant 0 : i32
      %gather3A_1338 = tpu.memref_slice %arg6[%gather3A_1337] : memref<1600xf32, #tpu.memory_space<vmem>> -> memref<160xf32, #tpu.memory_space<vmem>>
      %gather3A_1339 = tpu.vector_load_idx %gather3A_1338[%or3A_1336] : memref<160xf32, #tpu.memory_space<vmem>>[vector<16xi32>], vector<16xf32>,
      %mul3A_1340 = arith.constant 16 : i32
      %mul3A_1341 = arith.muli %scan3A_717, %mul3A_1340 : i32
      %swap3A_1342 = arith.constant 0 : i32
      %swap3A_1343 = arith.constant 0 : i32
      %swap3A_1344 = arith.constant 4 : i32
      %swap3A_1345 = arith.index_cast %swap3A_1342 : i32 to index
      %swap3A_1346 = arith.index_cast %swap3A_1343 : i32 to index
      %swap3A_1347 = arith.index_cast %swap3A_1344 : i32 to index
      %swap3A_1348 = arith.index_cast %mul3A_1341 : i32 to index
      %swap3A_1349 = tpu.vector_load %arg8[%swap3A_1345, %swap3A_1346, %swap3A_1347, %swap3A_1348] {strides = array<i32>} : memref<2x10x8x512xf32, #tpu.memory_space<vmem>>, vector<16xf32>,
      tpu.vector_store %arg8[%swap3A_1345, %swap3A_1346, %swap3A_1347, %swap3A_1348], %gather3A_1197 {strides = array<i32>} : memref<2x10x8x512xf32, #tpu.memory_space<vmem>>, vector<16xf32>,
      %gather3A_1350 = arith.constant 160 : i32
      %gather3A_1351 = tpu.memref_slice %arg6[%gather3A_1350] : memref<1600xf32, #tpu.memory_space<vmem>> -> memref<160xf32, #tpu.memory_space<vmem>>
      %gather3A_1352 = tpu.vector_load_idx %gather3A_1351[%or3A_1336] : memref<160xf32, #tpu.memory_space<vmem>>[vector<16xi32>], vector<16xf32>,
      %mul3A_1353 = arith.constant 16 : i32
      %mul3A_1354 = arith.muli %scan3A_717, %mul3A_1353 : i32
      %swap3A_1355 = arith.constant 0 : i32
      %swap3A_1356 = arith.constant 1 : i32
      %swap3A_1357 = arith.constant 4 : i32
      %swap3A_1358 = arith.index_cast %swap3A_1355 : i32 to index
      %swap3A_1359 = arith.index_cast %swap3A_1356 : i32 to index
      %swap3A_1360 = arith.index_cast %swap3A_1357 : i32 to index
      %swap3A_1361 = arith.index_cast %mul3A_1354 : i32 to index
      %swap3A_1362 = tpu.vector_load %arg8[%swap3A_1358, %swap3A_1359, %swap3A_1360, %swap3A_1361] {strides = array<i32>} : memref<2x10x8x512xf32, #tpu.memory_space<vmem>>, vector<16xf32>,
      tpu.vector_store %arg8[%swap3A_1358, %swap3A_1359, %swap3A_1360, %swap3A_1361], %gather3A_1210 {strides = array<i32>} : memref<2x10x8x512xf32, #tpu.memory_space<vmem>>, vector<16xf32>,
      %gather3A_1363 = arith.constant 320 : i32
      %gather3A_1364 = tpu.memref_slice %arg6[%gather3A_1363] : memref<1600xf32, #tpu.memory_space<vmem>> -> memref<160xf32, #tpu.memory_space<vmem>>
      %gather3A_1365 = tpu.vector_load_idx %gather3A_1364[%or3A_1336] : memref<160xf32, #tpu.memory_space<vmem>>[vector<16xi32>], vector<16xf32>,
      %mul3A_1366 = arith.constant 16 : i32
      %mul3A_1367 = arith.muli %scan3A_717, %mul3A_1366 : i32
      %swap3A_1368 = arith.constant 0 : i32
      %swap3A_1369 = arith.constant 2 : i32
      %swap3A_1370 = arith.constant 4 : i32
      %swap3A_1371 = arith.index_cast %swap3A_1368 : i32 to index
      %swap3A_1372 = arith.index_cast %swap3A_1369 : i32 to index
      %swap3A_1373 = arith.index_cast %swap3A_1370 : i32 to index
      %swap3A_1374 = arith.index_cast %mul3A_1367 : i32 to index
      %swap3A_1375 = tpu.vector_load %arg8[%swap3A_1371, %swap3A_1372, %swap3A_1373, %swap3A_1374] {strides = array<i32>} : memref<2x10x8x512xf32, #tpu.memory_space<vmem>>, vector<16xf32>,
      tpu.vector_store %arg8[%swap3A_1371, %swap3A_1372, %swap3A_1373, %swap3A_1374], %gather3A_1223 {strides = array<i32>} : memref<2x10x8x512xf32, #tpu.memory_space<vmem>>, vector<16xf32>,
      %gather3A_1376 = arith.constant 480 : i32
      %gather3A_1377 = tpu.memref_slice %arg6[%gather3A_1376] : memref<1600xf32, #tpu.memory_space<vmem>> -> memref<160xf32, #tpu.memory_space<vmem>>
      %gather3A_1378 = tpu.vector_load_idx %gather3A_1377[%or3A_1336] : memref<160xf32, #tpu.memory_space<vmem>>[vector<16xi32>], vector<16xf32>,
      %mul3A_1379 = arith.constant 16 : i32
      %mul3A_1380 = arith.muli %scan3A_717, %mul3A_1379 : i32
      %swap3A_1381 = arith.constant 0 : i32
      %swap3A_1382 = arith.constant 3 : i32
      %swap3A_1383 = arith.constant 4 : i32
      %swap3A_1384 = arith.index_cast %swap3A_1381 : i32 to index
      %swap3A_1385 = arith.index_cast %swap3A_1382 : i32 to index
      %swap3A_1386 = arith.index_cast %swap3A_1383 : i32 to index
      %swap3A_1387 = arith.index_cast %mul3A_1380 : i32 to index
      %swap3A_1388 = tpu.vector_load %arg8[%swap3A_1384, %swap3A_1385, %swap3A_1386, %swap3A_1387] {strides = array<i32>} : memref<2x10x8x512xf32, #tpu.memory_space<vmem>>, vector<16xf32>,
      tpu.vector_store %arg8[%swap3A_1384, %swap3A_1385, %swap3A_1386, %swap3A_1387], %gather3A_1236 {strides = array<i32>} : memref<2x10x8x512xf32, #tpu.memory_space<vmem>>, vector<16xf32>,
      %gather3A_1389 = arith.constant 640 : i32
      %gather3A_1390 = tpu.memref_slice %arg6[%gather3A_1389] : memref<1600xf32, #tpu.memory_space<vmem>> -> memref<160xf32, #tpu.memory_space<vmem>>
      %gather3A_1391 = tpu.vector_load_idx %gather3A_1390[%or3A_1336] : memref<160xf32, #tpu.memory_space<vmem>>[vector<16xi32>], vector<16xf32>,
      %mul3A_1392 = arith.constant 16 : i32
      %mul3A_1393 = arith.muli %scan3A_717, %mul3A_1392 : i32
      %swap3A_1394 = arith.constant 0 : i32
      %swap3A_1395 = arith.constant 4 : i32
      %swap3A_1396 = arith.constant 4 : i32
      %swap3A_1397 = arith.index_cast %swap3A_1394 : i32 to index
      %swap3A_1398 = arith.index_cast %swap3A_1395 : i32 to index
      %swap3A_1399 = arith.index_cast %swap3A_1396 : i32 to index
      %swap3A_1400 = arith.index_cast %mul3A_1393 : i32 to index
      %swap3A_1401 = tpu.vector_load %arg8[%swap3A_1397, %swap3A_1398, %swap3A_1399, %swap3A_1400] {strides = array<i32>} : memref<2x10x8x512xf32, #tpu.memory_space<vmem>>, vector<16xf32>,
      tpu.vector_store %arg8[%swap3A_1397, %swap3A_1398, %swap3A_1399, %swap3A_1400], %gather3A_1249 {strides = array<i32>} : memref<2x10x8x512xf32, #tpu.memory_space<vmem>>, vector<16xf32>,
      %gather3A_1402 = arith.constant 800 : i32
      %gather3A_1403 = tpu.memref_slice %arg6[%gather3A_1402] : memref<1600xf32, #tpu.memory_space<vmem>> -> memref<160xf32, #tpu.memory_space<vmem>>
      %gather3A_1404 = tpu.vector_load_idx %gather3A_1403[%or3A_1336] : memref<160xf32, #tpu.memory_space<vmem>>[vector<16xi32>], vector<16xf32>,
      %mul3A_1405 = arith.constant 16 : i32
      %mul3A_1406 = arith.muli %scan3A_717, %mul3A_1405 : i32
      %swap3A_1407 = arith.constant 0 : i32
      %swap3A_1408 = arith.constant 5 : i32
      %swap3A_1409 = arith.constant 4 : i32
      %swap3A_1410 = arith.index_cast %swap3A_1407 : i32 to index
      %swap3A_1411 = arith.index_cast %swap3A_1408 : i32 to index
      %swap3A_1412 = arith.index_cast %swap3A_1409 : i32 to index
      %swap3A_1413 = arith.index_cast %mul3A_1406 : i32 to index
      %swap3A_1414 = tpu.vector_load %arg8[%swap3A_1410, %swap3A_1411, %swap3A_1412, %swap3A_1413] {strides = array<i32>} : memref<2x10x8x512xf32, #tpu.memory_space<vmem>>, vector<16xf32>,
      tpu.vector_store %arg8[%swap3A_1410, %swap3A_1411, %swap3A_1412, %swap3A_1413], %gather3A_1262 {strides = array<i32>} : memref<2x10x8x512xf32, #tpu.memory_space<vmem>>, vector<16xf32>,
      %gather3A_1415 = arith.constant 960 : i32
      %gather3A_1416 = tpu.memref_slice %arg6[%gather3A_1415] : memref<1600xf32, #tpu.memory_space<vmem>> -> memref<160xf32, #tpu.memory_space<vmem>>
      %gather3A_1417 = tpu.vector_load_idx %gather3A_1416[%or3A_1336] : memref<160xf32, #tpu.memory_space<vmem>>[vector<16xi32>], vector<16xf32>,
      %mul3A_1418 = arith.constant 16 : i32
      %mul3A_1419 = arith.muli %scan3A_717, %mul3A_1418 : i32
      %swap3A_1420 = arith.constant 0 : i32
      %swap3A_1421 = arith.constant 6 : i32
      %swap3A_1422 = arith.constant 4 : i32
      %swap3A_1423 = arith.index_cast %swap3A_1420 : i32 to index
      %swap3A_1424 = arith.index_cast %swap3A_1421 : i32 to index
      %swap3A_1425 = arith.index_cast %swap3A_1422 : i32 to index
      %swap3A_1426 = arith.index_cast %mul3A_1419 : i32 to index
      %swap3A_1427 = tpu.vector_load %arg8[%swap3A_1423, %swap3A_1424, %swap3A_1425, %swap3A_1426] {strides = array<i32>} : memref<2x10x8x512xf32, #tpu.memory_space<vmem>>, vector<16xf32>,
      tpu.vector_store %arg8[%swap3A_1423, %swap3A_1424, %swap3A_1425, %swap3A_1426], %gather3A_1275 {strides = array<i32>} : memref<2x10x8x512xf32, #tpu.memory_space<vmem>>, vector<16xf32>,
      %gather3A_1428 = arith.constant 1120 : i32
      %gather3A_1429 = tpu.memref_slice %arg6[%gather3A_1428] : memref<1600xf32, #tpu.memory_space<vmem>> -> memref<160xf32, #tpu.memory_space<vmem>>
      %gather3A_1430 = tpu.vector_load_idx %gather3A_1429[%or3A_1336] : memref<160xf32, #tpu.memory_space<vmem>>[vector<16xi32>], vector<16xf32>,
      %mul3A_1431 = arith.constant 16 : i32
      %mul3A_1432 = arith.muli %scan3A_717, %mul3A_1431 : i32
      %swap3A_1433 = arith.constant 0 : i32
      %swap3A_1434 = arith.constant 7 : i32
      %swap3A_1435 = arith.constant 4 : i32
      %swap3A_1436 = arith.index_cast %swap3A_1433 : i32 to index
      %swap3A_1437 = arith.index_cast %swap3A_1434 : i32 to index
      %swap3A_1438 = arith.index_cast %swap3A_1435 : i32 to index
      %swap3A_1439 = arith.index_cast %mul3A_1432 : i32 to index
      %swap3A_1440 = tpu.vector_load %arg8[%swap3A_1436, %swap3A_1437, %swap3A_1438, %swap3A_1439] {strides = array<i32>} : memref<2x10x8x512xf32, #tpu.memory_space<vmem>>, vector<16xf32>,
      tpu.vector_store %arg8[%swap3A_1436, %swap3A_1437, %swap3A_1438, %swap3A_1439], %gather3A_1288 {strides = array<i32>} : memref<2x10x8x512xf32, #tpu.memory_space<vmem>>, vector<16xf32>,
      %gather3A_1441 = arith.constant 1280 : i32
      %gather3A_1442 = tpu.memref_slice %arg6[%gather3A_1441] : memref<1600xf32, #tpu.memory_space<vmem>> -> memref<160xf32, #tpu.memory_space<vmem>>
      %gather3A_1443 = tpu.vector_load_idx %gather3A_1442[%or3A_1336] : memref<160xf32, #tpu.memory_space<vmem>>[vector<16xi32>], vector<16xf32>,
      %mul3A_1444 = arith.constant 16 : i32
      %mul3A_1445 = arith.muli %scan3A_717, %mul3A_1444 : i32
      %swap3A_1446 = arith.constant 0 : i32
      %swap3A_1447 = arith.constant 8 : i32
      %swap3A_1448 = arith.constant 4 : i32
      %swap3A_1449 = arith.index_cast %swap3A_1446 : i32 to index
      %swap3A_1450 = arith.index_cast %swap3A_1447 : i32 to index
      %swap3A_1451 = arith.index_cast %swap3A_1448 : i32 to index
      %swap3A_1452 = arith.index_cast %mul3A_1445 : i32 to index
      %swap3A_1453 = tpu.vector_load %arg8[%swap3A_1449, %swap3A_1450, %swap3A_1451, %swap3A_1452] {strides = array<i32>} : memref<2x10x8x512xf32, #tpu.memory_space<vmem>>, vector<16xf32>,
      tpu.vector_store %arg8[%swap3A_1449, %swap3A_1450, %swap3A_1451, %swap3A_1452], %gather3A_1301 {strides = array<i32>} : memref<2x10x8x512xf32, #tpu.memory_space<vmem>>, vector<16xf32>,
      %gather3A_1454 = arith.constant 1440 : i32
      %gather3A_1455 = tpu.memref_slice %arg6[%gather3A_1454] : memref<1600xf32, #tpu.memory_space<vmem>> -> memref<160xf32, #tpu.memory_space<vmem>>
      %gather3A_1456 = tpu.vector_load_idx %gather3A_1455[%or3A_1336] : memref<160xf32, #tpu.memory_space<vmem>>[vector<16xi32>], vector<16xf32>,
      %mul3A_1457 = arith.constant 16 : i32
      %mul3A_1458 = arith.muli %scan3A_717, %mul3A_1457 : i32
      %swap3A_1459 = arith.constant 0 : i32
      %swap3A_1460 = arith.constant 9 : i32
      %swap3A_1461 = arith.constant 4 : i32
      %swap3A_1462 = arith.index_cast %swap3A_1459 : i32 to index
      %swap3A_1463 = arith.index_cast %swap3A_1460 : i32 to index
      %swap3A_1464 = arith.index_cast %swap3A_1461 : i32 to index
      %swap3A_1465 = arith.index_cast %mul3A_1458 : i32 to index
      %swap3A_1466 = tpu.vector_load %arg8[%swap3A_1462, %swap3A_1463, %swap3A_1464, %swap3A_1465] {strides = array<i32>} : memref<2x10x8x512xf32, #tpu.memory_space<vmem>>, vector<16xf32>,
      tpu.vector_store %arg8[%swap3A_1462, %swap3A_1463, %swap3A_1464, %swap3A_1465], %gather3A_1314 {strides = array<i32>} : memref<2x10x8x512xf32, #tpu.memory_space<vmem>>, vector<16xf32>,
      %mul3A_1467 = arith.constant 16 : i32
      %mul3A_1468 = arith.muli %scan3A_717, %mul3A_1467 : i32
      %get3A_1469 = arith.constant 0 : i32
      %get3A_1470 = arith.constant 6 : i32
      %get3A_1471 = arith.index_cast %get3A_1469 : i32 to index
      %get3A_1472 = arith.index_cast %get3A_1470 : i32 to index
      %get3A_1473 = arith.index_cast %mul3A_1468 : i32 to index
      %get3A_1474 = tpu.vector_load %arg7[%get3A_1471, %get3A_1472, %get3A_1473] {strides = array<i32>} : memref<2x8x512xi32, #tpu.memory_space<vmem>>, vector<16xi32>,
      %shift_left3A_1475 = arith.constant 4 : i32
      %shift_left3A_1476 = vector.broadcast %shift_left3A_1475 : i32 to vector<16xi32>
      %shift_left3A_1477 = arith.shli %get3A_1474, %shift_left3A_1476 : vector<16xi32>
      %or3A_1478 = arith.ori %shift_left3A_1477, %iota3A : vector<16xi32>
      %gather3A_1479 = arith.constant 0 : i32
      %gather3A_1480 = tpu.memref_slice %arg6[%gather3A_1479] : memref<1600xf32, #tpu.memory_space<vmem>> -> memref<160xf32, #tpu.memory_space<vmem>>
      %gather3A_1481 = tpu.vector_load_idx %gather3A_1480[%or3A_1478] : memref<160xf32, #tpu.memory_space<vmem>>[vector<16xi32>], vector<16xf32>,
      %mul3A_1482 = arith.constant 16 : i32
      %mul3A_1483 = arith.muli %scan3A_717, %mul3A_1482 : i32
      %swap3A_1484 = arith.constant 0 : i32
      %swap3A_1485 = arith.constant 0 : i32
      %swap3A_1486 = arith.constant 5 : i32
      %swap3A_1487 = arith.index_cast %swap3A_1484 : i32 to index
      %swap3A_1488 = arith.index_cast %swap3A_1485 : i32 to index
      %swap3A_1489 = arith.index_cast %swap3A_1486 : i32 to index
      %swap3A_1490 = arith.index_cast %mul3A_1483 : i32 to index
      %swap3A_1491 = tpu.vector_load %arg8[%swap3A_1487, %swap3A_1488, %swap3A_1489, %swap3A_1490] {strides = array<i32>} : memref<2x10x8x512xf32, #tpu.memory_space<vmem>>, vector<16xf32>,
      tpu.vector_store %arg8[%swap3A_1487, %swap3A_1488, %swap3A_1489, %swap3A_1490], %gather3A_1339 {strides = array<i32>} : memref<2x10x8x512xf32, #tpu.memory_space<vmem>>, vector<16xf32>,
      %gather3A_1492 = arith.constant 160 : i32
      %gather3A_1493 = tpu.memref_slice %arg6[%gather3A_1492] : memref<1600xf32, #tpu.memory_space<vmem>> -> memref<160xf32, #tpu.memory_space<vmem>>
      %gather3A_1494 = tpu.vector_load_idx %gather3A_1493[%or3A_1478] : memref<160xf32, #tpu.memory_space<vmem>>[vector<16xi32>], vector<16xf32>,
      %mul3A_1495 = arith.constant 16 : i32
      %mul3A_1496 = arith.muli %scan3A_717, %mul3A_1495 : i32
      %swap3A_1497 = arith.constant 0 : i32
      %swap3A_1498 = arith.constant 1 : i32
      %swap3A_1499 = arith.constant 5 : i32
      %swap3A_1500 = arith.index_cast %swap3A_1497 : i32 to index
      %swap3A_1501 = arith.index_cast %swap3A_1498 : i32 to index
      %swap3A_1502 = arith.index_cast %swap3A_1499 : i32 to index
      %swap3A_1503 = arith.index_cast %mul3A_1496 : i32 to index
      %swap3A_1504 = tpu.vector_load %arg8[%swap3A_1500, %swap3A_1501, %swap3A_1502, %swap3A_1503] {strides = array<i32>} : memref<2x10x8x512xf32, #tpu.memory_space<vmem>>, vector<16xf32>,
      tpu.vector_store %arg8[%swap3A_1500, %swap3A_1501, %swap3A_1502, %swap3A_1503], %gather3A_1352 {strides = array<i32>} : memref<2x10x8x512xf32, #tpu.memory_space<vmem>>, vector<16xf32>,
      %gather3A_1505 = arith.constant 320 : i32
      %gather3A_1506 = tpu.memref_slice %arg6[%gather3A_1505] : memref<1600xf32, #tpu.memory_space<vmem>> -> memref<160xf32, #tpu.memory_space<vmem>>
      %gather3A_1507 = tpu.vector_load_idx %gather3A_1506[%or3A_1478] : memref<160xf32, #tpu.memory_space<vmem>>[vector<16xi32>], vector<16xf32>,
      %mul3A_1508 = arith.constant 16 : i32
      %mul3A_1509 = arith.muli %scan3A_717, %mul3A_1508 : i32
      %swap3A_1510 = arith.constant 0 : i32
      %swap3A_1511 = arith.constant 2 : i32
      %swap3A_1512 = arith.constant 5 : i32
      %swap3A_1513 = arith.index_cast %swap3A_1510 : i32 to index
      %swap3A_1514 = arith.index_cast %swap3A_1511 : i32 to index
      %swap3A_1515 = arith.index_cast %swap3A_1512 : i32 to index
      %swap3A_1516 = arith.index_cast %mul3A_1509 : i32 to index
      %swap3A_1517 = tpu.vector_load %arg8[%swap3A_1513, %swap3A_1514, %swap3A_1515, %swap3A_1516] {strides = array<i32>} : memref<2x10x8x512xf32, #tpu.memory_space<vmem>>, vector<16xf32>,
      tpu.vector_store %arg8[%swap3A_1513, %swap3A_1514, %swap3A_1515, %swap3A_1516], %gather3A_1365 {strides = array<i32>} : memref<2x10x8x512xf32, #tpu.memory_space<vmem>>, vector<16xf32>,
      %gather3A_1518 = arith.constant 480 : i32
      %gather3A_1519 = tpu.memref_slice %arg6[%gather3A_1518] : memref<1600xf32, #tpu.memory_space<vmem>> -> memref<160xf32, #tpu.memory_space<vmem>>
      %gather3A_1520 = tpu.vector_load_idx %gather3A_1519[%or3A_1478] : memref<160xf32, #tpu.memory_space<vmem>>[vector<16xi32>], vector<16xf32>,
      %mul3A_1521 = arith.constant 16 : i32
      %mul3A_1522 = arith.muli %scan3A_717, %mul3A_1521 : i32
      %swap3A_1523 = arith.constant 0 : i32
      %swap3A_1524 = arith.constant 3 : i32
      %swap3A_1525 = arith.constant 5 : i32
      %swap3A_1526 = arith.index_cast %swap3A_1523 : i32 to index
      %swap3A_1527 = arith.index_cast %swap3A_1524 : i32 to index
      %swap3A_1528 = arith.index_cast %swap3A_1525 : i32 to index
      %swap3A_1529 = arith.index_cast %mul3A_1522 : i32 to index
      %swap3A_1530 = tpu.vector_load %arg8[%swap3A_1526, %swap3A_1527, %swap3A_1528, %swap3A_1529] {strides = array<i32>} : memref<2x10x8x512xf32, #tpu.memory_space<vmem>>, vector<16xf32>,
      tpu.vector_store %arg8[%swap3A_1526, %swap3A_1527, %swap3A_1528, %swap3A_1529], %gather3A_1378 {strides = array<i32>} : memref<2x10x8x512xf32, #tpu.memory_space<vmem>>, vector<16xf32>,
      %gather3A_1531 = arith.constant 640 : i32
      %gather3A_1532 = tpu.memref_slice %arg6[%gather3A_1531] : memref<1600xf32, #tpu.memory_space<vmem>> -> memref<160xf32, #tpu.memory_space<vmem>>
      %gather3A_1533 = tpu.vector_load_idx %gather3A_1532[%or3A_1478] : memref<160xf32, #tpu.memory_space<vmem>>[vector<16xi32>], vector<16xf32>,
      %mul3A_1534 = arith.constant 16 : i32
      %mul3A_1535 = arith.muli %scan3A_717, %mul3A_1534 : i32
      %swap3A_1536 = arith.constant 0 : i32
      %swap3A_1537 = arith.constant 4 : i32
      %swap3A_1538 = arith.constant 5 : i32
      %swap3A_1539 = arith.index_cast %swap3A_1536 : i32 to index
      %swap3A_1540 = arith.index_cast %swap3A_1537 : i32 to index
      %swap3A_1541 = arith.index_cast %swap3A_1538 : i32 to index
      %swap3A_1542 = arith.index_cast %mul3A_1535 : i32 to index
      %swap3A_1543 = tpu.vector_load %arg8[%swap3A_1539, %swap3A_1540, %swap3A_1541, %swap3A_1542] {strides = array<i32>} : memref<2x10x8x512xf32, #tpu.memory_space<vmem>>, vector<16xf32>,
      tpu.vector_store %arg8[%swap3A_1539, %swap3A_1540, %swap3A_1541, %swap3A_1542], %gather3A_1391 {strides = array<i32>} : memref<2x10x8x512xf32, #tpu.memory_space<vmem>>, vector<16xf32>,
      %gather3A_1544 = arith.constant 800 : i32
      %gather3A_1545 = tpu.memref_slice %arg6[%gather3A_1544] : memref<1600xf32, #tpu.memory_space<vmem>> -> memref<160xf32, #tpu.memory_space<vmem>>
      %gather3A_1546 = tpu.vector_load_idx %gather3A_1545[%or3A_1478] : memref<160xf32, #tpu.memory_space<vmem>>[vector<16xi32>], vector<16xf32>,
      %mul3A_1547 = arith.constant 16 : i32
      %mul3A_1548 = arith.muli %scan3A_717, %mul3A_1547 : i32
      %swap3A_1549 = arith.constant 0 : i32
      %swap3A_1550 = arith.constant 5 : i32
      %swap3A_1551 = arith.constant 5 : i32
      %swap3A_1552 = arith.index_cast %swap3A_1549 : i32 to index
      %swap3A_1553 = arith.index_cast %swap3A_1550 : i32 to index
      %swap3A_1554 = arith.index_cast %swap3A_1551 : i32 to index
      %swap3A_1555 = arith.index_cast %mul3A_1548 : i32 to index
      %swap3A_1556 = tpu.vector_load %arg8[%swap3A_1552, %swap3A_1553, %swap3A_1554, %swap3A_1555] {strides = array<i32>} : memref<2x10x8x512xf32, #tpu.memory_space<vmem>>, vector<16xf32>,
      tpu.vector_store %arg8[%swap3A_1552, %swap3A_1553, %swap3A_1554, %swap3A_1555], %gather3A_1404 {strides = array<i32>} : memref<2x10x8x512xf32, #tpu.memory_space<vmem>>, vector<16xf32>,
      %gather3A_1557 = arith.constant 960 : i32
      %gather3A_1558 = tpu.memref_slice %arg6[%gather3A_1557] : memref<1600xf32, #tpu.memory_space<vmem>> -> memref<160xf32, #tpu.memory_space<vmem>>
      %gather3A_1559 = tpu.vector_load_idx %gather3A_1558[%or3A_1478] : memref<160xf32, #tpu.memory_space<vmem>>[vector<16xi32>], vector<16xf32>,
      %mul3A_1560 = arith.constant 16 : i32
      %mul3A_1561 = arith.muli %scan3A_717, %mul3A_1560 : i32
      %swap3A_1562 = arith.constant 0 : i32
      %swap3A_1563 = arith.constant 6 : i32
      %swap3A_1564 = arith.constant 5 : i32
      %swap3A_1565 = arith.index_cast %swap3A_1562 : i32 to index
      %swap3A_1566 = arith.index_cast %swap3A_1563 : i32 to index
      %swap3A_1567 = arith.index_cast %swap3A_1564 : i32 to index
      %swap3A_1568 = arith.index_cast %mul3A_1561 : i32 to index
      %swap3A_1569 = tpu.vector_load %arg8[%swap3A_1565, %swap3A_1566, %swap3A_1567, %swap3A_1568] {strides = array<i32>} : memref<2x10x8x512xf32, #tpu.memory_space<vmem>>, vector<16xf32>,
      tpu.vector_store %arg8[%swap3A_1565, %swap3A_1566, %swap3A_1567, %swap3A_1568], %gather3A_1417 {strides = array<i32>} : memref<2x10x8x512xf32, #tpu.memory_space<vmem>>, vector<16xf32>,
      %gather3A_1570 = arith.constant 1120 : i32
      %gather3A_1571 = tpu.memref_slice %arg6[%gather3A_1570] : memref<1600xf32, #tpu.memory_space<vmem>> -> memref<160xf32, #tpu.memory_space<vmem>>
      %gather3A_1572 = tpu.vector_load_idx %gather3A_1571[%or3A_1478] : memref<160xf32, #tpu.memory_space<vmem>>[vector<16xi32>], vector<16xf32>,
      %mul3A_1573 = arith.constant 16 : i32
      %mul3A_1574 = arith.muli %scan3A_717, %mul3A_1573 : i32
      %swap3A_1575 = arith.constant 0 : i32
      %swap3A_1576 = arith.constant 7 : i32
      %swap3A_1577 = arith.constant 5 : i32
      %swap3A_1578 = arith.index_cast %swap3A_1575 : i32 to index
      %swap3A_1579 = arith.index_cast %swap3A_1576 : i32 to index
      %swap3A_1580 = arith.index_cast %swap3A_1577 : i32 to index
      %swap3A_1581 = arith.index_cast %mul3A_1574 : i32 to index
      %swap3A_1582 = tpu.vector_load %arg8[%swap3A_1578, %swap3A_1579, %swap3A_1580, %swap3A_1581] {strides = array<i32>} : memref<2x10x8x512xf32, #tpu.memory_space<vmem>>, vector<16xf32>,
      tpu.vector_store %arg8[%swap3A_1578, %swap3A_1579, %swap3A_1580, %swap3A_1581], %gather3A_1430 {strides = array<i32>} : memref<2x10x8x512xf32, #tpu.memory_space<vmem>>, vector<16xf32>,
      %gather3A_1583 = arith.constant 1280 : i32
      %gather3A_1584 = tpu.memref_slice %arg6[%gather3A_1583] : memref<1600xf32, #tpu.memory_space<vmem>> -> memref<160xf32, #tpu.memory_space<vmem>>
      %gather3A_1585 = tpu.vector_load_idx %gather3A_1584[%or3A_1478] : memref<160xf32, #tpu.memory_space<vmem>>[vector<16xi32>], vector<16xf32>,
      %mul3A_1586 = arith.constant 16 : i32
      %mul3A_1587 = arith.muli %scan3A_717, %mul3A_1586 : i32
      %swap3A_1588 = arith.constant 0 : i32
      %swap3A_1589 = arith.constant 8 : i32
      %swap3A_1590 = arith.constant 5 : i32
      %swap3A_1591 = arith.index_cast %swap3A_1588 : i32 to index
      %swap3A_1592 = arith.index_cast %swap3A_1589 : i32 to index
      %swap3A_1593 = arith.index_cast %swap3A_1590 : i32 to index
      %swap3A_1594 = arith.index_cast %mul3A_1587 : i32 to index
      %swap3A_1595 = tpu.vector_load %arg8[%swap3A_1591, %swap3A_1592, %swap3A_1593, %swap3A_1594] {strides = array<i32>} : memref<2x10x8x512xf32, #tpu.memory_space<vmem>>, vector<16xf32>,
      tpu.vector_store %arg8[%swap3A_1591, %swap3A_1592, %swap3A_1593, %swap3A_1594], %gather3A_1443 {strides = array<i32>} : memref<2x10x8x512xf32, #tpu.memory_space<vmem>>, vector<16xf32>,
      %gather3A_1596 = arith.constant 1440 : i32
      %gather3A_1597 = tpu.memref_slice %arg6[%gather3A_1596] : memref<1600xf32, #tpu.memory_space<vmem>> -> memref<160xf32, #tpu.memory_space<vmem>>
      %gather3A_1598 = tpu.vector_load_idx %gather3A_1597[%or3A_1478] : memref<160xf32, #tpu.memory_space<vmem>>[vector<16xi32>], vector<16xf32>,
      %mul3A_1599 = arith.constant 16 : i32
      %mul3A_1600 = arith.muli %scan3A_717, %mul3A_1599 : i32
      %swap3A_1601 = arith.constant 0 : i32
      %swap3A_1602 = arith.constant 9 : i32
      %swap3A_1603 = arith.constant 5 : i32
      %swap3A_1604 = arith.index_cast %swap3A_1601 : i32 to index
      %swap3A_1605 = arith.index_cast %swap3A_1602 : i32 to index
      %swap3A_1606 = arith.index_cast %swap3A_1603 : i32 to index
      %swap3A_1607 = arith.index_cast %mul3A_1600 : i32 to index
      %swap3A_1608 = tpu.vector_load %arg8[%swap3A_1604, %swap3A_1605, %swap3A_1606, %swap3A_1607] {strides = array<i32>} : memref<2x10x8x512xf32, #tpu.memory_space<vmem>>, vector<16xf32>,
      tpu.vector_store %arg8[%swap3A_1604, %swap3A_1605, %swap3A_1606, %swap3A_1607], %gather3A_1456 {strides = array<i32>} : memref<2x10x8x512xf32, #tpu.memory_space<vmem>>, vector<16xf32>,
      %mul3A_1609 = arith.constant 16 : i32
      %mul3A_1610 = arith.muli %scan3A_717, %mul3A_1609 : i32
      %get3A_1611 = arith.constant 0 : i32
      %get3A_1612 = arith.constant 7 : i32
      %get3A_1613 = arith.index_cast %get3A_1611 : i32 to index
      %get3A_1614 = arith.index_cast %get3A_1612 : i32 to index
      %get3A_1615 = arith.index_cast %mul3A_1610 : i32 to index
      %get3A_1616 = tpu.vector_load %arg7[%get3A_1613, %get3A_1614, %get3A_1615] {strides = array<i32>} : memref<2x8x512xi32, #tpu.memory_space<vmem>>, vector<16xi32>,
      %shift_left3A_1617 = arith.constant 4 : i32
      %shift_left3A_1618 = vector.broadcast %shift_left3A_1617 : i32 to vector<16xi32>
      %shift_left3A_1619 = arith.shli %get3A_1616, %shift_left3A_1618 : vector<16xi32>
      %or3A_1620 = arith.ori %shift_left3A_1619, %iota3A : vector<16xi32>
      %gather3A_1621 = arith.constant 0 : i32
      %gather3A_1622 = tpu.memref_slice %arg6[%gather3A_1621] : memref<1600xf32, #tpu.memory_space<vmem>> -> memref<160xf32, #tpu.memory_space<vmem>>
      %gather3A_1623 = tpu.vector_load_idx %gather3A_1622[%or3A_1620] : memref<160xf32, #tpu.memory_space<vmem>>[vector<16xi32>], vector<16xf32>,
      %mul3A_1624 = arith.constant 16 : i32
      %mul3A_1625 = arith.muli %scan3A_717, %mul3A_1624 : i32
      %swap3A_1626 = arith.constant 0 : i32
      %swap3A_1627 = arith.constant 0 : i32
      %swap3A_1628 = arith.constant 6 : i32
      %swap3A_1629 = arith.index_cast %swap3A_1626 : i32 to index
      %swap3A_1630 = arith.index_cast %swap3A_1627 : i32 to index
      %swap3A_1631 = arith.index_cast %swap3A_1628 : i32 to index
      %swap3A_1632 = arith.index_cast %mul3A_1625 : i32 to index
      %swap3A_1633 = tpu.vector_load %arg8[%swap3A_1629, %swap3A_1630, %swap3A_1631, %swap3A_1632] {strides = array<i32>} : memref<2x10x8x512xf32, #tpu.memory_space<vmem>>, vector<16xf32>,
      tpu.vector_store %arg8[%swap3A_1629, %swap3A_1630, %swap3A_1631, %swap3A_1632], %gather3A_1481 {strides = array<i32>} : memref<2x10x8x512xf32, #tpu.memory_space<vmem>>, vector<16xf32>,
      %gather3A_1634 = arith.constant 160 : i32
      %gather3A_1635 = tpu.memref_slice %arg6[%gather3A_1634] : memref<1600xf32, #tpu.memory_space<vmem>> -> memref<160xf32, #tpu.memory_space<vmem>>
      %gather3A_1636 = tpu.vector_load_idx %gather3A_1635[%or3A_1620] : memref<160xf32, #tpu.memory_space<vmem>>[vector<16xi32>], vector<16xf32>,
      %mul3A_1637 = arith.constant 16 : i32
      %mul3A_1638 = arith.muli %scan3A_717, %mul3A_1637 : i32
      %swap3A_1639 = arith.constant 0 : i32
      %swap3A_1640 = arith.constant 1 : i32
      %swap3A_1641 = arith.constant 6 : i32
      %swap3A_1642 = arith.index_cast %swap3A_1639 : i32 to index
      %swap3A_1643 = arith.index_cast %swap3A_1640 : i32 to index
      %swap3A_1644 = arith.index_cast %swap3A_1641 : i32 to index
      %swap3A_1645 = arith.index_cast %mul3A_1638 : i32 to index
      %swap3A_1646 = tpu.vector_load %arg8[%swap3A_1642, %swap3A_1643, %swap3A_1644, %swap3A_1645] {strides = array<i32>} : memref<2x10x8x512xf32, #tpu.memory_space<vmem>>, vector<16xf32>,
      tpu.vector_store %arg8[%swap3A_1642, %swap3A_1643, %swap3A_1644, %swap3A_1645], %gather3A_1494 {strides = array<i32>} : memref<2x10x8x512xf32, #tpu.memory_space<vmem>>, vector<16xf32>,
      %gather3A_1647 = arith.constant 320 : i32
      %gather3A_1648 = tpu.memref_slice %arg6[%gather3A_1647] : memref<1600xf32, #tpu.memory_space<vmem>> -> memref<160xf32, #tpu.memory_space<vmem>>
      %gather3A_1649 = tpu.vector_load_idx %gather3A_1648[%or3A_1620] : memref<160xf32, #tpu.memory_space<vmem>>[vector<16xi32>], vector<16xf32>,
      %mul3A_1650 = arith.constant 16 : i32
      %mul3A_1651 = arith.muli %scan3A_717, %mul3A_1650 : i32
      %swap3A_1652 = arith.constant 0 : i32
      %swap3A_1653 = arith.constant 2 : i32
      %swap3A_1654 = arith.constant 6 : i32
      %swap3A_1655 = arith.index_cast %swap3A_1652 : i32 to index
      %swap3A_1656 = arith.index_cast %swap3A_1653 : i32 to index
      %swap3A_1657 = arith.index_cast %swap3A_1654 : i32 to index
      %swap3A_1658 = arith.index_cast %mul3A_1651 : i32 to index
      %swap3A_1659 = tpu.vector_load %arg8[%swap3A_1655, %swap3A_1656, %swap3A_1657, %swap3A_1658] {strides = array<i32>} : memref<2x10x8x512xf32, #tpu.memory_space<vmem>>, vector<16xf32>,
      tpu.vector_store %arg8[%swap3A_1655, %swap3A_1656, %swap3A_1657, %swap3A_1658], %gather3A_1507 {strides = array<i32>} : memref<2x10x8x512xf32, #tpu.memory_space<vmem>>, vector<16xf32>,
      %gather3A_1660 = arith.constant 480 : i32
      %gather3A_1661 = tpu.memref_slice %arg6[%gather3A_1660] : memref<1600xf32, #tpu.memory_space<vmem>> -> memref<160xf32, #tpu.memory_space<vmem>>
      %gather3A_1662 = tpu.vector_load_idx %gather3A_1661[%or3A_1620] : memref<160xf32, #tpu.memory_space<vmem>>[vector<16xi32>], vector<16xf32>,
      %mul3A_1663 = arith.constant 16 : i32
      %mul3A_1664 = arith.muli %scan3A_717, %mul3A_1663 : i32
      %swap3A_1665 = arith.constant 0 : i32
      %swap3A_1666 = arith.constant 3 : i32
      %swap3A_1667 = arith.constant 6 : i32
      %swap3A_1668 = arith.index_cast %swap3A_1665 : i32 to index
      %swap3A_1669 = arith.index_cast %swap3A_1666 : i32 to index
      %swap3A_1670 = arith.index_cast %swap3A_1667 : i32 to index
      %swap3A_1671 = arith.index_cast %mul3A_1664 : i32 to index
      %swap3A_1672 = tpu.vector_load %arg8[%swap3A_1668, %swap3A_1669, %swap3A_1670, %swap3A_1671] {strides = array<i32>} : memref<2x10x8x512xf32, #tpu.memory_space<vmem>>, vector<16xf32>,
      tpu.vector_store %arg8[%swap3A_1668, %swap3A_1669, %swap3A_1670, %swap3A_1671], %gather3A_1520 {strides = array<i32>} : memref<2x10x8x512xf32, #tpu.memory_space<vmem>>, vector<16xf32>,
      %gather3A_1673 = arith.constant 640 : i32
      %gather3A_1674 = tpu.memref_slice %arg6[%gather3A_1673] : memref<1600xf32, #tpu.memory_space<vmem>> -> memref<160xf32, #tpu.memory_space<vmem>>
      %gather3A_1675 = tpu.vector_load_idx %gather3A_1674[%or3A_1620] : memref<160xf32, #tpu.memory_space<vmem>>[vector<16xi32>], vector<16xf32>,
      %mul3A_1676 = arith.constant 16 : i32
      %mul3A_1677 = arith.muli %scan3A_717, %mul3A_1676 : i32
      %swap3A_1678 = arith.constant 0 : i32
      %swap3A_1679 = arith.constant 4 : i32
      %swap3A_1680 = arith.constant 6 : i32
      %swap3A_1681 = arith.index_cast %swap3A_1678 : i32 to index
      %swap3A_1682 = arith.index_cast %swap3A_1679 : i32 to index
      %swap3A_1683 = arith.index_cast %swap3A_1680 : i32 to index
      %swap3A_1684 = arith.index_cast %mul3A_1677 : i32 to index
      %swap3A_1685 = tpu.vector_load %arg8[%swap3A_1681, %swap3A_1682, %swap3A_1683, %swap3A_1684] {strides = array<i32>} : memref<2x10x8x512xf32, #tpu.memory_space<vmem>>, vector<16xf32>,
      tpu.vector_store %arg8[%swap3A_1681, %swap3A_1682, %swap3A_1683, %swap3A_1684], %gather3A_1533 {strides = array<i32>} : memref<2x10x8x512xf32, #tpu.memory_space<vmem>>, vector<16xf32>,
      %gather3A_1686 = arith.constant 800 : i32
      %gather3A_1687 = tpu.memref_slice %arg6[%gather3A_1686] : memref<1600xf32, #tpu.memory_space<vmem>> -> memref<160xf32, #tpu.memory_space<vmem>>
      %gather3A_1688 = tpu.vector_load_idx %gather3A_1687[%or3A_1620] : memref<160xf32, #tpu.memory_space<vmem>>[vector<16xi32>], vector<16xf32>,
      %mul3A_1689 = arith.constant 16 : i32
      %mul3A_1690 = arith.muli %scan3A_717, %mul3A_1689 : i32
      %swap3A_1691 = arith.constant 0 : i32
      %swap3A_1692 = arith.constant 5 : i32
      %swap3A_1693 = arith.constant 6 : i32
      %swap3A_1694 = arith.index_cast %swap3A_1691 : i32 to index
      %swap3A_1695 = arith.index_cast %swap3A_1692 : i32 to index
      %swap3A_1696 = arith.index_cast %swap3A_1693 : i32 to index
      %swap3A_1697 = arith.index_cast %mul3A_1690 : i32 to index
      %swap3A_1698 = tpu.vector_load %arg8[%swap3A_1694, %swap3A_1695, %swap3A_1696, %swap3A_1697] {strides = array<i32>} : memref<2x10x8x512xf32, #tpu.memory_space<vmem>>, vector<16xf32>,
      tpu.vector_store %arg8[%swap3A_1694, %swap3A_1695, %swap3A_1696, %swap3A_1697], %gather3A_1546 {strides = array<i32>} : memref<2x10x8x512xf32, #tpu.memory_space<vmem>>, vector<16xf32>,
      %gather3A_1699 = arith.constant 960 : i32
      %gather3A_1700 = tpu.memref_slice %arg6[%gather3A_1699] : memref<1600xf32, #tpu.memory_space<vmem>> -> memref<160xf32, #tpu.memory_space<vmem>>
      %gather3A_1701 = tpu.vector_load_idx %gather3A_1700[%or3A_1620] : memref<160xf32, #tpu.memory_space<vmem>>[vector<16xi32>], vector<16xf32>,
      %mul3A_1702 = arith.constant 16 : i32
      %mul3A_1703 = arith.muli %scan3A_717, %mul3A_1702 : i32
      %swap3A_1704 = arith.constant 0 : i32
      %swap3A_1705 = arith.constant 6 : i32
      %swap3A_1706 = arith.constant 6 : i32
      %swap3A_1707 = arith.index_cast %swap3A_1704 : i32 to index
      %swap3A_1708 = arith.index_cast %swap3A_1705 : i32 to index
      %swap3A_1709 = arith.index_cast %swap3A_1706 : i32 to index
      %swap3A_1710 = arith.index_cast %mul3A_1703 : i32 to index
      %swap3A_1711 = tpu.vector_load %arg8[%swap3A_1707, %swap3A_1708, %swap3A_1709, %swap3A_1710] {strides = array<i32>} : memref<2x10x8x512xf32, #tpu.memory_space<vmem>>, vector<16xf32>,
      tpu.vector_store %arg8[%swap3A_1707, %swap3A_1708, %swap3A_1709, %swap3A_1710], %gather3A_1559 {strides = array<i32>} : memref<2x10x8x512xf32, #tpu.memory_space<vmem>>, vector<16xf32>,
      %gather3A_1712 = arith.constant 1120 : i32
      %gather3A_1713 = tpu.memref_slice %arg6[%gather3A_1712] : memref<1600xf32, #tpu.memory_space<vmem>> -> memref<160xf32, #tpu.memory_space<vmem>>
      %gather3A_1714 = tpu.vector_load_idx %gather3A_1713[%or3A_1620] : memref<160xf32, #tpu.memory_space<vmem>>[vector<16xi32>], vector<16xf32>,
      %mul3A_1715 = arith.constant 16 : i32
      %mul3A_1716 = arith.muli %scan3A_717, %mul3A_1715 : i32
      %swap3A_1717 = arith.constant 0 : i32
      %swap3A_1718 = arith.constant 7 : i32
      %swap3A_1719 = arith.constant 6 : i32
      %swap3A_1720 = arith.index_cast %swap3A_1717 : i32 to index
      %swap3A_1721 = arith.index_cast %swap3A_1718 : i32 to index
      %swap3A_1722 = arith.index_cast %swap3A_1719 : i32 to index
      %swap3A_1723 = arith.index_cast %mul3A_1716 : i32 to index
      %swap3A_1724 = tpu.vector_load %arg8[%swap3A_1720, %swap3A_1721, %swap3A_1722, %swap3A_1723] {strides = array<i32>} : memref<2x10x8x512xf32, #tpu.memory_space<vmem>>, vector<16xf32>,
      tpu.vector_store %arg8[%swap3A_1720, %swap3A_1721, %swap3A_1722, %swap3A_1723], %gather3A_1572 {strides = array<i32>} : memref<2x10x8x512xf32, #tpu.memory_space<vmem>>, vector<16xf32>,
      %gather3A_1725 = arith.constant 1280 : i32
      %gather3A_1726 = tpu.memref_slice %arg6[%gather3A_1725] : memref<1600xf32, #tpu.memory_space<vmem>> -> memref<160xf32, #tpu.memory_space<vmem>>
      %gather3A_1727 = tpu.vector_load_idx %gather3A_1726[%or3A_1620] : memref<160xf32, #tpu.memory_space<vmem>>[vector<16xi32>], vector<16xf32>,
      %mul3A_1728 = arith.constant 16 : i32
      %mul3A_1729 = arith.muli %scan3A_717, %mul3A_1728 : i32
      %swap3A_1730 = arith.constant 0 : i32
      %swap3A_1731 = arith.constant 8 : i32
      %swap3A_1732 = arith.constant 6 : i32
      %swap3A_1733 = arith.index_cast %swap3A_1730 : i32 to index
      %swap3A_1734 = arith.index_cast %swap3A_1731 : i32 to index
      %swap3A_1735 = arith.index_cast %swap3A_1732 : i32 to index
      %swap3A_1736 = arith.index_cast %mul3A_1729 : i32 to index
      %swap3A_1737 = tpu.vector_load %arg8[%swap3A_1733, %swap3A_1734, %swap3A_1735, %swap3A_1736] {strides = array<i32>} : memref<2x10x8x512xf32, #tpu.memory_space<vmem>>, vector<16xf32>,
      tpu.vector_store %arg8[%swap3A_1733, %swap3A_1734, %swap3A_1735, %swap3A_1736], %gather3A_1585 {strides = array<i32>} : memref<2x10x8x512xf32, #tpu.memory_space<vmem>>, vector<16xf32>,
      %gather3A_1738 = arith.constant 1440 : i32
      %gather3A_1739 = tpu.memref_slice %arg6[%gather3A_1738] : memref<1600xf32, #tpu.memory_space<vmem>> -> memref<160xf32, #tpu.memory_space<vmem>>
      %gather3A_1740 = tpu.vector_load_idx %gather3A_1739[%or3A_1620] : memref<160xf32, #tpu.memory_space<vmem>>[vector<16xi32>], vector<16xf32>,
      %mul3A_1741 = arith.constant 16 : i32
      %mul3A_1742 = arith.muli %scan3A_717, %mul3A_1741 : i32
      %swap3A_1743 = arith.constant 0 : i32
      %swap3A_1744 = arith.constant 9 : i32
      %swap3A_1745 = arith.constant 6 : i32
      %swap3A_1746 = arith.index_cast %swap3A_1743 : i32 to index
      %swap3A_1747 = arith.index_cast %swap3A_1744 : i32 to index
      %swap3A_1748 = arith.index_cast %swap3A_1745 : i32 to index
      %swap3A_1749 = arith.index_cast %mul3A_1742 : i32 to index
      %swap3A_1750 = tpu.vector_load %arg8[%swap3A_1746, %swap3A_1747, %swap3A_1748, %swap3A_1749] {strides = array<i32>} : memref<2x10x8x512xf32, #tpu.memory_space<vmem>>, vector<16xf32>,
      tpu.vector_store %arg8[%swap3A_1746, %swap3A_1747, %swap3A_1748, %swap3A_1749], %gather3A_1598 {strides = array<i32>} : memref<2x10x8x512xf32, #tpu.memory_space<vmem>>, vector<16xf32>,
      %mul3A_1751 = arith.constant 16 : i32
      %mul3A_1752 = arith.muli %scan3A_717, %mul3A_1751 : i32
      %swap3A_1753 = arith.constant 0 : i32
      %swap3A_1754 = arith.constant 0 : i32
      %swap3A_1755 = arith.constant 7 : i32
      %swap3A_1756 = arith.index_cast %swap3A_1753 : i32 to index
      %swap3A_1757 = arith.index_cast %swap3A_1754 : i32 to index
      %swap3A_1758 = arith.index_cast %swap3A_1755 : i32 to index
      %swap3A_1759 = arith.index_cast %mul3A_1752 : i32 to index
      %swap3A_1760 = tpu.vector_load %arg8[%swap3A_1756, %swap3A_1757, %swap3A_1758, %swap3A_1759] {strides = array<i32>} : memref<2x10x8x512xf32, #tpu.memory_space<vmem>>, vector<16xf32>,
      tpu.vector_store %arg8[%swap3A_1756, %swap3A_1757, %swap3A_1758, %swap3A_1759], %gather3A_1623 {strides = array<i32>} : memref<2x10x8x512xf32, #tpu.memory_space<vmem>>, vector<16xf32>,
      %mul3A_1761 = arith.constant 16 : i32
      %mul3A_1762 = arith.muli %scan3A_717, %mul3A_1761 : i32
      %swap3A_1763 = arith.constant 0 : i32
      %swap3A_1764 = arith.constant 1 : i32
      %swap3A_1765 = arith.constant 7 : i32
      %swap3A_1766 = arith.index_cast %swap3A_1763 : i32 to index
      %swap3A_1767 = arith.index_cast %swap3A_1764 : i32 to index
      %swap3A_1768 = arith.index_cast %swap3A_1765 : i32 to index
      %swap3A_1769 = arith.index_cast %mul3A_1762 : i32 to index
      %swap3A_1770 = tpu.vector_load %arg8[%swap3A_1766, %swap3A_1767, %swap3A_1768, %swap3A_1769] {strides = array<i32>} : memref<2x10x8x512xf32, #tpu.memory_space<vmem>>, vector<16xf32>,
      tpu.vector_store %arg8[%swap3A_1766, %swap3A_1767, %swap3A_1768, %swap3A_1769], %gather3A_1636 {strides = array<i32>} : memref<2x10x8x512xf32, #tpu.memory_space<vmem>>, vector<16xf32>,
      %mul3A_1771 = arith.constant 16 : i32
      %mul3A_1772 = arith.muli %scan3A_717, %mul3A_1771 : i32
      %swap3A_1773 = arith.constant 0 : i32
      %swap3A_1774 = arith.constant 2 : i32
      %swap3A_1775 = arith.constant 7 : i32
      %swap3A_1776 = arith.index_cast %swap3A_1773 : i32 to index
      %swap3A_1777 = arith.index_cast %swap3A_1774 : i32 to index
      %swap3A_1778 = arith.index_cast %swap3A_1775 : i32 to index
      %swap3A_1779 = arith.index_cast %mul3A_1772 : i32 to index
      %swap3A_1780 = tpu.vector_load %arg8[%swap3A_1776, %swap3A_1777, %swap3A_1778, %swap3A_1779] {strides = array<i32>} : memref<2x10x8x512xf32, #tpu.memory_space<vmem>>, vector<16xf32>,
      tpu.vector_store %arg8[%swap3A_1776, %swap3A_1777, %swap3A_1778, %swap3A_1779], %gather3A_1649 {strides = array<i32>} : memref<2x10x8x512xf32, #tpu.memory_space<vmem>>, vector<16xf32>,
      %mul3A_1781 = arith.constant 16 : i32
      %mul3A_1782 = arith.muli %scan3A_717, %mul3A_1781 : i32
      %swap3A_1783 = arith.constant 0 : i32
      %swap3A_1784 = arith.constant 3 : i32
      %swap3A_1785 = arith.constant 7 : i32
      %swap3A_1786 = arith.index_cast %swap3A_1783 : i32 to index
      %swap3A_1787 = arith.index_cast %swap3A_1784 : i32 to index
      %swap3A_1788 = arith.index_cast %swap3A_1785 : i32 to index
      %swap3A_1789 = arith.index_cast %mul3A_1782 : i32 to index
      %swap3A_1790 = tpu.vector_load %arg8[%swap3A_1786, %swap3A_1787, %swap3A_1788, %swap3A_1789] {strides = array<i32>} : memref<2x10x8x512xf32, #tpu.memory_space<vmem>>, vector<16xf32>,
      tpu.vector_store %arg8[%swap3A_1786, %swap3A_1787, %swap3A_1788, %swap3A_1789], %gather3A_1662 {strides = array<i32>} : memref<2x10x8x512xf32, #tpu.memory_space<vmem>>, vector<16xf32>,
      %mul3A_1791 = arith.constant 16 : i32
      %mul3A_1792 = arith.muli %scan3A_717, %mul3A_1791 : i32
      %swap3A_1793 = arith.constant 0 : i32
      %swap3A_1794 = arith.constant 4 : i32
      %swap3A_1795 = arith.constant 7 : i32
      %swap3A_1796 = arith.index_cast %swap3A_1793 : i32 to index
      %swap3A_1797 = arith.index_cast %swap3A_1794 : i32 to index
      %swap3A_1798 = arith.index_cast %swap3A_1795 : i32 to index
      %swap3A_1799 = arith.index_cast %mul3A_1792 : i32 to index
      %swap3A_1800 = tpu.vector_load %arg8[%swap3A_1796, %swap3A_1797, %swap3A_1798, %swap3A_1799] {strides = array<i32>} : memref<2x10x8x512xf32, #tpu.memory_space<vmem>>, vector<16xf32>,
      tpu.vector_store %arg8[%swap3A_1796, %swap3A_1797, %swap3A_1798, %swap3A_1799], %gather3A_1675 {strides = array<i32>} : memref<2x10x8x512xf32, #tpu.memory_space<vmem>>, vector<16xf32>,
      %mul3A_1801 = arith.constant 16 : i32
      %mul3A_1802 = arith.muli %scan3A_717, %mul3A_1801 : i32
      %swap3A_1803 = arith.constant 0 : i32
      %swap3A_1804 = arith.constant 5 : i32
      %swap3A_1805 = arith.constant 7 : i32
      %swap3A_1806 = arith.index_cast %swap3A_1803 : i32 to index
      %swap3A_1807 = arith.index_cast %swap3A_1804 : i32 to index
      %swap3A_1808 = arith.index_cast %swap3A_1805 : i32 to index
      %swap3A_1809 = arith.index_cast %mul3A_1802 : i32 to index
      %swap3A_1810 = tpu.vector_load %arg8[%swap3A_1806, %swap3A_1807, %swap3A_1808, %swap3A_1809] {strides = array<i32>} : memref<2x10x8x512xf32, #tpu.memory_space<vmem>>, vector<16xf32>,
      tpu.vector_store %arg8[%swap3A_1806, %swap3A_1807, %swap3A_1808, %swap3A_1809], %gather3A_1688 {strides = array<i32>} : memref<2x10x8x512xf32, #tpu.memory_space<vmem>>, vector<16xf32>,
      %mul3A_1811 = arith.constant 16 : i32
      %mul3A_1812 = arith.muli %scan3A_717, %mul3A_1811 : i32
      %swap3A_1813 = arith.constant 0 : i32
      %swap3A_1814 = arith.constant 6 : i32
      %swap3A_1815 = arith.constant 7 : i32
      %swap3A_1816 = arith.index_cast %swap3A_1813 : i32 to index
      %swap3A_1817 = arith.index_cast %swap3A_1814 : i32 to index
      %swap3A_1818 = arith.index_cast %swap3A_1815 : i32 to index
      %swap3A_1819 = arith.index_cast %mul3A_1812 : i32 to index
      %swap3A_1820 = tpu.vector_load %arg8[%swap3A_1816, %swap3A_1817, %swap3A_1818, %swap3A_1819] {strides = array<i32>} : memref<2x10x8x512xf32, #tpu.memory_space<vmem>>, vector<16xf32>,
      tpu.vector_store %arg8[%swap3A_1816, %swap3A_1817, %swap3A_1818, %swap3A_1819], %gather3A_1701 {strides = array<i32>} : memref<2x10x8x512xf32, #tpu.memory_space<vmem>>, vector<16xf32>,
      %mul3A_1821 = arith.constant 16 : i32
      %mul3A_1822 = arith.muli %scan3A_717, %mul3A_1821 : i32
      %swap3A_1823 = arith.constant 0 : i32
      %swap3A_1824 = arith.constant 7 : i32
      %swap3A_1825 = arith.constant 7 : i32
      %swap3A_1826 = arith.index_cast %swap3A_1823 : i32 to index
      %swap3A_1827 = arith.index_cast %swap3A_1824 : i32 to index
      %swap3A_1828 = arith.index_cast %swap3A_1825 : i32 to index
      %swap3A_1829 = arith.index_cast %mul3A_1822 : i32 to index
      %swap3A_1830 = tpu.vector_load %arg8[%swap3A_1826, %swap3A_1827, %swap3A_1828, %swap3A_1829] {strides = array<i32>} : memref<2x10x8x512xf32, #tpu.memory_space<vmem>>, vector<16xf32>,
      tpu.vector_store %arg8[%swap3A_1826, %swap3A_1827, %swap3A_1828, %swap3A_1829], %gather3A_1714 {strides = array<i32>} : memref<2x10x8x512xf32, #tpu.memory_space<vmem>>, vector<16xf32>,
      %mul3A_1831 = arith.constant 16 : i32
      %mul3A_1832 = arith.muli %scan3A_717, %mul3A_1831 : i32
      %swap3A_1833 = arith.constant 0 : i32
      %swap3A_1834 = arith.constant 8 : i32
      %swap3A_1835 = arith.constant 7 : i32
      %swap3A_1836 = arith.index_cast %swap3A_1833 : i32 to index
      %swap3A_1837 = arith.index_cast %swap3A_1834 : i32 to index
      %swap3A_1838 = arith.index_cast %swap3A_1835 : i32 to index
      %swap3A_1839 = arith.index_cast %mul3A_1832 : i32 to index
      %swap3A_1840 = tpu.vector_load %arg8[%swap3A_1836, %swap3A_1837, %swap3A_1838, %swap3A_1839] {strides = array<i32>} : memref<2x10x8x512xf32, #tpu.memory_space<vmem>>, vector<16xf32>,
      tpu.vector_store %arg8[%swap3A_1836, %swap3A_1837, %swap3A_1838, %swap3A_1839], %gather3A_1727 {strides = array<i32>} : memref<2x10x8x512xf32, #tpu.memory_space<vmem>>, vector<16xf32>,
      %mul3A_1841 = arith.constant 16 : i32
      %mul3A_1842 = arith.muli %scan3A_717, %mul3A_1841 : i32
      %swap3A_1843 = arith.constant 0 : i32
      %swap3A_1844 = arith.constant 9 : i32
      %swap3A_1845 = arith.constant 7 : i32
      %swap3A_1846 = arith.index_cast %swap3A_1843 : i32 to index
      %swap3A_1847 = arith.index_cast %swap3A_1844 : i32 to index
      %swap3A_1848 = arith.index_cast %swap3A_1845 : i32 to index
      %swap3A_1849 = arith.index_cast %mul3A_1842 : i32 to index
      %swap3A_1850 = tpu.vector_load %arg8[%swap3A_1846, %swap3A_1847, %swap3A_1848, %swap3A_1849] {strides = array<i32>} : memref<2x10x8x512xf32, #tpu.memory_space<vmem>>, vector<16xf32>,
      tpu.vector_store %arg8[%swap3A_1846, %swap3A_1847, %swap3A_1848, %swap3A_1849], %gather3A_1740 {strides = array<i32>} : memref<2x10x8x512xf32, #tpu.memory_space<vmem>>, vector<16xf32>,
    }
    %scan3A_665 = arith.constant 32 : i32
    %dma_start3A_666 = arith.constant 0 : i32
    %dma_start3A_667 = arith.constant 0 : i32
    %dma_start3A_668 = arith.constant 0 : i32
    %dma_start3A_669 = arith.constant 0 : i32
    %dma_start3A_670 = tpu.memref_slice %arg8[%dma_start3A_666, %dma_start3A_667, %dma_start3A_668, %dma_start3A_669] : memref<2x10x8x512xf32, #tpu.memory_space<vmem>> -> memref<1x10x8x512xf32, #tpu.memory_space<vmem>>
    %dma_start3A_671 = tpu.memref_squeeze %dma_start3A_670 : memref<1x10x8x512xf32, #tpu.memory_space<vmem>> -> memref<10x8x512xf32, #tpu.memory_space<vmem>>
    %dma_start3A_672 = arith.constant 0 : i32
    %dma_start3A_673 = arith.constant 192 : i32
    %dma_start3A_674 = tpu.memref_slice %arg4[%dma_start3A_672, %dma_start3A_673, %mul3A_2] : memref<10x200x16384xf32, #tpu.memory_space<hbm>> -> memref<10x8x512xf32, #tpu.memory_space<hbm>>
    %dma_start3A_675 = arith.constant 0 : i32
    %dma_start3A_676 = arith.constant 192 : i32
    %dma_start3A_677 = tpu.memref_slice %arg4[%dma_start3A_675, %dma_start3A_676, %mul3A_2] : memref<10x200x16384xf32, #tpu.memory_space<hbm>> -> memref<10x8x512xf32, #tpu.memory_space<hbm>>
    %dma_start3A_678 = arith.constant 0 : i32
    %dma_start3A_679 = arith.constant 0 : i32
    %dma_start3A_680 = arith.constant 0 : i32
    %dma_start3A_681 = tpu.memref_slice %arg8[%dma_start3A_666, %dma_start3A_678, %dma_start3A_679, %dma_start3A_680] : memref<2x10x8x512xf32, #tpu.memory_space<vmem>> -> memref<1x10x8x512xf32, #tpu.memory_space<vmem>>
    %dma_start3A_682 = tpu.memref_squeeze %dma_start3A_681 : memref<1x10x8x512xf32, #tpu.memory_space<vmem>> -> memref<10x8x512xf32, #tpu.memory_space<vmem>>
    tpu.enqueue_dma source(%dma_start3A_682 : memref<10x8x512xf32, #tpu.memory_space<vmem>>) target(%dma_start3A_677 : memref<10x8x512xf32, #tpu.memory_space<hbm>>) target_semaphore(%arg11 : memref<!tpu.dma_semaphore, #tpu.memory_space<semaphore_mem>>)
    %dma_wait3A_683 = arith.constant 0 : i32
    %dma_wait3A_684 = arith.constant 0 : i32
    %dma_wait3A_685 = arith.constant 0 : i32
    %dma_wait3A_686 = arith.constant 0 : i32
    %dma_wait3A_687 = tpu.memref_slice %arg8[%dma_wait3A_683, %dma_wait3A_684, %dma_wait3A_685, %dma_wait3A_686] : memref<2x10x8x512xf32, #tpu.memory_space<vmem>> -> memref<1x10x8x512xf32, #tpu.memory_space<vmem>>
    %dma_wait3A_688 = tpu.memref_squeeze %dma_wait3A_687 : memref<1x10x8x512xf32, #tpu.memory_space<vmem>> -> memref<10x8x512xf32, #tpu.memory_space<vmem>>
    %dma_wait3A_689 = arith.constant 0 : i32
    %dma_wait3A_690 = arith.constant 0 : i32
    %dma_wait3A_691 = tpu.memref_slice %arg4[%dma_wait3A_689, %dma_wait3A_690, %mul3A_2] : memref<10x200x16384xf32, #tpu.memory_space<hbm>> -> memref<10x8x512xf32, #tpu.memory_space<hbm>>
    %dma_wait3A_692 = arith.constant 0 : i32
    %dma_wait3A_693 = arith.constant 0 : i32
    %dma_wait3A_694 = tpu.memref_slice %arg4[%dma_wait3A_692, %dma_wait3A_693, %mul3A_2] : memref<10x200x16384xf32, #tpu.memory_space<hbm>> -> memref<10x8x512xf32, #tpu.memory_space<hbm>>
    %dma_wait3A_695 = arith.constant 0 : i32
    %dma_wait3A_696 = arith.constant 0 : i32
    %dma_wait3A_697 = arith.constant 0 : i32
    %dma_wait3A_698 = tpu.memref_slice %arg8[%dma_wait3A_683, %dma_wait3A_695, %dma_wait3A_696, %dma_wait3A_697] : memref<2x10x8x512xf32, #tpu.memory_space<vmem>> -> memref<1x10x8x512xf32, #tpu.memory_space<vmem>>
    %dma_wait3A_699 = tpu.memref_squeeze %dma_wait3A_698 : memref<1x10x8x512xf32, #tpu.memory_space<vmem>> -> memref<10x8x512xf32, #tpu.memory_space<vmem>>
    tpu.wait_dma2 semaphore(%arg11 : memref<!tpu.dma_semaphore, #tpu.memory_space<semaphore_mem>>) src(%dma_wait3A_699 : memref<10x8x512xf32, #tpu.memory_space<vmem>>) dst(%dma_wait3A_694 : memref<10x8x512xf32, #tpu.memory_space<hbm>>)
    %dma_wait3A_700 = arith.constant 1 : i32
    %dma_wait3A_701 = arith.constant 0 : i32
    %dma_wait3A_702 = arith.constant 0 : i32
    %dma_wait3A_703 = arith.constant 0 : i32
    %dma_wait3A_704 = tpu.memref_slice %arg8[%dma_wait3A_700, %dma_wait3A_701, %dma_wait3A_702, %dma_wait3A_703] : memref<2x10x8x512xf32, #tpu.memory_space<vmem>> -> memref<1x10x8x512xf32, #tpu.memory_space<vmem>>
    %dma_wait3A_705 = tpu.memref_squeeze %dma_wait3A_704 : memref<1x10x8x512xf32, #tpu.memory_space<vmem>> -> memref<10x8x512xf32, #tpu.memory_space<vmem>>
    %dma_wait3A_706 = arith.constant 0 : i32
    %dma_wait3A_707 = arith.constant 0 : i32
    %dma_wait3A_708 = tpu.memref_slice %arg4[%dma_wait3A_706, %dma_wait3A_707, %mul3A_2] : memref<10x200x16384xf32, #tpu.memory_space<hbm>> -> memref<10x8x512xf32, #tpu.memory_space<hbm>>
    %dma_wait3A_709 = arith.constant 0 : i32
    %dma_wait3A_710 = arith.constant 0 : i32
    %dma_wait3A_711 = tpu.memref_slice %arg4[%dma_wait3A_709, %dma_wait3A_710, %mul3A_2] : memref<10x200x16384xf32, #tpu.memory_space<hbm>> -> memref<10x8x512xf32, #tpu.memory_space<hbm>>
    %dma_wait3A_712 = arith.constant 0 : i32
    %dma_wait3A_713 = arith.constant 0 : i32
    %dma_wait3A_714 = arith.constant 0 : i32
    %dma_wait3A_715 = tpu.memref_slice %arg8[%dma_wait3A_700, %dma_wait3A_712, %dma_wait3A_713, %dma_wait3A_714] : memref<2x10x8x512xf32, #tpu.memory_space<vmem>> -> memref<1x10x8x512xf32, #tpu.memory_space<vmem>>
    %dma_wait3A_716 = tpu.memref_squeeze %dma_wait3A_715 : memref<1x10x8x512xf32, #tpu.memory_space<vmem>> -> memref<10x8x512xf32, #tpu.memory_space<vmem>>
    tpu.wait_dma2 semaphore(%arg12 : memref<!tpu.dma_semaphore, #tpu.memory_space<semaphore_mem>>) src(%dma_wait3A_716 : memref<10x8x512xf32, #tpu.memory_space<vmem>>) dst(%dma_wait3A_711 : memref<10x8x512xf32, #tpu.memory_space<hbm>>)
    return
  }
}

</mosaic_0001>

<sc_bundles>
// kernel: kernel.3.cloned.1.call-start
scs
__scs_entry_jumppad:
0x0: {  	(pc) =	sbr.rel $0x88, $3  }
0x1: {  	(tag) =	ssettag $0x0;
	lr =	simm.s32 $0x1  }
0x2: {  	[smem:$0x3F9F] =	sst lr;
	_ =	strace $0xD0000000  }
0x3: {  	_ = 	snop  }
0x4: {  	_ = 	snop  }
0x5: {  	_ = 	snop  }
0x6: {  	_ = 	snop  }
0x7: {  	_ = 	snop  }
__scs_overlays_trampoline_lowered:
0x8: {  	[smem:$0x3FAE] =	sst s0  }
0x9: {  	[smem:$0x3FAF] =	sst s1  }
0xa: {  	[smem:$0x3FB0] =	sst s2  }
0xb: {  	[smem:$0x3FB1] =	sst s3  }
0xc: {  	[smem:$0x3FB2] =	sst s4  }
0xd: {  	[smem:$0x3FB3] =	sst s5  }
0xe: {  	[smem:$0x3FB4] =	sst s6  }
0xf: {  	[smem:$0x3FB5] =	sst s7  }
0x10: {  	[smem:$0x3FB6] =	sst s8  }
0x11: {  	[smem:$0x3FB7] =	sst s9;
	s0 =	simm.s32 @!p0 $0x0  }
0x12: {  	s1 =	sld [smem:$0x3F9D];
	s0 =	simm.s32 @p0 $0x1  }
0x13: {  	[smem:$0x3FB8] =	sst s0;
	s0 =	simm.s32 @!p1 $0x0  }
0x14: {  	s2 =	sld [smem:$0x3F9C];
	s0 =	simm.s32 @p1 $0x1  }
0x15: {  	[smem:$0x3FB9] =	sst s0;
	s0 =	simm.s32 @!p2 $0x0  }
0x16: {  	s3 =	sld [smem:$0x3FDB];
	s0 =	simm.s32 @p2 $0x1  }
0x17: {  	s4 =	simm.s32 $0x1BF5;
	[smem:$0x3FBB] =	sst s0  }
0x18: {  	s0 =	sld [smem:$0x3F9E];
	_ =	swait.ge [sflag:s4], $0x0  }
0x19: {  	s7 =	sld [smem:$0x3F9F]  }
0x1a: {  	s8 =	sadd.s32 $0xFFFFE003, lr  }
0x1b: {  	s9 =	sadd.s32 $0xFFFFFEF7, lr;
	s5 =	simm.s32 $0xFFFFFFFF;
	p2 =	slt.u32 s8, $0xFFFFF086  }
0x1c: {  	p1 =	slt.u32 s9, $0xF7A;
	s5 =	simm.s32 @!p2 $0x0  }
0x1d: {  	s5 =	simm.s32 @p1 $0x1;
	p0 =	seq.s32 s7, s2  }
0x1e: {  	s7 =	smul.u32 @!p0 $0xF7A, s2;
	p2 =	seq.s32 @!p0 s5, $0x0  }
0x1f: {  	s9 =	smul.u32 $0xF7A, s1;
	s8 =	simm.s32 @!p0 $0x1BF5;
	p2 =	por !p2, p0  }
0x20: {  	[sflag:s8] =	ssyncset.s32 @!p0 $0xFFFFF086;
	s6 =	sadd.s32 @!p0 s3, s7;
	s7 =	simm.s32 @!p0 $0x108  }
0x21: {  	s3 =	sadd.s32 s3, s9;
	s6 =	sadd.s32 @!p0 $0x88, s6;
	s7 =	simm.s32 @p2 $0x1082  }
0x22: {  	[simem:s7], [sflag:s8] =	dma.local @!p0 [hbm:s6], $0xF7A  }
0x23: {  	s9 =	sor.u32 $0xD0000000, s2;
	s6 =	simm.s32 $0x108;
	_ =	swait.ge @!p0 [sflag:s8], $0x0  }
0x24: {  	s3 =	sadd.s32 $0x88, s3;
	s6 =	simm.s32 @!p1 $0x1082;
	[sflag:s4] =	ssyncset.s32 $0xFFFFF086  }
0x25: {  	[simem:s6], [sflag:s4] =	dma.local [hbm:s3], $0xF7A  }
0x26: {  	[smem:$0x3F9F] =	sst s1;
	(tag) =	ssettag s2;
	_ =	strace s9  }
0x27: {  	s1 =	sld [smem:$0x3FAF]  }
0x28: {  	s2 =	sld [smem:$0x3FB0]  }
0x29: {  	s4 =	sld [smem:$0x3FB2]  }
0x2a: {  	p0 =	seq.s32 s5, $0x0;
	s5 =	sld [smem:$0x3FB3]  }
0x2b: {  	s6 =	sld [smem:$0x3FB4]  }
0x2c: {  	s7 =	sld [smem:$0x3FB5]  }
0x2d: {  	s3 =	simm.s32 $0x108;
	s8 =	sld [smem:$0x3FB6]  }
0x2e: {  	s3 =	simm.s32 @!p0 $0x1082;
	s9 =	sld [smem:$0x3FB7]  }
0x2f: {  	lr =	sadd.s32 s0, s3;
	s0 =	sld [smem:$0x3FAE]  }
0x30: {  	s3 =	sld [smem:$0x3FB1]  }
0x31: {  	[smem:$0x3FBA] =	sst s10  }
0x32: {  	s10 =	sld [smem:$0x3FB8];
	_ =	sdelay $0x3  }
0x33: {  	p0 =	seq.s32 s10, $0x1;
	s10 =	sld [smem:$0x3FBA];
	_ =	sdelay $0x3  }
0x34: {  	[smem:$0x3FBA] =	sst s10  }
0x35: {  	s10 =	sld [smem:$0x3FB9];
	_ =	sdelay $0x3  }
0x36: {  	p1 =	seq.s32 s10, $0x1;
	s10 =	sld [smem:$0x3FBA];
	_ =	sdelay $0x3  }
0x37: {  	[smem:$0x3FBA] =	sst s10  }
0x38: {  	s10 =	sld [smem:$0x3FBB]  }
0x39: {  	_ = 	snop;
	(pc) =	sbr.ind lr, $3  }
0x3a: {  	_ = 	snop  }
0x3b: {  	_ = 	snop  }
0x3c: {  	p2 =	seq.s32 s10, $0x1;
	s10 =	sld [smem:$0x3FBA]  }
0x3d: {  	_ =	shalt  }
0x3e: {  	_ =	shalt  }
0x3f: {  	_ =	shalt  }
0x40: {  	_ =	shalt  }
0x41: {  	_ =	shalt  }
0x42: {  	_ =	shalt  }
0x43: {  	_ =	shalt  }
0x44: {  	_ =	shalt  }
0x45: {  	_ =	shalt  }
0x46: {  	_ =	shalt  }
0x47: {  	_ =	shalt  }
0x48: {  	_ =	shalt  }
0x49: {  	_ =	shalt  }
0x4a: {  	_ =	shalt  }
0x4b: {  	_ =	shalt  }
0x4c: {  	_ =	shalt  }
0x4d: {  	_ =	shalt  }
0x4e: {  	_ =	shalt  }
0x4f: {  	_ =	shalt  }
0x50: {  	_ =	shalt  }
0x51: {  	_ =	shalt  }
0x52: {  	_ =	shalt  }
0x53: {  	_ =	shalt  }
0x54: {  	_ =	shalt  }
0x55: {  	_ =	shalt  }
0x56: {  	_ =	shalt  }
0x57: {  	_ =	shalt  }
0x58: {  	_ =	shalt  }
0x59: {  	_ =	shalt  }
0x5a: {  	_ =	shalt  }
0x5b: {  	_ =	shalt  }
0x5c: {  	_ =	shalt  }
0x5d: {  	_ =	shalt  }
0x5e: {  	_ =	shalt  }
0x5f: {  	_ =	shalt  }
0x60: {  	_ =	shalt  }
0x61: {  	_ =	shalt  }
0x62: {  	_ =	shalt  }
0x63: {  	_ =	shalt  }
0x64: {  	_ =	shalt  }
0x65: {  	_ =	shalt  }
0x66: {  	_ =	shalt  }
0x67: {  	_ =	shalt  }
0x68: {  	_ =	shalt  }
0x69: {  	_ =	shalt  }
0x6a: {  	_ =	shalt  }
0x6b: {  	_ =	shalt  }
0x6c: {  	_ =	shalt  }
0x6d: {  	_ =	shalt  }
0x6e: {  	_ =	shalt  }
0x6f: {  	_ =	shalt  }
0x70: {  	_ =	shalt  }
0x71: {  	_ =	shalt  }
0x72: {  	_ =	shalt  }
0x73: {  	_ =	shalt  }
0x74: {  	_ =	shalt  }
0x75: {  	_ =	shalt  }
0x76: {  	_ =	shalt  }
0x77: {  	_ =	shalt  }
0x78: {  	_ =	shalt  }
0x79: {  	_ =	shalt  }
0x7a: {  	_ =	shalt  }
0x7b: {  	_ =	shalt  }
0x7c: {  	_ =	shalt  }
0x7d: {  	_ =	shalt  }
0x7e: {  	_ =	shalt  }
0x7f: {  	_ =	shalt  }
0x80: {  	_ =	shalt  }
0x81: {  	_ =	shalt  }
0x82: {  	_ =	shalt  }
0x83: {  	_ =	shalt  }
0x84: {  	_ =	shalt  }
0x85: {  	_ =	shalt  }
0x86: {  	_ =	shalt  }
0x87: {  	_ =	shalt  }
.Lfunc_end0:
.L_simem_size_0:
called_computation_lowered:
.L_overlay_start_0:
0x88: {  	s2 =	sld [smem:$0x3FD9]  }
0x89: {  	s3 =	sld [smem:$0x3FFE];
	_ =	sdelay $0x1  }
0x8a: {  	s1 =	srdreg.scid  }
0x8b: {  	s0 =	sand.u32 $0x1, s1  }
0x8c: {  	s17 =	sshll.u32 s0, $0xA;
	s2 =	sadd.s32 s3, s2  }
0x8d: {  	s2 =	sadd.s32 s2, s17  }
0x8e: {  	[smem:$0x3FC6] =	sst s2  }
0x8f: {  	_ = 	snop  }
0x90: {  	s2 =	sld [smem:$0x3FC9]  }
0x91: {  	s18 =	sld [smem:$0x3FD0];
	(tm) =	ssettm $0x1  }
0x92: {  	s4 =	sld [smem:$0x3FFB];
	_ =	sdelay $0x3  }
0x93: {  	_ =	strace s4  }
0x94: {  	s4 =	sld [smem:$0x3FFC];
	_ =	sdelay $0x3  }
0x95: {  	_ =	strace s4  }
0x96: {  	s4 =	sld [smem:$0x3FFD];
	_ =	sdelay $0x3  }
0x97: {  	_ =	strace s4  }
0x98: {  	_ =	strace $0x8FFFFFFF  }
0x99: {  	s19 =	sld [smem:$0x3FDB];
	_ =	sdelay $0x1  }
0x9a: {  	s5 =	simm.s32 $_scs_section_size  }
0x9b: {  	s6 =	simm.s32 $_size__tile_overlayer_lowered;
	s7 =	simm.s32 $_tile_overlayer_lowered  }
0x9c: {  	s22 =	simm.s32 $0x1BFF;
	s21 =	sshll.u32 s7, $0x1;
	s4 =	sadd.s32 s5, s19  }
0x9d: {  	s8 =	simm.s32 $0x0;
	s20 =	sshll.u32 s6, $0x1;
	s6 =	sadd.s32 s21, s4  }
0x9e: {  	[timem:s8], [sflag:s22] =	dma.local [hbm:s6], s20  }
0x9f: {  	_ =	swait.ge [sflag:s22], s20  }
0xa0: {  	s5 =	ssub.s32 $0x0, s20;
	[sflag:s22] =	ssyncset.done $0x0  }
0xa1: {  	[sflag:s22] =	ssyncadd.s32 s5;
	_ =	sdelay $0x1  }
0xa2: {  	s23 =	simm.s32 $0x1B8B  }
0xa3: {  	_ =	swait.ge [sflag:s23], $0x1  }
0xa4: {  	[sflag:s23] =	ssyncset.done $0x0  }
0xa5: {  	s25 =	simm.s32 $0x1B8E;
	s24 =	sld [smem:$0x3FFE];
	[sflag:s23] =	ssyncadd.s32 $0xFFFFFFFF  }
0xa6: {  	s26 =	simm.s32 $execute0_lowered;
	[smem:$0x3FD2] =	sst s25  }
0xa7: {  	s6 =	sshll.u32 s26, $0x1;
	_ =	strace $0x80000046;
	[dreg:$0x1] =	wrdreg $0xFFFFFFFF  }
0xa8: {  	s28 =	simm.s32 $_size_execute0_lowered;
	s4 =	sadd.s32 s4, s6;
	[dreg:$0x0] =	wrdreg $0x0  }
0xa9: {  	s6 =	sshll.u32 s28, $0x1;
	[dreg:$0x2] =	wrdreg s4  }
0xaa: {  	[dreg:$0x3] =	wrdreg s6  }
0xab: {  	[dreg:$0x4] =	wrdreg $0xC0  }
0xac: {  	_ =	task [dreg:s8], $0x5FFFF  }
0xad: {  	[dreg:$0x1] =	wrdreg $0xFFFFFFFF  }
0xae: {  	[dreg:$0x0] =	wrdreg $0x60  }
0xaf: {  	[dreg:$0x2] =	wrdreg s2  }
0xb0: {  	[dreg:$0x3] =	wrdreg s24  }
0xb1: {  	[dreg:$0x4] =	wrdreg s18  }
0xb2: {  	[dreg:$0x5] =	wrdreg $0x9  }
0xb3: {  	_ =	task.clear_ibuf [dreg:s8], $0x6FFFF;
	_ =	strace $0x90000046  }
0xb4: {  	s29 =	simm.s32 $0x9;
	_ =	strace $0x80000048  }
0xb5: {  	_ =	swait.ge [sflag:s29], $0x1  }
0xb6: {  	[sflag:s29] =	ssyncadd.s32 $0xFFFFFFFF  }
0xb7: {  	_ =	strace $0x90000048  }
0xb8: {  	_ =	sfence  }
0xb9: {  	s30 =	sld [smem:$0x0];
	_ =	sdelay $0x2  }
0xba: {  	s31 =	sshll.u32 s1, $0xD;
	s1 =	sshrl.u32 s1, $0x2  }
0xbb: {  	s3 =	sand.u32 $0x4000, s31;
	s1 =	sadd.s32 s1, s30  }
0xbc: {  	s0 =	sor.u32 s3, s0;
	s1 =	sshll.u32 s1, $0x11  }
0xbd: {  	s0 =	sor.u32 s1, s0  }
0xbe: {  	s0 =	sadd.s32 $0x8F2B, s0  }
0xbf: {  	[sflag:s0] =	ssyncadd.remote.s32 $0x1  }
0xc0: {  	_ =	sfence.sel $0xFFFF  }
0xc1: {  	[dreg:$0x0] =	wrdreg $0xFFFFFFFF;
	(pc) =	sbr.abs _section_cstart, $3  }
0xc2: {  	[dreg:$0x1] =	wrdreg $0xFFFFFFFF  }
0xc3: {  	_ =	task.clear_ibuf [dreg:s8], $0x2FFFF;
	_ =	strace $0x9FFFFFFF  }
0xc4: {  	(tm) =	ssettm $0x7FFFFFFF  }
0xc5: {  	_ =	shalt  }
tec
execute0_lowered:
.L_overlay_start_1:
0x0: {  	(tag) =	ssettag $0x1  }
0x1: {  	s1 =	rddreg [dreg:$0x0]  }
0x2: {  	s0 =	rddreg [dreg:$0x1]  }
0x3: {  	s2 =	rddreg [dreg:$0x2]  }
0x4: {  	s4 =	simm.s32 $0x0;
	s3 =	srdreg.scid;
	s5 =	stileid.u32  }
0x5: {  	s12 =	simm.s32 $0x700;
	s13 =	simm.s32 $0x1700;
	s14 =	simm.s32 $0x1  }
0x6: {  	s15 =	simm.s32 $0x80;
	s16 =	simm.s32 $0x120;
	s17 =	simm.s32 $0x1C0  }
0x7: {  	s18 =	simm.s32 $0x260;
	s19 =	simm.s32 $0x300;
	s20 =	simm.s32 $0x3A0  }
0x8: {  	s21 =	simm.s32 $0x440;
	s22 =	simm.s32 $0x4E0;
	s23 =	simm.s32 $0x580  }
0x9: {  	s24 =	simm.s32 $0x620;
	s25 =	simm.s32 $0x1000;
	s28 =	simm.s32 $0x2700  }
0xa: {  	s29 =	simm.s32 $0x2;
	s30 =	simm.s32 $0xC700;
	s3 =	sand.u32 $0x1, s3  }
0xb: {  	s5 =	sshll.u32 s5, $0xD;
	s6 =	ssub.s32 $0x2, s3;
	s3 =	sshll.u32 s3, $0xC  }
0xc: {  	[smem:$0x7FF] =	sst s4;
	s0 =	sadd.s32 $0x400, s0;
	s5 =	sor.u32 s3, s5  }
0xd: {  	_ =	strace $0x80000047;
	s7 =	sshrl.u32 s6, $0x1;
	s3 =	sshrl.u32 s5, $0x3  }
0xe: {  	[dreg:$0x4] =	wrdreg s0;
	s26 =	ssub.s32 s6, s7;
	s31 =	sadd.s32 s1, s3  }
0xf: {  	s3 =	sadd.s32 s3, s2;
	s0 =	smax.u32 s26, $0x1;
	[dreg:$0x5] =	wrdreg s31  }
0x10: {  	s8 =	sor.u32 $0x40000, s5;
	s3 =	sadd.s32 $0x60000, s3;
	[dreg:$0x7] =	wrdreg s0  }
0x11: {  	v0 =	vlaneseq.u32;
	s6 =	simm.s32 $0x0;
	s26 =	simm.s32 $0x320000;
	[dreg:$0x6] =	wrdreg s3  }
.LBB2_1:
0x12: {  	[dreg:$0x8] =	wrdreg s6  }
0x13: {  	s0 =	rddreg [dreg:$0x4];
	s11 =	simm.s32 $0x5  }
0x14: {  	[tilespmem:s4], [sflag:$0x5] =	stream.linear.gather [hbm4b:s0+s4], $0x80, $0x38;
	[tilespmem:$0x16700] =	vst v63  }
0x15: {  	_ =	swait.ge [sflag:s11], $0x80  }
0x16: {  	[sflag:s11] =	ssyncset.done $0x0  }
0x17: {  	[sflag:s11] =	ssyncadd.s32 $0xFFFFFF80  }
0x18: {  	v1 =	vld [tilespmem:$0x0];
	_ =	sdelay $0x1  }
0x19: {  	v3 =	vld [tilespmem:$0x10];
	_ =	sdelay $0x1  }
0x1a: {  	v4 =	vld [tilespmem:$0x20]  }
0x1b: {  	v2 =	vadd.f32 $0.0e+00, v1;
	_ =	sdelay $0x1  }
0x1c: {  	v1 =	vadd.f32 $0.0e+00, v3;
	v7 =	vbroadcast v2, $0x0  }
0x1d: {  	v3 =	vbroadcast v2, $0xA  }
0x1e: {  	v4 =	vadd.f32 $0.0e+00, v4;
	v27 =	vbroadcast v1, $0x4;
	[tilespmem:$0x80] =	vst v7  }
0x1f: {  	v9 =	vbroadcast v1, $0xE;
	[tilespmem:$0x90] =	vst v3  }
0x20: {  	v28 =	vbroadcast v4, $0x8;
	[tilespmem:$0xA0] =	vst v27  }
0x21: {  	v34 =	vbroadcast v2, $0x1;
	[tilespmem:$0xB0] =	vst v9  }
0x22: {  	v35 =	vbroadcast v2, $0xB;
	[tilespmem:$0xC0] =	vst v28  }
0x23: {  	v36 =	vbroadcast v1, $0x5;
	[tilespmem:$0x120] =	vst v34  }
0x24: {  	v37 =	vbroadcast v1, $0xF;
	[tilespmem:$0x130] =	vst v35  }
0x25: {  	v38 =	vbroadcast v4, $0x9;
	[tilespmem:$0x140] =	vst v36  }
0x26: {  	v44 =	vbroadcast v2, $0x2;
	[tilespmem:$0x150] =	vst v37  }
0x27: {  	v45 =	vbroadcast v2, $0xC;
	[tilespmem:$0x160] =	vst v38  }
0x28: {  	v46 =	vbroadcast v1, $0x6;
	[tilespmem:$0x1C0] =	vst v44  }
0x29: {  	v47 =	vbroadcast v4, $0x0;
	[tilespmem:$0x1D0] =	vst v45  }
0x2a: {  	v48 =	vbroadcast v4, $0xA;
	[tilespmem:$0x1E0] =	vst v46  }
0x2b: {  	v54 =	vbroadcast v2, $0x3;
	[tilespmem:$0x1F0] =	vst v47  }
0x2c: {  	v55 =	vbroadcast v2, $0xD;
	[tilespmem:$0x200] =	vst v48  }
0x2d: {  	v56 =	vbroadcast v1, $0x7;
	[tilespmem:$0x260] =	vst v54  }
0x2e: {  	v57 =	vbroadcast v4, $0x1;
	[tilespmem:$0x270] =	vst v55  }
0x2f: {  	v58 =	vbroadcast v4, $0xB;
	[tilespmem:$0x280] =	vst v56  }
0x30: {  	v12 =	vbroadcast v2, $0x4;
	[tilespmem:$0x290] =	vst v57  }
0x31: {  	v13 =	vbroadcast v2, $0xE;
	[tilespmem:$0x2A0] =	vst v58  }
0x32: {  	v14 =	vbroadcast v1, $0x8;
	[tilespmem:$0x300] =	vst v12  }
0x33: {  	v15 =	vbroadcast v4, $0x2;
	[tilespmem:$0x310] =	vst v13  }
0x34: {  	v16 =	vbroadcast v4, $0xC;
	[tilespmem:$0x320] =	vst v14  }
0x35: {  	v22 =	vbroadcast v2, $0x5;
	[tilespmem:$0x330] =	vst v15  }
0x36: {  	v23 =	vbroadcast v2, $0xF;
	[tilespmem:$0x340] =	vst v16  }
0x37: {  	v24 =	vbroadcast v1, $0x9;
	[tilespmem:$0x3A0] =	vst v22  }
0x38: {  	v25 =	vbroadcast v4, $0x3;
	[tilespmem:$0x3B0] =	vst v23  }
0x39: {  	v26 =	vbroadcast v4, $0xD;
	[tilespmem:$0x3C0] =	vst v24  }
0x3a: {  	[tilespmem:$0x3D0] =	vst v25;
	v35 =	vbroadcast v1, $0xA  }
0x3b: {  	[tilespmem:$0x3E0] =	vst v26;
	v36 =	vbroadcast v4, $0x4  }
0x3c: {  	v37 =	vbroadcast v4, $0xE;
	[tilespmem:$0x460] =	vst v35  }
0x3d: {  	v5 =	vld [tilespmem:$0x30];
	v44 =	vbroadcast v1, $0x1;
	[tilespmem:$0x470] =	vst v36  }
0x3e: {  	v45 =	vbroadcast v1, $0xB;
	[tilespmem:$0x480] =	vst v37  }
0x3f: {  	v6 =	vld [tilespmem:$0x40];
	v46 =	vbroadcast v4, $0x5;
	[tilespmem:$0x4F0] =	vst v44  }
0x40: {  	v8 =	vld [tilespmem:$0x50];
	v47 =	vbroadcast v4, $0xF;
	[tilespmem:$0x500] =	vst v45  }
0x41: {  	v54 =	vbroadcast v1, $0x2;
	[tilespmem:$0x510] =	vst v46  }
0x42: {  	v3 =	vadd.f32 $0.0e+00, v5;
	v55 =	vbroadcast v1, $0xC;
	[tilespmem:$0x520] =	vst v47  }
0x43: {  	v56 =	vbroadcast v4, $0x6;
	[tilespmem:$0x590] =	vst v54  }
0x44: {  	v5 =	vadd.f32 $0.0e+00, v6;
	v29 =	vbroadcast v3, $0x2;
	[tilespmem:$0x5A0] =	vst v55  }
0x45: {  	v6 =	vadd.f32 $0.0e+00, v8;
	v30 =	vbroadcast v3, $0xC;
	[tilespmem:$0x5B0] =	vst v56  }
0x46: {  	v31 =	vbroadcast v5, $0x6;
	[tilespmem:$0xD0] =	vst v29  }
0x47: {  	v32 =	vbroadcast v6, $0x0;
	[tilespmem:$0xE0] =	vst v30  }
0x48: {  	v33 =	vbroadcast v6, $0xA;
	[tilespmem:$0xF0] =	vst v31  }
0x49: {  	v39 =	vbroadcast v3, $0x3;
	[tilespmem:$0x100] =	vst v32  }
0x4a: {  	v40 =	vbroadcast v3, $0xD;
	[tilespmem:$0x110] =	vst v33  }
0x4b: {  	v41 =	vbroadcast v5, $0x7;
	[tilespmem:$0x170] =	vst v39  }
0x4c: {  	v42 =	vbroadcast v6, $0x1;
	[tilespmem:$0x180] =	vst v40  }
0x4d: {  	v43 =	vbroadcast v6, $0xB;
	[tilespmem:$0x190] =	vst v41  }
0x4e: {  	v49 =	vbroadcast v3, $0x4;
	[tilespmem:$0x1A0] =	vst v42  }
0x4f: {  	v50 =	vbroadcast v3, $0xE;
	[tilespmem:$0x1B0] =	vst v43  }
0x50: {  	v51 =	vbroadcast v5, $0x8;
	[tilespmem:$0x210] =	vst v49  }
0x51: {  	v52 =	vbroadcast v6, $0x2;
	[tilespmem:$0x220] =	vst v50  }
0x52: {  	v53 =	vbroadcast v6, $0xC;
	[tilespmem:$0x230] =	vst v51  }
0x53: {  	v59 =	vbroadcast v3, $0x5;
	[tilespmem:$0x240] =	vst v52  }
0x54: {  	v60 =	vbroadcast v3, $0xF;
	[tilespmem:$0x250] =	vst v53  }
0x55: {  	v61 =	vbroadcast v5, $0x9;
	[tilespmem:$0x2B0] =	vst v59  }
0x56: {  	v62 =	vbroadcast v6, $0x3;
	[tilespmem:$0x2C0] =	vst v60  }
0x57: {  	v63 =	vbroadcast v6, $0xD;
	[tilespmem:$0x2D0] =	vst v61  }
0x58: {  	v17 =	vbroadcast v3, $0x6;
	[tilespmem:$0x2E0] =	vst v62  }
0x59: {  	v18 =	vbroadcast v5, $0x0;
	[tilespmem:$0x2F0] =	vst v63  }
0x5a: {  	v19 =	vbroadcast v5, $0xA;
	[tilespmem:$0x350] =	vst v17  }
0x5b: {  	v20 =	vbroadcast v6, $0x4;
	[tilespmem:$0x360] =	vst v18  }
0x5c: {  	v21 =	vbroadcast v6, $0xE;
	[tilespmem:$0x370] =	vst v19  }
0x5d: {  	v27 =	vbroadcast v3, $0x7;
	[tilespmem:$0x380] =	vst v20  }
0x5e: {  	v28 =	vbroadcast v5, $0x1;
	[tilespmem:$0x390] =	vst v21  }
0x5f: {  	v38 =	vbroadcast v3, $0x8;
	[tilespmem:$0x3F0] =	vst v27  }
0x60: {  	v48 =	vbroadcast v3, $0x9;
	[tilespmem:$0x400] =	vst v28  }
0x61: {  	v57 =	vbroadcast v3, $0x0;
	[tilespmem:$0x490] =	vst v38  }
0x62: {  	v58 =	vbroadcast v3, $0xA;
	[tilespmem:$0x530] =	vst v48  }
0x63: {  	v29 =	vbroadcast v5, $0xB;
	[tilespmem:$0x5C0] =	vst v57  }
0x64: {  	v30 =	vbroadcast v6, $0x5;
	[tilespmem:$0x5D0] =	vst v58  }
0x65: {  	v31 =	vbroadcast v6, $0xF;
	[tilespmem:$0x410] =	vst v29  }
0x66: {  	v32 =	vbroadcast v2, $0x6;
	[tilespmem:$0x420] =	vst v30  }
0x67: {  	v33 =	vbroadcast v1, $0x0;
	[tilespmem:$0x430] =	vst v31  }
0x68: {  	v39 =	vbroadcast v5, $0x2;
	[tilespmem:$0x440] =	vst v32  }
0x69: {  	v40 =	vbroadcast v5, $0xC;
	[tilespmem:$0x450] =	vst v33  }
0x6a: {  	v41 =	vbroadcast v6, $0x6;
	[tilespmem:$0x4A0] =	vst v39  }
0x6b: {  	v43 =	vbroadcast v2, $0x7;
	[tilespmem:$0x4B0] =	vst v40  }
0x6c: {  	v49 =	vbroadcast v5, $0x3;
	[tilespmem:$0x4C0] =	vst v41  }
0x6d: {  	v50 =	vbroadcast v5, $0xD;
	[tilespmem:$0x4E0] =	vst v43  }
0x6e: {  	v51 =	vbroadcast v6, $0x7;
	[tilespmem:$0x540] =	vst v49  }
0x6f: {  	v53 =	vbroadcast v2, $0x8;
	[tilespmem:$0x550] =	vst v50  }
0x70: {  	v59 =	vbroadcast v5, $0x4;
	[tilespmem:$0x560] =	vst v51  }
0x71: {  	v34 =	vld [tilespmem:$0x60];
	v60 =	vbroadcast v5, $0xE;
	[tilespmem:$0x580] =	vst v53  }
0x72: {  	v61 =	vbroadcast v6, $0x8;
	[tilespmem:$0x5E0] =	vst v59  }
0x73: {  	v2 =	vbroadcast v2, $0x9;
	[tilespmem:$0x5F0] =	vst v60  }
0x74: {  	v63 =	vbroadcast v1, $0x3;
	[tilespmem:$0x600] =	vst v61  }
0x75: {  	v1 =	vbroadcast v1, $0xD;
	[tilespmem:$0x620] =	vst v2  }
0x76: {  	v9 =	vadd.f32 $0.0e+00, v34;
	[tilespmem:$0x630] =	vst v63;
	v2 =	vbroadcast v4, $0x7  }
0x77: {  	[tilespmem:$0x640] =	vst v1;
	v1 =	vbroadcast v3, $0x1  }
0x78: {  	v42 =	vbroadcast v9, $0x0;
	[tilespmem:$0x650] =	vst v2  }
0x79: {  	v52 =	vbroadcast v9, $0x1;
	[tilespmem:$0x660] =	vst v1  }
0x7a: {  	v62 =	vbroadcast v9, $0x2;
	[tilespmem:$0x4D0] =	vst v42  }
0x7b: {  	v2 =	vbroadcast v3, $0xB;
	[tilespmem:$0x570] =	vst v52  }
0x7c: {  	v1 =	vbroadcast v5, $0x5;
	[tilespmem:$0x610] =	vst v62  }
0x7d: {  	[tilespmem:$0x670] =	vst v2;
	v2 =	vbroadcast v5, $0xF  }
0x7e: {  	[tilespmem:$0x680] =	vst v1;
	v1 =	vbroadcast v6, $0x9  }
0x7f: {  	[tilespmem:$0x690] =	vst v2;
	v2 =	vbroadcast v9, $0x3  }
0x80: {  	[tilespmem:$0x6A0] =	vst v1  }
0x81: {  	s6 =	simm.s32 $0x0;
	s31 =	rddreg [dreg:$0x5];
	[tilespmem:$0x6B0] =	vst v2  }
0x82: {  	[tilespmem:s12], [sflag:$0x1] =	stream.linear.gather [hbm4b:s31+s4], $0x1000, $0x38;
	[tilespmem:$0x16700] =	vst v63  }
.LBB2_2:
0x83: {  	s0 =	sshll.u32 s6, $0x12  }
0x84: {  	s7 =	sor.u32 s5, s0  }
0x85: {  	s9 =	sshrl.u32 s7, $0x3  }
0x86: {  	s7 =	sor.u32 $0x4000, s9  }
0x87: {  	s10 =	sadd.s32 s1, s7  }
0x88: {  	[tilespmem:s13], [sflag:$0x2] =	stream.linear.gather [hbm4b:s10+s4], $0x1000, $0x38;
	[tilespmem:$0x16700] =	vst v63  }
0x89: {  	_ =	swait.ge [sflag:s14], $0x1000  }
0x8a: {  	p0 =	seq.s32 s6, $0x0;
	[sflag:s14] =	ssyncset.done $0x0  }
0x8b: {  	s10 =	simm.s32 @!p0 $0x3;
	[sflag:s14] =	ssyncadd.s32 $0xFFFFF000  }
0x8c: {  	_ =	swait.ge @!p0 [sflag:s10], $0xA000  }
0x8d: {  	[sflag:s10] =	ssyncset.done @!p0 $0x0  }
0x8e: {  	s11 =	simm.s32 $0x0;
	[sflag:s10] =	ssyncadd.s32 @!p0 $0xFFFF6000;
	s10 =	simm.s32 $0x0  }
.LBB2_3:
0x8f: {  	s31 =	sand.u32 $0x70, s11;
	s3 =	sand.u32 $0xC00, s10  }
0x90: {  	s31 =	sor.u32 s31, s3  }
0x91: {  	v1 =	vld [tilespmem:s31+$0x700];
	_ =	sdelay $0x4  }
0x92: {  	v1 =	vshll.u32 v1, $0x4  }
0x93: {  	v1 =	vor.u32 v0, v1;
	_ =	sdelay $0x2  }
0x94: {  	v2 =	vld [tilespmem:s31+$0x780]  }
0x95: {  	v61 =	vld [tilespmem:s31+$0x800]  }
0x96: {  	v3 =	vld.idx.msk [tilespmem:v1+s15+$0x0], $0xffff  }
0x97: {  	v4 =	vld.idx.msk [tilespmem:v1+s16+$0x0], $0xffff  }
0x98: {  	v5 =	vld.idx.msk [tilespmem:v1+s17+$0x0], $0xffff  }
0x99: {  	v6 =	vld.idx.msk [tilespmem:v1+s18+$0x0], $0xffff  }
0x9a: {  	v2 =	vshll.u32 v2, $0x4;
	v7 =	vld.idx.msk [tilespmem:v1+s19+$0x0], $0xffff  }
0x9b: {  	v2 =	vor.u32 v0, v2;
	v8 =	vld.idx.msk [tilespmem:v1+s20+$0x0], $0xffff  }
0x9c: {  	v9 =	vld.idx.msk [tilespmem:v1+s21+$0x0], $0xffff  }
0x9d: {  	v10 =	vld.idx.msk [tilespmem:v1+s22+$0x0], $0xffff  }
0x9e: {  	v11 =	vld.idx.msk [tilespmem:v1+s23+$0x0], $0xffff  }
0x9f: {  	v1 =	vld.idx.msk [tilespmem:v1+s24+$0x0], $0xffff  }
0xa0: {  	v12 =	vld.idx.msk [tilespmem:v2+s15+$0x0], $0xffff;
	[tilespmem:s31+$0x2700] =	vst v3  }
0xa1: {  	v3 =	vld.idx.msk [tilespmem:v2+s16+$0x0], $0xffff;
	[tilespmem:s31+$0x3700] =	vst v4  }
0xa2: {  	v4 =	vld.idx.msk [tilespmem:v2+s17+$0x0], $0xffff;
	[tilespmem:s31+$0x4700] =	vst v5  }
0xa3: {  	v5 =	vld.idx.msk [tilespmem:v2+s18+$0x0], $0xffff;
	[tilespmem:s31+$0x5700] =	vst v6  }
0xa4: {  	v6 =	vld.idx.msk [tilespmem:v2+s19+$0x0], $0xffff;
	[tilespmem:s31+$0x6700] =	vst v7;
	v7 =	vshll.u32 v61, $0x4  }
0xa5: {  	v13 =	vld.idx.msk [tilespmem:v2+s20+$0x0], $0xffff;
	[tilespmem:s31+$0x7700] =	vst v8;
	v7 =	vor.u32 v0, v7  }
0xa6: {  	v8 =	vld.idx.msk [tilespmem:v2+s21+$0x0], $0xffff;
	[tilespmem:s31+$0x8700] =	vst v9  }
0xa7: {  	v9 =	vld.idx.msk [tilespmem:v2+s22+$0x0], $0xffff;
	[tilespmem:s31+$0x9700] =	vst v10  }
0xa8: {  	v10 =	vld.idx.msk [tilespmem:v2+s23+$0x0], $0xffff;
	[tilespmem:s31+$0xA700] =	vst v11  }
0xa9: {  	v2 =	vld.idx.msk [tilespmem:v2+s24+$0x0], $0xffff;
	[tilespmem:s31+$0xB700] =	vst v1  }
0xaa: {  	v1 =	vld.idx.msk [tilespmem:v7+s15+$0x0], $0xffff;
	[tilespmem:s31+$0x2780] =	vst v12  }
0xab: {  	v11 =	vld.idx.msk [tilespmem:v7+s16+$0x0], $0xffff;
	[tilespmem:s31+$0x3780] =	vst v3  }
0xac: {  	v3 =	vld.idx.msk [tilespmem:v7+s17+$0x0], $0xffff;
	[tilespmem:s31+$0x4780] =	vst v4  }
0xad: {  	v4 =	vld.idx.msk [tilespmem:v7+s18+$0x0], $0xffff;
	[tilespmem:s31+$0x5780] =	vst v5  }
0xae: {  	v5 =	vld.idx.msk [tilespmem:v7+s19+$0x0], $0xffff;
	[tilespmem:s31+$0x6780] =	vst v6  }
0xaf: {  	v6 =	vld.idx.msk [tilespmem:v7+s20+$0x0], $0xffff;
	[tilespmem:s31+$0x7780] =	vst v13  }
0xb0: {  	v12 =	vld.idx.msk [tilespmem:v7+s21+$0x0], $0xffff;
	[tilespmem:s31+$0x8780] =	vst v8  }
0xb1: {  	v8 =	vld.idx.msk [tilespmem:v7+s22+$0x0], $0xffff;
	[tilespmem:s31+$0x9780] =	vst v9  }
0xb2: {  	s3 =	sor.u32 s3, s11;
	v9 =	vld.idx.msk [tilespmem:v7+s23+$0x0], $0xffff;
	[tilespmem:s31+$0xA780] =	vst v10  }
0xb3: {  	s3 =	sor.u32 $0x180, s3;
	v7 =	vld.idx.msk [tilespmem:v7+s24+$0x0], $0xffff;
	[tilespmem:s31+$0xB780] =	vst v2  }
0xb4: {  	v2 =	vld [tilespmem:s3+$0x700];
	_ =	sdelay $0x4  }
0xb5: {  	v2 =	vshll.u32 v2, $0x4  }
0xb6: {  	v2 =	vor.u32 v0, v2;
	_ =	sdelay $0x3  }
0xb7: {  	v62 =	vld [tilespmem:s31+$0x900]  }
0xb8: {  	v10 =	vld.idx.msk [tilespmem:v2+s15+$0x0], $0xffff;
	[tilespmem:s31+$0x2800] =	vst v1  }
0xb9: {  	v1 =	vld.idx.msk [tilespmem:v2+s16+$0x0], $0xffff;
	[tilespmem:s31+$0x3800] =	vst v11  }
0xba: {  	v11 =	vld.idx.msk [tilespmem:v2+s17+$0x0], $0xffff;
	[tilespmem:s31+$0x4800] =	vst v3  }
0xbb: {  	v3 =	vld.idx.msk [tilespmem:v2+s18+$0x0], $0xffff;
	[tilespmem:s31+$0x5800] =	vst v4  }
0xbc: {  	v4 =	vld.idx.msk [tilespmem:v2+s19+$0x0], $0xffff;
	[tilespmem:s31+$0x6800] =	vst v5;
	v5 =	vshll.u32 v62, $0x4  }
0xbd: {  	v13 =	vld.idx.msk [tilespmem:v2+s20+$0x0], $0xffff;
	[tilespmem:s31+$0x7800] =	vst v6;
	v5 =	vor.u32 v0, v5  }
0xbe: {  	v6 =	vld.idx.msk [tilespmem:v2+s21+$0x0], $0xffff;
	[tilespmem:s31+$0x8800] =	vst v12  }
0xbf: {  	v12 =	vld.idx.msk [tilespmem:v2+s22+$0x0], $0xffff;
	[tilespmem:s31+$0x9800] =	vst v8  }
0xc0: {  	v8 =	vld.idx.msk [tilespmem:v2+s23+$0x0], $0xffff;
	[tilespmem:s31+$0xA800] =	vst v9  }
0xc1: {  	v2 =	vld.idx.msk [tilespmem:v2+s24+$0x0], $0xffff;
	[tilespmem:s31+$0xB800] =	vst v7  }
0xc2: {  	v7 =	vld.idx.msk [tilespmem:v5+s15+$0x0], $0xffff;
	[tilespmem:s3+$0x2700] =	vst v10  }
0xc3: {  	v63 =	vld [tilespmem:s31+$0x980];
	_ =	sdelay $0x1  }
0xc4: {  	v9 =	vld.idx.msk [tilespmem:v5+s16+$0x0], $0xffff;
	[tilespmem:s31+$0x3880] =	vst v1  }
0xc5: {  	v1 =	vld.idx.msk [tilespmem:v5+s17+$0x0], $0xffff;
	[tilespmem:s31+$0x4880] =	vst v11  }
0xc6: {  	v10 =	vld.idx.msk [tilespmem:v5+s18+$0x0], $0xffff;
	[tilespmem:s31+$0x5880] =	vst v3  }
0xc7: {  	v3 =	vld.idx.msk [tilespmem:v5+s19+$0x0], $0xffff;
	[tilespmem:s31+$0x6880] =	vst v4;
	v4 =	vshll.u32 v63, $0x4  }
0xc8: {  	v11 =	vld.idx.msk [tilespmem:v5+s20+$0x0], $0xffff;
	[tilespmem:s31+$0x7880] =	vst v13;
	v4 =	vor.u32 v0, v4  }
0xc9: {  	v13 =	vld.idx.msk [tilespmem:v5+s21+$0x0], $0xffff;
	[tilespmem:s31+$0x8880] =	vst v6  }
0xca: {  	v6 =	vld.idx.msk [tilespmem:v5+s22+$0x0], $0xffff;
	[tilespmem:s31+$0x9880] =	vst v12  }
0xcb: {  	v12 =	vld.idx.msk [tilespmem:v5+s23+$0x0], $0xffff;
	[tilespmem:s31+$0xA880] =	vst v8  }
0xcc: {  	v5 =	vld.idx.msk [tilespmem:v5+s24+$0x0], $0xffff;
	[tilespmem:s31+$0xB880] =	vst v2  }
0xcd: {  	v2 =	vld.idx.msk [tilespmem:v4+s15+$0x0], $0xffff;
	[tilespmem:s31+$0x2900] =	vst v7  }
0xce: {  	v7 =	vld.idx.msk [tilespmem:v4+s16+$0x0], $0xffff;
	[tilespmem:s31+$0x3900] =	vst v9  }
0xcf: {  	v8 =	vld.idx.msk [tilespmem:v4+s17+$0x0], $0xffff;
	[tilespmem:s31+$0x4900] =	vst v1  }
0xd0: {  	v1 =	vld.idx.msk [tilespmem:v4+s18+$0x0], $0xffff;
	[tilespmem:s31+$0x5900] =	vst v10  }
0xd1: {  	v9 =	vld.idx.msk [tilespmem:v4+s19+$0x0], $0xffff  }
0xd2: {  	[tilespmem:s31+$0x6900] =	vst v3;
	v3 =	vld [tilespmem:s31+$0xA00];
	_ =	sdelay $0x4  }
0xd3: {  	v3 =	vshll.u32 v3, $0x4  }
0xd4: {  	v10 =	vld.idx.msk [tilespmem:v4+s20+$0x0], $0xffff;
	[tilespmem:s31+$0x7900] =	vst v11;
	v3 =	vor.u32 v0, v3  }
0xd5: {  	v11 =	vld.idx.msk [tilespmem:v4+s21+$0x0], $0xffff;
	[tilespmem:s31+$0x8900] =	vst v13  }
0xd6: {  	v13 =	vld.idx.msk [tilespmem:v4+s22+$0x0], $0xffff;
	[tilespmem:s31+$0x9900] =	vst v6  }
0xd7: {  	v6 =	vld.idx.msk [tilespmem:v4+s23+$0x0], $0xffff;
	[tilespmem:s31+$0xA900] =	vst v12  }
0xd8: {  	v4 =	vld.idx.msk [tilespmem:v4+s24+$0x0], $0xffff;
	[tilespmem:s31+$0xB900] =	vst v5  }
0xd9: {  	v5 =	vld.idx.msk [tilespmem:v3+s15+$0x0], $0xffff;
	[tilespmem:s31+$0x2980] =	vst v2  }
0xda: {  	v2 =	vld.idx.msk [tilespmem:v3+s16+$0x0], $0xffff;
	[tilespmem:s31+$0x3980] =	vst v7  }
0xdb: {  	v7 =	vld.idx.msk [tilespmem:v3+s17+$0x0], $0xffff;
	[tilespmem:s31+$0x4980] =	vst v8  }
0xdc: {  	v8 =	vld.idx.msk [tilespmem:v3+s18+$0x0], $0xffff;
	[tilespmem:s31+$0x5980] =	vst v1  }
0xdd: {  	v1 =	vld.idx.msk [tilespmem:v3+s19+$0x0], $0xffff;
	[tilespmem:s31+$0x6980] =	vst v9  }
0xde: {  	v9 =	vld.idx.msk [tilespmem:v3+s20+$0x0], $0xffff;
	[tilespmem:s31+$0x7980] =	vst v10  }
0xdf: {  	v10 =	vld.idx.msk [tilespmem:v3+s21+$0x0], $0xffff;
	[tilespmem:s31+$0x8980] =	vst v11  }
0xe0: {  	v11 =	vld.idx.msk [tilespmem:v3+s22+$0x0], $0xffff;
	[tilespmem:s31+$0x9980] =	vst v13  }
0xe1: {  	s3 =	sor.u32 s10, s11;
	v12 =	vld.idx.msk [tilespmem:v3+s23+$0x0], $0xffff;
	[tilespmem:s31+$0xA980] =	vst v6  }
0xe2: {  	s3 =	sor.u32 $0x380, s3;
	v3 =	vld.idx.msk [tilespmem:v3+s24+$0x0], $0xffff;
	[tilespmem:s31+$0xB980] =	vst v4  }
0xe3: {  	v4 =	vld [tilespmem:s3+$0x700];
	_ =	sdelay $0x4  }
0xe4: {  	v4 =	vshll.u32 v4, $0x4  }
0xe5: {  	v4 =	vor.u32 v0, v4;
	_ =	sdelay $0x4  }
0xe6: {  	v6 =	vld.idx.msk [tilespmem:v4+s15+$0x0], $0xffff;
	[tilespmem:s31+$0x2A00] =	vst v5  }
0xe7: {  	v5 =	vld.idx.msk [tilespmem:v4+s16+$0x0], $0xffff;
	[tilespmem:s31+$0x3A00] =	vst v2  }
0xe8: {  	v2 =	vld.idx.msk [tilespmem:v4+s17+$0x0], $0xffff;
	[tilespmem:s31+$0x4A00] =	vst v7  }
0xe9: {  	v7 =	vld.idx.msk [tilespmem:v4+s18+$0x0], $0xffff;
	[tilespmem:s31+$0x5A00] =	vst v8  }
0xea: {  	v8 =	vld.idx.msk [tilespmem:v4+s19+$0x0], $0xffff;
	[tilespmem:s31+$0x6A00] =	vst v1  }
0xeb: {  	v1 =	vld.idx.msk [tilespmem:v4+s20+$0x0], $0xffff;
	[tilespmem:s31+$0x7A00] =	vst v9  }
0xec: {  	v9 =	vld.idx.msk [tilespmem:v4+s21+$0x0], $0xffff;
	[tilespmem:s31+$0x8A00] =	vst v10  }
0xed: {  	v10 =	vld.idx.msk [tilespmem:v4+s22+$0x0], $0xffff;
	[tilespmem:s31+$0x9A00] =	vst v11  }
0xee: {  	v11 =	vld.idx.msk [tilespmem:v4+s23+$0x0], $0xffff;
	[tilespmem:s31+$0xAA00] =	vst v12  }
0xef: {  	v4 =	vld.idx.msk [tilespmem:v4+s24+$0x0], $0xffff;
	[tilespmem:s31+$0xBA00] =	vst v3  }
0xf0: {  	[tilespmem:s3+$0x2700] =	vst v6  }
0xf1: {  	[tilespmem:s31+$0x3A80] =	vst v5  }
0xf2: {  	[tilespmem:s31+$0x4A80] =	vst v2  }
0xf3: {  	[tilespmem:s31+$0x5A80] =	vst v7  }
0xf4: {  	p1 =	sne.s32 s11, $0x1F0;
	[tilespmem:s31+$0x6A80] =	vst v8  }
.Ltmp0:
0xf5: {  	[tilespmem:s31+$0x7A80] =	vst v1;
	(pc) =	sbr.rel @p1 .LBB2_3-.Ltmp0, $4  }
0xf6: {  	[tilespmem:s31+$0x8A80] =	vst v9  }
0xf7: {  	[tilespmem:s31+$0x9A80] =	vst v10  }
0xf8: {  	[tilespmem:s31+$0xAA80] =	vst v11  }
0xf9: {  	s10 =	sadd.s32 $0x80, s10;
	s11 =	sadd.s32 $0x10, s11;
	[tilespmem:s31+$0xBA80] =	vst v4  }
0xfa: {  	s3 =	sadd.s32 s2, s9;
	s0 =	sadd.s32 s8, s0  }
0xfb: {  	[hbm4b:s3+s25] =	stream.strided.scatter [tilespmem:s28], [sflag:$0x3], $0xA000, s26, s25, $0x38;
	[tilespmem:$0x16700] =	vst v63  }
0xfc: {  	s0 =	sshrl.u32 s0, $0x3  }
0xfd: {  	s0 =	sadd.s32 s1, s0  }
0xfe: {  	[tilespmem:s12], [sflag:$0x1] =	stream.linear.gather [hbm4b:s0+s4], $0x1000, $0x38;
	[tilespmem:$0x16700] =	vst v63  }
0xff: {  	_ =	swait.ge [sflag:s29], $0x1000  }
0x100: {  	[sflag:s29] =	ssyncset.done $0x0  }
0x101: {  	s0 =	simm.s32 @!p0 $0x4;
	[sflag:s29] =	ssyncadd.s32 $0xFFFFF000  }
0x102: {  	s11 =	simm.s32 $0x0;
	_ =	swait.ge @!p0 [sflag:s0], $0xA000  }
0x103: {  	s31 =	sand.u32 $0x70, s11;
	s3 =	sand.u32 $0xC00, s11;
	[sflag:s0] =	ssyncset.done @!p0 $0x0  }
0x104: {  	s10 =	sor.u32 s31, s3;
	[sflag:s0] =	ssyncadd.s32 @!p0 $0xFFFF6000  }
0x105: {  	v1 =	vld [tilespmem:s10+$0x1700];
	_ =	sdelay $0x4  }
0x106: {  	v1 =	vshll.u32 v1, $0x4  }
0x107: {  	v1 =	vor.u32 v0, v1;
	_ =	sdelay $0x2  }
0x108: {  	v5 =	vld [tilespmem:s10+$0x1780]  }
0x109: {  	v18 =	vld [tilespmem:s10+$0x1800]  }
0x10a: {  	v6 =	vld.idx.msk [tilespmem:v1+s24+$0x0], $0xffff  }
0x10b: {  	v7 =	vld.idx.msk [tilespmem:v1+s23+$0x0], $0xffff  }
0x10c: {  	v8 =	vld.idx.msk [tilespmem:v1+s22+$0x0], $0xffff  }
0x10d: {  	v9 =	vld.idx.msk [tilespmem:v1+s21+$0x0], $0xffff  }
0x10e: {  	v10 =	vld.idx.msk [tilespmem:v1+s20+$0x0], $0xffff  }
0x10f: {  	v5 =	vshll.u32 v5, $0x4;
	v11 =	vld.idx.msk [tilespmem:v1+s19+$0x0], $0xffff  }
0x110: {  	v5 =	vor.u32 v0, v5;
	v14 =	vld.idx.msk [tilespmem:v1+s15+$0x0], $0xffff  }
0x111: {  	s9 =	simm.s32 $0x10;
	s11 =	simm.s32 $0x80;
	v15 =	vld.idx.msk [tilespmem:v1+s16+$0x0], $0xffff  }
0x112: {  	s31 =	sand.u32 $0xC00, s11;
	s0 =	sand.u32 $0x70, s9;
	v13 =	vld.idx.msk [tilespmem:v1+s17+$0x0], $0xffff  }
0x113: {  	s9 =	sor.u32 s0, s31;
	v12 =	vld.idx.msk [tilespmem:v1+s18+$0x0], $0xffff  }
0x114: {  	v1 =	vld [tilespmem:s9+$0x1700]  }
0x115: {  	v19 =	vld.idx.msk [tilespmem:v5+s15+$0x0], $0xffff;
	[tilespmem:s10+$0xC700] =	vst v14  }
0x116: {  	v14 =	vld.idx.msk [tilespmem:v5+s16+$0x0], $0xffff;
	[tilespmem:s10+$0xD700] =	vst v15  }
0x117: {  	v15 =	vld.idx.msk [tilespmem:v5+s17+$0x0], $0xffff;
	[tilespmem:s10+$0xE700] =	vst v13  }
0x118: {  	v13 =	vld.idx.msk [tilespmem:v5+s18+$0x0], $0xffff;
	[tilespmem:s10+$0xF700] =	vst v12  }
0x119: {  	v12 =	vld.idx.msk [tilespmem:v5+s19+$0x0], $0xffff;
	[tilespmem:s10+$0x10700] =	vst v11  }
0x11a: {  	v11 =	vld.idx.msk [tilespmem:v5+s20+$0x0], $0xffff;
	[tilespmem:s10+$0x11700] =	vst v10  }
0x11b: {  	v10 =	vld.idx.msk [tilespmem:v5+s21+$0x0], $0xffff;
	[tilespmem:s10+$0x12700] =	vst v9;
	v9 =	vshll.u32 v18, $0x4  }
0x11c: {  	v9 =	vor.u32 v0, v9  }
0x11d: {  	v17 =	vld [tilespmem:s10+$0x1880]  }
0x11e: {  	v60 =	vld.idx.msk [tilespmem:v5+s22+$0x0], $0xffff;
	[tilespmem:s10+$0x13700] =	vst v8  }
0x11f: {  	v8 =	vld.idx.msk [tilespmem:v5+s23+$0x0], $0xffff;
	[tilespmem:s10+$0x14700] =	vst v7  }
0x120: {  	v5 =	vld.idx.msk [tilespmem:v5+s24+$0x0], $0xffff;
	[tilespmem:s10+$0x15700] =	vst v6  }
0x121: {  	v6 =	vld.idx.msk [tilespmem:v9+s15+$0x0], $0xffff;
	[tilespmem:s10+$0xC780] =	vst v19  }
0x122: {  	v7 =	vld.idx.msk [tilespmem:v9+s16+$0x0], $0xffff;
	[tilespmem:s10+$0xD780] =	vst v14  }
0x123: {  	v14 =	vld.idx.msk [tilespmem:v9+s17+$0x0], $0xffff;
	[tilespmem:s10+$0xE780] =	vst v15  }
0x124: {  	v15 =	vld.idx.msk [tilespmem:v9+s18+$0x0], $0xffff;
	[tilespmem:s10+$0xF780] =	vst v13  }
0x125: {  	v13 =	vld.idx.msk [tilespmem:v9+s19+$0x0], $0xffff;
	[tilespmem:s10+$0x10780] =	vst v12  }
0x126: {  	v12 =	vld.idx.msk [tilespmem:v9+s20+$0x0], $0xffff;
	[tilespmem:s10+$0x11780] =	vst v11  }
0x127: {  	v11 =	vld.idx.msk [tilespmem:v9+s21+$0x0], $0xffff;
	[tilespmem:s10+$0x12780] =	vst v10;
	v10 =	vshll.u32 v17, $0x4  }
0x128: {  	v2 =	vld [tilespmem:s10+$0x1A80];
	v10 =	vor.u32 v0, v10  }
0x129: {  	v16 =	vld [tilespmem:s10+$0x1900]  }
0x12a: {  	v61 =	vld.idx.msk [tilespmem:v9+s22+$0x0], $0xffff;
	[tilespmem:s10+$0x13780] =	vst v60  }
0x12b: {  	v18 =	vld.idx.msk [tilespmem:v9+s23+$0x0], $0xffff;
	[tilespmem:s10+$0x14780] =	vst v8  }
0x12c: {  	v8 =	vld.idx.msk [tilespmem:v9+s24+$0x0], $0xffff;
	[tilespmem:s10+$0x15780] =	vst v5  }
0x12d: {  	v5 =	vld.idx.msk [tilespmem:v10+s15+$0x0], $0xffff;
	[tilespmem:s10+$0xC800] =	vst v6  }
0x12e: {  	v6 =	vld.idx.msk [tilespmem:v10+s16+$0x0], $0xffff;
	[tilespmem:s10+$0xD800] =	vst v7  }
0x12f: {  	v7 =	vld.idx.msk [tilespmem:v10+s17+$0x0], $0xffff;
	[tilespmem:s10+$0xE800] =	vst v14  }
0x130: {  	v9 =	vld.idx.msk [tilespmem:v10+s18+$0x0], $0xffff;
	[tilespmem:s10+$0xF800] =	vst v15  }
0x131: {  	v14 =	vld.idx.msk [tilespmem:v10+s19+$0x0], $0xffff;
	[tilespmem:s10+$0x10800] =	vst v13  }
0x132: {  	v13 =	vld.idx.msk [tilespmem:v10+s20+$0x0], $0xffff;
	[tilespmem:s10+$0x11800] =	vst v12  }
0x133: {  	v12 =	vld.idx.msk [tilespmem:v10+s21+$0x0], $0xffff;
	[tilespmem:s10+$0x12800] =	vst v11;
	v11 =	vshll.u32 v16, $0x4  }
0x134: {  	v3 =	vld [tilespmem:s10+$0x1A00];
	v11 =	vor.u32 v0, v11  }
0x135: {  	v4 =	vld [tilespmem:s10+$0x1980]  }
0x136: {  	v15 =	vld.idx.msk [tilespmem:v10+s22+$0x0], $0xffff;
	[tilespmem:s10+$0x13800] =	vst v61  }
0x137: {  	v62 =	vld.idx.msk [tilespmem:v10+s23+$0x0], $0xffff;
	[tilespmem:s10+$0x14800] =	vst v18  }
0x138: {  	v10 =	vld.idx.msk [tilespmem:v10+s24+$0x0], $0xffff;
	[tilespmem:s10+$0x15800] =	vst v8  }
0x139: {  	v8 =	vld.idx.msk [tilespmem:v11+s15+$0x0], $0xffff;
	[tilespmem:s10+$0xC880] =	vst v5  }
0x13a: {  	v5 =	vld.idx.msk [tilespmem:v11+s16+$0x0], $0xffff;
	[tilespmem:s10+$0xD880] =	vst v6  }
0x13b: {  	v6 =	vld.idx.msk [tilespmem:v11+s17+$0x0], $0xffff;
	[tilespmem:s10+$0xE880] =	vst v7  }
0x13c: {  	v7 =	vld.idx.msk [tilespmem:v11+s18+$0x0], $0xffff;
	[tilespmem:s10+$0xF880] =	vst v9  }
0x13d: {  	v4 =	vshll.u32 v4, $0x4;
	v9 =	vld.idx.msk [tilespmem:v11+s19+$0x0], $0xffff;
	[tilespmem:s10+$0x10880] =	vst v14  }
0x13e: {  	v4 =	vor.u32 v0, v4;
	v14 =	vld.idx.msk [tilespmem:v11+s20+$0x0], $0xffff;
	[tilespmem:s10+$0x11880] =	vst v13  }
0x13f: {  	v13 =	vld.idx.msk [tilespmem:v11+s21+$0x0], $0xffff;
	[tilespmem:s10+$0x12880] =	vst v12  }
0x140: {  	v12 =	vld.idx.msk [tilespmem:v11+s22+$0x0], $0xffff;
	[tilespmem:s10+$0x13880] =	vst v15  }
0x141: {  	v15 =	vld.idx.msk [tilespmem:v11+s23+$0x0], $0xffff;
	[tilespmem:s10+$0x14880] =	vst v62  }
0x142: {  	v11 =	vld.idx.msk [tilespmem:v11+s24+$0x0], $0xffff;
	[tilespmem:s10+$0x15880] =	vst v10  }
0x143: {  	v10 =	vld.idx.msk [tilespmem:v4+s15+$0x0], $0xffff;
	[tilespmem:s10+$0xC900] =	vst v8  }
0x144: {  	v8 =	vld.idx.msk [tilespmem:v4+s16+$0x0], $0xffff;
	[tilespmem:s10+$0xD900] =	vst v5  }
0x145: {  	v5 =	vld.idx.msk [tilespmem:v4+s17+$0x0], $0xffff;
	[tilespmem:s10+$0xE900] =	vst v6  }
0x146: {  	v6 =	vld.idx.msk [tilespmem:v4+s18+$0x0], $0xffff;
	[tilespmem:s10+$0xF900] =	vst v7  }
0x147: {  	v3 =	vshll.u32 v3, $0x4;
	v7 =	vld.idx.msk [tilespmem:v4+s19+$0x0], $0xffff;
	[tilespmem:s10+$0x10900] =	vst v9  }
0x148: {  	v3 =	vor.u32 v0, v3;
	v9 =	vld.idx.msk [tilespmem:v4+s20+$0x0], $0xffff;
	[tilespmem:s10+$0x11900] =	vst v14  }
0x149: {  	v14 =	vld.idx.msk [tilespmem:v4+s21+$0x0], $0xffff;
	[tilespmem:s10+$0x12900] =	vst v13  }
0x14a: {  	v13 =	vld.idx.msk [tilespmem:v4+s22+$0x0], $0xffff;
	[tilespmem:s10+$0x13900] =	vst v12  }
0x14b: {  	v12 =	vld.idx.msk [tilespmem:v4+s23+$0x0], $0xffff;
	[tilespmem:s10+$0x14900] =	vst v15  }
0x14c: {  	v4 =	vld.idx.msk [tilespmem:v4+s24+$0x0], $0xffff;
	[tilespmem:s10+$0x15900] =	vst v11  }
0x14d: {  	v11 =	vld.idx.msk [tilespmem:v3+s15+$0x0], $0xffff;
	[tilespmem:s10+$0xC980] =	vst v10  }
0x14e: {  	v10 =	vld.idx.msk [tilespmem:v3+s16+$0x0], $0xffff;
	[tilespmem:s10+$0xD980] =	vst v8  }
0x14f: {  	v8 =	vld.idx.msk [tilespmem:v3+s17+$0x0], $0xffff;
	[tilespmem:s10+$0xE980] =	vst v5  }
0x150: {  	v15 =	vld.idx.msk [tilespmem:v3+s18+$0x0], $0xffff;
	[tilespmem:s10+$0xF980] =	vst v6  }
0x151: {  	v2 =	vshll.u32 v2, $0x4;
	v6 =	vld.idx.msk [tilespmem:v3+s19+$0x0], $0xffff;
	[tilespmem:s10+$0x10980] =	vst v7  }
0x152: {  	v63 =	vor.u32 v0, v2;
	v7 =	vld.idx.msk [tilespmem:v3+s20+$0x0], $0xffff;
	[tilespmem:s10+$0x11980] =	vst v9  }
0x153: {  	v9 =	vld.idx.msk [tilespmem:v3+s21+$0x0], $0xffff;
	[tilespmem:s10+$0x12980] =	vst v14  }
0x154: {  	v14 =	vld.idx.msk [tilespmem:v3+s22+$0x0], $0xffff;
	[tilespmem:s10+$0x13980] =	vst v13  }
0x155: {  	v13 =	vld.idx.msk [tilespmem:v3+s23+$0x0], $0xffff;
	[tilespmem:s10+$0x14980] =	vst v12  }
0x156: {  	v12 =	vld.idx.msk [tilespmem:v3+s24+$0x0], $0xffff;
	[tilespmem:s10+$0x15980] =	vst v4  }
0x157: {  	v2 =	vld.idx.msk [tilespmem:v63+s15+$0x0], $0xffff;
	[tilespmem:s10+$0xCA00] =	vst v11  }
0x158: {  	v3 =	vld.idx.msk [tilespmem:v63+s16+$0x0], $0xffff;
	[tilespmem:s10+$0xDA00] =	vst v10  }
0x159: {  	v4 =	vld.idx.msk [tilespmem:v63+s17+$0x0], $0xffff;
	[tilespmem:s10+$0xEA00] =	vst v8  }
0x15a: {  	v5 =	vld.idx.msk [tilespmem:v63+s18+$0x0], $0xffff;
	[tilespmem:s10+$0xFA00] =	vst v15  }
0x15b: {  	v8 =	vld.idx.msk [tilespmem:v63+s19+$0x0], $0xffff;
	[tilespmem:s10+$0x10A00] =	vst v6  }
0x15c: {  	v10 =	vld.idx.msk [tilespmem:v63+s20+$0x0], $0xffff;
	[tilespmem:s10+$0x11A00] =	vst v7  }
0x15d: {  	v11 =	vld.idx.msk [tilespmem:v63+s21+$0x0], $0xffff;
	[tilespmem:s10+$0x12A00] =	vst v9  }
0x15e: {  	v6 =	vld.idx.msk [tilespmem:v63+s22+$0x0], $0xffff;
	[tilespmem:s10+$0x13A00] =	vst v14  }
0x15f: {  	v7 =	vld.idx.msk [tilespmem:v63+s23+$0x0], $0xffff;
	[tilespmem:s10+$0x14A00] =	vst v13  }
0x160: {  	s0 =	simm.s32 $0x20;
	v9 =	vld.idx.msk [tilespmem:v63+s24+$0x0], $0xffff;
	[tilespmem:s10+$0x15A00] =	vst v12  }
.LBB2_5:
0x161: {  	p0 =	sne.s32 s0, $0x1F0;
	[tilespmem:s10+$0xCA80] =	vst v2  }
0x162: {  	[tilespmem:s10+$0xDA80] =	vst v3  }
0x163: {  	[tilespmem:s10+$0xEA80] =	vst v4  }
0x164: {  	[tilespmem:s10+$0xFA80] =	vst v5  }
0x165: {  	v1 =	vshll.u32 v1, $0x4;
	[tilespmem:s10+$0x10A80] =	vst v8  }
0x166: {  	v1 =	vor.u32 v0, v1;
	[tilespmem:s10+$0x11A80] =	vst v10  }
0x167: {  	v2 =	vld [tilespmem:s9+$0x1A80];
	[tilespmem:s10+$0x12A80] =	vst v11  }
0x168: {  	v3 =	vld [tilespmem:s9+$0x1A00];
	[tilespmem:s10+$0x13A80] =	vst v6  }
0x169: {  	v4 =	vld [tilespmem:s9+$0x1980];
	[tilespmem:s10+$0x14A80] =	vst v7  }
0x16a: {  	v5 =	vld [tilespmem:s9+$0x1780];
	[tilespmem:s10+$0x15A80] =	vst v9;
	s10 =	smov.u32 s9  }
0x16b: {  	v6 =	vld.idx.msk [tilespmem:v1+s24+$0x0], $0xffff  }
0x16c: {  	v7 =	vld.idx.msk [tilespmem:v1+s23+$0x0], $0xffff  }
0x16d: {  	v8 =	vld.idx.msk [tilespmem:v1+s22+$0x0], $0xffff  }
0x16e: {  	v9 =	vld.idx.msk [tilespmem:v1+s21+$0x0], $0xffff  }
0x16f: {  	v10 =	vld.idx.msk [tilespmem:v1+s20+$0x0], $0xffff  }
0x170: {  	v11 =	vld.idx.msk [tilespmem:v1+s19+$0x0], $0xffff  }
0x171: {  	v12 =	vld.idx.msk [tilespmem:v1+s18+$0x0], $0xffff  }
0x172: {  	v13 =	vld.idx.msk [tilespmem:v1+s17+$0x0], $0xffff  }
0x173: {  	v5 =	vshll.u32 v5, $0x4;
	v14 =	vld.idx.msk [tilespmem:v1+s15+$0x0], $0xffff  }
0x174: {  	v5 =	vor.u32 v0, v5;
	v15 =	vld.idx.msk [tilespmem:v1+s16+$0x0], $0xffff  }
0x175: {  	s11 =	sadd.s32 $0x80, s11;
	v16 =	vld [tilespmem:s10+$0x1900]  }
0x176: {  	s3 =	sand.u32 $0x70, s0;
	s9 =	sand.u32 $0xC00, s11;
	v17 =	vld [tilespmem:s10+$0x1880]  }
0x177: {  	s9 =	sor.u32 s3, s9;
	v18 =	vld [tilespmem:s10+$0x1800]  }
0x178: {  	v1 =	vld [tilespmem:s9+$0x1700]  }
0x179: {  	v19 =	vld.idx.msk [tilespmem:v5+s15+$0x0], $0xffff;
	[tilespmem:s10+$0xC700] =	vst v14  }
0x17a: {  	v14 =	vld.idx.msk [tilespmem:v5+s16+$0x0], $0xffff;
	[tilespmem:s10+$0xD700] =	vst v15  }
0x17b: {  	v15 =	vld.idx.msk [tilespmem:v5+s17+$0x0], $0xffff;
	[tilespmem:s10+$0xE700] =	vst v13  }
0x17c: {  	v13 =	vld.idx.msk [tilespmem:v5+s18+$0x0], $0xffff;
	[tilespmem:s10+$0xF700] =	vst v12  }
0x17d: {  	v12 =	vld.idx.msk [tilespmem:v5+s19+$0x0], $0xffff;
	[tilespmem:s10+$0x10700] =	vst v11;
	v11 =	vshll.u32 v18, $0x4  }
0x17e: {  	v18 =	vld.idx.msk [tilespmem:v5+s20+$0x0], $0xffff;
	[tilespmem:s10+$0x11700] =	vst v10;
	v10 =	vor.u32 v0, v11  }
0x17f: {  	v11 =	vld.idx.msk [tilespmem:v5+s21+$0x0], $0xffff;
	[tilespmem:s10+$0x12700] =	vst v9  }
0x180: {  	v9 =	vld.idx.msk [tilespmem:v5+s22+$0x0], $0xffff;
	[tilespmem:s10+$0x13700] =	vst v8  }
0x181: {  	v8 =	vld.idx.msk [tilespmem:v5+s23+$0x0], $0xffff;
	[tilespmem:s10+$0x14700] =	vst v7  }
0x182: {  	v5 =	vld.idx.msk [tilespmem:v5+s24+$0x0], $0xffff;
	[tilespmem:s10+$0x15700] =	vst v6  }
0x183: {  	v6 =	vld.idx.msk [tilespmem:v10+s15+$0x0], $0xffff;
	[tilespmem:s10+$0xC780] =	vst v19  }
0x184: {  	v7 =	vld.idx.msk [tilespmem:v10+s16+$0x0], $0xffff;
	[tilespmem:s10+$0xD780] =	vst v14  }
0x185: {  	v14 =	vld.idx.msk [tilespmem:v10+s17+$0x0], $0xffff;
	[tilespmem:s10+$0xE780] =	vst v15  }
0x186: {  	v15 =	vld.idx.msk [tilespmem:v10+s18+$0x0], $0xffff;
	[tilespmem:s10+$0xF780] =	vst v13  }
0x187: {  	v13 =	vld.idx.msk [tilespmem:v10+s19+$0x0], $0xffff;
	[tilespmem:s10+$0x10780] =	vst v12;
	v12 =	vshll.u32 v17, $0x4  }
0x188: {  	v17 =	vld.idx.msk [tilespmem:v10+s20+$0x0], $0xffff;
	[tilespmem:s10+$0x11780] =	vst v18;
	v12 =	vor.u32 v0, v12  }
0x189: {  	v18 =	vld.idx.msk [tilespmem:v10+s21+$0x0], $0xffff;
	[tilespmem:s10+$0x12780] =	vst v11  }
0x18a: {  	v11 =	vld.idx.msk [tilespmem:v10+s22+$0x0], $0xffff;
	[tilespmem:s10+$0x13780] =	vst v9  }
0x18b: {  	v9 =	vld.idx.msk [tilespmem:v10+s23+$0x0], $0xffff;
	[tilespmem:s10+$0x14780] =	vst v8  }
0x18c: {  	v8 =	vld.idx.msk [tilespmem:v10+s24+$0x0], $0xffff;
	[tilespmem:s10+$0x15780] =	vst v5  }
0x18d: {  	v5 =	vld.idx.msk [tilespmem:v12+s15+$0x0], $0xffff;
	[tilespmem:s10+$0xC800] =	vst v6  }
0x18e: {  	v6 =	vld.idx.msk [tilespmem:v12+s16+$0x0], $0xffff;
	[tilespmem:s10+$0xD800] =	vst v7  }
0x18f: {  	v7 =	vld.idx.msk [tilespmem:v12+s17+$0x0], $0xffff;
	[tilespmem:s10+$0xE800] =	vst v14  }
0x190: {  	v10 =	vld.idx.msk [tilespmem:v12+s18+$0x0], $0xffff;
	[tilespmem:s10+$0xF800] =	vst v15  }
0x191: {  	v14 =	vld.idx.msk [tilespmem:v12+s19+$0x0], $0xffff;
	[tilespmem:s10+$0x10800] =	vst v13;
	v13 =	vshll.u32 v16, $0x4  }
0x192: {  	v15 =	vld.idx.msk [tilespmem:v12+s20+$0x0], $0xffff;
	[tilespmem:s10+$0x11800] =	vst v17;
	v13 =	vor.u32 v0, v13  }
0x193: {  	v16 =	vld.idx.msk [tilespmem:v12+s21+$0x0], $0xffff;
	[tilespmem:s10+$0x12800] =	vst v18  }
0x194: {  	v17 =	vld.idx.msk [tilespmem:v12+s22+$0x0], $0xffff;
	[tilespmem:s10+$0x13800] =	vst v11  }
0x195: {  	v11 =	vld.idx.msk [tilespmem:v12+s23+$0x0], $0xffff;
	[tilespmem:s10+$0x14800] =	vst v9  }
0x196: {  	v9 =	vld.idx.msk [tilespmem:v12+s24+$0x0], $0xffff;
	[tilespmem:s10+$0x15800] =	vst v8  }
0x197: {  	v8 =	vld.idx.msk [tilespmem:v13+s15+$0x0], $0xffff;
	[tilespmem:s10+$0xC880] =	vst v5  }
0x198: {  	v5 =	vld.idx.msk [tilespmem:v13+s16+$0x0], $0xffff;
	[tilespmem:s10+$0xD880] =	vst v6  }
0x199: {  	v6 =	vld.idx.msk [tilespmem:v13+s17+$0x0], $0xffff;
	[tilespmem:s10+$0xE880] =	vst v7  }
0x19a: {  	v7 =	vld.idx.msk [tilespmem:v13+s18+$0x0], $0xffff;
	[tilespmem:s10+$0xF880] =	vst v10  }
0x19b: {  	v4 =	vshll.u32 v4, $0x4;
	v10 =	vld.idx.msk [tilespmem:v13+s19+$0x0], $0xffff;
	[tilespmem:s10+$0x10880] =	vst v14  }
0x19c: {  	v4 =	vor.u32 v0, v4;
	v12 =	vld.idx.msk [tilespmem:v13+s20+$0x0], $0xffff;
	[tilespmem:s10+$0x11880] =	vst v15  }
0x19d: {  	v14 =	vld.idx.msk [tilespmem:v13+s21+$0x0], $0xffff;
	[tilespmem:s10+$0x12880] =	vst v16  }
0x19e: {  	v15 =	vld.idx.msk [tilespmem:v13+s22+$0x0], $0xffff;
	[tilespmem:s10+$0x13880] =	vst v17  }
0x19f: {  	v16 =	vld.idx.msk [tilespmem:v13+s23+$0x0], $0xffff;
	[tilespmem:s10+$0x14880] =	vst v11  }
0x1a0: {  	v11 =	vld.idx.msk [tilespmem:v13+s24+$0x0], $0xffff;
	[tilespmem:s10+$0x15880] =	vst v9  }
0x1a1: {  	v9 =	vld.idx.msk [tilespmem:v4+s15+$0x0], $0xffff;
	[tilespmem:s10+$0xC900] =	vst v8  }
0x1a2: {  	v8 =	vld.idx.msk [tilespmem:v4+s16+$0x0], $0xffff;
	[tilespmem:s10+$0xD900] =	vst v5  }
0x1a3: {  	v5 =	vld.idx.msk [tilespmem:v4+s17+$0x0], $0xffff;
	[tilespmem:s10+$0xE900] =	vst v6  }
0x1a4: {  	v6 =	vld.idx.msk [tilespmem:v4+s18+$0x0], $0xffff;
	[tilespmem:s10+$0xF900] =	vst v7  }
0x1a5: {  	v3 =	vshll.u32 v3, $0x4;
	v7 =	vld.idx.msk [tilespmem:v4+s19+$0x0], $0xffff;
	[tilespmem:s10+$0x10900] =	vst v10  }
0x1a6: {  	v3 =	vor.u32 v0, v3;
	v10 =	vld.idx.msk [tilespmem:v4+s20+$0x0], $0xffff;
	[tilespmem:s10+$0x11900] =	vst v12  }
0x1a7: {  	v12 =	vld.idx.msk [tilespmem:v4+s21+$0x0], $0xffff;
	[tilespmem:s10+$0x12900] =	vst v14  }
0x1a8: {  	v13 =	vld.idx.msk [tilespmem:v4+s22+$0x0], $0xffff;
	[tilespmem:s10+$0x13900] =	vst v15  }
0x1a9: {  	v14 =	vld.idx.msk [tilespmem:v4+s23+$0x0], $0xffff;
	[tilespmem:s10+$0x14900] =	vst v16  }
0x1aa: {  	v4 =	vld.idx.msk [tilespmem:v4+s24+$0x0], $0xffff;
	[tilespmem:s10+$0x15900] =	vst v11  }
0x1ab: {  	v11 =	vld.idx.msk [tilespmem:v3+s15+$0x0], $0xffff;
	[tilespmem:s10+$0xC980] =	vst v9  }
0x1ac: {  	v9 =	vld.idx.msk [tilespmem:v3+s16+$0x0], $0xffff;
	[tilespmem:s10+$0xD980] =	vst v8  }
0x1ad: {  	v8 =	vld.idx.msk [tilespmem:v3+s17+$0x0], $0xffff;
	[tilespmem:s10+$0xE980] =	vst v5  }
0x1ae: {  	v15 =	vld.idx.msk [tilespmem:v3+s18+$0x0], $0xffff;
	[tilespmem:s10+$0xF980] =	vst v6  }
0x1af: {  	v2 =	vshll.u32 v2, $0x4;
	v6 =	vld.idx.msk [tilespmem:v3+s19+$0x0], $0xffff;
	[tilespmem:s10+$0x10980] =	vst v7  }
0x1b0: {  	v16 =	vor.u32 v0, v2;
	v7 =	vld.idx.msk [tilespmem:v3+s20+$0x0], $0xffff;
	[tilespmem:s10+$0x11980] =	vst v10  }
0x1b1: {  	v17 =	vld.idx.msk [tilespmem:v3+s21+$0x0], $0xffff;
	[tilespmem:s10+$0x12980] =	vst v12  }
0x1b2: {  	v12 =	vld.idx.msk [tilespmem:v3+s22+$0x0], $0xffff;
	[tilespmem:s10+$0x13980] =	vst v13  }
0x1b3: {  	v13 =	vld.idx.msk [tilespmem:v3+s23+$0x0], $0xffff;
	[tilespmem:s10+$0x14980] =	vst v14  }
0x1b4: {  	v14 =	vld.idx.msk [tilespmem:v3+s24+$0x0], $0xffff;
	[tilespmem:s10+$0x15980] =	vst v4  }
0x1b5: {  	v2 =	vld.idx.msk [tilespmem:v16+s15+$0x0], $0xffff;
	[tilespmem:s10+$0xCA00] =	vst v11  }
0x1b6: {  	v3 =	vld.idx.msk [tilespmem:v16+s16+$0x0], $0xffff;
	[tilespmem:s10+$0xDA00] =	vst v9  }
0x1b7: {  	v4 =	vld.idx.msk [tilespmem:v16+s17+$0x0], $0xffff;
	[tilespmem:s10+$0xEA00] =	vst v8  }
0x1b8: {  	v5 =	vld.idx.msk [tilespmem:v16+s18+$0x0], $0xffff;
	[tilespmem:s10+$0xFA00] =	vst v15  }
0x1b9: {  	v8 =	vld.idx.msk [tilespmem:v16+s19+$0x0], $0xffff;
	[tilespmem:s10+$0x10A00] =	vst v6  }
.Ltmp1:
0x1ba: {  	v10 =	vld.idx.msk [tilespmem:v16+s20+$0x0], $0xffff;
	[tilespmem:s10+$0x11A00] =	vst v7;
	(pc) =	sbr.rel @p0 .LBB2_5-.Ltmp1, $4  }
0x1bb: {  	v11 =	vld.idx.msk [tilespmem:v16+s21+$0x0], $0xffff;
	[tilespmem:s10+$0x12A00] =	vst v17  }
0x1bc: {  	v6 =	vld.idx.msk [tilespmem:v16+s22+$0x0], $0xffff;
	[tilespmem:s10+$0x13A00] =	vst v12  }
0x1bd: {  	v7 =	vld.idx.msk [tilespmem:v16+s23+$0x0], $0xffff;
	[tilespmem:s10+$0x14A00] =	vst v13  }
0x1be: {  	s0 =	sadd.s32 $0x10, s0;
	v9 =	vld.idx.msk [tilespmem:v16+s24+$0x0], $0xffff;
	[tilespmem:s10+$0x15A00] =	vst v14  }
0x1bf: {  	[tilespmem:s10+$0xCA80] =	vst v2  }
0x1c0: {  	[tilespmem:s10+$0xDA80] =	vst v3  }
0x1c1: {  	[tilespmem:s10+$0xEA80] =	vst v4  }
0x1c2: {  	[tilespmem:s10+$0xFA80] =	vst v5  }
0x1c3: {  	[tilespmem:s10+$0x10A80] =	vst v8;
	v1 =	vshll.u32 v1, $0x4  }
0x1c4: {  	[tilespmem:s10+$0x11A80] =	vst v10;
	v1 =	vor.u32 v0, v1  }
0x1c5: {  	v2 =	vld [tilespmem:s9+$0x1A80];
	[tilespmem:s10+$0x12A80] =	vst v11  }
0x1c6: {  	v3 =	vld [tilespmem:s9+$0x1A00];
	[tilespmem:s10+$0x13A80] =	vst v6  }
0x1c7: {  	v4 =	vld [tilespmem:s9+$0x1980];
	[tilespmem:s10+$0x14A80] =	vst v7  }
0x1c8: {  	v5 =	vld [tilespmem:s9+$0x1780];
	[tilespmem:s10+$0x15A80] =	vst v9  }
0x1c9: {  	v6 =	vld.idx.msk [tilespmem:v1+s24+$0x0], $0xffff  }
0x1ca: {  	v7 =	vld.idx.msk [tilespmem:v1+s23+$0x0], $0xffff  }
0x1cb: {  	v8 =	vld.idx.msk [tilespmem:v1+s22+$0x0], $0xffff  }
0x1cc: {  	v9 =	vld.idx.msk [tilespmem:v1+s21+$0x0], $0xffff  }
0x1cd: {  	v10 =	vld.idx.msk [tilespmem:v1+s20+$0x0], $0xffff  }
0x1ce: {  	v11 =	vld.idx.msk [tilespmem:v1+s19+$0x0], $0xffff  }
0x1cf: {  	v12 =	vld.idx.msk [tilespmem:v1+s18+$0x0], $0xffff  }
0x1d0: {  	v13 =	vld.idx.msk [tilespmem:v1+s17+$0x0], $0xffff;
	v5 =	vshll.u32 v5, $0x4  }
0x1d1: {  	v14 =	vld.idx.msk [tilespmem:v1+s15+$0x0], $0xffff;
	v5 =	vor.u32 v0, v5  }
0x1d2: {  	v1 =	vld.idx.msk [tilespmem:v1+s16+$0x0], $0xffff;
	_ =	sdelay $0x2  }
0x1d3: {  	v17 =	vld [tilespmem:s9+$0x1800]  }
0x1d4: {  	v18 =	vld.idx.msk [tilespmem:v5+s15+$0x0], $0xffff;
	[tilespmem:s9+$0xC700] =	vst v14  }
0x1d5: {  	v14 =	vld.idx.msk [tilespmem:v5+s16+$0x0], $0xffff;
	[tilespmem:s9+$0xD700] =	vst v1  }
0x1d6: {  	v1 =	vld.idx.msk [tilespmem:v5+s17+$0x0], $0xffff;
	[tilespmem:s9+$0xE700] =	vst v13  }
0x1d7: {  	v13 =	vld.idx.msk [tilespmem:v5+s18+$0x0], $0xffff;
	[tilespmem:s9+$0xF700] =	vst v12  }
0x1d8: {  	v12 =	vld.idx.msk [tilespmem:v5+s19+$0x0], $0xffff;
	[tilespmem:s9+$0x10700] =	vst v11  }
0x1d9: {  	v57 =	vshll.u32 v17, $0x4;
	v11 =	vld.idx.msk [tilespmem:v5+s20+$0x0], $0xffff;
	[tilespmem:s9+$0x11700] =	vst v10  }
0x1da: {  	v10 =	vld.idx.msk [tilespmem:v5+s21+$0x0], $0xffff;
	[tilespmem:s9+$0x12700] =	vst v9;
	v9 =	vor.u32 v0, v57  }
0x1db: {  	v16 =	vld [tilespmem:s9+$0x1880]  }
0x1dc: {  	v58 =	vld.idx.msk [tilespmem:v5+s22+$0x0], $0xffff;
	[tilespmem:s9+$0x13700] =	vst v8  }
0x1dd: {  	v8 =	vld.idx.msk [tilespmem:v5+s23+$0x0], $0xffff;
	[tilespmem:s9+$0x14700] =	vst v7  }
0x1de: {  	v5 =	vld.idx.msk [tilespmem:v5+s24+$0x0], $0xffff;
	[tilespmem:s9+$0x15700] =	vst v6  }
0x1df: {  	v6 =	vld.idx.msk [tilespmem:v9+s15+$0x0], $0xffff;
	[tilespmem:s9+$0xC780] =	vst v18  }
0x1e0: {  	v7 =	vld.idx.msk [tilespmem:v9+s16+$0x0], $0xffff;
	[tilespmem:s9+$0xD780] =	vst v14  }
0x1e1: {  	v14 =	vld.idx.msk [tilespmem:v9+s17+$0x0], $0xffff;
	[tilespmem:s9+$0xE780] =	vst v1  }
0x1e2: {  	v1 =	vld.idx.msk [tilespmem:v9+s18+$0x0], $0xffff;
	[tilespmem:s9+$0xF780] =	vst v13  }
0x1e3: {  	v13 =	vld.idx.msk [tilespmem:v9+s19+$0x0], $0xffff;
	[tilespmem:s9+$0x10780] =	vst v12  }
0x1e4: {  	v59 =	vshll.u32 v16, $0x4;
	v12 =	vld.idx.msk [tilespmem:v9+s20+$0x0], $0xffff;
	[tilespmem:s9+$0x11780] =	vst v11  }
0x1e5: {  	v11 =	vld.idx.msk [tilespmem:v9+s21+$0x0], $0xffff;
	[tilespmem:s9+$0x12780] =	vst v10;
	v10 =	vor.u32 v0, v59  }
0x1e6: {  	v15 =	vld [tilespmem:s9+$0x1900]  }
0x1e7: {  	v60 =	vld.idx.msk [tilespmem:v9+s22+$0x0], $0xffff;
	[tilespmem:s9+$0x13780] =	vst v58  }
0x1e8: {  	v17 =	vld.idx.msk [tilespmem:v9+s23+$0x0], $0xffff;
	[tilespmem:s9+$0x14780] =	vst v8  }
0x1e9: {  	v8 =	vld.idx.msk [tilespmem:v9+s24+$0x0], $0xffff;
	[tilespmem:s9+$0x15780] =	vst v5  }
0x1ea: {  	v5 =	vld.idx.msk [tilespmem:v10+s15+$0x0], $0xffff;
	[tilespmem:s9+$0xC800] =	vst v6  }
0x1eb: {  	v6 =	vld.idx.msk [tilespmem:v10+s16+$0x0], $0xffff;
	[tilespmem:s9+$0xD800] =	vst v7  }
0x1ec: {  	v7 =	vld.idx.msk [tilespmem:v10+s17+$0x0], $0xffff;
	[tilespmem:s9+$0xE800] =	vst v14  }
0x1ed: {  	v61 =	vld.idx.msk [tilespmem:v10+s18+$0x0], $0xffff;
	[tilespmem:s9+$0xF800] =	vst v1  }
0x1ee: {  	v1 =	vld.idx.msk [tilespmem:v10+s19+$0x0], $0xffff;
	[tilespmem:s9+$0x10800] =	vst v13  }
0x1ef: {  	v62 =	vshll.u32 v15, $0x4;
	v13 =	vld.idx.msk [tilespmem:v10+s20+$0x0], $0xffff;
	[tilespmem:s9+$0x11800] =	vst v12  }
0x1f0: {  	v12 =	vld.idx.msk [tilespmem:v10+s21+$0x0], $0xffff;
	[tilespmem:s9+$0x12800] =	vst v11;
	v11 =	vor.u32 v0, v62;
	_ =	sdelay $0x1  }
0x1f1: {  	v14 =	vld.idx.msk [tilespmem:v10+s22+$0x0], $0xffff;
	[tilespmem:s9+$0x13800] =	vst v60  }
0x1f2: {  	v63 =	vld.idx.msk [tilespmem:v10+s23+$0x0], $0xffff;
	[tilespmem:s9+$0x14800] =	vst v17  }
0x1f3: {  	v10 =	vld.idx.msk [tilespmem:v10+s24+$0x0], $0xffff;
	[tilespmem:s9+$0x15800] =	vst v8  }
0x1f4: {  	v8 =	vld.idx.msk [tilespmem:v11+s15+$0x0], $0xffff;
	[tilespmem:s9+$0xC880] =	vst v5  }
0x1f5: {  	v5 =	vld.idx.msk [tilespmem:v11+s16+$0x0], $0xffff;
	[tilespmem:s9+$0xD880] =	vst v6  }
0x1f6: {  	v6 =	vld.idx.msk [tilespmem:v11+s17+$0x0], $0xffff;
	[tilespmem:s9+$0xE880] =	vst v7  }
0x1f7: {  	v7 =	vld.idx.msk [tilespmem:v11+s18+$0x0], $0xffff;
	[tilespmem:s9+$0xF880] =	vst v61  }
0x1f8: {  	v4 =	vshll.u32 v4, $0x4;
	v9 =	vld.idx.msk [tilespmem:v11+s19+$0x0], $0xffff;
	[tilespmem:s9+$0x10880] =	vst v1  }
0x1f9: {  	v4 =	vor.u32 v0, v4;
	v1 =	vld.idx.msk [tilespmem:v11+s20+$0x0], $0xffff;
	[tilespmem:s9+$0x11880] =	vst v13  }
0x1fa: {  	v13 =	vld.idx.msk [tilespmem:v11+s21+$0x0], $0xffff;
	[tilespmem:s9+$0x12880] =	vst v12  }
0x1fb: {  	v12 =	vld.idx.msk [tilespmem:v11+s22+$0x0], $0xffff;
	[tilespmem:s9+$0x13880] =	vst v14  }
0x1fc: {  	v14 =	vld.idx.msk [tilespmem:v11+s23+$0x0], $0xffff;
	[tilespmem:s9+$0x14880] =	vst v63  }
0x1fd: {  	v11 =	vld.idx.msk [tilespmem:v11+s24+$0x0], $0xffff;
	[tilespmem:s9+$0x15880] =	vst v10  }
0x1fe: {  	v10 =	vld.idx.msk [tilespmem:v4+s15+$0x0], $0xffff;
	[tilespmem:s9+$0xC900] =	vst v8  }
0x1ff: {  	v8 =	vld.idx.msk [tilespmem:v4+s16+$0x0], $0xffff;
	[tilespmem:s9+$0xD900] =	vst v5  }
0x200: {  	v5 =	vld.idx.msk [tilespmem:v4+s17+$0x0], $0xffff;
	[tilespmem:s9+$0xE900] =	vst v6  }
0x201: {  	v6 =	vld.idx.msk [tilespmem:v4+s18+$0x0], $0xffff;
	[tilespmem:s9+$0xF900] =	vst v7  }
0x202: {  	v3 =	vshll.u32 v3, $0x4;
	v7 =	vld.idx.msk [tilespmem:v4+s19+$0x0], $0xffff;
	[tilespmem:s9+$0x10900] =	vst v9  }
0x203: {  	v3 =	vor.u32 v0, v3;
	v9 =	vld.idx.msk [tilespmem:v4+s20+$0x0], $0xffff;
	[tilespmem:s9+$0x11900] =	vst v1  }
0x204: {  	v1 =	vld.idx.msk [tilespmem:v4+s21+$0x0], $0xffff;
	[tilespmem:s9+$0x12900] =	vst v13  }
0x205: {  	v13 =	vld.idx.msk [tilespmem:v4+s22+$0x0], $0xffff;
	[tilespmem:s9+$0x13900] =	vst v12  }
0x206: {  	v12 =	vld.idx.msk [tilespmem:v4+s23+$0x0], $0xffff;
	[tilespmem:s9+$0x14900] =	vst v14  }
0x207: {  	v4 =	vld.idx.msk [tilespmem:v4+s24+$0x0], $0xffff;
	[tilespmem:s9+$0x15900] =	vst v11  }
0x208: {  	v11 =	vld.idx.msk [tilespmem:v3+s15+$0x0], $0xffff;
	[tilespmem:s9+$0xC980] =	vst v10  }
0x209: {  	v10 =	vld.idx.msk [tilespmem:v3+s16+$0x0], $0xffff;
	[tilespmem:s9+$0xD980] =	vst v8  }
0x20a: {  	v8 =	vld.idx.msk [tilespmem:v3+s17+$0x0], $0xffff;
	[tilespmem:s9+$0xE980] =	vst v5  }
0x20b: {  	v5 =	vld.idx.msk [tilespmem:v3+s18+$0x0], $0xffff;
	[tilespmem:s9+$0xF980] =	vst v6  }
0x20c: {  	v6 =	vld.idx.msk [tilespmem:v3+s19+$0x0], $0xffff;
	[tilespmem:s9+$0x10980] =	vst v7  }
0x20d: {  	v7 =	vld.idx.msk [tilespmem:v3+s20+$0x0], $0xffff;
	[tilespmem:s9+$0x11980] =	vst v9  }
0x20e: {  	v9 =	vld.idx.msk [tilespmem:v3+s21+$0x0], $0xffff;
	[tilespmem:s9+$0x12980] =	vst v1;
	v1 =	vshll.u32 v2, $0x4  }
0x20f: {  	v1 =	vor.u32 v0, v1;
	_ =	sdelay $0x1  }
0x210: {  	v2 =	vld.idx.msk [tilespmem:v3+s22+$0x0], $0xffff;
	[tilespmem:s9+$0x13980] =	vst v13  }
0x211: {  	v13 =	vld.idx.msk [tilespmem:v3+s23+$0x0], $0xffff;
	[tilespmem:s9+$0x14980] =	vst v12  }
0x212: {  	v3 =	vld.idx.msk [tilespmem:v3+s24+$0x0], $0xffff;
	[tilespmem:s9+$0x15980] =	vst v4  }
0x213: {  	v4 =	vld.idx.msk [tilespmem:v1+s15+$0x0], $0xffff;
	[tilespmem:s9+$0xCA00] =	vst v11  }
0x214: {  	v11 =	vld.idx.msk [tilespmem:v1+s16+$0x0], $0xffff;
	[tilespmem:s9+$0xDA00] =	vst v10  }
0x215: {  	v10 =	vld.idx.msk [tilespmem:v1+s17+$0x0], $0xffff;
	[tilespmem:s9+$0xEA00] =	vst v8  }
0x216: {  	v8 =	vld.idx.msk [tilespmem:v1+s18+$0x0], $0xffff;
	[tilespmem:s9+$0xFA00] =	vst v5  }
0x217: {  	v5 =	vld.idx.msk [tilespmem:v1+s19+$0x0], $0xffff;
	[tilespmem:s9+$0x10A00] =	vst v6  }
0x218: {  	v6 =	vld.idx.msk [tilespmem:v1+s20+$0x0], $0xffff;
	[tilespmem:s9+$0x11A00] =	vst v7  }
0x219: {  	v7 =	vld.idx.msk [tilespmem:v1+s21+$0x0], $0xffff;
	[tilespmem:s9+$0x12A00] =	vst v9  }
0x21a: {  	v9 =	vld.idx.msk [tilespmem:v1+s22+$0x0], $0xffff;
	[tilespmem:s9+$0x13A00] =	vst v2  }
0x21b: {  	v2 =	vld.idx.msk [tilespmem:v1+s23+$0x0], $0xffff;
	[tilespmem:s9+$0x14A00] =	vst v13  }
0x21c: {  	v1 =	vld.idx.msk [tilespmem:v1+s24+$0x0], $0xffff;
	[tilespmem:s9+$0x15A00] =	vst v3  }
0x21d: {  	[tilespmem:s9+$0xCA80] =	vst v4  }
0x21e: {  	[tilespmem:s9+$0xDA80] =	vst v11  }
0x21f: {  	[tilespmem:s9+$0xEA80] =	vst v10  }
0x220: {  	[tilespmem:s9+$0xFA80] =	vst v8  }
0x221: {  	s6 =	sadd.s32 $0x1, s6;
	[tilespmem:s9+$0x10A80] =	vst v5  }
0x222: {  	p0 =	sne.s32 s6, $0xC;
	[tilespmem:s9+$0x11A80] =	vst v6  }
.Ltmp2:
0x223: {  	[tilespmem:s9+$0x12A80] =	vst v7;
	(pc) =	sbr.rel @p0 .LBB2_2-.Ltmp2, $4  }
0x224: {  	[tilespmem:s9+$0x13A80] =	vst v9  }
0x225: {  	[tilespmem:s9+$0x14A80] =	vst v2  }
0x226: {  	s0 =	sadd.s32 s2, s7;
	[tilespmem:s9+$0x15A80] =	vst v1  }
0x227: {  	[hbm4b:s0+s25] =	stream.strided.scatter [tilespmem:s30], [sflag:$0x4], $0xA000, s26, s25, $0x38;
	[tilespmem:$0x16700] =	vst v63  }
0x228: {  	_ =	swait.ge [sflag:s14], $0x1000  }
0x229: {  	[sflag:s14] =	ssyncset.done $0x0  }
0x22a: {  	s10 =	simm.s32 $0x3;
	[sflag:s14] =	ssyncadd.s32 $0xFFFFF000  }
0x22b: {  	_ =	swait.ge [sflag:s10], $0xA000  }
0x22c: {  	[sflag:s10] =	ssyncset.done $0x0  }
0x22d: {  	s0 =	simm.s32 $0x0;
	s6 =	simm.s32 $0x0;
	[sflag:s10] =	ssyncadd.s32 $0xFFFF6000  }
.LBB2_8:
0x22e: {  	s3 =	sand.u32 $0x70, s6;
	s9 =	sand.u32 $0xC00, s0  }
0x22f: {  	s7 =	sor.u32 s3, s9  }
0x230: {  	v1 =	vld [tilespmem:s7+$0x700];
	_ =	sdelay $0x4  }
0x231: {  	v1 =	vshll.u32 v1, $0x4  }
0x232: {  	v1 =	vor.u32 v0, v1;
	_ =	sdelay $0x2  }
0x233: {  	v2 =	vld [tilespmem:s7+$0x780]  }
0x234: {  	v61 =	vld [tilespmem:s7+$0x800]  }
0x235: {  	v3 =	vld.idx.msk [tilespmem:v1+s15+$0x0], $0xffff  }
0x236: {  	v4 =	vld.idx.msk [tilespmem:v1+s16+$0x0], $0xffff  }
0x237: {  	v5 =	vld.idx.msk [tilespmem:v1+s17+$0x0], $0xffff  }
0x238: {  	v6 =	vld.idx.msk [tilespmem:v1+s18+$0x0], $0xffff  }
0x239: {  	v2 =	vshll.u32 v2, $0x4;
	v7 =	vld.idx.msk [tilespmem:v1+s19+$0x0], $0xffff  }
0x23a: {  	v2 =	vor.u32 v0, v2;
	v8 =	vld.idx.msk [tilespmem:v1+s20+$0x0], $0xffff  }
0x23b: {  	v9 =	vld.idx.msk [tilespmem:v1+s21+$0x0], $0xffff  }
0x23c: {  	v10 =	vld.idx.msk [tilespmem:v1+s22+$0x0], $0xffff  }
0x23d: {  	v11 =	vld.idx.msk [tilespmem:v1+s23+$0x0], $0xffff  }
0x23e: {  	v1 =	vld.idx.msk [tilespmem:v1+s24+$0x0], $0xffff  }
0x23f: {  	v12 =	vld.idx.msk [tilespmem:v2+s15+$0x0], $0xffff;
	[tilespmem:s7+$0x2700] =	vst v3  }
0x240: {  	v3 =	vld.idx.msk [tilespmem:v2+s16+$0x0], $0xffff;
	[tilespmem:s7+$0x3700] =	vst v4  }
0x241: {  	v4 =	vld.idx.msk [tilespmem:v2+s17+$0x0], $0xffff;
	[tilespmem:s7+$0x4700] =	vst v5  }
0x242: {  	v5 =	vld.idx.msk [tilespmem:v2+s18+$0x0], $0xffff;
	[tilespmem:s7+$0x5700] =	vst v6  }
0x243: {  	v6 =	vld.idx.msk [tilespmem:v2+s19+$0x0], $0xffff;
	[tilespmem:s7+$0x6700] =	vst v7;
	v7 =	vshll.u32 v61, $0x4  }
0x244: {  	v13 =	vld.idx.msk [tilespmem:v2+s20+$0x0], $0xffff;
	[tilespmem:s7+$0x7700] =	vst v8;
	v7 =	vor.u32 v0, v7  }
0x245: {  	v8 =	vld.idx.msk [tilespmem:v2+s21+$0x0], $0xffff;
	[tilespmem:s7+$0x8700] =	vst v9  }
0x246: {  	v9 =	vld.idx.msk [tilespmem:v2+s22+$0x0], $0xffff;
	[tilespmem:s7+$0x9700] =	vst v10  }
0x247: {  	v10 =	vld.idx.msk [tilespmem:v2+s23+$0x0], $0xffff;
	[tilespmem:s7+$0xA700] =	vst v11  }
0x248: {  	v2 =	vld.idx.msk [tilespmem:v2+s24+$0x0], $0xffff;
	[tilespmem:s7+$0xB700] =	vst v1  }
0x249: {  	v1 =	vld.idx.msk [tilespmem:v7+s15+$0x0], $0xffff;
	[tilespmem:s7+$0x2780] =	vst v12  }
0x24a: {  	v11 =	vld.idx.msk [tilespmem:v7+s16+$0x0], $0xffff;
	[tilespmem:s7+$0x3780] =	vst v3  }
0x24b: {  	v3 =	vld.idx.msk [tilespmem:v7+s17+$0x0], $0xffff;
	[tilespmem:s7+$0x4780] =	vst v4  }
0x24c: {  	v4 =	vld.idx.msk [tilespmem:v7+s18+$0x0], $0xffff;
	[tilespmem:s7+$0x5780] =	vst v5  }
0x24d: {  	v5 =	vld.idx.msk [tilespmem:v7+s19+$0x0], $0xffff;
	[tilespmem:s7+$0x6780] =	vst v6  }
0x24e: {  	v6 =	vld.idx.msk [tilespmem:v7+s20+$0x0], $0xffff;
	[tilespmem:s7+$0x7780] =	vst v13  }
0x24f: {  	v12 =	vld.idx.msk [tilespmem:v7+s21+$0x0], $0xffff;
	[tilespmem:s7+$0x8780] =	vst v8  }
0x250: {  	v8 =	vld.idx.msk [tilespmem:v7+s22+$0x0], $0xffff;
	[tilespmem:s7+$0x9780] =	vst v9  }
0x251: {  	s11 =	sor.u32 s9, s6;
	v9 =	vld.idx.msk [tilespmem:v7+s23+$0x0], $0xffff;
	[tilespmem:s7+$0xA780] =	vst v10  }
0x252: {  	s3 =	sor.u32 $0x180, s11;
	v7 =	vld.idx.msk [tilespmem:v7+s24+$0x0], $0xffff;
	[tilespmem:s7+$0xB780] =	vst v2  }
0x253: {  	v2 =	vld [tilespmem:s3+$0x700];
	_ =	sdelay $0x4  }
0x254: {  	v2 =	vshll.u32 v2, $0x4  }
0x255: {  	v2 =	vor.u32 v0, v2;
	_ =	sdelay $0x3  }
0x256: {  	v62 =	vld [tilespmem:s7+$0x900]  }
0x257: {  	v10 =	vld.idx.msk [tilespmem:v2+s15+$0x0], $0xffff;
	[tilespmem:s7+$0x2800] =	vst v1  }
0x258: {  	v1 =	vld.idx.msk [tilespmem:v2+s16+$0x0], $0xffff;
	[tilespmem:s7+$0x3800] =	vst v11  }
0x259: {  	v11 =	vld.idx.msk [tilespmem:v2+s17+$0x0], $0xffff;
	[tilespmem:s7+$0x4800] =	vst v3  }
0x25a: {  	v3 =	vld.idx.msk [tilespmem:v2+s18+$0x0], $0xffff;
	[tilespmem:s7+$0x5800] =	vst v4  }
0x25b: {  	v4 =	vld.idx.msk [tilespmem:v2+s19+$0x0], $0xffff;
	[tilespmem:s7+$0x6800] =	vst v5;
	v5 =	vshll.u32 v62, $0x4  }
0x25c: {  	v13 =	vld.idx.msk [tilespmem:v2+s20+$0x0], $0xffff;
	[tilespmem:s7+$0x7800] =	vst v6;
	v5 =	vor.u32 v0, v5  }
0x25d: {  	v6 =	vld.idx.msk [tilespmem:v2+s21+$0x0], $0xffff;
	[tilespmem:s7+$0x8800] =	vst v12  }
0x25e: {  	v12 =	vld.idx.msk [tilespmem:v2+s22+$0x0], $0xffff;
	[tilespmem:s7+$0x9800] =	vst v8  }
0x25f: {  	v8 =	vld.idx.msk [tilespmem:v2+s23+$0x0], $0xffff;
	[tilespmem:s7+$0xA800] =	vst v9  }
0x260: {  	v2 =	vld.idx.msk [tilespmem:v2+s24+$0x0], $0xffff;
	[tilespmem:s7+$0xB800] =	vst v7  }
0x261: {  	v7 =	vld.idx.msk [tilespmem:v5+s15+$0x0], $0xffff;
	[tilespmem:s3+$0x2700] =	vst v10  }
0x262: {  	v63 =	vld [tilespmem:s7+$0x980];
	_ =	sdelay $0x1  }
0x263: {  	v9 =	vld.idx.msk [tilespmem:v5+s16+$0x0], $0xffff;
	[tilespmem:s7+$0x3880] =	vst v1  }
0x264: {  	v1 =	vld.idx.msk [tilespmem:v5+s17+$0x0], $0xffff;
	[tilespmem:s7+$0x4880] =	vst v11  }
0x265: {  	v10 =	vld.idx.msk [tilespmem:v5+s18+$0x0], $0xffff;
	[tilespmem:s7+$0x5880] =	vst v3  }
0x266: {  	v3 =	vld.idx.msk [tilespmem:v5+s19+$0x0], $0xffff;
	[tilespmem:s7+$0x6880] =	vst v4;
	v4 =	vshll.u32 v63, $0x4  }
0x267: {  	v11 =	vld.idx.msk [tilespmem:v5+s20+$0x0], $0xffff;
	[tilespmem:s7+$0x7880] =	vst v13;
	v4 =	vor.u32 v0, v4  }
0x268: {  	v13 =	vld.idx.msk [tilespmem:v5+s21+$0x0], $0xffff;
	[tilespmem:s7+$0x8880] =	vst v6  }
0x269: {  	v6 =	vld.idx.msk [tilespmem:v5+s22+$0x0], $0xffff;
	[tilespmem:s7+$0x9880] =	vst v12  }
0x26a: {  	v12 =	vld.idx.msk [tilespmem:v5+s23+$0x0], $0xffff;
	[tilespmem:s7+$0xA880] =	vst v8  }
0x26b: {  	v5 =	vld.idx.msk [tilespmem:v5+s24+$0x0], $0xffff;
	[tilespmem:s7+$0xB880] =	vst v2  }
0x26c: {  	v2 =	vld.idx.msk [tilespmem:v4+s15+$0x0], $0xffff;
	[tilespmem:s7+$0x2900] =	vst v7  }
0x26d: {  	v7 =	vld.idx.msk [tilespmem:v4+s16+$0x0], $0xffff;
	[tilespmem:s7+$0x3900] =	vst v9  }
0x26e: {  	v8 =	vld.idx.msk [tilespmem:v4+s17+$0x0], $0xffff;
	[tilespmem:s7+$0x4900] =	vst v1  }
0x26f: {  	v1 =	vld.idx.msk [tilespmem:v4+s18+$0x0], $0xffff;
	[tilespmem:s7+$0x5900] =	vst v10  }
0x270: {  	v9 =	vld.idx.msk [tilespmem:v4+s19+$0x0], $0xffff  }
0x271: {  	[tilespmem:s7+$0x6900] =	vst v3;
	v3 =	vld [tilespmem:s7+$0xA00];
	_ =	sdelay $0x4  }
0x272: {  	v3 =	vshll.u32 v3, $0x4  }
0x273: {  	v10 =	vld.idx.msk [tilespmem:v4+s20+$0x0], $0xffff;
	[tilespmem:s7+$0x7900] =	vst v11;
	v3 =	vor.u32 v0, v3  }
0x274: {  	v11 =	vld.idx.msk [tilespmem:v4+s21+$0x0], $0xffff;
	[tilespmem:s7+$0x8900] =	vst v13  }
0x275: {  	v13 =	vld.idx.msk [tilespmem:v4+s22+$0x0], $0xffff;
	[tilespmem:s7+$0x9900] =	vst v6  }
0x276: {  	v6 =	vld.idx.msk [tilespmem:v4+s23+$0x0], $0xffff;
	[tilespmem:s7+$0xA900] =	vst v12  }
0x277: {  	v4 =	vld.idx.msk [tilespmem:v4+s24+$0x0], $0xffff;
	[tilespmem:s7+$0xB900] =	vst v5  }
0x278: {  	v5 =	vld.idx.msk [tilespmem:v3+s15+$0x0], $0xffff;
	[tilespmem:s7+$0x2980] =	vst v2  }
0x279: {  	v2 =	vld.idx.msk [tilespmem:v3+s16+$0x0], $0xffff;
	[tilespmem:s7+$0x3980] =	vst v7  }
0x27a: {  	v7 =	vld.idx.msk [tilespmem:v3+s17+$0x0], $0xffff;
	[tilespmem:s7+$0x4980] =	vst v8  }
0x27b: {  	v8 =	vld.idx.msk [tilespmem:v3+s18+$0x0], $0xffff;
	[tilespmem:s7+$0x5980] =	vst v1  }
0x27c: {  	v1 =	vld.idx.msk [tilespmem:v3+s19+$0x0], $0xffff;
	[tilespmem:s7+$0x6980] =	vst v9  }
0x27d: {  	v9 =	vld.idx.msk [tilespmem:v3+s20+$0x0], $0xffff;
	[tilespmem:s7+$0x7980] =	vst v10  }
0x27e: {  	v10 =	vld.idx.msk [tilespmem:v3+s21+$0x0], $0xffff;
	[tilespmem:s7+$0x8980] =	vst v11  }
0x27f: {  	v11 =	vld.idx.msk [tilespmem:v3+s22+$0x0], $0xffff;
	[tilespmem:s7+$0x9980] =	vst v13  }
0x280: {  	s31 =	sor.u32 s0, s6;
	v12 =	vld.idx.msk [tilespmem:v3+s23+$0x0], $0xffff;
	[tilespmem:s7+$0xA980] =	vst v6  }
0x281: {  	s3 =	sor.u32 $0x380, s31;
	v3 =	vld.idx.msk [tilespmem:v3+s24+$0x0], $0xffff;
	[tilespmem:s7+$0xB980] =	vst v4  }
0x282: {  	v4 =	vld [tilespmem:s3+$0x700];
	_ =	sdelay $0x4  }
0x283: {  	v4 =	vshll.u32 v4, $0x4  }
0x284: {  	v4 =	vor.u32 v0, v4;
	_ =	sdelay $0x4  }
0x285: {  	v6 =	vld.idx.msk [tilespmem:v4+s15+$0x0], $0xffff;
	[tilespmem:s7+$0x2A00] =	vst v5  }
0x286: {  	v5 =	vld.idx.msk [tilespmem:v4+s16+$0x0], $0xffff;
	[tilespmem:s7+$0x3A00] =	vst v2  }
0x287: {  	v2 =	vld.idx.msk [tilespmem:v4+s17+$0x0], $0xffff;
	[tilespmem:s7+$0x4A00] =	vst v7  }
0x288: {  	v7 =	vld.idx.msk [tilespmem:v4+s18+$0x0], $0xffff;
	[tilespmem:s7+$0x5A00] =	vst v8  }
0x289: {  	v8 =	vld.idx.msk [tilespmem:v4+s19+$0x0], $0xffff;
	[tilespmem:s7+$0x6A00] =	vst v1  }
0x28a: {  	v1 =	vld.idx.msk [tilespmem:v4+s20+$0x0], $0xffff;
	[tilespmem:s7+$0x7A00] =	vst v9  }
0x28b: {  	v9 =	vld.idx.msk [tilespmem:v4+s21+$0x0], $0xffff;
	[tilespmem:s7+$0x8A00] =	vst v10  }
0x28c: {  	v10 =	vld.idx.msk [tilespmem:v4+s22+$0x0], $0xffff;
	[tilespmem:s7+$0x9A00] =	vst v11  }
0x28d: {  	v11 =	vld.idx.msk [tilespmem:v4+s23+$0x0], $0xffff;
	[tilespmem:s7+$0xAA00] =	vst v12  }
0x28e: {  	v4 =	vld.idx.msk [tilespmem:v4+s24+$0x0], $0xffff;
	[tilespmem:s7+$0xBA00] =	vst v3  }
0x28f: {  	[tilespmem:s3+$0x2700] =	vst v6  }
0x290: {  	[tilespmem:s7+$0x3A80] =	vst v5  }
0x291: {  	[tilespmem:s7+$0x4A80] =	vst v2  }
0x292: {  	[tilespmem:s7+$0x5A80] =	vst v7  }
0x293: {  	p0 =	sne.s32 s6, $0x1F0;
	[tilespmem:s7+$0x6A80] =	vst v8  }
.Ltmp3:
0x294: {  	[tilespmem:s7+$0x7A80] =	vst v1;
	(pc) =	sbr.rel @p0 .LBB2_8-.Ltmp3, $4  }
0x295: {  	[tilespmem:s7+$0x8A80] =	vst v9  }
0x296: {  	[tilespmem:s7+$0x9A80] =	vst v10  }
0x297: {  	[tilespmem:s7+$0xAA80] =	vst v11  }
0x298: {  	s0 =	sadd.s32 $0x80, s0;
	s6 =	sadd.s32 $0x10, s6;
	[tilespmem:s7+$0xBA80] =	vst v4  }
0x299: {  	s0 =	rddreg [dreg:$0x6]  }
0x29a: {  	[hbm4b:s0+s25] =	stream.strided.scatter [tilespmem:s28], [sflag:$0x3], $0xA000, s26, s25, $0x38;
	[tilespmem:$0x16700] =	vst v63  }
0x29b: {  	_ =	swait.ge [sflag:s10], $0xA000  }
0x29c: {  	[sflag:s10] =	ssyncset.done $0x0  }
0x29d: {  	s3 =	simm.s32 $0x4;
	[sflag:s10] =	ssyncadd.s32 $0xFFFF6000  }
0x29e: {  	_ =	swait.ge [sflag:s3], $0xA000  }
0x29f: {  	s6 =	rddreg [dreg:$0x8]  }
0x2a0: {  	s31 =	rddreg [dreg:$0x7];
	s6 =	sadd.s32 $0x1, s6  }
0x2a1: {  	p0 =	sne.s32 s6, s31  }
.Ltmp4:
0x2a2: {  	_ = 	snop;
	(pc) =	sbr.rel @p0 .LBB2_1-.Ltmp4, $3  }
0x2a3: {  	_ =	sdelay $0x1  }
0x2a4: {  	[sflag:s3] =	ssyncset.done $0x0  }
0x2a5: {  	[sflag:s3] =	ssyncadd.s32 $0xFFFF6000  }
0x2a6: {  	_ =	sfence.sel $0x180000  }
0x2a7: {  	[bflag:$0x0] =	sbarrier.arrive $0xFFFF  }
0x2a8: {  	_ =	strace $0x90000047  }
0x2a9: {  	s0 =	stileid.u32;
	[bflag:$0x2] =	sbarrier.arrive $0xFFFF  }
0x2aa: {  	p0 =	sne.s32 s0, $0x0;
	s0 =	rddreg [dreg:$0x3]  }
0x2ab: {  	s0 =	sadd.s32 @!p0 $0x100000, s0  }
0x2ac: {  	[sflag:s0] =	ssyncadd.tile.s32 @!p0 $0x1;
	_ =	shalt  }
.Lfunc_end2:
_tile_overlayer_lowered:
.L_overlay_start_2:
0x2ad: {  	(tag) =	ssettag $0x2  }
0x2ae: {  	s0 =	rddreg [dreg:$0x0];
	s2 =	stileid.u32  }
0x2af: {  	s1 =	rddreg [dreg:$0x1];
	p0 =	sne.s32 s2, $0x0  }
0x2b0: {  	s3 =	rddreg [dreg:$0x2];
	[bflag:$0x3] =	sbarrier.arrive $0xFFFF;
	s2 =	simm.s32 @!p0 $0x1C05  }
0x2b1: {  	[timem:s3], [sflag:s2] =	dma.local @!p0 [hbm:s0], s1  }
0x2b2: {  	s0 =	simm.s32 @!p0 $0x5  }
0x2b3: {  	_ =	swait.ge @!p0 [sflag:s0], s1  }
0x2b4: {  	s1 =	ssub.s32 @!p0 $0x0, s1;
	[sflag:s0] =	ssyncset.done @!p0 $0x0  }
0x2b5: {  	[sflag:s0] =	ssyncadd.s32 @!p0 s1  }
0x2b6: {  	[bflag:$0x3] =	sbarrier.arrive $0xFFFF  }
0x2b7: {  	_ =	shalt  }

</sc_bundles>
